<compile_context>
chip_gen: v7x
topology: tpu7x:2x2x1
jax: 0.10.2.dev20260603
libtpu: 0.0.44.dev20260713+nightly
codegen_flags: <defaults>
</compile_context>

<pallas_src>
import numpy as np
import jax
import jax.numpy as jnp
from jax import lax
from jax.experimental import pallas as pl
from jax.experimental.pallas import tpu as pltpu
from jax.experimental.pallas import tpu_sc as plsc

F = 26
V = 100000
D = 16
B = 16384
RPW = 32
WIN = B // RPW
IDXW = RPW * F
FOCH = 104
NFOCH = IDXW // FOCH


def _sc_gather(cat, emb3, fo16):
    mesh = plsc.VectorSubcoreMesh(core_axis_name="core", subcore_axis_name="subcore")

    @pl.kernel(
        out_type=jax.ShapeDtypeStruct((4, B, 128), jnp.float32),
        mesh=mesh,
        scratch_types=[
            pltpu.VMEM((F, RPW), jnp.int32),
            pltpu.VMEM((IDXW,), jnp.int32),
            pltpu.VMEM((IDXW,), jnp.int32),
            pltpu.VMEM((IDXW, D), jnp.float32),
            pltpu.VMEM((F, RPW, D), jnp.float32),
            pltpu.SemaphoreType.DMA,
            pltpu.SemaphoreType.DMA,
        ],
        compiler_params=pltpu.CompilerParams(use_tc_tiling_on_sc=False,
                                             needs_layout_passes=False),
    )
    def k(cat_hbm, emb_hbm, fo_hbm, out_hbm, vbuf, gfo, hfo, fobuf, embf,
          seme, semf):
        fot = fo_hbm

        def body(idxb, outb):
            iota = lax.iota(jnp.int32, 16)

            for f in range(F):
                for half in range(RPW // 16):
                    vbuf[f, pl.ds(half * 16, 16)] = plsc.load_gather(
                        idxb, [iota + half * 16, jnp.full((16,), f, jnp.int32)])
                pltpu.async_copy(emb_hbm.at[f].at[vbuf.at[f]], embf.at[f], seme)

            @pl.loop(0, IDXW // 16)
            def _(t):
                q = t * 16 + iota
                r = q // F
                f = q - r * F
                g = plsc.load_gather(idxb, [r, f]) + f * V
                gfo[pl.ds(t * 16, 16)] = g
                hfo[pl.ds(t * 16, 16)] = g >> 4

            for j in range(NFOCH):
                pltpu.async_copy(fot.at[hfo.at[pl.ds(j * FOCH, FOCH)]],
                                 fobuf.at[pl.ds(j * FOCH, FOCH)], semf)

            for _ in range(F):
                pltpu.make_async_copy(emb_hbm.at[0].at[vbuf.at[0]],
                                      embf.at[0], seme).wait()
            for _ in range(NFOCH):
                pltpu.make_async_copy(fot.at[hfo.at[pl.ds(0, FOCH)]],
                                      fobuf.at[pl.ds(0, FOCH)], semf).wait()

            zero16 = jnp.zeros((16,), jnp.float32)
            @pl.loop(0, RPW)
            def _(r):
                for k_ in range(3):
                    for c in range(8):
                        outb[k_, r, pl.ds(c * 16, 16)] = embf[8 * k_ + c, r, :]
                outb[3, r, pl.ds(0, 16)] = embf[24, r, :]
                outb[3, r, pl.ds(16, 16)] = embf[25, r, :]
                q1 = r * F + iota
                g1 = plsc.load_gather(gfo, [q1])
                v1 = plsc.load_gather(fobuf, [q1, g1 & (D - 1)])
                q2 = r * F + 16 + jnp.minimum(iota, F - 16 - 1)
                g2 = plsc.load_gather(gfo, [q2])
                v2 = plsc.load_gather(fobuf, [q2, g2 & (D - 1)])
                outb[3, r, pl.ds(32, 16)] = v1
                outb[3, r, pl.ds(48, 16)] = v2
                for c in range(4, 8):
                    outb[3, r, pl.ds(c * 16, 16)] = zero16

        pltpu.emit_pipeline(
            body,
            grid=(WIN,),
            in_specs=[pl.BlockSpec((RPW, F), index_map=lambda i: (i, 0))],
            out_specs=[pl.BlockSpec((4, RPW, 128), index_map=lambda i: (0, i, 0))],
            core_axis_name=("core", "subcore"),
            dimension_semantics=(pltpu.PARALLEL,),
        )(cat_hbm, out_hbm)

    return k(cat, emb3, fo16)


def _dense_body(num_ref, x_ref, w1, b1r, wn, bnr, wa, wb4, bd1r,
                w2, bd2r, w3, bd3r, wo, bor, s4_ref, sfo_ref, out_ref):
    f32 = jnp.float32
    bf = jnp.bfloat16
    num = num_ref[...]
    xs = x_ref[...]
    s4 = s4_ref[...]
    nemb = jnp.dot(num, wn[...], preferred_element_type=f32) + bnr[...]
    sum_e = nemb
    ssq_e = nemb * nemb
    for k_ in range(4):
        xk = xs[k_]
        sum_e = sum_e + jnp.dot(xk, s4[k_], preferred_element_type=f32)
        ssq_e = ssq_e + jnp.dot(xk * xk, s4[k_], preferred_element_type=f32)
    second = 0.5 * jnp.sum(sum_e * sum_e - ssq_e, axis=1, keepdims=True)
    fo_sum = jnp.dot(xs[3], sfo_ref[...], preferred_element_type=f32)
    first = jnp.dot(num, w1[...], preferred_element_type=f32) + b1r[...] + fo_sum
    h = jnp.dot(num.astype(bf), wa[...], preferred_element_type=f32) + bd1r[...]
    for k_ in range(4):
        h = h + jnp.dot(xs[k_].astype(bf), wb4[...][k_], preferred_element_type=f32)
    h = jnp.maximum(h, 0.0).astype(bf)
    h = jnp.maximum(jnp.dot(h, w2[...], preferred_element_type=f32) + bd2r[...], 0.0).astype(bf)
    h = jnp.maximum(jnp.dot(h, w3[...], preferred_element_type=f32) + bd3r[...], 0.0).astype(bf)
    dnn = jnp.dot(h, wo[...], preferred_element_type=f32) + bor[...]
    out_ref[...] = (first + second + dnn)[:, 0]


def _tc_dense(num, x4, w1, b1r, wn, bnr, wa, wb4, bd1r, w2, bd2r, w3, bd3r,
              wo, bor, s4, sfo, bs=2048):
    nblk = B // bs
    full = lambda a: pl.BlockSpec(a.shape, lambda i: (0,) * a.ndim)
    return pl.pallas_call(
        _dense_body,
        grid=(nblk,),
        in_specs=[
            pl.BlockSpec((bs, 13), lambda i: (i, 0)),
            pl.BlockSpec((4, bs, 128), lambda i: (0, i, 0)),
            full(w1), full(b1r), full(wn), full(bnr), full(wa), full(wb4),
            full(bd1r), full(w2), full(bd2r), full(w3), full(bd3r),
            full(wo), full(bor), full(s4), full(sfo),
        ],
        out_specs=pl.BlockSpec((bs,), lambda i: (i,)),
        out_shape=jax.ShapeDtypeStruct((B,), jnp.float32),
    )(num, x4, w1, b1r, wn, bnr, wa, wb4, bd1r, w2, bd2r, w3, bd3r, wo, bor,
      s4, sfo)


def _selectors():
    s4 = np.zeros((4, 128, D), np.float32)
    eye = np.eye(D, dtype=np.float32)
    for k_ in range(3):
        s4[k_] = np.tile(eye, (8, 1))
    s4[3, :32] = np.tile(eye, (2, 1))
    sfo = np.zeros((128, 1), np.float32)
    sfo[32:32 + F] = 1.0
    return s4, sfo


_S4_NP, _SFO_NP = _selectors()


def kernel(numerical_features, categorical_features, W1, b1, fo_tables, emb_tables,
           Wn, bn, Wd1, bd1, Wd2, bd2, Wd3, bd3, Wo, bo):
    bf = jnp.bfloat16
    cat = categorical_features.astype(jnp.int32)
    fo16 = jnp.concatenate(
        [fo_tables.reshape(-1), jnp.zeros(960, jnp.float32)]).reshape(-1, D)
    x4 = _sc_gather(cat, emb_tables, fo16)

    wb_pad = jnp.concatenate(
        [Wd1[13:], jnp.zeros((512 - (429 - 13), 512), jnp.float32)], axis=0)
    wb4 = wb_pad.astype(bf).reshape(4, 128, 512)
    out = _tc_dense(
        numerical_features, x4,
        W1, b1.reshape(1, 1), Wn, bn.reshape(1, D),
        Wd1[:13].astype(bf), wb4, bd1.reshape(1, 512),
        Wd2.astype(bf), bd2.reshape(1, 256), Wd3.astype(bf), bd3.reshape(1, 128),
        Wo.astype(bf), bo.reshape(1, 1), jnp.asarray(_S4_NP), jnp.asarray(_SFO_NP),
    )
    return out

# --- scband reference (transcript-rebuilt; emitter-appended) ---
"""Pipeline reference for scband-deep-fmmodel-48473000903309 (READ-ONLY COPY).

The authoritative reference and input builder live on the scoring server;
editing this copy changes nothing except your own understanding.
"""

import jax, jax.numpy as jnp
import numpy as np

NUM_NUMERICAL = 13
NUM_CATEGORICAL = 26
VOCAB = 100000
EMBED_DIM = 16
BATCH = 16384
DNN_INPUT = NUM_NUMERICAL + NUM_CATEGORICAL * EMBED_DIM  # 429


def setup_inputs(seed: int = 0) -> dict:
    key = jax.random.key(seed)
    ks = jax.random.split(key, 16)
    numerical_features = jax.random.normal(ks[0], (BATCH, NUM_NUMERICAL), dtype=jnp.float32)
    categorical_features = jax.random.randint(ks[1], (BATCH, NUM_CATEGORICAL), 0, VOCAB)
    # first-order linear over numerical features (torch Linear(num_numerical, 1))
    W1 = jax.random.normal(ks[2], (NUM_NUMERICAL, 1), dtype=jnp.float32) * 0.1
    b1 = jnp.zeros((1,), dtype=jnp.float32)
    # first-order embedding tables (26 x Embedding(vocab, 1)) stacked
    fo_tables = jax.random.normal(ks[3], (NUM_CATEGORICAL, VOCAB, 1), dtype=jnp.float32) * 0.01
    # second-order embedding tables (26 x Embedding(vocab, embed_dim)) stacked
    emb_tables = jax.random.normal(ks[4], (NUM_CATEGORICAL, VOCAB, EMBED_DIM), dtype=jnp.float32) * 0.01
    # numerical -> embedding_dim projection
    Wn = jax.random.normal(ks[5], (NUM_NUMERICAL, EMBED_DIM), dtype=jnp.float32) * 0.1
    bn = jnp.zeros((EMBED_DIM,), dtype=jnp.float32)
    # DNN: 429 -> 512 -> 256 -> 128 -> 1
    Wd1 = jax.random.normal(ks[6], (DNN_INPUT, 512), dtype=jnp.float32) * 0.01
    bd1 = jnp.zeros((512,), dtype=jnp.float32)
    Wd2 = jax.random.normal(ks[7], (512, 256), dtype=jnp.float32) * 0.01
    bd2 = jnp.zeros((256,), dtype=jnp.float32)
    Wd3 = jax.random.normal(ks[8], (256, 128), dtype=jnp.float32) * 0.01
    bd3 = jnp.zeros((128,), dtype=jnp.float32)
    Wo = jax.random.normal(ks[9], (128, 1), dtype=jnp.float32) * 0.01
    bo = jnp.zeros((1,), dtype=jnp.float32)
    return {
        "numerical_features": numerical_features,
        "categorical_features": categorical_features,
        "W1": W1, "b1": b1,
        "fo_tables": fo_tables,
        "emb_tables": emb_tables,
        "Wn": Wn, "bn": bn,
        "Wd1": Wd1, "bd1": bd1,
        "Wd2": Wd2, "bd2": bd2,
        "Wd3": Wd3, "bd3": bd3,
        "Wo": Wo, "bo": bo,
    }


def reference(numerical_features, categorical_features, W1, b1, fo_tables, emb_tables,
              Wn, bn, Wd1, bd1, Wd2, bd2, Wd3, bd3, Wo, bo):
    B = numerical_features.shape[0]
    field_idx = jnp.arange(NUM_CATEGORICAL)[None, :]  # [1, F]
    # ---- first order ----
    first_order = numerical_features @ W1 + b1  # [B, 1]
    fo_emb = fo_tables[field_idx, categorical_features]  # gather -> [B, F, 1]
    first_order = first_order + jnp.sum(fo_emb, axis=1)  # [B, 1]
    # ---- second order (FM) ----
    num_emb = numerical_features @ Wn + bn  # [B, D]
    cat_emb = emb_tables[field_idx, categorical_features]  # gather -> [B, F, D]
    all_emb = jnp.concatenate([num_emb[:, None, :], cat_emb], axis=1)  # [B, F+1, D]
    sum_emb = jnp.sum(all_emb, axis=1)  # [B, D]
    sum_sq = jnp.sum(all_emb ** 2, axis=1)  # [B, D]
    second_order = 0.5 * jnp.sum(sum_emb ** 2 - sum_sq, axis=1, keepdims=True)  # [B, 1]
    # ---- DNN ---- (dropout rate 0 -> identity, eval mode)
    dnn_input = jnp.concatenate([numerical_features, cat_emb.reshape(B, -1)], axis=1)  # [B, 429]
    h = jax.nn.relu(dnn_input @ Wd1 + bd1)
    h = jax.nn.relu(h @ Wd2 + bd2)
    h = jax.nn.relu(h @ Wd3 + bd3)
    dnn_out = h @ Wo + bo  # [B, 1]
    out = first_order + second_order + dnn_out  # [B, 1]
    return jnp.squeeze(out, axis=1)  # [B]

if __name__ == "__main__":
    import jax
    _d = setup_inputs()
    print(jax.jit(kernel)(*tuple(_d.values())))

</pallas_src>

<mosaic_0001>
#map = affine_map<(d0, d1) -> (0, 0)>
#map1 = affine_map<(d0, d1) -> (0, 0, 0)>
module attributes {stable_mosaic.version = 14 : i64} {
  func.func @k(%arg0: i32, %arg1: i32, %arg2: memref<16384x26xi32, #tpu.memory_space<hbm>>, %arg3: memref<26x100000x16xf32, #tpu.memory_space<hbm>>, %arg4: memref<162560x16xf32, #tpu.memory_space<hbm>>, %arg5: memref<4x16384x128xf32, #tpu.memory_space<hbm>>, %arg6: memref<26x32xi32, #tpu.memory_space<vmem>>, %arg7: memref<832xi32, #tpu.memory_space<vmem>>, %arg8: memref<832xi32, #tpu.memory_space<vmem>>, %arg9: memref<832x16xf32, #tpu.memory_space<vmem>>, %arg10: memref<26x32x16xf32, #tpu.memory_space<vmem>>, %arg11: memref<!tpu.dma_semaphore, #tpu.memory_space<semaphore_mem>>, %arg12: memref<!tpu.dma_semaphore, #tpu.memory_space<semaphore_mem>>) attributes {dimension_semantics = [#tpu.dimension_semantics<core_parallel>, #tpu.dimension_semantics<subcore_parallel>], iteration_bounds = array<i64: 2, 16>, scalar_prefetch = 0 : i64, scratch_operands = 7 : i64, tpu.core_type = #tpu.core_type<sc_vector_subcore>, window_params = [{transform_indices = #map}, {transform_indices = #map1}, {transform_indices = #map}, {transform_indices = #map1}]} {
    %mul3A = arith.constant 1 : i32
    %mul3A_0 = arith.muli %arg1, %mul3A : i32
    %add3A = arith.constant 0 : i32
    %add3A_1 = arith.addi %add3A, %mul3A_0 : i32
    %mul3A_2 = arith.constant 16 : i32
    %mul3A_3 = arith.muli %arg0, %mul3A_2 : i32
    %add3A_4 = arith.addi %add3A_1, %mul3A_3 : i32
    %mul3A_5 = arith.constant 16 : i32
    %mul3A_6 = arith.muli %add3A_4, %mul3A_5 : i32
    "tpu.region"() ({
      %run_scoped3A = memref.alloca() : memref<2x32x26xi32, #tpu.memory_space<vmem>>
      %run_scoped3A_7 = tpu.sem_alloc : memref<2x!tpu.dma_semaphore, #tpu.memory_space<semaphore_mem>>
      %run_scoped3A_8 = memref.alloca() : memref<2x4x32x128xf32, #tpu.memory_space<vmem>>
      %run_scoped3A_9 = tpu.sem_alloc : memref<2x!tpu.dma_semaphore, #tpu.memory_space<semaphore_mem>>
      %add3A_10 = arith.constant 0 : i32
      %add3A_11 = arith.addi %add3A_10, %mul3A_6 : i32
      %select_n3A = arith.constant true
      %select_n3A_12 = arith.constant 0 : i32
      %select_n3A_13 = arith.constant -1 : i32
      %select_n3A_14 = arith.select %select_n3A, %select_n3A_13, %select_n3A_12 : i32
      %eq3A = arith.constant -1 : i32
      %eq3A_15 = arith.cmpi eq, %select_n3A_14, %eq3A : i32
      %select_n3A_16 = arith.constant 15 : i32
      %select_n3A_17 = arith.select %eq3A_15, %select_n3A_16, %select_n3A_14 : i32
      %add3A_18 = arith.addi %select_n3A_17, %mul3A_6 : i32
      %select_n3A_19 = arith.constant true
      %select_n3A_20 = arith.constant 0 : i32
      %select_n3A_21 = arith.constant 1 : i32
      %select_n3A_22 = arith.select %select_n3A_19, %select_n3A_21, %select_n3A_20 : i32
      %eq3A_23 = arith.constant 16 : i32
      %eq3A_24 = arith.cmpi eq, %select_n3A_22, %eq3A_23 : i32
      %select_n3A_25 = arith.constant 0 : i32
      %select_n3A_26 = arith.select %eq3A_24, %select_n3A_25, %select_n3A_22 : i32
      %add3A_27 = arith.addi %select_n3A_26, %mul3A_6 : i32
      %add3A_28 = arith.constant 1 : i32
      %add3A_29 = arith.addi %select_n3A_26, %add3A_28 : i32
      %select_n3A_30 = arith.constant true
      %select_n3A_31 = arith.select %select_n3A_30, %add3A_29, %select_n3A_26 : i32
      %eq3A_32 = arith.constant 16 : i32
      %eq3A_33 = arith.cmpi eq, %select_n3A_31, %eq3A_32 : i32
      %select_n3A_34 = arith.constant 0 : i32
      %select_n3A_35 = arith.select %eq3A_33, %select_n3A_34, %select_n3A_31 : i32
      %add3A_36 = arith.addi %select_n3A_35, %mul3A_6 : i32
      "tpu.trace_start"() <{level = 10 : i32, message = "ep_initialize_0"}> : () -> ()
      %rem3A = arith.constant 0 : i32
      %rem3A_37 = arith.constant 2 : i32
      %rem3A_38 = arith.remui %rem3A, %rem3A_37 : i32
      %mul3A_39 = arith.constant 32 : i32
      %mul3A_40 = arith.muli %mul3A_39, %add3A_11 : i32
      %dma_start3A = arith.constant 0 : i32
      %dma_start3A_41 = arith.constant 0 : i32
      %dma_start3A_42 = tpu.memref_slice %run_scoped3A[%rem3A_38, %dma_start3A, %dma_start3A_41] : memref<2x32x26xi32, #tpu.memory_space<vmem>> -> memref<1x32x26xi32, #tpu.memory_space<vmem>>
      %dma_start3A_43 = tpu.memref_squeeze %dma_start3A_42 : memref<1x32x26xi32, #tpu.memory_space<vmem>> -> memref<32x26xi32, #tpu.memory_space<vmem>>
      %dma_start3A_44 = arith.constant 0 : i32
      %dma_start3A_45 = tpu.memref_slice %arg2[%mul3A_40, %dma_start3A_44] : memref<16384x26xi32, #tpu.memory_space<hbm>> -> memref<32x26xi32, #tpu.memory_space<hbm>>
      %dma_start3A_46 = tpu.memref_slice %run_scoped3A_7[%rem3A_38] : memref<2x!tpu.dma_semaphore, #tpu.memory_space<semaphore_mem>> -> memref<1x!tpu.dma_semaphore, #tpu.memory_space<semaphore_mem>>
      %dma_start3A_47 = tpu.memref_squeeze %dma_start3A_46 : memref<1x!tpu.dma_semaphore, #tpu.memory_space<semaphore_mem>> -> memref<!tpu.dma_semaphore, #tpu.memory_space<semaphore_mem>>
      %dma_start3A_48 = arith.constant 0 : i32
      %dma_start3A_49 = arith.constant 0 : i32
      %dma_start3A_50 = tpu.memref_slice %run_scoped3A[%rem3A_38, %dma_start3A_48, %dma_start3A_49] : memref<2x32x26xi32, #tpu.memory_space<vmem>> -> memref<1x32x26xi32, #tpu.memory_space<vmem>>
      %dma_start3A_51 = tpu.memref_squeeze %dma_start3A_50 : memref<1x32x26xi32, #tpu.memory_space<vmem>> -> memref<32x26xi32, #tpu.memory_space<vmem>>
      %dma_start3A_52 = arith.constant 0 : i32
      %dma_start3A_53 = tpu.memref_slice %arg2[%mul3A_40, %dma_start3A_52] : memref<16384x26xi32, #tpu.memory_space<hbm>> -> memref<32x26xi32, #tpu.memory_space<hbm>>
      tpu.enqueue_dma source(%dma_start3A_53 : memref<32x26xi32, #tpu.memory_space<hbm>>) target(%dma_start3A_51 : memref<32x26xi32, #tpu.memory_space<vmem>>) target_semaphore(%dma_start3A_47 : memref<!tpu.dma_semaphore, #tpu.memory_space<semaphore_mem>>)
      %add3A_54 = arith.constant 0 : i32
      %add3A_55 = arith.constant 1 : i32
      %add3A_56 = arith.addi %add3A_54, %add3A_55 : i32
      %select_n3A_57 = arith.constant true
      %select_n3A_58 = arith.constant 0 : i32
      %select_n3A_59 = arith.select %select_n3A_57, %add3A_56, %select_n3A_58 : i32
      "tpu.trace_stop"() : () -> ()
      %scan3A = arith.constant 0 : i32
      %scan3A_60 = arith.constant 0 : i32
      %scan3A_61 = arith.constant 0 : i32
      %scan3A_62 = arith.constant 0 : i32
      %scan3A_63 = arith.constant 0 : i32
      %scan3A_64 = arith.constant 16 : i32
      %scan3A_65 = arith.addi %scan3A_63, %scan3A_64 : i32
      %scan3A_66 = arith.constant 1 : i32
      %scan3A_67:5 = scf.for %scan3A_125 = %scan3A_63 to %scan3A_65 step %scan3A_66 iter_args(%scan3A_126 = %select_n3A_59, %scan3A_127 = %scan3A, %scan3A_128 = %scan3A_60, %scan3A_129 = %scan3A_61, %scan3A_130 = %scan3A_62) -> (i32, i32, i32, i32, i32)  : i32 {
        %eq3A_131 = arith.constant 0 : i32
        %eq3A_132 = arith.cmpi eq, %scan3A_125, %eq3A_131 : i32
        %eq3A_133 = arith.constant 15 : i32
        %eq3A_134 = arith.cmpi eq, %scan3A_125, %eq3A_133 : i32
        %add3A_135 = arith.addi %scan3A_130, %mul3A_6 : i32
        %sub3A_136 = arith.constant 1 : i32
        %sub3A_137 = arith.subi %scan3A_130, %sub3A_136 : i32
        %select_n3A_138 = arith.constant true
        %select_n3A_139 = arith.select %select_n3A_138, %sub3A_137, %scan3A_130 : i32
        %eq3A_140 = arith.constant -1 : i32
        %eq3A_141 = arith.cmpi eq, %select_n3A_139, %eq3A_140 : i32
        %select_n3A_142 = arith.constant 15 : i32
        %select_n3A_143 = arith.select %eq3A_141, %select_n3A_142, %select_n3A_139 : i32
        %add3A_144 = arith.addi %select_n3A_143, %mul3A_6 : i32
        %add3A_145 = arith.constant 1 : i32
        %add3A_146 = arith.addi %scan3A_130, %add3A_145 : i32
        %select_n3A_147 = arith.constant true
        %select_n3A_148 = arith.select %select_n3A_147, %add3A_146, %scan3A_130 : i32
        %eq3A_149 = arith.constant 16 : i32
        %eq3A_150 = arith.cmpi eq, %select_n3A_148, %eq3A_149 : i32
        %select_n3A_151 = arith.constant 0 : i32
        %select_n3A_152 = arith.select %eq3A_150, %select_n3A_151, %select_n3A_148 : i32
        %add3A_153 = arith.addi %select_n3A_152, %mul3A_6 : i32
        %add3A_154 = arith.constant 1 : i32
        %add3A_155 = arith.addi %select_n3A_152, %add3A_154 : i32
        %select_n3A_156 = arith.constant true
        %select_n3A_157 = arith.select %select_n3A_156, %add3A_155, %select_n3A_152 : i32
        %eq3A_158 = arith.constant 16 : i32
        %eq3A_159 = arith.cmpi eq, %select_n3A_157, %eq3A_158 : i32
        %select_n3A_160 = arith.constant 0 : i32
        %select_n3A_161 = arith.select %eq3A_159, %select_n3A_160, %select_n3A_157 : i32
        %add3A_162 = arith.addi %select_n3A_161, %mul3A_6 : i32
        %ne3A = arith.cmpi ne, %add3A_135, %add3A_153 : i32
        %or3A = arith.constant false
        %or3A_163 = arith.ori %or3A, %ne3A : i1
        %or3A_164 = arith.constant false
        %or3A_165 = arith.ori %or3A_163, %or3A_164 : i1
        %ge3A = arith.constant 15 : i32
        %ge3A_166 = arith.cmpi sge, %scan3A_125, %ge3A : i32
        %not3A = arith.constant true
        %not3A_167 = arith.xori %ge3A_166, %not3A : i1
        %and3A = arith.andi %or3A_165, %not3A_167 : i1
        %convert_element_type3A = arith.extui %and3A : i1 to i32
        %cond3A = arith.constant 0 : i32
        %cond3A_168 = arith.cmpi ne, %convert_element_type3A, %cond3A : i32
        scf.if %cond3A_168 {
          "tpu.trace_start"() <{level = 10 : i32, message = "ep_copy_in"}> : () -> ()
          %rem3A_2026 = arith.constant 2 : i32
          %rem3A_2027 = arith.remui %scan3A_126, %rem3A_2026 : i32
          %mul3A_2028 = arith.constant 32 : i32
          %mul3A_2029 = arith.muli %mul3A_2028, %add3A_153 : i32
          %dma_start3A_2030 = arith.constant 0 : i32
          %dma_start3A_2031 = arith.constant 0 : i32
          %dma_start3A_2032 = tpu.memref_slice %run_scoped3A[%rem3A_2027, %dma_start3A_2030, %dma_start3A_2031] : memref<2x32x26xi32, #tpu.memory_space<vmem>> -> memref<1x32x26xi32, #tpu.memory_space<vmem>>
          %dma_start3A_2033 = tpu.memref_squeeze %dma_start3A_2032 : memref<1x32x26xi32, #tpu.memory_space<vmem>> -> memref<32x26xi32, #tpu.memory_space<vmem>>
          %dma_start3A_2034 = arith.constant 0 : i32
          %dma_start3A_2035 = tpu.memref_slice %arg2[%mul3A_2029, %dma_start3A_2034] : memref<16384x26xi32, #tpu.memory_space<hbm>> -> memref<32x26xi32, #tpu.memory_space<hbm>>
          %dma_start3A_2036 = tpu.memref_slice %run_scoped3A_7[%rem3A_2027] : memref<2x!tpu.dma_semaphore, #tpu.memory_space<semaphore_mem>> -> memref<1x!tpu.dma_semaphore, #tpu.memory_space<semaphore_mem>>
          %dma_start3A_2037 = tpu.memref_squeeze %dma_start3A_2036 : memref<1x!tpu.dma_semaphore, #tpu.memory_space<semaphore_mem>> -> memref<!tpu.dma_semaphore, #tpu.memory_space<semaphore_mem>>
          %dma_start3A_2038 = arith.constant 0 : i32
          %dma_start3A_2039 = arith.constant 0 : i32
          %dma_start3A_2040 = tpu.memref_slice %run_scoped3A[%rem3A_2027, %dma_start3A_2038, %dma_start3A_2039] : memref<2x32x26xi32, #tpu.memory_space<vmem>> -> memref<1x32x26xi32, #tpu.memory_space<vmem>>
          %dma_start3A_2041 = tpu.memref_squeeze %dma_start3A_2040 : memref<1x32x26xi32, #tpu.memory_space<vmem>> -> memref<32x26xi32, #tpu.memory_space<vmem>>
          %dma_start3A_2042 = arith.constant 0 : i32
          %dma_start3A_2043 = tpu.memref_slice %arg2[%mul3A_2029, %dma_start3A_2042] : memref<16384x26xi32, #tpu.memory_space<hbm>> -> memref<32x26xi32, #tpu.memory_space<hbm>>
          tpu.enqueue_dma source(%dma_start3A_2043 : memref<32x26xi32, #tpu.memory_space<hbm>>) target(%dma_start3A_2041 : memref<32x26xi32, #tpu.memory_space<vmem>>) target_semaphore(%dma_start3A_2037 : memref<!tpu.dma_semaphore, #tpu.memory_space<semaphore_mem>>)
          "tpu.trace_stop"() : () -> ()
        } else {
        }
        %and3A_169 = arith.constant true
        %and3A_170 = arith.andi %and3A, %and3A_169 : i1
        %add3A_171 = arith.constant 1 : i32
        %add3A_172 = arith.addi %scan3A_126, %add3A_171 : i32
        %select_n3A_173 = arith.select %and3A_170, %add3A_172, %scan3A_126 : i32
        %ne3A_174 = arith.cmpi ne, %add3A_135, %add3A_153 : i32
        %or3A_175 = arith.constant false
        %or3A_176 = arith.ori %or3A_175, %ne3A_174 : i1
        %or3A_177 = arith.constant false
        %or3A_178 = arith.ori %or3A_176, %or3A_177 : i1
        %ge3A_179 = arith.constant 15 : i32
        %ge3A_180 = arith.cmpi sge, %scan3A_125, %ge3A_179 : i32
        %not3A_181 = arith.constant true
        %not3A_182 = arith.xori %ge3A_180, %not3A_181 : i1
        %and3A_183 = arith.andi %or3A_178, %not3A_182 : i1
        %ne3A_184 = arith.cmpi ne, %add3A_135, %add3A_144 : i32
        %or3A_185 = arith.constant false
        %or3A_186 = arith.ori %or3A_185, %ne3A_184 : i1
        %or3A_187 = arith.constant false
        %or3A_188 = arith.ori %or3A_186, %or3A_187 : i1
        %or3A_189 = arith.ori %or3A_188, %eq3A_132 : i1
        %convert_element_type3A_190 = arith.extui %or3A_189 : i1 to i32
        %cond3A_191 = arith.constant 0 : i32
        %cond3A_192 = arith.cmpi ne, %convert_element_type3A_190, %cond3A_191 : i32
        scf.if %cond3A_192 {
          "tpu.trace_start"() <{level = 10 : i32, message = "ep_wait_in"}> : () -> ()
          %mul3A_2026 = arith.constant 32 : i32
          %mul3A_2027 = arith.muli %mul3A_2026, %add3A_135 : i32
          %rem3A_2028 = arith.constant 2 : i32
          %rem3A_2029 = arith.remui %scan3A_127, %rem3A_2028 : i32
          %dma_wait3A_2030 = arith.constant 0 : i32
          %dma_wait3A_2031 = arith.constant 0 : i32
          %dma_wait3A_2032 = tpu.memref_slice %run_scoped3A[%rem3A_2029, %dma_wait3A_2030, %dma_wait3A_2031] : memref<2x32x26xi32, #tpu.memory_space<vmem>> -> memref<1x32x26xi32, #tpu.memory_space<vmem>>
          %dma_wait3A_2033 = tpu.memref_squeeze %dma_wait3A_2032 : memref<1x32x26xi32, #tpu.memory_space<vmem>> -> memref<32x26xi32, #tpu.memory_space<vmem>>
          %dma_wait3A_2034 = arith.constant 0 : i32
          %dma_wait3A_2035 = tpu.memref_slice %arg2[%mul3A_2027, %dma_wait3A_2034] : memref<16384x26xi32, #tpu.memory_space<hbm>> -> memref<32x26xi32, #tpu.memory_space<hbm>>
          %dma_wait3A_2036 = tpu.memref_slice %run_scoped3A_7[%rem3A_2029] : memref<2x!tpu.dma_semaphore, #tpu.memory_space<semaphore_mem>> -> memref<1x!tpu.dma_semaphore, #tpu.memory_space<semaphore_mem>>
          %dma_wait3A_2037 = tpu.memref_squeeze %dma_wait3A_2036 : memref<1x!tpu.dma_semaphore, #tpu.memory_space<semaphore_mem>> -> memref<!tpu.dma_semaphore, #tpu.memory_space<semaphore_mem>>
          %dma_wait3A_2038 = arith.constant 0 : i32
          %dma_wait3A_2039 = arith.constant 0 : i32
          %dma_wait3A_2040 = tpu.memref_slice %run_scoped3A[%rem3A_2029, %dma_wait3A_2038, %dma_wait3A_2039] : memref<2x32x26xi32, #tpu.memory_space<vmem>> -> memref<1x32x26xi32, #tpu.memory_space<vmem>>
          %dma_wait3A_2041 = tpu.memref_squeeze %dma_wait3A_2040 : memref<1x32x26xi32, #tpu.memory_space<vmem>> -> memref<32x26xi32, #tpu.memory_space<vmem>>
          %dma_wait3A_2042 = arith.constant 0 : i32
          %dma_wait3A_2043 = tpu.memref_slice %arg2[%mul3A_2027, %dma_wait3A_2042] : memref<16384x26xi32, #tpu.memory_space<hbm>> -> memref<32x26xi32, #tpu.memory_space<hbm>>
          tpu.wait_dma2 semaphore(%dma_wait3A_2037 : memref<!tpu.dma_semaphore, #tpu.memory_space<semaphore_mem>>) src(%dma_wait3A_2043 : memref<32x26xi32, #tpu.memory_space<hbm>>) dst(%dma_wait3A_2041 : memref<32x26xi32, #tpu.memory_space<vmem>>)
          "tpu.trace_stop"() : () -> ()
        } else {
        }
        %ne3A_193 = arith.cmpi ne, %add3A_135, %add3A_144 : i32
        %or3A_194 = arith.constant false
        %or3A_195 = arith.ori %or3A_194, %ne3A_193 : i1
        %or3A_196 = arith.constant false
        %or3A_197 = arith.ori %or3A_195, %or3A_196 : i1
        %or3A_198 = arith.ori %or3A_197, %eq3A_132 : i1
        %convert_element_type3A_199 = arith.extui %or3A_198 : i1 to i32
        %cond3A_200 = arith.constant 0 : i32
        %cond3A_201 = arith.cmpi ne, %convert_element_type3A_199, %cond3A_200 : i32
        scf.if %cond3A_201 {
        } else {
        }
        %rem3A_202 = arith.constant 2 : i32
        %rem3A_203 = arith.remui %scan3A_127, %rem3A_202 : i32
        %rem3A_204 = arith.constant 2 : i32
        %rem3A_205 = arith.remui %scan3A_128, %rem3A_204 : i32
        "tpu.trace_start"() <{level = 10 : i32, message = "ep_run_kernel"}> : () -> ()
        %iota3A = tpu.iota {dimensions = array<i32: 0>} : vector<16xi32>
        %add3A_206 = arith.constant 0 : i32
        %add3A_207 = vector.broadcast %add3A_206 : i32 to vector<16xi32>
        %add3A_208 = arith.addi %iota3A, %add3A_207 : vector<16xi32>
        %broadcast_in_dim3A = arith.constant 0 : i32
        %broadcast_in_dim3A_209 = vector.broadcast %broadcast_in_dim3A : i32 to vector<16xi32>
        %gather3A = arith.constant 0 : i32
        %gather3A_210 = arith.constant 0 : i32
        %gather3A_211 = tpu.memref_slice %run_scoped3A[%rem3A_203, %gather3A, %gather3A_210] : memref<2x32x26xi32, #tpu.memory_space<vmem>> -> memref<1x32x26xi32, #tpu.memory_space<vmem>>
        %gather3A_212 = tpu.memref_squeeze %gather3A_211 : memref<1x32x26xi32, #tpu.memory_space<vmem>> -> memref<32x26xi32, #tpu.memory_space<vmem>>
        %gather3A_213 = tpu.vector_load_idx %gather3A_212[%add3A_208, %broadcast_in_dim3A_209] : memref<32x26xi32, #tpu.memory_space<vmem>>[vector<16xi32>, vector<16xi32>], vector<16xi32>,
        %swap3A = arith.constant 0 : i32
        %swap3A_214 = arith.index_cast %swap3A : i32 to index
        %swap3A_215 = arith.constant 0 : index
        %swap3A_216 = tpu.vector_load %arg6[%swap3A_214, %swap3A_215] {strides = array<i32>} : memref<26x32xi32, #tpu.memory_space<vmem>>, vector<16xi32>,
        tpu.vector_store %arg6[%swap3A_214, %swap3A_215], %gather3A_213 {strides = array<i32>} : memref<26x32xi32, #tpu.memory_space<vmem>>, vector<16xi32>,
        %add3A_217 = arith.constant 16 : i32
        %add3A_218 = vector.broadcast %add3A_217 : i32 to vector<16xi32>
        %add3A_219 = arith.addi %iota3A, %add3A_218 : vector<16xi32>
        %broadcast_in_dim3A_220 = arith.constant 0 : i32
        %broadcast_in_dim3A_221 = vector.broadcast %broadcast_in_dim3A_220 : i32 to vector<16xi32>
        %gather3A_222 = arith.constant 0 : i32
        %gather3A_223 = arith.constant 0 : i32
        %gather3A_224 = tpu.memref_slice %run_scoped3A[%rem3A_203, %gather3A_222, %gather3A_223] : memref<2x32x26xi32, #tpu.memory_space<vmem>> -> memref<1x32x26xi32, #tpu.memory_space<vmem>>
        %gather3A_225 = tpu.memref_squeeze %gather3A_224 : memref<1x32x26xi32, #tpu.memory_space<vmem>> -> memref<32x26xi32, #tpu.memory_space<vmem>>
        %gather3A_226 = tpu.vector_load_idx %gather3A_225[%add3A_219, %broadcast_in_dim3A_221] : memref<32x26xi32, #tpu.memory_space<vmem>>[vector<16xi32>, vector<16xi32>], vector<16xi32>,
        %swap3A_227 = arith.constant 0 : i32
        %swap3A_228 = arith.index_cast %swap3A_227 : i32 to index
        %swap3A_229 = arith.constant 16 : index
        %swap3A_230 = tpu.vector_load %arg6[%swap3A_228, %swap3A_229] {strides = array<i32>} : memref<26x32xi32, #tpu.memory_space<vmem>>, vector<16xi32>,
        tpu.vector_store %arg6[%swap3A_228, %swap3A_229], %gather3A_226 {strides = array<i32>} : memref<26x32xi32, #tpu.memory_space<vmem>>, vector<16xi32>,
        %dma_start3A_231 = arith.constant 0 : i32
        %dma_start3A_232 = arith.constant 0 : i32
        %dma_start3A_233 = arith.constant 0 : i32
        %dma_start3A_234 = arith.constant 0 : i32
        %dma_start3A_235 = arith.constant 0 : i32
        %dma_start3A_236 = tpu.memref_slice %arg10[%dma_start3A_233, %dma_start3A_234, %dma_start3A_235] : memref<26x32x16xf32, #tpu.memory_space<vmem>> -> memref<1x32x16xf32, #tpu.memory_space<vmem>>
        %dma_start3A_237 = tpu.memref_squeeze %dma_start3A_236 : memref<1x32x16xf32, #tpu.memory_space<vmem>> -> memref<32x16xf32, #tpu.memory_space<vmem>>
        %dma_start3A_238 = arith.constant 0 : i32
        %dma_start3A_239 = tpu.memref_slice %arg6[%dma_start3A_232, %dma_start3A_238] : memref<26x32xi32, #tpu.memory_space<vmem>> -> memref<1x32xi32, #tpu.memory_space<vmem>>
        %dma_start3A_240 = tpu.memref_squeeze %dma_start3A_239 : memref<1x32xi32, #tpu.memory_space<vmem>> -> memref<32xi32, #tpu.memory_space<vmem>>
        %dma_start3A_241 = arith.constant 0 : i32
        %dma_start3A_242 = arith.constant 0 : i32
        %dma_start3A_243 = tpu.memref_slice %arg3[%dma_start3A_231, %dma_start3A_241, %dma_start3A_242] : memref<26x100000x16xf32, #tpu.memory_space<hbm>> -> memref<1x100000x16xf32, #tpu.memory_space<hbm>>
        %dma_start3A_244 = tpu.memref_squeeze %dma_start3A_243 : memref<1x100000x16xf32, #tpu.memory_space<hbm>> -> memref<100000x16xf32, #tpu.memory_space<hbm>>
        %dma_start3A_245 = arith.constant 0 : i32
        %dma_start3A_246 = arith.constant 0 : i32
        %dma_start3A_247 = tpu.memref_slice %dma_start3A_244[%dma_start3A_245, %dma_start3A_246] : memref<100000x16xf32, #tpu.memory_space<hbm>> -> memref<100000x16xf32, #tpu.memory_space<hbm>>
        tpu.enqueue_indirect_dma source(%dma_start3A_247 : memref<100000x16xf32, #tpu.memory_space<hbm>>) target(%dma_start3A_237 : memref<32x16xf32, #tpu.memory_space<vmem>>) offsets(%dma_start3A_240 : memref<32xi32, #tpu.memory_space<vmem>>) semaphore(%arg11 : memref<!tpu.dma_semaphore, #tpu.memory_space<semaphore_mem>>)
        %add3A_248 = arith.constant 0 : i32
        %add3A_249 = vector.broadcast %add3A_248 : i32 to vector<16xi32>
        %add3A_250 = arith.addi %iota3A, %add3A_249 : vector<16xi32>
        %broadcast_in_dim3A_251 = arith.constant 1 : i32
        %broadcast_in_dim3A_252 = vector.broadcast %broadcast_in_dim3A_251 : i32 to vector<16xi32>
        %gather3A_253 = arith.constant 0 : i32
        %gather3A_254 = arith.constant 0 : i32
        %gather3A_255 = tpu.memref_slice %run_scoped3A[%rem3A_203, %gather3A_253, %gather3A_254] : memref<2x32x26xi32, #tpu.memory_space<vmem>> -> memref<1x32x26xi32, #tpu.memory_space<vmem>>
        %gather3A_256 = tpu.memref_squeeze %gather3A_255 : memref<1x32x26xi32, #tpu.memory_space<vmem>> -> memref<32x26xi32, #tpu.memory_space<vmem>>
        %gather3A_257 = tpu.vector_load_idx %gather3A_256[%add3A_250, %broadcast_in_dim3A_252] : memref<32x26xi32, #tpu.memory_space<vmem>>[vector<16xi32>, vector<16xi32>], vector<16xi32>,
        %swap3A_258 = arith.constant 1 : i32
        %swap3A_259 = arith.index_cast %swap3A_258 : i32 to index
        %swap3A_260 = arith.constant 0 : index
        %swap3A_261 = tpu.vector_load %arg6[%swap3A_259, %swap3A_260] {strides = array<i32>} : memref<26x32xi32, #tpu.memory_space<vmem>>, vector<16xi32>,
        tpu.vector_store %arg6[%swap3A_259, %swap3A_260], %gather3A_257 {strides = array<i32>} : memref<26x32xi32, #tpu.memory_space<vmem>>, vector<16xi32>,
        %add3A_262 = arith.constant 16 : i32
        %add3A_263 = vector.broadcast %add3A_262 : i32 to vector<16xi32>
        %add3A_264 = arith.addi %iota3A, %add3A_263 : vector<16xi32>
        %broadcast_in_dim3A_265 = arith.constant 1 : i32
        %broadcast_in_dim3A_266 = vector.broadcast %broadcast_in_dim3A_265 : i32 to vector<16xi32>
        %gather3A_267 = arith.constant 0 : i32
        %gather3A_268 = arith.constant 0 : i32
        %gather3A_269 = tpu.memref_slice %run_scoped3A[%rem3A_203, %gather3A_267, %gather3A_268] : memref<2x32x26xi32, #tpu.memory_space<vmem>> -> memref<1x32x26xi32, #tpu.memory_space<vmem>>
        %gather3A_270 = tpu.memref_squeeze %gather3A_269 : memref<1x32x26xi32, #tpu.memory_space<vmem>> -> memref<32x26xi32, #tpu.memory_space<vmem>>
        %gather3A_271 = tpu.vector_load_idx %gather3A_270[%add3A_264, %broadcast_in_dim3A_266] : memref<32x26xi32, #tpu.memory_space<vmem>>[vector<16xi32>, vector<16xi32>], vector<16xi32>,
        %swap3A_272 = arith.constant 1 : i32
        %swap3A_273 = arith.index_cast %swap3A_272 : i32 to index
        %swap3A_274 = arith.constant 16 : index
        %swap3A_275 = tpu.vector_load %arg6[%swap3A_273, %swap3A_274] {strides = array<i32>} : memref<26x32xi32, #tpu.memory_space<vmem>>, vector<16xi32>,
        tpu.vector_store %arg6[%swap3A_273, %swap3A_274], %gather3A_271 {strides = array<i32>} : memref<26x32xi32, #tpu.memory_space<vmem>>, vector<16xi32>,
        %dma_start3A_276 = arith.constant 1 : i32
        %dma_start3A_277 = arith.constant 1 : i32
        %dma_start3A_278 = arith.constant 1 : i32
        %dma_start3A_279 = arith.constant 0 : i32
        %dma_start3A_280 = arith.constant 0 : i32
        %dma_start3A_281 = tpu.memref_slice %arg10[%dma_start3A_278, %dma_start3A_279, %dma_start3A_280] : memref<26x32x16xf32, #tpu.memory_space<vmem>> -> memref<1x32x16xf32, #tpu.memory_space<vmem>>
        %dma_start3A_282 = tpu.memref_squeeze %dma_start3A_281 : memref<1x32x16xf32, #tpu.memory_space<vmem>> -> memref<32x16xf32, #tpu.memory_space<vmem>>
        %dma_start3A_283 = arith.constant 0 : i32
        %dma_start3A_284 = tpu.memref_slice %arg6[%dma_start3A_277, %dma_start3A_283] : memref<26x32xi32, #tpu.memory_space<vmem>> -> memref<1x32xi32, #tpu.memory_space<vmem>>
        %dma_start3A_285 = tpu.memref_squeeze %dma_start3A_284 : memref<1x32xi32, #tpu.memory_space<vmem>> -> memref<32xi32, #tpu.memory_space<vmem>>
        %dma_start3A_286 = arith.constant 0 : i32
        %dma_start3A_287 = arith.constant 0 : i32
        %dma_start3A_288 = tpu.memref_slice %arg3[%dma_start3A_276, %dma_start3A_286, %dma_start3A_287] : memref<26x100000x16xf32, #tpu.memory_space<hbm>> -> memref<1x100000x16xf32, #tpu.memory_space<hbm>>
        %dma_start3A_289 = tpu.memref_squeeze %dma_start3A_288 : memref<1x100000x16xf32, #tpu.memory_space<hbm>> -> memref<100000x16xf32, #tpu.memory_space<hbm>>
        %dma_start3A_290 = arith.constant 0 : i32
        %dma_start3A_291 = arith.constant 0 : i32
        %dma_start3A_292 = tpu.memref_slice %dma_start3A_289[%dma_start3A_290, %dma_start3A_291] : memref<100000x16xf32, #tpu.memory_space<hbm>> -> memref<100000x16xf32, #tpu.memory_space<hbm>>
        tpu.enqueue_indirect_dma source(%dma_start3A_292 : memref<100000x16xf32, #tpu.memory_space<hbm>>) target(%dma_start3A_282 : memref<32x16xf32, #tpu.memory_space<vmem>>) offsets(%dma_start3A_285 : memref<32xi32, #tpu.memory_space<vmem>>) semaphore(%arg11 : memref<!tpu.dma_semaphore, #tpu.memory_space<semaphore_mem>>)
        %add3A_293 = arith.constant 0 : i32
        %add3A_294 = vector.broadcast %add3A_293 : i32 to vector<16xi32>
        %add3A_295 = arith.addi %iota3A, %add3A_294 : vector<16xi32>
        %broadcast_in_dim3A_296 = arith.constant 2 : i32
        %broadcast_in_dim3A_297 = vector.broadcast %broadcast_in_dim3A_296 : i32 to vector<16xi32>
        %gather3A_298 = arith.constant 0 : i32
        %gather3A_299 = arith.constant 0 : i32
        %gather3A_300 = tpu.memref_slice %run_scoped3A[%rem3A_203, %gather3A_298, %gather3A_299] : memref<2x32x26xi32, #tpu.memory_space<vmem>> -> memref<1x32x26xi32, #tpu.memory_space<vmem>>
        %gather3A_301 = tpu.memref_squeeze %gather3A_300 : memref<1x32x26xi32, #tpu.memory_space<vmem>> -> memref<32x26xi32, #tpu.memory_space<vmem>>
        %gather3A_302 = tpu.vector_load_idx %gather3A_301[%add3A_295, %broadcast_in_dim3A_297] : memref<32x26xi32, #tpu.memory_space<vmem>>[vector<16xi32>, vector<16xi32>], vector<16xi32>,
        %swap3A_303 = arith.constant 2 : i32
        %swap3A_304 = arith.index_cast %swap3A_303 : i32 to index
        %swap3A_305 = arith.constant 0 : index
        %swap3A_306 = tpu.vector_load %arg6[%swap3A_304, %swap3A_305] {strides = array<i32>} : memref<26x32xi32, #tpu.memory_space<vmem>>, vector<16xi32>,
        tpu.vector_store %arg6[%swap3A_304, %swap3A_305], %gather3A_302 {strides = array<i32>} : memref<26x32xi32, #tpu.memory_space<vmem>>, vector<16xi32>,
        %add3A_307 = arith.constant 16 : i32
        %add3A_308 = vector.broadcast %add3A_307 : i32 to vector<16xi32>
        %add3A_309 = arith.addi %iota3A, %add3A_308 : vector<16xi32>
        %broadcast_in_dim3A_310 = arith.constant 2 : i32
        %broadcast_in_dim3A_311 = vector.broadcast %broadcast_in_dim3A_310 : i32 to vector<16xi32>
        %gather3A_312 = arith.constant 0 : i32
        %gather3A_313 = arith.constant 0 : i32
        %gather3A_314 = tpu.memref_slice %run_scoped3A[%rem3A_203, %gather3A_312, %gather3A_313] : memref<2x32x26xi32, #tpu.memory_space<vmem>> -> memref<1x32x26xi32, #tpu.memory_space<vmem>>
        %gather3A_315 = tpu.memref_squeeze %gather3A_314 : memref<1x32x26xi32, #tpu.memory_space<vmem>> -> memref<32x26xi32, #tpu.memory_space<vmem>>
        %gather3A_316 = tpu.vector_load_idx %gather3A_315[%add3A_309, %broadcast_in_dim3A_311] : memref<32x26xi32, #tpu.memory_space<vmem>>[vector<16xi32>, vector<16xi32>], vector<16xi32>,
        %swap3A_317 = arith.constant 2 : i32
        %swap3A_318 = arith.index_cast %swap3A_317 : i32 to index
        %swap3A_319 = arith.constant 16 : index
        %swap3A_320 = tpu.vector_load %arg6[%swap3A_318, %swap3A_319] {strides = array<i32>} : memref<26x32xi32, #tpu.memory_space<vmem>>, vector<16xi32>,
        tpu.vector_store %arg6[%swap3A_318, %swap3A_319], %gather3A_316 {strides = array<i32>} : memref<26x32xi32, #tpu.memory_space<vmem>>, vector<16xi32>,
        %dma_start3A_321 = arith.constant 2 : i32
        %dma_start3A_322 = arith.constant 2 : i32
        %dma_start3A_323 = arith.constant 2 : i32
        %dma_start3A_324 = arith.constant 0 : i32
        %dma_start3A_325 = arith.constant 0 : i32
        %dma_start3A_326 = tpu.memref_slice %arg10[%dma_start3A_323, %dma_start3A_324, %dma_start3A_325] : memref<26x32x16xf32, #tpu.memory_space<vmem>> -> memref<1x32x16xf32, #tpu.memory_space<vmem>>
        %dma_start3A_327 = tpu.memref_squeeze %dma_start3A_326 : memref<1x32x16xf32, #tpu.memory_space<vmem>> -> memref<32x16xf32, #tpu.memory_space<vmem>>
        %dma_start3A_328 = arith.constant 0 : i32
        %dma_start3A_329 = tpu.memref_slice %arg6[%dma_start3A_322, %dma_start3A_328] : memref<26x32xi32, #tpu.memory_space<vmem>> -> memref<1x32xi32, #tpu.memory_space<vmem>>
        %dma_start3A_330 = tpu.memref_squeeze %dma_start3A_329 : memref<1x32xi32, #tpu.memory_space<vmem>> -> memref<32xi32, #tpu.memory_space<vmem>>
        %dma_start3A_331 = arith.constant 0 : i32
        %dma_start3A_332 = arith.constant 0 : i32
        %dma_start3A_333 = tpu.memref_slice %arg3[%dma_start3A_321, %dma_start3A_331, %dma_start3A_332] : memref<26x100000x16xf32, #tpu.memory_space<hbm>> -> memref<1x100000x16xf32, #tpu.memory_space<hbm>>
        %dma_start3A_334 = tpu.memref_squeeze %dma_start3A_333 : memref<1x100000x16xf32, #tpu.memory_space<hbm>> -> memref<100000x16xf32, #tpu.memory_space<hbm>>
        %dma_start3A_335 = arith.constant 0 : i32
        %dma_start3A_336 = arith.constant 0 : i32
        %dma_start3A_337 = tpu.memref_slice %dma_start3A_334[%dma_start3A_335, %dma_start3A_336] : memref<100000x16xf32, #tpu.memory_space<hbm>> -> memref<100000x16xf32, #tpu.memory_space<hbm>>
        tpu.enqueue_indirect_dma source(%dma_start3A_337 : memref<100000x16xf32, #tpu.memory_space<hbm>>) target(%dma_start3A_327 : memref<32x16xf32, #tpu.memory_space<vmem>>) offsets(%dma_start3A_330 : memref<32xi32, #tpu.memory_space<vmem>>) semaphore(%arg11 : memref<!tpu.dma_semaphore, #tpu.memory_space<semaphore_mem>>)
        %add3A_338 = arith.constant 0 : i32
        %add3A_339 = vector.broadcast %add3A_338 : i32 to vector<16xi32>
        %add3A_340 = arith.addi %iota3A, %add3A_339 : vector<16xi32>
        %broadcast_in_dim3A_341 = arith.constant 3 : i32
        %broadcast_in_dim3A_342 = vector.broadcast %broadcast_in_dim3A_341 : i32 to vector<16xi32>
        %gather3A_343 = arith.constant 0 : i32
        %gather3A_344 = arith.constant 0 : i32
        %gather3A_345 = tpu.memref_slice %run_scoped3A[%rem3A_203, %gather3A_343, %gather3A_344] : memref<2x32x26xi32, #tpu.memory_space<vmem>> -> memref<1x32x26xi32, #tpu.memory_space<vmem>>
        %gather3A_346 = tpu.memref_squeeze %gather3A_345 : memref<1x32x26xi32, #tpu.memory_space<vmem>> -> memref<32x26xi32, #tpu.memory_space<vmem>>
        %gather3A_347 = tpu.vector_load_idx %gather3A_346[%add3A_340, %broadcast_in_dim3A_342] : memref<32x26xi32, #tpu.memory_space<vmem>>[vector<16xi32>, vector<16xi32>], vector<16xi32>,
        %swap3A_348 = arith.constant 3 : i32
        %swap3A_349 = arith.index_cast %swap3A_348 : i32 to index
        %swap3A_350 = arith.constant 0 : index
        %swap3A_351 = tpu.vector_load %arg6[%swap3A_349, %swap3A_350] {strides = array<i32>} : memref<26x32xi32, #tpu.memory_space<vmem>>, vector<16xi32>,
        tpu.vector_store %arg6[%swap3A_349, %swap3A_350], %gather3A_347 {strides = array<i32>} : memref<26x32xi32, #tpu.memory_space<vmem>>, vector<16xi32>,
        %add3A_352 = arith.constant 16 : i32
        %add3A_353 = vector.broadcast %add3A_352 : i32 to vector<16xi32>
        %add3A_354 = arith.addi %iota3A, %add3A_353 : vector<16xi32>
        %broadcast_in_dim3A_355 = arith.constant 3 : i32
        %broadcast_in_dim3A_356 = vector.broadcast %broadcast_in_dim3A_355 : i32 to vector<16xi32>
        %gather3A_357 = arith.constant 0 : i32
        %gather3A_358 = arith.constant 0 : i32
        %gather3A_359 = tpu.memref_slice %run_scoped3A[%rem3A_203, %gather3A_357, %gather3A_358] : memref<2x32x26xi32, #tpu.memory_space<vmem>> -> memref<1x32x26xi32, #tpu.memory_space<vmem>>
        %gather3A_360 = tpu.memref_squeeze %gather3A_359 : memref<1x32x26xi32, #tpu.memory_space<vmem>> -> memref<32x26xi32, #tpu.memory_space<vmem>>
        %gather3A_361 = tpu.vector_load_idx %gather3A_360[%add3A_354, %broadcast_in_dim3A_356] : memref<32x26xi32, #tpu.memory_space<vmem>>[vector<16xi32>, vector<16xi32>], vector<16xi32>,
        %swap3A_362 = arith.constant 3 : i32
        %swap3A_363 = arith.index_cast %swap3A_362 : i32 to index
        %swap3A_364 = arith.constant 16 : index
        %swap3A_365 = tpu.vector_load %arg6[%swap3A_363, %swap3A_364] {strides = array<i32>} : memref<26x32xi32, #tpu.memory_space<vmem>>, vector<16xi32>,
        tpu.vector_store %arg6[%swap3A_363, %swap3A_364], %gather3A_361 {strides = array<i32>} : memref<26x32xi32, #tpu.memory_space<vmem>>, vector<16xi32>,
        %dma_start3A_366 = arith.constant 3 : i32
        %dma_start3A_367 = arith.constant 3 : i32
        %dma_start3A_368 = arith.constant 3 : i32
        %dma_start3A_369 = arith.constant 0 : i32
        %dma_start3A_370 = arith.constant 0 : i32
        %dma_start3A_371 = tpu.memref_slice %arg10[%dma_start3A_368, %dma_start3A_369, %dma_start3A_370] : memref<26x32x16xf32, #tpu.memory_space<vmem>> -> memref<1x32x16xf32, #tpu.memory_space<vmem>>
        %dma_start3A_372 = tpu.memref_squeeze %dma_start3A_371 : memref<1x32x16xf32, #tpu.memory_space<vmem>> -> memref<32x16xf32, #tpu.memory_space<vmem>>
        %dma_start3A_373 = arith.constant 0 : i32
        %dma_start3A_374 = tpu.memref_slice %arg6[%dma_start3A_367, %dma_start3A_373] : memref<26x32xi32, #tpu.memory_space<vmem>> -> memref<1x32xi32, #tpu.memory_space<vmem>>
        %dma_start3A_375 = tpu.memref_squeeze %dma_start3A_374 : memref<1x32xi32, #tpu.memory_space<vmem>> -> memref<32xi32, #tpu.memory_space<vmem>>
        %dma_start3A_376 = arith.constant 0 : i32
        %dma_start3A_377 = arith.constant 0 : i32
        %dma_start3A_378 = tpu.memref_slice %arg3[%dma_start3A_366, %dma_start3A_376, %dma_start3A_377] : memref<26x100000x16xf32, #tpu.memory_space<hbm>> -> memref<1x100000x16xf32, #tpu.memory_space<hbm>>
        %dma_start3A_379 = tpu.memref_squeeze %dma_start3A_378 : memref<1x100000x16xf32, #tpu.memory_space<hbm>> -> memref<100000x16xf32, #tpu.memory_space<hbm>>
        %dma_start3A_380 = arith.constant 0 : i32
        %dma_start3A_381 = arith.constant 0 : i32
        %dma_start3A_382 = tpu.memref_slice %dma_start3A_379[%dma_start3A_380, %dma_start3A_381] : memref<100000x16xf32, #tpu.memory_space<hbm>> -> memref<100000x16xf32, #tpu.memory_space<hbm>>
        tpu.enqueue_indirect_dma source(%dma_start3A_382 : memref<100000x16xf32, #tpu.memory_space<hbm>>) target(%dma_start3A_372 : memref<32x16xf32, #tpu.memory_space<vmem>>) offsets(%dma_start3A_375 : memref<32xi32, #tpu.memory_space<vmem>>) semaphore(%arg11 : memref<!tpu.dma_semaphore, #tpu.memory_space<semaphore_mem>>)
        %add3A_383 = arith.constant 0 : i32
        %add3A_384 = vector.broadcast %add3A_383 : i32 to vector<16xi32>
        %add3A_385 = arith.addi %iota3A, %add3A_384 : vector<16xi32>
        %broadcast_in_dim3A_386 = arith.constant 4 : i32
        %broadcast_in_dim3A_387 = vector.broadcast %broadcast_in_dim3A_386 : i32 to vector<16xi32>
        %gather3A_388 = arith.constant 0 : i32
        %gather3A_389 = arith.constant 0 : i32
        %gather3A_390 = tpu.memref_slice %run_scoped3A[%rem3A_203, %gather3A_388, %gather3A_389] : memref<2x32x26xi32, #tpu.memory_space<vmem>> -> memref<1x32x26xi32, #tpu.memory_space<vmem>>
        %gather3A_391 = tpu.memref_squeeze %gather3A_390 : memref<1x32x26xi32, #tpu.memory_space<vmem>> -> memref<32x26xi32, #tpu.memory_space<vmem>>
        %gather3A_392 = tpu.vector_load_idx %gather3A_391[%add3A_385, %broadcast_in_dim3A_387] : memref<32x26xi32, #tpu.memory_space<vmem>>[vector<16xi32>, vector<16xi32>], vector<16xi32>,
        %swap3A_393 = arith.constant 4 : i32
        %swap3A_394 = arith.index_cast %swap3A_393 : i32 to index
        %swap3A_395 = arith.constant 0 : index
        %swap3A_396 = tpu.vector_load %arg6[%swap3A_394, %swap3A_395] {strides = array<i32>} : memref<26x32xi32, #tpu.memory_space<vmem>>, vector<16xi32>,
        tpu.vector_store %arg6[%swap3A_394, %swap3A_395], %gather3A_392 {strides = array<i32>} : memref<26x32xi32, #tpu.memory_space<vmem>>, vector<16xi32>,
        %add3A_397 = arith.constant 16 : i32
        %add3A_398 = vector.broadcast %add3A_397 : i32 to vector<16xi32>
        %add3A_399 = arith.addi %iota3A, %add3A_398 : vector<16xi32>
        %broadcast_in_dim3A_400 = arith.constant 4 : i32
        %broadcast_in_dim3A_401 = vector.broadcast %broadcast_in_dim3A_400 : i32 to vector<16xi32>
        %gather3A_402 = arith.constant 0 : i32
        %gather3A_403 = arith.constant 0 : i32
        %gather3A_404 = tpu.memref_slice %run_scoped3A[%rem3A_203, %gather3A_402, %gather3A_403] : memref<2x32x26xi32, #tpu.memory_space<vmem>> -> memref<1x32x26xi32, #tpu.memory_space<vmem>>
        %gather3A_405 = tpu.memref_squeeze %gather3A_404 : memref<1x32x26xi32, #tpu.memory_space<vmem>> -> memref<32x26xi32, #tpu.memory_space<vmem>>
        %gather3A_406 = tpu.vector_load_idx %gather3A_405[%add3A_399, %broadcast_in_dim3A_401] : memref<32x26xi32, #tpu.memory_space<vmem>>[vector<16xi32>, vector<16xi32>], vector<16xi32>,
        %swap3A_407 = arith.constant 4 : i32
        %swap3A_408 = arith.index_cast %swap3A_407 : i32 to index
        %swap3A_409 = arith.constant 16 : index
        %swap3A_410 = tpu.vector_load %arg6[%swap3A_408, %swap3A_409] {strides = array<i32>} : memref<26x32xi32, #tpu.memory_space<vmem>>, vector<16xi32>,
        tpu.vector_store %arg6[%swap3A_408, %swap3A_409], %gather3A_406 {strides = array<i32>} : memref<26x32xi32, #tpu.memory_space<vmem>>, vector<16xi32>,
        %dma_start3A_411 = arith.constant 4 : i32
        %dma_start3A_412 = arith.constant 4 : i32
        %dma_start3A_413 = arith.constant 4 : i32
        %dma_start3A_414 = arith.constant 0 : i32
        %dma_start3A_415 = arith.constant 0 : i32
        %dma_start3A_416 = tpu.memref_slice %arg10[%dma_start3A_413, %dma_start3A_414, %dma_start3A_415] : memref<26x32x16xf32, #tpu.memory_space<vmem>> -> memref<1x32x16xf32, #tpu.memory_space<vmem>>
        %dma_start3A_417 = tpu.memref_squeeze %dma_start3A_416 : memref<1x32x16xf32, #tpu.memory_space<vmem>> -> memref<32x16xf32, #tpu.memory_space<vmem>>
        %dma_start3A_418 = arith.constant 0 : i32
        %dma_start3A_419 = tpu.memref_slice %arg6[%dma_start3A_412, %dma_start3A_418] : memref<26x32xi32, #tpu.memory_space<vmem>> -> memref<1x32xi32, #tpu.memory_space<vmem>>
        %dma_start3A_420 = tpu.memref_squeeze %dma_start3A_419 : memref<1x32xi32, #tpu.memory_space<vmem>> -> memref<32xi32, #tpu.memory_space<vmem>>
        %dma_start3A_421 = arith.constant 0 : i32
        %dma_start3A_422 = arith.constant 0 : i32
        %dma_start3A_423 = tpu.memref_slice %arg3[%dma_start3A_411, %dma_start3A_421, %dma_start3A_422] : memref<26x100000x16xf32, #tpu.memory_space<hbm>> -> memref<1x100000x16xf32, #tpu.memory_space<hbm>>
        %dma_start3A_424 = tpu.memref_squeeze %dma_start3A_423 : memref<1x100000x16xf32, #tpu.memory_space<hbm>> -> memref<100000x16xf32, #tpu.memory_space<hbm>>
        %dma_start3A_425 = arith.constant 0 : i32
        %dma_start3A_426 = arith.constant 0 : i32
        %dma_start3A_427 = tpu.memref_slice %dma_start3A_424[%dma_start3A_425, %dma_start3A_426] : memref<100000x16xf32, #tpu.memory_space<hbm>> -> memref<100000x16xf32, #tpu.memory_space<hbm>>
        tpu.enqueue_indirect_dma source(%dma_start3A_427 : memref<100000x16xf32, #tpu.memory_space<hbm>>) target(%dma_start3A_417 : memref<32x16xf32, #tpu.memory_space<vmem>>) offsets(%dma_start3A_420 : memref<32xi32, #tpu.memory_space<vmem>>) semaphore(%arg11 : memref<!tpu.dma_semaphore, #tpu.memory_space<semaphore_mem>>)
        %add3A_428 = arith.constant 0 : i32
        %add3A_429 = vector.broadcast %add3A_428 : i32 to vector<16xi32>
        %add3A_430 = arith.addi %iota3A, %add3A_429 : vector<16xi32>
        %broadcast_in_dim3A_431 = arith.constant 5 : i32
        %broadcast_in_dim3A_432 = vector.broadcast %broadcast_in_dim3A_431 : i32 to vector<16xi32>
        %gather3A_433 = arith.constant 0 : i32
        %gather3A_434 = arith.constant 0 : i32
        %gather3A_435 = tpu.memref_slice %run_scoped3A[%rem3A_203, %gather3A_433, %gather3A_434] : memref<2x32x26xi32, #tpu.memory_space<vmem>> -> memref<1x32x26xi32, #tpu.memory_space<vmem>>
        %gather3A_436 = tpu.memref_squeeze %gather3A_435 : memref<1x32x26xi32, #tpu.memory_space<vmem>> -> memref<32x26xi32, #tpu.memory_space<vmem>>
        %gather3A_437 = tpu.vector_load_idx %gather3A_436[%add3A_430, %broadcast_in_dim3A_432] : memref<32x26xi32, #tpu.memory_space<vmem>>[vector<16xi32>, vector<16xi32>], vector<16xi32>,
        %swap3A_438 = arith.constant 5 : i32
        %swap3A_439 = arith.index_cast %swap3A_438 : i32 to index
        %swap3A_440 = arith.constant 0 : index
        %swap3A_441 = tpu.vector_load %arg6[%swap3A_439, %swap3A_440] {strides = array<i32>} : memref<26x32xi32, #tpu.memory_space<vmem>>, vector<16xi32>,
        tpu.vector_store %arg6[%swap3A_439, %swap3A_440], %gather3A_437 {strides = array<i32>} : memref<26x32xi32, #tpu.memory_space<vmem>>, vector<16xi32>,
        %add3A_442 = arith.constant 16 : i32
        %add3A_443 = vector.broadcast %add3A_442 : i32 to vector<16xi32>
        %add3A_444 = arith.addi %iota3A, %add3A_443 : vector<16xi32>
        %broadcast_in_dim3A_445 = arith.constant 5 : i32
        %broadcast_in_dim3A_446 = vector.broadcast %broadcast_in_dim3A_445 : i32 to vector<16xi32>
        %gather3A_447 = arith.constant 0 : i32
        %gather3A_448 = arith.constant 0 : i32
        %gather3A_449 = tpu.memref_slice %run_scoped3A[%rem3A_203, %gather3A_447, %gather3A_448] : memref<2x32x26xi32, #tpu.memory_space<vmem>> -> memref<1x32x26xi32, #tpu.memory_space<vmem>>
        %gather3A_450 = tpu.memref_squeeze %gather3A_449 : memref<1x32x26xi32, #tpu.memory_space<vmem>> -> memref<32x26xi32, #tpu.memory_space<vmem>>
        %gather3A_451 = tpu.vector_load_idx %gather3A_450[%add3A_444, %broadcast_in_dim3A_446] : memref<32x26xi32, #tpu.memory_space<vmem>>[vector<16xi32>, vector<16xi32>], vector<16xi32>,
        %swap3A_452 = arith.constant 5 : i32
        %swap3A_453 = arith.index_cast %swap3A_452 : i32 to index
        %swap3A_454 = arith.constant 16 : index
        %swap3A_455 = tpu.vector_load %arg6[%swap3A_453, %swap3A_454] {strides = array<i32>} : memref<26x32xi32, #tpu.memory_space<vmem>>, vector<16xi32>,
        tpu.vector_store %arg6[%swap3A_453, %swap3A_454], %gather3A_451 {strides = array<i32>} : memref<26x32xi32, #tpu.memory_space<vmem>>, vector<16xi32>,
        %dma_start3A_456 = arith.constant 5 : i32
        %dma_start3A_457 = arith.constant 5 : i32
        %dma_start3A_458 = arith.constant 5 : i32
        %dma_start3A_459 = arith.constant 0 : i32
        %dma_start3A_460 = arith.constant 0 : i32
        %dma_start3A_461 = tpu.memref_slice %arg10[%dma_start3A_458, %dma_start3A_459, %dma_start3A_460] : memref<26x32x16xf32, #tpu.memory_space<vmem>> -> memref<1x32x16xf32, #tpu.memory_space<vmem>>
        %dma_start3A_462 = tpu.memref_squeeze %dma_start3A_461 : memref<1x32x16xf32, #tpu.memory_space<vmem>> -> memref<32x16xf32, #tpu.memory_space<vmem>>
        %dma_start3A_463 = arith.constant 0 : i32
        %dma_start3A_464 = tpu.memref_slice %arg6[%dma_start3A_457, %dma_start3A_463] : memref<26x32xi32, #tpu.memory_space<vmem>> -> memref<1x32xi32, #tpu.memory_space<vmem>>
        %dma_start3A_465 = tpu.memref_squeeze %dma_start3A_464 : memref<1x32xi32, #tpu.memory_space<vmem>> -> memref<32xi32, #tpu.memory_space<vmem>>
        %dma_start3A_466 = arith.constant 0 : i32
        %dma_start3A_467 = arith.constant 0 : i32
        %dma_start3A_468 = tpu.memref_slice %arg3[%dma_start3A_456, %dma_start3A_466, %dma_start3A_467] : memref<26x100000x16xf32, #tpu.memory_space<hbm>> -> memref<1x100000x16xf32, #tpu.memory_space<hbm>>
        %dma_start3A_469 = tpu.memref_squeeze %dma_start3A_468 : memref<1x100000x16xf32, #tpu.memory_space<hbm>> -> memref<100000x16xf32, #tpu.memory_space<hbm>>
        %dma_start3A_470 = arith.constant 0 : i32
        %dma_start3A_471 = arith.constant 0 : i32
        %dma_start3A_472 = tpu.memref_slice %dma_start3A_469[%dma_start3A_470, %dma_start3A_471] : memref<100000x16xf32, #tpu.memory_space<hbm>> -> memref<100000x16xf32, #tpu.memory_space<hbm>>
        tpu.enqueue_indirect_dma source(%dma_start3A_472 : memref<100000x16xf32, #tpu.memory_space<hbm>>) target(%dma_start3A_462 : memref<32x16xf32, #tpu.memory_space<vmem>>) offsets(%dma_start3A_465 : memref<32xi32, #tpu.memory_space<vmem>>) semaphore(%arg11 : memref<!tpu.dma_semaphore, #tpu.memory_space<semaphore_mem>>)
        %add3A_473 = arith.constant 0 : i32
        %add3A_474 = vector.broadcast %add3A_473 : i32 to vector<16xi32>
        %add3A_475 = arith.addi %iota3A, %add3A_474 : vector<16xi32>
        %broadcast_in_dim3A_476 = arith.constant 6 : i32
        %broadcast_in_dim3A_477 = vector.broadcast %broadcast_in_dim3A_476 : i32 to vector<16xi32>
        %gather3A_478 = arith.constant 0 : i32
        %gather3A_479 = arith.constant 0 : i32
        %gather3A_480 = tpu.memref_slice %run_scoped3A[%rem3A_203, %gather3A_478, %gather3A_479] : memref<2x32x26xi32, #tpu.memory_space<vmem>> -> memref<1x32x26xi32, #tpu.memory_space<vmem>>
        %gather3A_481 = tpu.memref_squeeze %gather3A_480 : memref<1x32x26xi32, #tpu.memory_space<vmem>> -> memref<32x26xi32, #tpu.memory_space<vmem>>
        %gather3A_482 = tpu.vector_load_idx %gather3A_481[%add3A_475, %broadcast_in_dim3A_477] : memref<32x26xi32, #tpu.memory_space<vmem>>[vector<16xi32>, vector<16xi32>], vector<16xi32>,
        %swap3A_483 = arith.constant 6 : i32
        %swap3A_484 = arith.index_cast %swap3A_483 : i32 to index
        %swap3A_485 = arith.constant 0 : index
        %swap3A_486 = tpu.vector_load %arg6[%swap3A_484, %swap3A_485] {strides = array<i32>} : memref<26x32xi32, #tpu.memory_space<vmem>>, vector<16xi32>,
        tpu.vector_store %arg6[%swap3A_484, %swap3A_485], %gather3A_482 {strides = array<i32>} : memref<26x32xi32, #tpu.memory_space<vmem>>, vector<16xi32>,
        %add3A_487 = arith.constant 16 : i32
        %add3A_488 = vector.broadcast %add3A_487 : i32 to vector<16xi32>
        %add3A_489 = arith.addi %iota3A, %add3A_488 : vector<16xi32>
        %broadcast_in_dim3A_490 = arith.constant 6 : i32
        %broadcast_in_dim3A_491 = vector.broadcast %broadcast_in_dim3A_490 : i32 to vector<16xi32>
        %gather3A_492 = arith.constant 0 : i32
        %gather3A_493 = arith.constant 0 : i32
        %gather3A_494 = tpu.memref_slice %run_scoped3A[%rem3A_203, %gather3A_492, %gather3A_493] : memref<2x32x26xi32, #tpu.memory_space<vmem>> -> memref<1x32x26xi32, #tpu.memory_space<vmem>>
        %gather3A_495 = tpu.memref_squeeze %gather3A_494 : memref<1x32x26xi32, #tpu.memory_space<vmem>> -> memref<32x26xi32, #tpu.memory_space<vmem>>
        %gather3A_496 = tpu.vector_load_idx %gather3A_495[%add3A_489, %broadcast_in_dim3A_491] : memref<32x26xi32, #tpu.memory_space<vmem>>[vector<16xi32>, vector<16xi32>], vector<16xi32>,
        %swap3A_497 = arith.constant 6 : i32
        %swap3A_498 = arith.index_cast %swap3A_497 : i32 to index
        %swap3A_499 = arith.constant 16 : index
        %swap3A_500 = tpu.vector_load %arg6[%swap3A_498, %swap3A_499] {strides = array<i32>} : memref<26x32xi32, #tpu.memory_space<vmem>>, vector<16xi32>,
        tpu.vector_store %arg6[%swap3A_498, %swap3A_499], %gather3A_496 {strides = array<i32>} : memref<26x32xi32, #tpu.memory_space<vmem>>, vector<16xi32>,
        %dma_start3A_501 = arith.constant 6 : i32
        %dma_start3A_502 = arith.constant 6 : i32
        %dma_start3A_503 = arith.constant 6 : i32
        %dma_start3A_504 = arith.constant 0 : i32
        %dma_start3A_505 = arith.constant 0 : i32
        %dma_start3A_506 = tpu.memref_slice %arg10[%dma_start3A_503, %dma_start3A_504, %dma_start3A_505] : memref<26x32x16xf32, #tpu.memory_space<vmem>> -> memref<1x32x16xf32, #tpu.memory_space<vmem>>
        %dma_start3A_507 = tpu.memref_squeeze %dma_start3A_506 : memref<1x32x16xf32, #tpu.memory_space<vmem>> -> memref<32x16xf32, #tpu.memory_space<vmem>>
        %dma_start3A_508 = arith.constant 0 : i32
        %dma_start3A_509 = tpu.memref_slice %arg6[%dma_start3A_502, %dma_start3A_508] : memref<26x32xi32, #tpu.memory_space<vmem>> -> memref<1x32xi32, #tpu.memory_space<vmem>>
        %dma_start3A_510 = tpu.memref_squeeze %dma_start3A_509 : memref<1x32xi32, #tpu.memory_space<vmem>> -> memref<32xi32, #tpu.memory_space<vmem>>
        %dma_start3A_511 = arith.constant 0 : i32
        %dma_start3A_512 = arith.constant 0 : i32
        %dma_start3A_513 = tpu.memref_slice %arg3[%dma_start3A_501, %dma_start3A_511, %dma_start3A_512] : memref<26x100000x16xf32, #tpu.memory_space<hbm>> -> memref<1x100000x16xf32, #tpu.memory_space<hbm>>
        %dma_start3A_514 = tpu.memref_squeeze %dma_start3A_513 : memref<1x100000x16xf32, #tpu.memory_space<hbm>> -> memref<100000x16xf32, #tpu.memory_space<hbm>>
        %dma_start3A_515 = arith.constant 0 : i32
        %dma_start3A_516 = arith.constant 0 : i32
        %dma_start3A_517 = tpu.memref_slice %dma_start3A_514[%dma_start3A_515, %dma_start3A_516] : memref<100000x16xf32, #tpu.memory_space<hbm>> -> memref<100000x16xf32, #tpu.memory_space<hbm>>
        tpu.enqueue_indirect_dma source(%dma_start3A_517 : memref<100000x16xf32, #tpu.memory_space<hbm>>) target(%dma_start3A_507 : memref<32x16xf32, #tpu.memory_space<vmem>>) offsets(%dma_start3A_510 : memref<32xi32, #tpu.memory_space<vmem>>) semaphore(%arg11 : memref<!tpu.dma_semaphore, #tpu.memory_space<semaphore_mem>>)
        %add3A_518 = arith.constant 0 : i32
        %add3A_519 = vector.broadcast %add3A_518 : i32 to vector<16xi32>
        %add3A_520 = arith.addi %iota3A, %add3A_519 : vector<16xi32>
        %broadcast_in_dim3A_521 = arith.constant 7 : i32
        %broadcast_in_dim3A_522 = vector.broadcast %broadcast_in_dim3A_521 : i32 to vector<16xi32>
        %gather3A_523 = arith.constant 0 : i32
        %gather3A_524 = arith.constant 0 : i32
        %gather3A_525 = tpu.memref_slice %run_scoped3A[%rem3A_203, %gather3A_523, %gather3A_524] : memref<2x32x26xi32, #tpu.memory_space<vmem>> -> memref<1x32x26xi32, #tpu.memory_space<vmem>>
        %gather3A_526 = tpu.memref_squeeze %gather3A_525 : memref<1x32x26xi32, #tpu.memory_space<vmem>> -> memref<32x26xi32, #tpu.memory_space<vmem>>
        %gather3A_527 = tpu.vector_load_idx %gather3A_526[%add3A_520, %broadcast_in_dim3A_522] : memref<32x26xi32, #tpu.memory_space<vmem>>[vector<16xi32>, vector<16xi32>], vector<16xi32>,
        %swap3A_528 = arith.constant 7 : i32
        %swap3A_529 = arith.index_cast %swap3A_528 : i32 to index
        %swap3A_530 = arith.constant 0 : index
        %swap3A_531 = tpu.vector_load %arg6[%swap3A_529, %swap3A_530] {strides = array<i32>} : memref<26x32xi32, #tpu.memory_space<vmem>>, vector<16xi32>,
        tpu.vector_store %arg6[%swap3A_529, %swap3A_530], %gather3A_527 {strides = array<i32>} : memref<26x32xi32, #tpu.memory_space<vmem>>, vector<16xi32>,
        %add3A_532 = arith.constant 16 : i32
        %add3A_533 = vector.broadcast %add3A_532 : i32 to vector<16xi32>
        %add3A_534 = arith.addi %iota3A, %add3A_533 : vector<16xi32>
        %broadcast_in_dim3A_535 = arith.constant 7 : i32
        %broadcast_in_dim3A_536 = vector.broadcast %broadcast_in_dim3A_535 : i32 to vector<16xi32>
        %gather3A_537 = arith.constant 0 : i32
        %gather3A_538 = arith.constant 0 : i32
        %gather3A_539 = tpu.memref_slice %run_scoped3A[%rem3A_203, %gather3A_537, %gather3A_538] : memref<2x32x26xi32, #tpu.memory_space<vmem>> -> memref<1x32x26xi32, #tpu.memory_space<vmem>>
        %gather3A_540 = tpu.memref_squeeze %gather3A_539 : memref<1x32x26xi32, #tpu.memory_space<vmem>> -> memref<32x26xi32, #tpu.memory_space<vmem>>
        %gather3A_541 = tpu.vector_load_idx %gather3A_540[%add3A_534, %broadcast_in_dim3A_536] : memref<32x26xi32, #tpu.memory_space<vmem>>[vector<16xi32>, vector<16xi32>], vector<16xi32>,
        %swap3A_542 = arith.constant 7 : i32
        %swap3A_543 = arith.index_cast %swap3A_542 : i32 to index
        %swap3A_544 = arith.constant 16 : index
        %swap3A_545 = tpu.vector_load %arg6[%swap3A_543, %swap3A_544] {strides = array<i32>} : memref<26x32xi32, #tpu.memory_space<vmem>>, vector<16xi32>,
        tpu.vector_store %arg6[%swap3A_543, %swap3A_544], %gather3A_541 {strides = array<i32>} : memref<26x32xi32, #tpu.memory_space<vmem>>, vector<16xi32>,
        %dma_start3A_546 = arith.constant 7 : i32
        %dma_start3A_547 = arith.constant 7 : i32
        %dma_start3A_548 = arith.constant 7 : i32
        %dma_start3A_549 = arith.constant 0 : i32
        %dma_start3A_550 = arith.constant 0 : i32
        %dma_start3A_551 = tpu.memref_slice %arg10[%dma_start3A_548, %dma_start3A_549, %dma_start3A_550] : memref<26x32x16xf32, #tpu.memory_space<vmem>> -> memref<1x32x16xf32, #tpu.memory_space<vmem>>
        %dma_start3A_552 = tpu.memref_squeeze %dma_start3A_551 : memref<1x32x16xf32, #tpu.memory_space<vmem>> -> memref<32x16xf32, #tpu.memory_space<vmem>>
        %dma_start3A_553 = arith.constant 0 : i32
        %dma_start3A_554 = tpu.memref_slice %arg6[%dma_start3A_547, %dma_start3A_553] : memref<26x32xi32, #tpu.memory_space<vmem>> -> memref<1x32xi32, #tpu.memory_space<vmem>>
        %dma_start3A_555 = tpu.memref_squeeze %dma_start3A_554 : memref<1x32xi32, #tpu.memory_space<vmem>> -> memref<32xi32, #tpu.memory_space<vmem>>
        %dma_start3A_556 = arith.constant 0 : i32
        %dma_start3A_557 = arith.constant 0 : i32
        %dma_start3A_558 = tpu.memref_slice %arg3[%dma_start3A_546, %dma_start3A_556, %dma_start3A_557] : memref<26x100000x16xf32, #tpu.memory_space<hbm>> -> memref<1x100000x16xf32, #tpu.memory_space<hbm>>
        %dma_start3A_559 = tpu.memref_squeeze %dma_start3A_558 : memref<1x100000x16xf32, #tpu.memory_space<hbm>> -> memref<100000x16xf32, #tpu.memory_space<hbm>>
        %dma_start3A_560 = arith.constant 0 : i32
        %dma_start3A_561 = arith.constant 0 : i32
        %dma_start3A_562 = tpu.memref_slice %dma_start3A_559[%dma_start3A_560, %dma_start3A_561] : memref<100000x16xf32, #tpu.memory_space<hbm>> -> memref<100000x16xf32, #tpu.memory_space<hbm>>
        tpu.enqueue_indirect_dma source(%dma_start3A_562 : memref<100000x16xf32, #tpu.memory_space<hbm>>) target(%dma_start3A_552 : memref<32x16xf32, #tpu.memory_space<vmem>>) offsets(%dma_start3A_555 : memref<32xi32, #tpu.memory_space<vmem>>) semaphore(%arg11 : memref<!tpu.dma_semaphore, #tpu.memory_space<semaphore_mem>>)
        %add3A_563 = arith.constant 0 : i32
        %add3A_564 = vector.broadcast %add3A_563 : i32 to vector<16xi32>
        %add3A_565 = arith.addi %iota3A, %add3A_564 : vector<16xi32>
        %broadcast_in_dim3A_566 = arith.constant 8 : i32
        %broadcast_in_dim3A_567 = vector.broadcast %broadcast_in_dim3A_566 : i32 to vector<16xi32>
        %gather3A_568 = arith.constant 0 : i32
        %gather3A_569 = arith.constant 0 : i32
        %gather3A_570 = tpu.memref_slice %run_scoped3A[%rem3A_203, %gather3A_568, %gather3A_569] : memref<2x32x26xi32, #tpu.memory_space<vmem>> -> memref<1x32x26xi32, #tpu.memory_space<vmem>>
        %gather3A_571 = tpu.memref_squeeze %gather3A_570 : memref<1x32x26xi32, #tpu.memory_space<vmem>> -> memref<32x26xi32, #tpu.memory_space<vmem>>
        %gather3A_572 = tpu.vector_load_idx %gather3A_571[%add3A_565, %broadcast_in_dim3A_567] : memref<32x26xi32, #tpu.memory_space<vmem>>[vector<16xi32>, vector<16xi32>], vector<16xi32>,
        %swap3A_573 = arith.constant 8 : i32
        %swap3A_574 = arith.index_cast %swap3A_573 : i32 to index
        %swap3A_575 = arith.constant 0 : index
        %swap3A_576 = tpu.vector_load %arg6[%swap3A_574, %swap3A_575] {strides = array<i32>} : memref<26x32xi32, #tpu.memory_space<vmem>>, vector<16xi32>,
        tpu.vector_store %arg6[%swap3A_574, %swap3A_575], %gather3A_572 {strides = array<i32>} : memref<26x32xi32, #tpu.memory_space<vmem>>, vector<16xi32>,
        %add3A_577 = arith.constant 16 : i32
        %add3A_578 = vector.broadcast %add3A_577 : i32 to vector<16xi32>
        %add3A_579 = arith.addi %iota3A, %add3A_578 : vector<16xi32>
        %broadcast_in_dim3A_580 = arith.constant 8 : i32
        %broadcast_in_dim3A_581 = vector.broadcast %broadcast_in_dim3A_580 : i32 to vector<16xi32>
        %gather3A_582 = arith.constant 0 : i32
        %gather3A_583 = arith.constant 0 : i32
        %gather3A_584 = tpu.memref_slice %run_scoped3A[%rem3A_203, %gather3A_582, %gather3A_583] : memref<2x32x26xi32, #tpu.memory_space<vmem>> -> memref<1x32x26xi32, #tpu.memory_space<vmem>>
        %gather3A_585 = tpu.memref_squeeze %gather3A_584 : memref<1x32x26xi32, #tpu.memory_space<vmem>> -> memref<32x26xi32, #tpu.memory_space<vmem>>
        %gather3A_586 = tpu.vector_load_idx %gather3A_585[%add3A_579, %broadcast_in_dim3A_581] : memref<32x26xi32, #tpu.memory_space<vmem>>[vector<16xi32>, vector<16xi32>], vector<16xi32>,
        %swap3A_587 = arith.constant 8 : i32
        %swap3A_588 = arith.index_cast %swap3A_587 : i32 to index
        %swap3A_589 = arith.constant 16 : index
        %swap3A_590 = tpu.vector_load %arg6[%swap3A_588, %swap3A_589] {strides = array<i32>} : memref<26x32xi32, #tpu.memory_space<vmem>>, vector<16xi32>,
        tpu.vector_store %arg6[%swap3A_588, %swap3A_589], %gather3A_586 {strides = array<i32>} : memref<26x32xi32, #tpu.memory_space<vmem>>, vector<16xi32>,
        %dma_start3A_591 = arith.constant 8 : i32
        %dma_start3A_592 = arith.constant 8 : i32
        %dma_start3A_593 = arith.constant 8 : i32
        %dma_start3A_594 = arith.constant 0 : i32
        %dma_start3A_595 = arith.constant 0 : i32
        %dma_start3A_596 = tpu.memref_slice %arg10[%dma_start3A_593, %dma_start3A_594, %dma_start3A_595] : memref<26x32x16xf32, #tpu.memory_space<vmem>> -> memref<1x32x16xf32, #tpu.memory_space<vmem>>
        %dma_start3A_597 = tpu.memref_squeeze %dma_start3A_596 : memref<1x32x16xf32, #tpu.memory_space<vmem>> -> memref<32x16xf32, #tpu.memory_space<vmem>>
        %dma_start3A_598 = arith.constant 0 : i32
        %dma_start3A_599 = tpu.memref_slice %arg6[%dma_start3A_592, %dma_start3A_598] : memref<26x32xi32, #tpu.memory_space<vmem>> -> memref<1x32xi32, #tpu.memory_space<vmem>>
        %dma_start3A_600 = tpu.memref_squeeze %dma_start3A_599 : memref<1x32xi32, #tpu.memory_space<vmem>> -> memref<32xi32, #tpu.memory_space<vmem>>
        %dma_start3A_601 = arith.constant 0 : i32
        %dma_start3A_602 = arith.constant 0 : i32
        %dma_start3A_603 = tpu.memref_slice %arg3[%dma_start3A_591, %dma_start3A_601, %dma_start3A_602] : memref<26x100000x16xf32, #tpu.memory_space<hbm>> -> memref<1x100000x16xf32, #tpu.memory_space<hbm>>
        %dma_start3A_604 = tpu.memref_squeeze %dma_start3A_603 : memref<1x100000x16xf32, #tpu.memory_space<hbm>> -> memref<100000x16xf32, #tpu.memory_space<hbm>>
        %dma_start3A_605 = arith.constant 0 : i32
        %dma_start3A_606 = arith.constant 0 : i32
        %dma_start3A_607 = tpu.memref_slice %dma_start3A_604[%dma_start3A_605, %dma_start3A_606] : memref<100000x16xf32, #tpu.memory_space<hbm>> -> memref<100000x16xf32, #tpu.memory_space<hbm>>
        tpu.enqueue_indirect_dma source(%dma_start3A_607 : memref<100000x16xf32, #tpu.memory_space<hbm>>) target(%dma_start3A_597 : memref<32x16xf32, #tpu.memory_space<vmem>>) offsets(%dma_start3A_600 : memref<32xi32, #tpu.memory_space<vmem>>) semaphore(%arg11 : memref<!tpu.dma_semaphore, #tpu.memory_space<semaphore_mem>>)
        %add3A_608 = arith.constant 0 : i32
        %add3A_609 = vector.broadcast %add3A_608 : i32 to vector<16xi32>
        %add3A_610 = arith.addi %iota3A, %add3A_609 : vector<16xi32>
        %broadcast_in_dim3A_611 = arith.constant 9 : i32
        %broadcast_in_dim3A_612 = vector.broadcast %broadcast_in_dim3A_611 : i32 to vector<16xi32>
        %gather3A_613 = arith.constant 0 : i32
        %gather3A_614 = arith.constant 0 : i32
        %gather3A_615 = tpu.memref_slice %run_scoped3A[%rem3A_203, %gather3A_613, %gather3A_614] : memref<2x32x26xi32, #tpu.memory_space<vmem>> -> memref<1x32x26xi32, #tpu.memory_space<vmem>>
        %gather3A_616 = tpu.memref_squeeze %gather3A_615 : memref<1x32x26xi32, #tpu.memory_space<vmem>> -> memref<32x26xi32, #tpu.memory_space<vmem>>
        %gather3A_617 = tpu.vector_load_idx %gather3A_616[%add3A_610, %broadcast_in_dim3A_612] : memref<32x26xi32, #tpu.memory_space<vmem>>[vector<16xi32>, vector<16xi32>], vector<16xi32>,
        %swap3A_618 = arith.constant 9 : i32
        %swap3A_619 = arith.index_cast %swap3A_618 : i32 to index
        %swap3A_620 = arith.constant 0 : index
        %swap3A_621 = tpu.vector_load %arg6[%swap3A_619, %swap3A_620] {strides = array<i32>} : memref<26x32xi32, #tpu.memory_space<vmem>>, vector<16xi32>,
        tpu.vector_store %arg6[%swap3A_619, %swap3A_620], %gather3A_617 {strides = array<i32>} : memref<26x32xi32, #tpu.memory_space<vmem>>, vector<16xi32>,
        %add3A_622 = arith.constant 16 : i32
        %add3A_623 = vector.broadcast %add3A_622 : i32 to vector<16xi32>
        %add3A_624 = arith.addi %iota3A, %add3A_623 : vector<16xi32>
        %broadcast_in_dim3A_625 = arith.constant 9 : i32
        %broadcast_in_dim3A_626 = vector.broadcast %broadcast_in_dim3A_625 : i32 to vector<16xi32>
        %gather3A_627 = arith.constant 0 : i32
        %gather3A_628 = arith.constant 0 : i32
        %gather3A_629 = tpu.memref_slice %run_scoped3A[%rem3A_203, %gather3A_627, %gather3A_628] : memref<2x32x26xi32, #tpu.memory_space<vmem>> -> memref<1x32x26xi32, #tpu.memory_space<vmem>>
        %gather3A_630 = tpu.memref_squeeze %gather3A_629 : memref<1x32x26xi32, #tpu.memory_space<vmem>> -> memref<32x26xi32, #tpu.memory_space<vmem>>
        %gather3A_631 = tpu.vector_load_idx %gather3A_630[%add3A_624, %broadcast_in_dim3A_626] : memref<32x26xi32, #tpu.memory_space<vmem>>[vector<16xi32>, vector<16xi32>], vector<16xi32>,
        %swap3A_632 = arith.constant 9 : i32
        %swap3A_633 = arith.index_cast %swap3A_632 : i32 to index
        %swap3A_634 = arith.constant 16 : index
        %swap3A_635 = tpu.vector_load %arg6[%swap3A_633, %swap3A_634] {strides = array<i32>} : memref<26x32xi32, #tpu.memory_space<vmem>>, vector<16xi32>,
        tpu.vector_store %arg6[%swap3A_633, %swap3A_634], %gather3A_631 {strides = array<i32>} : memref<26x32xi32, #tpu.memory_space<vmem>>, vector<16xi32>,
        %dma_start3A_636 = arith.constant 9 : i32
        %dma_start3A_637 = arith.constant 9 : i32
        %dma_start3A_638 = arith.constant 9 : i32
        %dma_start3A_639 = arith.constant 0 : i32
        %dma_start3A_640 = arith.constant 0 : i32
        %dma_start3A_641 = tpu.memref_slice %arg10[%dma_start3A_638, %dma_start3A_639, %dma_start3A_640] : memref<26x32x16xf32, #tpu.memory_space<vmem>> -> memref<1x32x16xf32, #tpu.memory_space<vmem>>
        %dma_start3A_642 = tpu.memref_squeeze %dma_start3A_641 : memref<1x32x16xf32, #tpu.memory_space<vmem>> -> memref<32x16xf32, #tpu.memory_space<vmem>>
        %dma_start3A_643 = arith.constant 0 : i32
        %dma_start3A_644 = tpu.memref_slice %arg6[%dma_start3A_637, %dma_start3A_643] : memref<26x32xi32, #tpu.memory_space<vmem>> -> memref<1x32xi32, #tpu.memory_space<vmem>>
        %dma_start3A_645 = tpu.memref_squeeze %dma_start3A_644 : memref<1x32xi32, #tpu.memory_space<vmem>> -> memref<32xi32, #tpu.memory_space<vmem>>
        %dma_start3A_646 = arith.constant 0 : i32
        %dma_start3A_647 = arith.constant 0 : i32
        %dma_start3A_648 = tpu.memref_slice %arg3[%dma_start3A_636, %dma_start3A_646, %dma_start3A_647] : memref<26x100000x16xf32, #tpu.memory_space<hbm>> -> memref<1x100000x16xf32, #tpu.memory_space<hbm>>
        %dma_start3A_649 = tpu.memref_squeeze %dma_start3A_648 : memref<1x100000x16xf32, #tpu.memory_space<hbm>> -> memref<100000x16xf32, #tpu.memory_space<hbm>>
        %dma_start3A_650 = arith.constant 0 : i32
        %dma_start3A_651 = arith.constant 0 : i32
        %dma_start3A_652 = tpu.memref_slice %dma_start3A_649[%dma_start3A_650, %dma_start3A_651] : memref<100000x16xf32, #tpu.memory_space<hbm>> -> memref<100000x16xf32, #tpu.memory_space<hbm>>
        tpu.enqueue_indirect_dma source(%dma_start3A_652 : memref<100000x16xf32, #tpu.memory_space<hbm>>) target(%dma_start3A_642 : memref<32x16xf32, #tpu.memory_space<vmem>>) offsets(%dma_start3A_645 : memref<32xi32, #tpu.memory_space<vmem>>) semaphore(%arg11 : memref<!tpu.dma_semaphore, #tpu.memory_space<semaphore_mem>>)
        %add3A_653 = arith.constant 0 : i32
        %add3A_654 = vector.broadcast %add3A_653 : i32 to vector<16xi32>
        %add3A_655 = arith.addi %iota3A, %add3A_654 : vector<16xi32>
        %broadcast_in_dim3A_656 = arith.constant 10 : i32
        %broadcast_in_dim3A_657 = vector.broadcast %broadcast_in_dim3A_656 : i32 to vector<16xi32>
        %gather3A_658 = arith.constant 0 : i32
        %gather3A_659 = arith.constant 0 : i32
        %gather3A_660 = tpu.memref_slice %run_scoped3A[%rem3A_203, %gather3A_658, %gather3A_659] : memref<2x32x26xi32, #tpu.memory_space<vmem>> -> memref<1x32x26xi32, #tpu.memory_space<vmem>>
        %gather3A_661 = tpu.memref_squeeze %gather3A_660 : memref<1x32x26xi32, #tpu.memory_space<vmem>> -> memref<32x26xi32, #tpu.memory_space<vmem>>
        %gather3A_662 = tpu.vector_load_idx %gather3A_661[%add3A_655, %broadcast_in_dim3A_657] : memref<32x26xi32, #tpu.memory_space<vmem>>[vector<16xi32>, vector<16xi32>], vector<16xi32>,
        %swap3A_663 = arith.constant 10 : i32
        %swap3A_664 = arith.index_cast %swap3A_663 : i32 to index
        %swap3A_665 = arith.constant 0 : index
        %swap3A_666 = tpu.vector_load %arg6[%swap3A_664, %swap3A_665] {strides = array<i32>} : memref<26x32xi32, #tpu.memory_space<vmem>>, vector<16xi32>,
        tpu.vector_store %arg6[%swap3A_664, %swap3A_665], %gather3A_662 {strides = array<i32>} : memref<26x32xi32, #tpu.memory_space<vmem>>, vector<16xi32>,
        %add3A_667 = arith.constant 16 : i32
        %add3A_668 = vector.broadcast %add3A_667 : i32 to vector<16xi32>
        %add3A_669 = arith.addi %iota3A, %add3A_668 : vector<16xi32>
        %broadcast_in_dim3A_670 = arith.constant 10 : i32
        %broadcast_in_dim3A_671 = vector.broadcast %broadcast_in_dim3A_670 : i32 to vector<16xi32>
        %gather3A_672 = arith.constant 0 : i32
        %gather3A_673 = arith.constant 0 : i32
        %gather3A_674 = tpu.memref_slice %run_scoped3A[%rem3A_203, %gather3A_672, %gather3A_673] : memref<2x32x26xi32, #tpu.memory_space<vmem>> -> memref<1x32x26xi32, #tpu.memory_space<vmem>>
        %gather3A_675 = tpu.memref_squeeze %gather3A_674 : memref<1x32x26xi32, #tpu.memory_space<vmem>> -> memref<32x26xi32, #tpu.memory_space<vmem>>
        %gather3A_676 = tpu.vector_load_idx %gather3A_675[%add3A_669, %broadcast_in_dim3A_671] : memref<32x26xi32, #tpu.memory_space<vmem>>[vector<16xi32>, vector<16xi32>], vector<16xi32>,
        %swap3A_677 = arith.constant 10 : i32
        %swap3A_678 = arith.index_cast %swap3A_677 : i32 to index
        %swap3A_679 = arith.constant 16 : index
        %swap3A_680 = tpu.vector_load %arg6[%swap3A_678, %swap3A_679] {strides = array<i32>} : memref<26x32xi32, #tpu.memory_space<vmem>>, vector<16xi32>,
        tpu.vector_store %arg6[%swap3A_678, %swap3A_679], %gather3A_676 {strides = array<i32>} : memref<26x32xi32, #tpu.memory_space<vmem>>, vector<16xi32>,
        %dma_start3A_681 = arith.constant 10 : i32
        %dma_start3A_682 = arith.constant 10 : i32
        %dma_start3A_683 = arith.constant 10 : i32
        %dma_start3A_684 = arith.constant 0 : i32
        %dma_start3A_685 = arith.constant 0 : i32
        %dma_start3A_686 = tpu.memref_slice %arg10[%dma_start3A_683, %dma_start3A_684, %dma_start3A_685] : memref<26x32x16xf32, #tpu.memory_space<vmem>> -> memref<1x32x16xf32, #tpu.memory_space<vmem>>
        %dma_start3A_687 = tpu.memref_squeeze %dma_start3A_686 : memref<1x32x16xf32, #tpu.memory_space<vmem>> -> memref<32x16xf32, #tpu.memory_space<vmem>>
        %dma_start3A_688 = arith.constant 0 : i32
        %dma_start3A_689 = tpu.memref_slice %arg6[%dma_start3A_682, %dma_start3A_688] : memref<26x32xi32, #tpu.memory_space<vmem>> -> memref<1x32xi32, #tpu.memory_space<vmem>>
        %dma_start3A_690 = tpu.memref_squeeze %dma_start3A_689 : memref<1x32xi32, #tpu.memory_space<vmem>> -> memref<32xi32, #tpu.memory_space<vmem>>
        %dma_start3A_691 = arith.constant 0 : i32
        %dma_start3A_692 = arith.constant 0 : i32
        %dma_start3A_693 = tpu.memref_slice %arg3[%dma_start3A_681, %dma_start3A_691, %dma_start3A_692] : memref<26x100000x16xf32, #tpu.memory_space<hbm>> -> memref<1x100000x16xf32, #tpu.memory_space<hbm>>
        %dma_start3A_694 = tpu.memref_squeeze %dma_start3A_693 : memref<1x100000x16xf32, #tpu.memory_space<hbm>> -> memref<100000x16xf32, #tpu.memory_space<hbm>>
        %dma_start3A_695 = arith.constant 0 : i32
        %dma_start3A_696 = arith.constant 0 : i32
        %dma_start3A_697 = tpu.memref_slice %dma_start3A_694[%dma_start3A_695, %dma_start3A_696] : memref<100000x16xf32, #tpu.memory_space<hbm>> -> memref<100000x16xf32, #tpu.memory_space<hbm>>
        tpu.enqueue_indirect_dma source(%dma_start3A_697 : memref<100000x16xf32, #tpu.memory_space<hbm>>) target(%dma_start3A_687 : memref<32x16xf32, #tpu.memory_space<vmem>>) offsets(%dma_start3A_690 : memref<32xi32, #tpu.memory_space<vmem>>) semaphore(%arg11 : memref<!tpu.dma_semaphore, #tpu.memory_space<semaphore_mem>>)
        %add3A_698 = arith.constant 0 : i32
        %add3A_699 = vector.broadcast %add3A_698 : i32 to vector<16xi32>
        %add3A_700 = arith.addi %iota3A, %add3A_699 : vector<16xi32>
        %broadcast_in_dim3A_701 = arith.constant 11 : i32
        %broadcast_in_dim3A_702 = vector.broadcast %broadcast_in_dim3A_701 : i32 to vector<16xi32>
        %gather3A_703 = arith.constant 0 : i32
        %gather3A_704 = arith.constant 0 : i32
        %gather3A_705 = tpu.memref_slice %run_scoped3A[%rem3A_203, %gather3A_703, %gather3A_704] : memref<2x32x26xi32, #tpu.memory_space<vmem>> -> memref<1x32x26xi32, #tpu.memory_space<vmem>>
        %gather3A_706 = tpu.memref_squeeze %gather3A_705 : memref<1x32x26xi32, #tpu.memory_space<vmem>> -> memref<32x26xi32, #tpu.memory_space<vmem>>
        %gather3A_707 = tpu.vector_load_idx %gather3A_706[%add3A_700, %broadcast_in_dim3A_702] : memref<32x26xi32, #tpu.memory_space<vmem>>[vector<16xi32>, vector<16xi32>], vector<16xi32>,
        %swap3A_708 = arith.constant 11 : i32
        %swap3A_709 = arith.index_cast %swap3A_708 : i32 to index
        %swap3A_710 = arith.constant 0 : index
        %swap3A_711 = tpu.vector_load %arg6[%swap3A_709, %swap3A_710] {strides = array<i32>} : memref<26x32xi32, #tpu.memory_space<vmem>>, vector<16xi32>,
        tpu.vector_store %arg6[%swap3A_709, %swap3A_710], %gather3A_707 {strides = array<i32>} : memref<26x32xi32, #tpu.memory_space<vmem>>, vector<16xi32>,
        %add3A_712 = arith.constant 16 : i32
        %add3A_713 = vector.broadcast %add3A_712 : i32 to vector<16xi32>
        %add3A_714 = arith.addi %iota3A, %add3A_713 : vector<16xi32>
        %broadcast_in_dim3A_715 = arith.constant 11 : i32
        %broadcast_in_dim3A_716 = vector.broadcast %broadcast_in_dim3A_715 : i32 to vector<16xi32>
        %gather3A_717 = arith.constant 0 : i32
        %gather3A_718 = arith.constant 0 : i32
        %gather3A_719 = tpu.memref_slice %run_scoped3A[%rem3A_203, %gather3A_717, %gather3A_718] : memref<2x32x26xi32, #tpu.memory_space<vmem>> -> memref<1x32x26xi32, #tpu.memory_space<vmem>>
        %gather3A_720 = tpu.memref_squeeze %gather3A_719 : memref<1x32x26xi32, #tpu.memory_space<vmem>> -> memref<32x26xi32, #tpu.memory_space<vmem>>
        %gather3A_721 = tpu.vector_load_idx %gather3A_720[%add3A_714, %broadcast_in_dim3A_716] : memref<32x26xi32, #tpu.memory_space<vmem>>[vector<16xi32>, vector<16xi32>], vector<16xi32>,
        %swap3A_722 = arith.constant 11 : i32
        %swap3A_723 = arith.index_cast %swap3A_722 : i32 to index
        %swap3A_724 = arith.constant 16 : index
        %swap3A_725 = tpu.vector_load %arg6[%swap3A_723, %swap3A_724] {strides = array<i32>} : memref<26x32xi32, #tpu.memory_space<vmem>>, vector<16xi32>,
        tpu.vector_store %arg6[%swap3A_723, %swap3A_724], %gather3A_721 {strides = array<i32>} : memref<26x32xi32, #tpu.memory_space<vmem>>, vector<16xi32>,
        %dma_start3A_726 = arith.constant 11 : i32
        %dma_start3A_727 = arith.constant 11 : i32
        %dma_start3A_728 = arith.constant 11 : i32
        %dma_start3A_729 = arith.constant 0 : i32
        %dma_start3A_730 = arith.constant 0 : i32
        %dma_start3A_731 = tpu.memref_slice %arg10[%dma_start3A_728, %dma_start3A_729, %dma_start3A_730] : memref<26x32x16xf32, #tpu.memory_space<vmem>> -> memref<1x32x16xf32, #tpu.memory_space<vmem>>
        %dma_start3A_732 = tpu.memref_squeeze %dma_start3A_731 : memref<1x32x16xf32, #tpu.memory_space<vmem>> -> memref<32x16xf32, #tpu.memory_space<vmem>>
        %dma_start3A_733 = arith.constant 0 : i32
        %dma_start3A_734 = tpu.memref_slice %arg6[%dma_start3A_727, %dma_start3A_733] : memref<26x32xi32, #tpu.memory_space<vmem>> -> memref<1x32xi32, #tpu.memory_space<vmem>>
        %dma_start3A_735 = tpu.memref_squeeze %dma_start3A_734 : memref<1x32xi32, #tpu.memory_space<vmem>> -> memref<32xi32, #tpu.memory_space<vmem>>
        %dma_start3A_736 = arith.constant 0 : i32
        %dma_start3A_737 = arith.constant 0 : i32
        %dma_start3A_738 = tpu.memref_slice %arg3[%dma_start3A_726, %dma_start3A_736, %dma_start3A_737] : memref<26x100000x16xf32, #tpu.memory_space<hbm>> -> memref<1x100000x16xf32, #tpu.memory_space<hbm>>
        %dma_start3A_739 = tpu.memref_squeeze %dma_start3A_738 : memref<1x100000x16xf32, #tpu.memory_space<hbm>> -> memref<100000x16xf32, #tpu.memory_space<hbm>>
        %dma_start3A_740 = arith.constant 0 : i32
        %dma_start3A_741 = arith.constant 0 : i32
        %dma_start3A_742 = tpu.memref_slice %dma_start3A_739[%dma_start3A_740, %dma_start3A_741] : memref<100000x16xf32, #tpu.memory_space<hbm>> -> memref<100000x16xf32, #tpu.memory_space<hbm>>
        tpu.enqueue_indirect_dma source(%dma_start3A_742 : memref<100000x16xf32, #tpu.memory_space<hbm>>) target(%dma_start3A_732 : memref<32x16xf32, #tpu.memory_space<vmem>>) offsets(%dma_start3A_735 : memref<32xi32, #tpu.memory_space<vmem>>) semaphore(%arg11 : memref<!tpu.dma_semaphore, #tpu.memory_space<semaphore_mem>>)
        %add3A_743 = arith.constant 0 : i32
        %add3A_744 = vector.broadcast %add3A_743 : i32 to vector<16xi32>
        %add3A_745 = arith.addi %iota3A, %add3A_744 : vector<16xi32>
        %broadcast_in_dim3A_746 = arith.constant 12 : i32
        %broadcast_in_dim3A_747 = vector.broadcast %broadcast_in_dim3A_746 : i32 to vector<16xi32>
        %gather3A_748 = arith.constant 0 : i32
        %gather3A_749 = arith.constant 0 : i32
        %gather3A_750 = tpu.memref_slice %run_scoped3A[%rem3A_203, %gather3A_748, %gather3A_749] : memref<2x32x26xi32, #tpu.memory_space<vmem>> -> memref<1x32x26xi32, #tpu.memory_space<vmem>>
        %gather3A_751 = tpu.memref_squeeze %gather3A_750 : memref<1x32x26xi32, #tpu.memory_space<vmem>> -> memref<32x26xi32, #tpu.memory_space<vmem>>
        %gather3A_752 = tpu.vector_load_idx %gather3A_751[%add3A_745, %broadcast_in_dim3A_747] : memref<32x26xi32, #tpu.memory_space<vmem>>[vector<16xi32>, vector<16xi32>], vector<16xi32>,
        %swap3A_753 = arith.constant 12 : i32
        %swap3A_754 = arith.index_cast %swap3A_753 : i32 to index
        %swap3A_755 = arith.constant 0 : index
        %swap3A_756 = tpu.vector_load %arg6[%swap3A_754, %swap3A_755] {strides = array<i32>} : memref<26x32xi32, #tpu.memory_space<vmem>>, vector<16xi32>,
        tpu.vector_store %arg6[%swap3A_754, %swap3A_755], %gather3A_752 {strides = array<i32>} : memref<26x32xi32, #tpu.memory_space<vmem>>, vector<16xi32>,
        %add3A_757 = arith.constant 16 : i32
        %add3A_758 = vector.broadcast %add3A_757 : i32 to vector<16xi32>
        %add3A_759 = arith.addi %iota3A, %add3A_758 : vector<16xi32>
        %broadcast_in_dim3A_760 = arith.constant 12 : i32
        %broadcast_in_dim3A_761 = vector.broadcast %broadcast_in_dim3A_760 : i32 to vector<16xi32>
        %gather3A_762 = arith.constant 0 : i32
        %gather3A_763 = arith.constant 0 : i32
        %gather3A_764 = tpu.memref_slice %run_scoped3A[%rem3A_203, %gather3A_762, %gather3A_763] : memref<2x32x26xi32, #tpu.memory_space<vmem>> -> memref<1x32x26xi32, #tpu.memory_space<vmem>>
        %gather3A_765 = tpu.memref_squeeze %gather3A_764 : memref<1x32x26xi32, #tpu.memory_space<vmem>> -> memref<32x26xi32, #tpu.memory_space<vmem>>
        %gather3A_766 = tpu.vector_load_idx %gather3A_765[%add3A_759, %broadcast_in_dim3A_761] : memref<32x26xi32, #tpu.memory_space<vmem>>[vector<16xi32>, vector<16xi32>], vector<16xi32>,
        %swap3A_767 = arith.constant 12 : i32
        %swap3A_768 = arith.index_cast %swap3A_767 : i32 to index
        %swap3A_769 = arith.constant 16 : index
        %swap3A_770 = tpu.vector_load %arg6[%swap3A_768, %swap3A_769] {strides = array<i32>} : memref<26x32xi32, #tpu.memory_space<vmem>>, vector<16xi32>,
        tpu.vector_store %arg6[%swap3A_768, %swap3A_769], %gather3A_766 {strides = array<i32>} : memref<26x32xi32, #tpu.memory_space<vmem>>, vector<16xi32>,
        %dma_start3A_771 = arith.constant 12 : i32
        %dma_start3A_772 = arith.constant 12 : i32
        %dma_start3A_773 = arith.constant 12 : i32
        %dma_start3A_774 = arith.constant 0 : i32
        %dma_start3A_775 = arith.constant 0 : i32
        %dma_start3A_776 = tpu.memref_slice %arg10[%dma_start3A_773, %dma_start3A_774, %dma_start3A_775] : memref<26x32x16xf32, #tpu.memory_space<vmem>> -> memref<1x32x16xf32, #tpu.memory_space<vmem>>
        %dma_start3A_777 = tpu.memref_squeeze %dma_start3A_776 : memref<1x32x16xf32, #tpu.memory_space<vmem>> -> memref<32x16xf32, #tpu.memory_space<vmem>>
        %dma_start3A_778 = arith.constant 0 : i32
        %dma_start3A_779 = tpu.memref_slice %arg6[%dma_start3A_772, %dma_start3A_778] : memref<26x32xi32, #tpu.memory_space<vmem>> -> memref<1x32xi32, #tpu.memory_space<vmem>>
        %dma_start3A_780 = tpu.memref_squeeze %dma_start3A_779 : memref<1x32xi32, #tpu.memory_space<vmem>> -> memref<32xi32, #tpu.memory_space<vmem>>
        %dma_start3A_781 = arith.constant 0 : i32
        %dma_start3A_782 = arith.constant 0 : i32
        %dma_start3A_783 = tpu.memref_slice %arg3[%dma_start3A_771, %dma_start3A_781, %dma_start3A_782] : memref<26x100000x16xf32, #tpu.memory_space<hbm>> -> memref<1x100000x16xf32, #tpu.memory_space<hbm>>
        %dma_start3A_784 = tpu.memref_squeeze %dma_start3A_783 : memref<1x100000x16xf32, #tpu.memory_space<hbm>> -> memref<100000x16xf32, #tpu.memory_space<hbm>>
        %dma_start3A_785 = arith.constant 0 : i32
        %dma_start3A_786 = arith.constant 0 : i32
        %dma_start3A_787 = tpu.memref_slice %dma_start3A_784[%dma_start3A_785, %dma_start3A_786] : memref<100000x16xf32, #tpu.memory_space<hbm>> -> memref<100000x16xf32, #tpu.memory_space<hbm>>
        tpu.enqueue_indirect_dma source(%dma_start3A_787 : memref<100000x16xf32, #tpu.memory_space<hbm>>) target(%dma_start3A_777 : memref<32x16xf32, #tpu.memory_space<vmem>>) offsets(%dma_start3A_780 : memref<32xi32, #tpu.memory_space<vmem>>) semaphore(%arg11 : memref<!tpu.dma_semaphore, #tpu.memory_space<semaphore_mem>>)
        %add3A_788 = arith.constant 0 : i32
        %add3A_789 = vector.broadcast %add3A_788 : i32 to vector<16xi32>
        %add3A_790 = arith.addi %iota3A, %add3A_789 : vector<16xi32>
        %broadcast_in_dim3A_791 = arith.constant 13 : i32
        %broadcast_in_dim3A_792 = vector.broadcast %broadcast_in_dim3A_791 : i32 to vector<16xi32>
        %gather3A_793 = arith.constant 0 : i32
        %gather3A_794 = arith.constant 0 : i32
        %gather3A_795 = tpu.memref_slice %run_scoped3A[%rem3A_203, %gather3A_793, %gather3A_794] : memref<2x32x26xi32, #tpu.memory_space<vmem>> -> memref<1x32x26xi32, #tpu.memory_space<vmem>>
        %gather3A_796 = tpu.memref_squeeze %gather3A_795 : memref<1x32x26xi32, #tpu.memory_space<vmem>> -> memref<32x26xi32, #tpu.memory_space<vmem>>
        %gather3A_797 = tpu.vector_load_idx %gather3A_796[%add3A_790, %broadcast_in_dim3A_792] : memref<32x26xi32, #tpu.memory_space<vmem>>[vector<16xi32>, vector<16xi32>], vector<16xi32>,
        %swap3A_798 = arith.constant 13 : i32
        %swap3A_799 = arith.index_cast %swap3A_798 : i32 to index
        %swap3A_800 = arith.constant 0 : index
        %swap3A_801 = tpu.vector_load %arg6[%swap3A_799, %swap3A_800] {strides = array<i32>} : memref<26x32xi32, #tpu.memory_space<vmem>>, vector<16xi32>,
        tpu.vector_store %arg6[%swap3A_799, %swap3A_800], %gather3A_797 {strides = array<i32>} : memref<26x32xi32, #tpu.memory_space<vmem>>, vector<16xi32>,
        %add3A_802 = arith.constant 16 : i32
        %add3A_803 = vector.broadcast %add3A_802 : i32 to vector<16xi32>
        %add3A_804 = arith.addi %iota3A, %add3A_803 : vector<16xi32>
        %broadcast_in_dim3A_805 = arith.constant 13 : i32
        %broadcast_in_dim3A_806 = vector.broadcast %broadcast_in_dim3A_805 : i32 to vector<16xi32>
        %gather3A_807 = arith.constant 0 : i32
        %gather3A_808 = arith.constant 0 : i32
        %gather3A_809 = tpu.memref_slice %run_scoped3A[%rem3A_203, %gather3A_807, %gather3A_808] : memref<2x32x26xi32, #tpu.memory_space<vmem>> -> memref<1x32x26xi32, #tpu.memory_space<vmem>>
        %gather3A_810 = tpu.memref_squeeze %gather3A_809 : memref<1x32x26xi32, #tpu.memory_space<vmem>> -> memref<32x26xi32, #tpu.memory_space<vmem>>
        %gather3A_811 = tpu.vector_load_idx %gather3A_810[%add3A_804, %broadcast_in_dim3A_806] : memref<32x26xi32, #tpu.memory_space<vmem>>[vector<16xi32>, vector<16xi32>], vector<16xi32>,
        %swap3A_812 = arith.constant 13 : i32
        %swap3A_813 = arith.index_cast %swap3A_812 : i32 to index
        %swap3A_814 = arith.constant 16 : index
        %swap3A_815 = tpu.vector_load %arg6[%swap3A_813, %swap3A_814] {strides = array<i32>} : memref<26x32xi32, #tpu.memory_space<vmem>>, vector<16xi32>,
        tpu.vector_store %arg6[%swap3A_813, %swap3A_814], %gather3A_811 {strides = array<i32>} : memref<26x32xi32, #tpu.memory_space<vmem>>, vector<16xi32>,
        %dma_start3A_816 = arith.constant 13 : i32
        %dma_start3A_817 = arith.constant 13 : i32
        %dma_start3A_818 = arith.constant 13 : i32
        %dma_start3A_819 = arith.constant 0 : i32
        %dma_start3A_820 = arith.constant 0 : i32
        %dma_start3A_821 = tpu.memref_slice %arg10[%dma_start3A_818, %dma_start3A_819, %dma_start3A_820] : memref<26x32x16xf32, #tpu.memory_space<vmem>> -> memref<1x32x16xf32, #tpu.memory_space<vmem>>
        %dma_start3A_822 = tpu.memref_squeeze %dma_start3A_821 : memref<1x32x16xf32, #tpu.memory_space<vmem>> -> memref<32x16xf32, #tpu.memory_space<vmem>>
        %dma_start3A_823 = arith.constant 0 : i32
        %dma_start3A_824 = tpu.memref_slice %arg6[%dma_start3A_817, %dma_start3A_823] : memref<26x32xi32, #tpu.memory_space<vmem>> -> memref<1x32xi32, #tpu.memory_space<vmem>>
        %dma_start3A_825 = tpu.memref_squeeze %dma_start3A_824 : memref<1x32xi32, #tpu.memory_space<vmem>> -> memref<32xi32, #tpu.memory_space<vmem>>
        %dma_start3A_826 = arith.constant 0 : i32
        %dma_start3A_827 = arith.constant 0 : i32
        %dma_start3A_828 = tpu.memref_slice %arg3[%dma_start3A_816, %dma_start3A_826, %dma_start3A_827] : memref<26x100000x16xf32, #tpu.memory_space<hbm>> -> memref<1x100000x16xf32, #tpu.memory_space<hbm>>
        %dma_start3A_829 = tpu.memref_squeeze %dma_start3A_828 : memref<1x100000x16xf32, #tpu.memory_space<hbm>> -> memref<100000x16xf32, #tpu.memory_space<hbm>>
        %dma_start3A_830 = arith.constant 0 : i32
        %dma_start3A_831 = arith.constant 0 : i32
        %dma_start3A_832 = tpu.memref_slice %dma_start3A_829[%dma_start3A_830, %dma_start3A_831] : memref<100000x16xf32, #tpu.memory_space<hbm>> -> memref<100000x16xf32, #tpu.memory_space<hbm>>
        tpu.enqueue_indirect_dma source(%dma_start3A_832 : memref<100000x16xf32, #tpu.memory_space<hbm>>) target(%dma_start3A_822 : memref<32x16xf32, #tpu.memory_space<vmem>>) offsets(%dma_start3A_825 : memref<32xi32, #tpu.memory_space<vmem>>) semaphore(%arg11 : memref<!tpu.dma_semaphore, #tpu.memory_space<semaphore_mem>>)
        %add3A_833 = arith.constant 0 : i32
        %add3A_834 = vector.broadcast %add3A_833 : i32 to vector<16xi32>
        %add3A_835 = arith.addi %iota3A, %add3A_834 : vector<16xi32>
        %broadcast_in_dim3A_836 = arith.constant 14 : i32
        %broadcast_in_dim3A_837 = vector.broadcast %broadcast_in_dim3A_836 : i32 to vector<16xi32>
        %gather3A_838 = arith.constant 0 : i32
        %gather3A_839 = arith.constant 0 : i32
        %gather3A_840 = tpu.memref_slice %run_scoped3A[%rem3A_203, %gather3A_838, %gather3A_839] : memref<2x32x26xi32, #tpu.memory_space<vmem>> -> memref<1x32x26xi32, #tpu.memory_space<vmem>>
        %gather3A_841 = tpu.memref_squeeze %gather3A_840 : memref<1x32x26xi32, #tpu.memory_space<vmem>> -> memref<32x26xi32, #tpu.memory_space<vmem>>
        %gather3A_842 = tpu.vector_load_idx %gather3A_841[%add3A_835, %broadcast_in_dim3A_837] : memref<32x26xi32, #tpu.memory_space<vmem>>[vector<16xi32>, vector<16xi32>], vector<16xi32>,
        %swap3A_843 = arith.constant 14 : i32
        %swap3A_844 = arith.index_cast %swap3A_843 : i32 to index
        %swap3A_845 = arith.constant 0 : index
        %swap3A_846 = tpu.vector_load %arg6[%swap3A_844, %swap3A_845] {strides = array<i32>} : memref<26x32xi32, #tpu.memory_space<vmem>>, vector<16xi32>,
        tpu.vector_store %arg6[%swap3A_844, %swap3A_845], %gather3A_842 {strides = array<i32>} : memref<26x32xi32, #tpu.memory_space<vmem>>, vector<16xi32>,
        %add3A_847 = arith.constant 16 : i32
        %add3A_848 = vector.broadcast %add3A_847 : i32 to vector<16xi32>
        %add3A_849 = arith.addi %iota3A, %add3A_848 : vector<16xi32>
        %broadcast_in_dim3A_850 = arith.constant 14 : i32
        %broadcast_in_dim3A_851 = vector.broadcast %broadcast_in_dim3A_850 : i32 to vector<16xi32>
        %gather3A_852 = arith.constant 0 : i32
        %gather3A_853 = arith.constant 0 : i32
        %gather3A_854 = tpu.memref_slice %run_scoped3A[%rem3A_203, %gather3A_852, %gather3A_853] : memref<2x32x26xi32, #tpu.memory_space<vmem>> -> memref<1x32x26xi32, #tpu.memory_space<vmem>>
        %gather3A_855 = tpu.memref_squeeze %gather3A_854 : memref<1x32x26xi32, #tpu.memory_space<vmem>> -> memref<32x26xi32, #tpu.memory_space<vmem>>
        %gather3A_856 = tpu.vector_load_idx %gather3A_855[%add3A_849, %broadcast_in_dim3A_851] : memref<32x26xi32, #tpu.memory_space<vmem>>[vector<16xi32>, vector<16xi32>], vector<16xi32>,
        %swap3A_857 = arith.constant 14 : i32
        %swap3A_858 = arith.index_cast %swap3A_857 : i32 to index
        %swap3A_859 = arith.constant 16 : index
        %swap3A_860 = tpu.vector_load %arg6[%swap3A_858, %swap3A_859] {strides = array<i32>} : memref<26x32xi32, #tpu.memory_space<vmem>>, vector<16xi32>,
        tpu.vector_store %arg6[%swap3A_858, %swap3A_859], %gather3A_856 {strides = array<i32>} : memref<26x32xi32, #tpu.memory_space<vmem>>, vector<16xi32>,
        %dma_start3A_861 = arith.constant 14 : i32
        %dma_start3A_862 = arith.constant 14 : i32
        %dma_start3A_863 = arith.constant 14 : i32
        %dma_start3A_864 = arith.constant 0 : i32
        %dma_start3A_865 = arith.constant 0 : i32
        %dma_start3A_866 = tpu.memref_slice %arg10[%dma_start3A_863, %dma_start3A_864, %dma_start3A_865] : memref<26x32x16xf32, #tpu.memory_space<vmem>> -> memref<1x32x16xf32, #tpu.memory_space<vmem>>
        %dma_start3A_867 = tpu.memref_squeeze %dma_start3A_866 : memref<1x32x16xf32, #tpu.memory_space<vmem>> -> memref<32x16xf32, #tpu.memory_space<vmem>>
        %dma_start3A_868 = arith.constant 0 : i32
        %dma_start3A_869 = tpu.memref_slice %arg6[%dma_start3A_862, %dma_start3A_868] : memref<26x32xi32, #tpu.memory_space<vmem>> -> memref<1x32xi32, #tpu.memory_space<vmem>>
        %dma_start3A_870 = tpu.memref_squeeze %dma_start3A_869 : memref<1x32xi32, #tpu.memory_space<vmem>> -> memref<32xi32, #tpu.memory_space<vmem>>
        %dma_start3A_871 = arith.constant 0 : i32
        %dma_start3A_872 = arith.constant 0 : i32
        %dma_start3A_873 = tpu.memref_slice %arg3[%dma_start3A_861, %dma_start3A_871, %dma_start3A_872] : memref<26x100000x16xf32, #tpu.memory_space<hbm>> -> memref<1x100000x16xf32, #tpu.memory_space<hbm>>
        %dma_start3A_874 = tpu.memref_squeeze %dma_start3A_873 : memref<1x100000x16xf32, #tpu.memory_space<hbm>> -> memref<100000x16xf32, #tpu.memory_space<hbm>>
        %dma_start3A_875 = arith.constant 0 : i32
        %dma_start3A_876 = arith.constant 0 : i32
        %dma_start3A_877 = tpu.memref_slice %dma_start3A_874[%dma_start3A_875, %dma_start3A_876] : memref<100000x16xf32, #tpu.memory_space<hbm>> -> memref<100000x16xf32, #tpu.memory_space<hbm>>
        tpu.enqueue_indirect_dma source(%dma_start3A_877 : memref<100000x16xf32, #tpu.memory_space<hbm>>) target(%dma_start3A_867 : memref<32x16xf32, #tpu.memory_space<vmem>>) offsets(%dma_start3A_870 : memref<32xi32, #tpu.memory_space<vmem>>) semaphore(%arg11 : memref<!tpu.dma_semaphore, #tpu.memory_space<semaphore_mem>>)
        %add3A_878 = arith.constant 0 : i32
        %add3A_879 = vector.broadcast %add3A_878 : i32 to vector<16xi32>
        %add3A_880 = arith.addi %iota3A, %add3A_879 : vector<16xi32>
        %broadcast_in_dim3A_881 = arith.constant 15 : i32
        %broadcast_in_dim3A_882 = vector.broadcast %broadcast_in_dim3A_881 : i32 to vector<16xi32>
        %gather3A_883 = arith.constant 0 : i32
        %gather3A_884 = arith.constant 0 : i32
        %gather3A_885 = tpu.memref_slice %run_scoped3A[%rem3A_203, %gather3A_883, %gather3A_884] : memref<2x32x26xi32, #tpu.memory_space<vmem>> -> memref<1x32x26xi32, #tpu.memory_space<vmem>>
        %gather3A_886 = tpu.memref_squeeze %gather3A_885 : memref<1x32x26xi32, #tpu.memory_space<vmem>> -> memref<32x26xi32, #tpu.memory_space<vmem>>
        %gather3A_887 = tpu.vector_load_idx %gather3A_886[%add3A_880, %broadcast_in_dim3A_882] : memref<32x26xi32, #tpu.memory_space<vmem>>[vector<16xi32>, vector<16xi32>], vector<16xi32>,
        %swap3A_888 = arith.constant 15 : i32
        %swap3A_889 = arith.index_cast %swap3A_888 : i32 to index
        %swap3A_890 = arith.constant 0 : index
        %swap3A_891 = tpu.vector_load %arg6[%swap3A_889, %swap3A_890] {strides = array<i32>} : memref<26x32xi32, #tpu.memory_space<vmem>>, vector<16xi32>,
        tpu.vector_store %arg6[%swap3A_889, %swap3A_890], %gather3A_887 {strides = array<i32>} : memref<26x32xi32, #tpu.memory_space<vmem>>, vector<16xi32>,
        %add3A_892 = arith.constant 16 : i32
        %add3A_893 = vector.broadcast %add3A_892 : i32 to vector<16xi32>
        %add3A_894 = arith.addi %iota3A, %add3A_893 : vector<16xi32>
        %broadcast_in_dim3A_895 = arith.constant 15 : i32
        %broadcast_in_dim3A_896 = vector.broadcast %broadcast_in_dim3A_895 : i32 to vector<16xi32>
        %gather3A_897 = arith.constant 0 : i32
        %gather3A_898 = arith.constant 0 : i32
        %gather3A_899 = tpu.memref_slice %run_scoped3A[%rem3A_203, %gather3A_897, %gather3A_898] : memref<2x32x26xi32, #tpu.memory_space<vmem>> -> memref<1x32x26xi32, #tpu.memory_space<vmem>>
        %gather3A_900 = tpu.memref_squeeze %gather3A_899 : memref<1x32x26xi32, #tpu.memory_space<vmem>> -> memref<32x26xi32, #tpu.memory_space<vmem>>
        %gather3A_901 = tpu.vector_load_idx %gather3A_900[%add3A_894, %broadcast_in_dim3A_896] : memref<32x26xi32, #tpu.memory_space<vmem>>[vector<16xi32>, vector<16xi32>], vector<16xi32>,
        %swap3A_902 = arith.constant 15 : i32
        %swap3A_903 = arith.index_cast %swap3A_902 : i32 to index
        %swap3A_904 = arith.constant 16 : index
        %swap3A_905 = tpu.vector_load %arg6[%swap3A_903, %swap3A_904] {strides = array<i32>} : memref<26x32xi32, #tpu.memory_space<vmem>>, vector<16xi32>,
        tpu.vector_store %arg6[%swap3A_903, %swap3A_904], %gather3A_901 {strides = array<i32>} : memref<26x32xi32, #tpu.memory_space<vmem>>, vector<16xi32>,
        %dma_start3A_906 = arith.constant 15 : i32
        %dma_start3A_907 = arith.constant 15 : i32
        %dma_start3A_908 = arith.constant 15 : i32
        %dma_start3A_909 = arith.constant 0 : i32
        %dma_start3A_910 = arith.constant 0 : i32
        %dma_start3A_911 = tpu.memref_slice %arg10[%dma_start3A_908, %dma_start3A_909, %dma_start3A_910] : memref<26x32x16xf32, #tpu.memory_space<vmem>> -> memref<1x32x16xf32, #tpu.memory_space<vmem>>
        %dma_start3A_912 = tpu.memref_squeeze %dma_start3A_911 : memref<1x32x16xf32, #tpu.memory_space<vmem>> -> memref<32x16xf32, #tpu.memory_space<vmem>>
        %dma_start3A_913 = arith.constant 0 : i32
        %dma_start3A_914 = tpu.memref_slice %arg6[%dma_start3A_907, %dma_start3A_913] : memref<26x32xi32, #tpu.memory_space<vmem>> -> memref<1x32xi32, #tpu.memory_space<vmem>>
        %dma_start3A_915 = tpu.memref_squeeze %dma_start3A_914 : memref<1x32xi32, #tpu.memory_space<vmem>> -> memref<32xi32, #tpu.memory_space<vmem>>
        %dma_start3A_916 = arith.constant 0 : i32
        %dma_start3A_917 = arith.constant 0 : i32
        %dma_start3A_918 = tpu.memref_slice %arg3[%dma_start3A_906, %dma_start3A_916, %dma_start3A_917] : memref<26x100000x16xf32, #tpu.memory_space<hbm>> -> memref<1x100000x16xf32, #tpu.memory_space<hbm>>
        %dma_start3A_919 = tpu.memref_squeeze %dma_start3A_918 : memref<1x100000x16xf32, #tpu.memory_space<hbm>> -> memref<100000x16xf32, #tpu.memory_space<hbm>>
        %dma_start3A_920 = arith.constant 0 : i32
        %dma_start3A_921 = arith.constant 0 : i32
        %dma_start3A_922 = tpu.memref_slice %dma_start3A_919[%dma_start3A_920, %dma_start3A_921] : memref<100000x16xf32, #tpu.memory_space<hbm>> -> memref<100000x16xf32, #tpu.memory_space<hbm>>
        tpu.enqueue_indirect_dma source(%dma_start3A_922 : memref<100000x16xf32, #tpu.memory_space<hbm>>) target(%dma_start3A_912 : memref<32x16xf32, #tpu.memory_space<vmem>>) offsets(%dma_start3A_915 : memref<32xi32, #tpu.memory_space<vmem>>) semaphore(%arg11 : memref<!tpu.dma_semaphore, #tpu.memory_space<semaphore_mem>>)
        %add3A_923 = arith.constant 0 : i32
        %add3A_924 = vector.broadcast %add3A_923 : i32 to vector<16xi32>
        %add3A_925 = arith.addi %iota3A, %add3A_924 : vector<16xi32>
        %broadcast_in_dim3A_926 = arith.constant 16 : i32
        %broadcast_in_dim3A_927 = vector.broadcast %broadcast_in_dim3A_926 : i32 to vector<16xi32>
        %gather3A_928 = arith.constant 0 : i32
        %gather3A_929 = arith.constant 0 : i32
        %gather3A_930 = tpu.memref_slice %run_scoped3A[%rem3A_203, %gather3A_928, %gather3A_929] : memref<2x32x26xi32, #tpu.memory_space<vmem>> -> memref<1x32x26xi32, #tpu.memory_space<vmem>>
        %gather3A_931 = tpu.memref_squeeze %gather3A_930 : memref<1x32x26xi32, #tpu.memory_space<vmem>> -> memref<32x26xi32, #tpu.memory_space<vmem>>
        %gather3A_932 = tpu.vector_load_idx %gather3A_931[%add3A_925, %broadcast_in_dim3A_927] : memref<32x26xi32, #tpu.memory_space<vmem>>[vector<16xi32>, vector<16xi32>], vector<16xi32>,
        %swap3A_933 = arith.constant 16 : i32
        %swap3A_934 = arith.index_cast %swap3A_933 : i32 to index
        %swap3A_935 = arith.constant 0 : index
        %swap3A_936 = tpu.vector_load %arg6[%swap3A_934, %swap3A_935] {strides = array<i32>} : memref<26x32xi32, #tpu.memory_space<vmem>>, vector<16xi32>,
        tpu.vector_store %arg6[%swap3A_934, %swap3A_935], %gather3A_932 {strides = array<i32>} : memref<26x32xi32, #tpu.memory_space<vmem>>, vector<16xi32>,
        %add3A_937 = arith.constant 16 : i32
        %add3A_938 = vector.broadcast %add3A_937 : i32 to vector<16xi32>
        %add3A_939 = arith.addi %iota3A, %add3A_938 : vector<16xi32>
        %broadcast_in_dim3A_940 = arith.constant 16 : i32
        %broadcast_in_dim3A_941 = vector.broadcast %broadcast_in_dim3A_940 : i32 to vector<16xi32>
        %gather3A_942 = arith.constant 0 : i32
        %gather3A_943 = arith.constant 0 : i32
        %gather3A_944 = tpu.memref_slice %run_scoped3A[%rem3A_203, %gather3A_942, %gather3A_943] : memref<2x32x26xi32, #tpu.memory_space<vmem>> -> memref<1x32x26xi32, #tpu.memory_space<vmem>>
        %gather3A_945 = tpu.memref_squeeze %gather3A_944 : memref<1x32x26xi32, #tpu.memory_space<vmem>> -> memref<32x26xi32, #tpu.memory_space<vmem>>
        %gather3A_946 = tpu.vector_load_idx %gather3A_945[%add3A_939, %broadcast_in_dim3A_941] : memref<32x26xi32, #tpu.memory_space<vmem>>[vector<16xi32>, vector<16xi32>], vector<16xi32>,
        %swap3A_947 = arith.constant 16 : i32
        %swap3A_948 = arith.index_cast %swap3A_947 : i32 to index
        %swap3A_949 = arith.constant 16 : index
        %swap3A_950 = tpu.vector_load %arg6[%swap3A_948, %swap3A_949] {strides = array<i32>} : memref<26x32xi32, #tpu.memory_space<vmem>>, vector<16xi32>,
        tpu.vector_store %arg6[%swap3A_948, %swap3A_949], %gather3A_946 {strides = array<i32>} : memref<26x32xi32, #tpu.memory_space<vmem>>, vector<16xi32>,
        %dma_start3A_951 = arith.constant 16 : i32
        %dma_start3A_952 = arith.constant 16 : i32
        %dma_start3A_953 = arith.constant 16 : i32
        %dma_start3A_954 = arith.constant 0 : i32
        %dma_start3A_955 = arith.constant 0 : i32
        %dma_start3A_956 = tpu.memref_slice %arg10[%dma_start3A_953, %dma_start3A_954, %dma_start3A_955] : memref<26x32x16xf32, #tpu.memory_space<vmem>> -> memref<1x32x16xf32, #tpu.memory_space<vmem>>
        %dma_start3A_957 = tpu.memref_squeeze %dma_start3A_956 : memref<1x32x16xf32, #tpu.memory_space<vmem>> -> memref<32x16xf32, #tpu.memory_space<vmem>>
        %dma_start3A_958 = arith.constant 0 : i32
        %dma_start3A_959 = tpu.memref_slice %arg6[%dma_start3A_952, %dma_start3A_958] : memref<26x32xi32, #tpu.memory_space<vmem>> -> memref<1x32xi32, #tpu.memory_space<vmem>>
        %dma_start3A_960 = tpu.memref_squeeze %dma_start3A_959 : memref<1x32xi32, #tpu.memory_space<vmem>> -> memref<32xi32, #tpu.memory_space<vmem>>
        %dma_start3A_961 = arith.constant 0 : i32
        %dma_start3A_962 = arith.constant 0 : i32
        %dma_start3A_963 = tpu.memref_slice %arg3[%dma_start3A_951, %dma_start3A_961, %dma_start3A_962] : memref<26x100000x16xf32, #tpu.memory_space<hbm>> -> memref<1x100000x16xf32, #tpu.memory_space<hbm>>
        %dma_start3A_964 = tpu.memref_squeeze %dma_start3A_963 : memref<1x100000x16xf32, #tpu.memory_space<hbm>> -> memref<100000x16xf32, #tpu.memory_space<hbm>>
        %dma_start3A_965 = arith.constant 0 : i32
        %dma_start3A_966 = arith.constant 0 : i32
        %dma_start3A_967 = tpu.memref_slice %dma_start3A_964[%dma_start3A_965, %dma_start3A_966] : memref<100000x16xf32, #tpu.memory_space<hbm>> -> memref<100000x16xf32, #tpu.memory_space<hbm>>
        tpu.enqueue_indirect_dma source(%dma_start3A_967 : memref<100000x16xf32, #tpu.memory_space<hbm>>) target(%dma_start3A_957 : memref<32x16xf32, #tpu.memory_space<vmem>>) offsets(%dma_start3A_960 : memref<32xi32, #tpu.memory_space<vmem>>) semaphore(%arg11 : memref<!tpu.dma_semaphore, #tpu.memory_space<semaphore_mem>>)
        %add3A_968 = arith.constant 0 : i32
        %add3A_969 = vector.broadcast %add3A_968 : i32 to vector<16xi32>
        %add3A_970 = arith.addi %iota3A, %add3A_969 : vector<16xi32>
        %broadcast_in_dim3A_971 = arith.constant 17 : i32
        %broadcast_in_dim3A_972 = vector.broadcast %broadcast_in_dim3A_971 : i32 to vector<16xi32>
        %gather3A_973 = arith.constant 0 : i32
        %gather3A_974 = arith.constant 0 : i32
        %gather3A_975 = tpu.memref_slice %run_scoped3A[%rem3A_203, %gather3A_973, %gather3A_974] : memref<2x32x26xi32, #tpu.memory_space<vmem>> -> memref<1x32x26xi32, #tpu.memory_space<vmem>>
        %gather3A_976 = tpu.memref_squeeze %gather3A_975 : memref<1x32x26xi32, #tpu.memory_space<vmem>> -> memref<32x26xi32, #tpu.memory_space<vmem>>
        %gather3A_977 = tpu.vector_load_idx %gather3A_976[%add3A_970, %broadcast_in_dim3A_972] : memref<32x26xi32, #tpu.memory_space<vmem>>[vector<16xi32>, vector<16xi32>], vector<16xi32>,
        %swap3A_978 = arith.constant 17 : i32
        %swap3A_979 = arith.index_cast %swap3A_978 : i32 to index
        %swap3A_980 = arith.constant 0 : index
        %swap3A_981 = tpu.vector_load %arg6[%swap3A_979, %swap3A_980] {strides = array<i32>} : memref<26x32xi32, #tpu.memory_space<vmem>>, vector<16xi32>,
        tpu.vector_store %arg6[%swap3A_979, %swap3A_980], %gather3A_977 {strides = array<i32>} : memref<26x32xi32, #tpu.memory_space<vmem>>, vector<16xi32>,
        %add3A_982 = arith.constant 16 : i32
        %add3A_983 = vector.broadcast %add3A_982 : i32 to vector<16xi32>
        %add3A_984 = arith.addi %iota3A, %add3A_983 : vector<16xi32>
        %broadcast_in_dim3A_985 = arith.constant 17 : i32
        %broadcast_in_dim3A_986 = vector.broadcast %broadcast_in_dim3A_985 : i32 to vector<16xi32>
        %gather3A_987 = arith.constant 0 : i32
        %gather3A_988 = arith.constant 0 : i32
        %gather3A_989 = tpu.memref_slice %run_scoped3A[%rem3A_203, %gather3A_987, %gather3A_988] : memref<2x32x26xi32, #tpu.memory_space<vmem>> -> memref<1x32x26xi32, #tpu.memory_space<vmem>>
        %gather3A_990 = tpu.memref_squeeze %gather3A_989 : memref<1x32x26xi32, #tpu.memory_space<vmem>> -> memref<32x26xi32, #tpu.memory_space<vmem>>
        %gather3A_991 = tpu.vector_load_idx %gather3A_990[%add3A_984, %broadcast_in_dim3A_986] : memref<32x26xi32, #tpu.memory_space<vmem>>[vector<16xi32>, vector<16xi32>], vector<16xi32>,
        %swap3A_992 = arith.constant 17 : i32
        %swap3A_993 = arith.index_cast %swap3A_992 : i32 to index
        %swap3A_994 = arith.constant 16 : index
        %swap3A_995 = tpu.vector_load %arg6[%swap3A_993, %swap3A_994] {strides = array<i32>} : memref<26x32xi32, #tpu.memory_space<vmem>>, vector<16xi32>,
        tpu.vector_store %arg6[%swap3A_993, %swap3A_994], %gather3A_991 {strides = array<i32>} : memref<26x32xi32, #tpu.memory_space<vmem>>, vector<16xi32>,
        %dma_start3A_996 = arith.constant 17 : i32
        %dma_start3A_997 = arith.constant 17 : i32
        %dma_start3A_998 = arith.constant 17 : i32
        %dma_start3A_999 = arith.constant 0 : i32
        %dma_start3A_1000 = arith.constant 0 : i32
        %dma_start3A_1001 = tpu.memref_slice %arg10[%dma_start3A_998, %dma_start3A_999, %dma_start3A_1000] : memref<26x32x16xf32, #tpu.memory_space<vmem>> -> memref<1x32x16xf32, #tpu.memory_space<vmem>>
        %dma_start3A_1002 = tpu.memref_squeeze %dma_start3A_1001 : memref<1x32x16xf32, #tpu.memory_space<vmem>> -> memref<32x16xf32, #tpu.memory_space<vmem>>
        %dma_start3A_1003 = arith.constant 0 : i32
        %dma_start3A_1004 = tpu.memref_slice %arg6[%dma_start3A_997, %dma_start3A_1003] : memref<26x32xi32, #tpu.memory_space<vmem>> -> memref<1x32xi32, #tpu.memory_space<vmem>>
        %dma_start3A_1005 = tpu.memref_squeeze %dma_start3A_1004 : memref<1x32xi32, #tpu.memory_space<vmem>> -> memref<32xi32, #tpu.memory_space<vmem>>
        %dma_start3A_1006 = arith.constant 0 : i32
        %dma_start3A_1007 = arith.constant 0 : i32
        %dma_start3A_1008 = tpu.memref_slice %arg3[%dma_start3A_996, %dma_start3A_1006, %dma_start3A_1007] : memref<26x100000x16xf32, #tpu.memory_space<hbm>> -> memref<1x100000x16xf32, #tpu.memory_space<hbm>>
        %dma_start3A_1009 = tpu.memref_squeeze %dma_start3A_1008 : memref<1x100000x16xf32, #tpu.memory_space<hbm>> -> memref<100000x16xf32, #tpu.memory_space<hbm>>
        %dma_start3A_1010 = arith.constant 0 : i32
        %dma_start3A_1011 = arith.constant 0 : i32
        %dma_start3A_1012 = tpu.memref_slice %dma_start3A_1009[%dma_start3A_1010, %dma_start3A_1011] : memref<100000x16xf32, #tpu.memory_space<hbm>> -> memref<100000x16xf32, #tpu.memory_space<hbm>>
        tpu.enqueue_indirect_dma source(%dma_start3A_1012 : memref<100000x16xf32, #tpu.memory_space<hbm>>) target(%dma_start3A_1002 : memref<32x16xf32, #tpu.memory_space<vmem>>) offsets(%dma_start3A_1005 : memref<32xi32, #tpu.memory_space<vmem>>) semaphore(%arg11 : memref<!tpu.dma_semaphore, #tpu.memory_space<semaphore_mem>>)
        %add3A_1013 = arith.constant 0 : i32
        %add3A_1014 = vector.broadcast %add3A_1013 : i32 to vector<16xi32>
        %add3A_1015 = arith.addi %iota3A, %add3A_1014 : vector<16xi32>
        %broadcast_in_dim3A_1016 = arith.constant 18 : i32
        %broadcast_in_dim3A_1017 = vector.broadcast %broadcast_in_dim3A_1016 : i32 to vector<16xi32>
        %gather3A_1018 = arith.constant 0 : i32
        %gather3A_1019 = arith.constant 0 : i32
        %gather3A_1020 = tpu.memref_slice %run_scoped3A[%rem3A_203, %gather3A_1018, %gather3A_1019] : memref<2x32x26xi32, #tpu.memory_space<vmem>> -> memref<1x32x26xi32, #tpu.memory_space<vmem>>
        %gather3A_1021 = tpu.memref_squeeze %gather3A_1020 : memref<1x32x26xi32, #tpu.memory_space<vmem>> -> memref<32x26xi32, #tpu.memory_space<vmem>>
        %gather3A_1022 = tpu.vector_load_idx %gather3A_1021[%add3A_1015, %broadcast_in_dim3A_1017] : memref<32x26xi32, #tpu.memory_space<vmem>>[vector<16xi32>, vector<16xi32>], vector<16xi32>,
        %swap3A_1023 = arith.constant 18 : i32
        %swap3A_1024 = arith.index_cast %swap3A_1023 : i32 to index
        %swap3A_1025 = arith.constant 0 : index
        %swap3A_1026 = tpu.vector_load %arg6[%swap3A_1024, %swap3A_1025] {strides = array<i32>} : memref<26x32xi32, #tpu.memory_space<vmem>>, vector<16xi32>,
        tpu.vector_store %arg6[%swap3A_1024, %swap3A_1025], %gather3A_1022 {strides = array<i32>} : memref<26x32xi32, #tpu.memory_space<vmem>>, vector<16xi32>,
        %add3A_1027 = arith.constant 16 : i32
        %add3A_1028 = vector.broadcast %add3A_1027 : i32 to vector<16xi32>
        %add3A_1029 = arith.addi %iota3A, %add3A_1028 : vector<16xi32>
        %broadcast_in_dim3A_1030 = arith.constant 18 : i32
        %broadcast_in_dim3A_1031 = vector.broadcast %broadcast_in_dim3A_1030 : i32 to vector<16xi32>
        %gather3A_1032 = arith.constant 0 : i32
        %gather3A_1033 = arith.constant 0 : i32
        %gather3A_1034 = tpu.memref_slice %run_scoped3A[%rem3A_203, %gather3A_1032, %gather3A_1033] : memref<2x32x26xi32, #tpu.memory_space<vmem>> -> memref<1x32x26xi32, #tpu.memory_space<vmem>>
        %gather3A_1035 = tpu.memref_squeeze %gather3A_1034 : memref<1x32x26xi32, #tpu.memory_space<vmem>> -> memref<32x26xi32, #tpu.memory_space<vmem>>
        %gather3A_1036 = tpu.vector_load_idx %gather3A_1035[%add3A_1029, %broadcast_in_dim3A_1031] : memref<32x26xi32, #tpu.memory_space<vmem>>[vector<16xi32>, vector<16xi32>], vector<16xi32>,
        %swap3A_1037 = arith.constant 18 : i32
        %swap3A_1038 = arith.index_cast %swap3A_1037 : i32 to index
        %swap3A_1039 = arith.constant 16 : index
        %swap3A_1040 = tpu.vector_load %arg6[%swap3A_1038, %swap3A_1039] {strides = array<i32>} : memref<26x32xi32, #tpu.memory_space<vmem>>, vector<16xi32>,
        tpu.vector_store %arg6[%swap3A_1038, %swap3A_1039], %gather3A_1036 {strides = array<i32>} : memref<26x32xi32, #tpu.memory_space<vmem>>, vector<16xi32>,
        %dma_start3A_1041 = arith.constant 18 : i32
        %dma_start3A_1042 = arith.constant 18 : i32
        %dma_start3A_1043 = arith.constant 18 : i32
        %dma_start3A_1044 = arith.constant 0 : i32
        %dma_start3A_1045 = arith.constant 0 : i32
        %dma_start3A_1046 = tpu.memref_slice %arg10[%dma_start3A_1043, %dma_start3A_1044, %dma_start3A_1045] : memref<26x32x16xf32, #tpu.memory_space<vmem>> -> memref<1x32x16xf32, #tpu.memory_space<vmem>>
        %dma_start3A_1047 = tpu.memref_squeeze %dma_start3A_1046 : memref<1x32x16xf32, #tpu.memory_space<vmem>> -> memref<32x16xf32, #tpu.memory_space<vmem>>
        %dma_start3A_1048 = arith.constant 0 : i32
        %dma_start3A_1049 = tpu.memref_slice %arg6[%dma_start3A_1042, %dma_start3A_1048] : memref<26x32xi32, #tpu.memory_space<vmem>> -> memref<1x32xi32, #tpu.memory_space<vmem>>
        %dma_start3A_1050 = tpu.memref_squeeze %dma_start3A_1049 : memref<1x32xi32, #tpu.memory_space<vmem>> -> memref<32xi32, #tpu.memory_space<vmem>>
        %dma_start3A_1051 = arith.constant 0 : i32
        %dma_start3A_1052 = arith.constant 0 : i32
        %dma_start3A_1053 = tpu.memref_slice %arg3[%dma_start3A_1041, %dma_start3A_1051, %dma_start3A_1052] : memref<26x100000x16xf32, #tpu.memory_space<hbm>> -> memref<1x100000x16xf32, #tpu.memory_space<hbm>>
        %dma_start3A_1054 = tpu.memref_squeeze %dma_start3A_1053 : memref<1x100000x16xf32, #tpu.memory_space<hbm>> -> memref<100000x16xf32, #tpu.memory_space<hbm>>
        %dma_start3A_1055 = arith.constant 0 : i32
        %dma_start3A_1056 = arith.constant 0 : i32
        %dma_start3A_1057 = tpu.memref_slice %dma_start3A_1054[%dma_start3A_1055, %dma_start3A_1056] : memref<100000x16xf32, #tpu.memory_space<hbm>> -> memref<100000x16xf32, #tpu.memory_space<hbm>>
        tpu.enqueue_indirect_dma source(%dma_start3A_1057 : memref<100000x16xf32, #tpu.memory_space<hbm>>) target(%dma_start3A_1047 : memref<32x16xf32, #tpu.memory_space<vmem>>) offsets(%dma_start3A_1050 : memref<32xi32, #tpu.memory_space<vmem>>) semaphore(%arg11 : memref<!tpu.dma_semaphore, #tpu.memory_space<semaphore_mem>>)
        %add3A_1058 = arith.constant 0 : i32
        %add3A_1059 = vector.broadcast %add3A_1058 : i32 to vector<16xi32>
        %add3A_1060 = arith.addi %iota3A, %add3A_1059 : vector<16xi32>
        %broadcast_in_dim3A_1061 = arith.constant 19 : i32
        %broadcast_in_dim3A_1062 = vector.broadcast %broadcast_in_dim3A_1061 : i32 to vector<16xi32>
        %gather3A_1063 = arith.constant 0 : i32
        %gather3A_1064 = arith.constant 0 : i32
        %gather3A_1065 = tpu.memref_slice %run_scoped3A[%rem3A_203, %gather3A_1063, %gather3A_1064] : memref<2x32x26xi32, #tpu.memory_space<vmem>> -> memref<1x32x26xi32, #tpu.memory_space<vmem>>
        %gather3A_1066 = tpu.memref_squeeze %gather3A_1065 : memref<1x32x26xi32, #tpu.memory_space<vmem>> -> memref<32x26xi32, #tpu.memory_space<vmem>>
        %gather3A_1067 = tpu.vector_load_idx %gather3A_1066[%add3A_1060, %broadcast_in_dim3A_1062] : memref<32x26xi32, #tpu.memory_space<vmem>>[vector<16xi32>, vector<16xi32>], vector<16xi32>,
        %swap3A_1068 = arith.constant 19 : i32
        %swap3A_1069 = arith.index_cast %swap3A_1068 : i32 to index
        %swap3A_1070 = arith.constant 0 : index
        %swap3A_1071 = tpu.vector_load %arg6[%swap3A_1069, %swap3A_1070] {strides = array<i32>} : memref<26x32xi32, #tpu.memory_space<vmem>>, vector<16xi32>,
        tpu.vector_store %arg6[%swap3A_1069, %swap3A_1070], %gather3A_1067 {strides = array<i32>} : memref<26x32xi32, #tpu.memory_space<vmem>>, vector<16xi32>,
        %add3A_1072 = arith.constant 16 : i32
        %add3A_1073 = vector.broadcast %add3A_1072 : i32 to vector<16xi32>
        %add3A_1074 = arith.addi %iota3A, %add3A_1073 : vector<16xi32>
        %broadcast_in_dim3A_1075 = arith.constant 19 : i32
        %broadcast_in_dim3A_1076 = vector.broadcast %broadcast_in_dim3A_1075 : i32 to vector<16xi32>
        %gather3A_1077 = arith.constant 0 : i32
        %gather3A_1078 = arith.constant 0 : i32
        %gather3A_1079 = tpu.memref_slice %run_scoped3A[%rem3A_203, %gather3A_1077, %gather3A_1078] : memref<2x32x26xi32, #tpu.memory_space<vmem>> -> memref<1x32x26xi32, #tpu.memory_space<vmem>>
        %gather3A_1080 = tpu.memref_squeeze %gather3A_1079 : memref<1x32x26xi32, #tpu.memory_space<vmem>> -> memref<32x26xi32, #tpu.memory_space<vmem>>
        %gather3A_1081 = tpu.vector_load_idx %gather3A_1080[%add3A_1074, %broadcast_in_dim3A_1076] : memref<32x26xi32, #tpu.memory_space<vmem>>[vector<16xi32>, vector<16xi32>], vector<16xi32>,
        %swap3A_1082 = arith.constant 19 : i32
        %swap3A_1083 = arith.index_cast %swap3A_1082 : i32 to index
        %swap3A_1084 = arith.constant 16 : index
        %swap3A_1085 = tpu.vector_load %arg6[%swap3A_1083, %swap3A_1084] {strides = array<i32>} : memref<26x32xi32, #tpu.memory_space<vmem>>, vector<16xi32>,
        tpu.vector_store %arg6[%swap3A_1083, %swap3A_1084], %gather3A_1081 {strides = array<i32>} : memref<26x32xi32, #tpu.memory_space<vmem>>, vector<16xi32>,
        %dma_start3A_1086 = arith.constant 19 : i32
        %dma_start3A_1087 = arith.constant 19 : i32
        %dma_start3A_1088 = arith.constant 19 : i32
        %dma_start3A_1089 = arith.constant 0 : i32
        %dma_start3A_1090 = arith.constant 0 : i32
        %dma_start3A_1091 = tpu.memref_slice %arg10[%dma_start3A_1088, %dma_start3A_1089, %dma_start3A_1090] : memref<26x32x16xf32, #tpu.memory_space<vmem>> -> memref<1x32x16xf32, #tpu.memory_space<vmem>>
        %dma_start3A_1092 = tpu.memref_squeeze %dma_start3A_1091 : memref<1x32x16xf32, #tpu.memory_space<vmem>> -> memref<32x16xf32, #tpu.memory_space<vmem>>
        %dma_start3A_1093 = arith.constant 0 : i32
        %dma_start3A_1094 = tpu.memref_slice %arg6[%dma_start3A_1087, %dma_start3A_1093] : memref<26x32xi32, #tpu.memory_space<vmem>> -> memref<1x32xi32, #tpu.memory_space<vmem>>
        %dma_start3A_1095 = tpu.memref_squeeze %dma_start3A_1094 : memref<1x32xi32, #tpu.memory_space<vmem>> -> memref<32xi32, #tpu.memory_space<vmem>>
        %dma_start3A_1096 = arith.constant 0 : i32
        %dma_start3A_1097 = arith.constant 0 : i32
        %dma_start3A_1098 = tpu.memref_slice %arg3[%dma_start3A_1086, %dma_start3A_1096, %dma_start3A_1097] : memref<26x100000x16xf32, #tpu.memory_space<hbm>> -> memref<1x100000x16xf32, #tpu.memory_space<hbm>>
        %dma_start3A_1099 = tpu.memref_squeeze %dma_start3A_1098 : memref<1x100000x16xf32, #tpu.memory_space<hbm>> -> memref<100000x16xf32, #tpu.memory_space<hbm>>
        %dma_start3A_1100 = arith.constant 0 : i32
        %dma_start3A_1101 = arith.constant 0 : i32
        %dma_start3A_1102 = tpu.memref_slice %dma_start3A_1099[%dma_start3A_1100, %dma_start3A_1101] : memref<100000x16xf32, #tpu.memory_space<hbm>> -> memref<100000x16xf32, #tpu.memory_space<hbm>>
        tpu.enqueue_indirect_dma source(%dma_start3A_1102 : memref<100000x16xf32, #tpu.memory_space<hbm>>) target(%dma_start3A_1092 : memref<32x16xf32, #tpu.memory_space<vmem>>) offsets(%dma_start3A_1095 : memref<32xi32, #tpu.memory_space<vmem>>) semaphore(%arg11 : memref<!tpu.dma_semaphore, #tpu.memory_space<semaphore_mem>>)
        %add3A_1103 = arith.constant 0 : i32
        %add3A_1104 = vector.broadcast %add3A_1103 : i32 to vector<16xi32>
        %add3A_1105 = arith.addi %iota3A, %add3A_1104 : vector<16xi32>
        %broadcast_in_dim3A_1106 = arith.constant 20 : i32
        %broadcast_in_dim3A_1107 = vector.broadcast %broadcast_in_dim3A_1106 : i32 to vector<16xi32>
        %gather3A_1108 = arith.constant 0 : i32
        %gather3A_1109 = arith.constant 0 : i32
        %gather3A_1110 = tpu.memref_slice %run_scoped3A[%rem3A_203, %gather3A_1108, %gather3A_1109] : memref<2x32x26xi32, #tpu.memory_space<vmem>> -> memref<1x32x26xi32, #tpu.memory_space<vmem>>
        %gather3A_1111 = tpu.memref_squeeze %gather3A_1110 : memref<1x32x26xi32, #tpu.memory_space<vmem>> -> memref<32x26xi32, #tpu.memory_space<vmem>>
        %gather3A_1112 = tpu.vector_load_idx %gather3A_1111[%add3A_1105, %broadcast_in_dim3A_1107] : memref<32x26xi32, #tpu.memory_space<vmem>>[vector<16xi32>, vector<16xi32>], vector<16xi32>,
        %swap3A_1113 = arith.constant 20 : i32
        %swap3A_1114 = arith.index_cast %swap3A_1113 : i32 to index
        %swap3A_1115 = arith.constant 0 : index
        %swap3A_1116 = tpu.vector_load %arg6[%swap3A_1114, %swap3A_1115] {strides = array<i32>} : memref<26x32xi32, #tpu.memory_space<vmem>>, vector<16xi32>,
        tpu.vector_store %arg6[%swap3A_1114, %swap3A_1115], %gather3A_1112 {strides = array<i32>} : memref<26x32xi32, #tpu.memory_space<vmem>>, vector<16xi32>,
        %add3A_1117 = arith.constant 16 : i32
        %add3A_1118 = vector.broadcast %add3A_1117 : i32 to vector<16xi32>
        %add3A_1119 = arith.addi %iota3A, %add3A_1118 : vector<16xi32>
        %broadcast_in_dim3A_1120 = arith.constant 20 : i32
        %broadcast_in_dim3A_1121 = vector.broadcast %broadcast_in_dim3A_1120 : i32 to vector<16xi32>
        %gather3A_1122 = arith.constant 0 : i32
        %gather3A_1123 = arith.constant 0 : i32
        %gather3A_1124 = tpu.memref_slice %run_scoped3A[%rem3A_203, %gather3A_1122, %gather3A_1123] : memref<2x32x26xi32, #tpu.memory_space<vmem>> -> memref<1x32x26xi32, #tpu.memory_space<vmem>>
        %gather3A_1125 = tpu.memref_squeeze %gather3A_1124 : memref<1x32x26xi32, #tpu.memory_space<vmem>> -> memref<32x26xi32, #tpu.memory_space<vmem>>
        %gather3A_1126 = tpu.vector_load_idx %gather3A_1125[%add3A_1119, %broadcast_in_dim3A_1121] : memref<32x26xi32, #tpu.memory_space<vmem>>[vector<16xi32>, vector<16xi32>], vector<16xi32>,
        %swap3A_1127 = arith.constant 20 : i32
        %swap3A_1128 = arith.index_cast %swap3A_1127 : i32 to index
        %swap3A_1129 = arith.constant 16 : index
        %swap3A_1130 = tpu.vector_load %arg6[%swap3A_1128, %swap3A_1129] {strides = array<i32>} : memref<26x32xi32, #tpu.memory_space<vmem>>, vector<16xi32>,
        tpu.vector_store %arg6[%swap3A_1128, %swap3A_1129], %gather3A_1126 {strides = array<i32>} : memref<26x32xi32, #tpu.memory_space<vmem>>, vector<16xi32>,
        %dma_start3A_1131 = arith.constant 20 : i32
        %dma_start3A_1132 = arith.constant 20 : i32
        %dma_start3A_1133 = arith.constant 20 : i32
        %dma_start3A_1134 = arith.constant 0 : i32
        %dma_start3A_1135 = arith.constant 0 : i32
        %dma_start3A_1136 = tpu.memref_slice %arg10[%dma_start3A_1133, %dma_start3A_1134, %dma_start3A_1135] : memref<26x32x16xf32, #tpu.memory_space<vmem>> -> memref<1x32x16xf32, #tpu.memory_space<vmem>>
        %dma_start3A_1137 = tpu.memref_squeeze %dma_start3A_1136 : memref<1x32x16xf32, #tpu.memory_space<vmem>> -> memref<32x16xf32, #tpu.memory_space<vmem>>
        %dma_start3A_1138 = arith.constant 0 : i32
        %dma_start3A_1139 = tpu.memref_slice %arg6[%dma_start3A_1132, %dma_start3A_1138] : memref<26x32xi32, #tpu.memory_space<vmem>> -> memref<1x32xi32, #tpu.memory_space<vmem>>
        %dma_start3A_1140 = tpu.memref_squeeze %dma_start3A_1139 : memref<1x32xi32, #tpu.memory_space<vmem>> -> memref<32xi32, #tpu.memory_space<vmem>>
        %dma_start3A_1141 = arith.constant 0 : i32
        %dma_start3A_1142 = arith.constant 0 : i32
        %dma_start3A_1143 = tpu.memref_slice %arg3[%dma_start3A_1131, %dma_start3A_1141, %dma_start3A_1142] : memref<26x100000x16xf32, #tpu.memory_space<hbm>> -> memref<1x100000x16xf32, #tpu.memory_space<hbm>>
        %dma_start3A_1144 = tpu.memref_squeeze %dma_start3A_1143 : memref<1x100000x16xf32, #tpu.memory_space<hbm>> -> memref<100000x16xf32, #tpu.memory_space<hbm>>
        %dma_start3A_1145 = arith.constant 0 : i32
        %dma_start3A_1146 = arith.constant 0 : i32
        %dma_start3A_1147 = tpu.memref_slice %dma_start3A_1144[%dma_start3A_1145, %dma_start3A_1146] : memref<100000x16xf32, #tpu.memory_space<hbm>> -> memref<100000x16xf32, #tpu.memory_space<hbm>>
        tpu.enqueue_indirect_dma source(%dma_start3A_1147 : memref<100000x16xf32, #tpu.memory_space<hbm>>) target(%dma_start3A_1137 : memref<32x16xf32, #tpu.memory_space<vmem>>) offsets(%dma_start3A_1140 : memref<32xi32, #tpu.memory_space<vmem>>) semaphore(%arg11 : memref<!tpu.dma_semaphore, #tpu.memory_space<semaphore_mem>>)
        %add3A_1148 = arith.constant 0 : i32
        %add3A_1149 = vector.broadcast %add3A_1148 : i32 to vector<16xi32>
        %add3A_1150 = arith.addi %iota3A, %add3A_1149 : vector<16xi32>
        %broadcast_in_dim3A_1151 = arith.constant 21 : i32
        %broadcast_in_dim3A_1152 = vector.broadcast %broadcast_in_dim3A_1151 : i32 to vector<16xi32>
        %gather3A_1153 = arith.constant 0 : i32
        %gather3A_1154 = arith.constant 0 : i32
        %gather3A_1155 = tpu.memref_slice %run_scoped3A[%rem3A_203, %gather3A_1153, %gather3A_1154] : memref<2x32x26xi32, #tpu.memory_space<vmem>> -> memref<1x32x26xi32, #tpu.memory_space<vmem>>
        %gather3A_1156 = tpu.memref_squeeze %gather3A_1155 : memref<1x32x26xi32, #tpu.memory_space<vmem>> -> memref<32x26xi32, #tpu.memory_space<vmem>>
        %gather3A_1157 = tpu.vector_load_idx %gather3A_1156[%add3A_1150, %broadcast_in_dim3A_1152] : memref<32x26xi32, #tpu.memory_space<vmem>>[vector<16xi32>, vector<16xi32>], vector<16xi32>,
        %swap3A_1158 = arith.constant 21 : i32
        %swap3A_1159 = arith.index_cast %swap3A_1158 : i32 to index
        %swap3A_1160 = arith.constant 0 : index
        %swap3A_1161 = tpu.vector_load %arg6[%swap3A_1159, %swap3A_1160] {strides = array<i32>} : memref<26x32xi32, #tpu.memory_space<vmem>>, vector<16xi32>,
        tpu.vector_store %arg6[%swap3A_1159, %swap3A_1160], %gather3A_1157 {strides = array<i32>} : memref<26x32xi32, #tpu.memory_space<vmem>>, vector<16xi32>,
        %add3A_1162 = arith.constant 16 : i32
        %add3A_1163 = vector.broadcast %add3A_1162 : i32 to vector<16xi32>
        %add3A_1164 = arith.addi %iota3A, %add3A_1163 : vector<16xi32>
        %broadcast_in_dim3A_1165 = arith.constant 21 : i32
        %broadcast_in_dim3A_1166 = vector.broadcast %broadcast_in_dim3A_1165 : i32 to vector<16xi32>
        %gather3A_1167 = arith.constant 0 : i32
        %gather3A_1168 = arith.constant 0 : i32
        %gather3A_1169 = tpu.memref_slice %run_scoped3A[%rem3A_203, %gather3A_1167, %gather3A_1168] : memref<2x32x26xi32, #tpu.memory_space<vmem>> -> memref<1x32x26xi32, #tpu.memory_space<vmem>>
        %gather3A_1170 = tpu.memref_squeeze %gather3A_1169 : memref<1x32x26xi32, #tpu.memory_space<vmem>> -> memref<32x26xi32, #tpu.memory_space<vmem>>
        %gather3A_1171 = tpu.vector_load_idx %gather3A_1170[%add3A_1164, %broadcast_in_dim3A_1166] : memref<32x26xi32, #tpu.memory_space<vmem>>[vector<16xi32>, vector<16xi32>], vector<16xi32>,
        %swap3A_1172 = arith.constant 21 : i32
        %swap3A_1173 = arith.index_cast %swap3A_1172 : i32 to index
        %swap3A_1174 = arith.constant 16 : index
        %swap3A_1175 = tpu.vector_load %arg6[%swap3A_1173, %swap3A_1174] {strides = array<i32>} : memref<26x32xi32, #tpu.memory_space<vmem>>, vector<16xi32>,
        tpu.vector_store %arg6[%swap3A_1173, %swap3A_1174], %gather3A_1171 {strides = array<i32>} : memref<26x32xi32, #tpu.memory_space<vmem>>, vector<16xi32>,
        %dma_start3A_1176 = arith.constant 21 : i32
        %dma_start3A_1177 = arith.constant 21 : i32
        %dma_start3A_1178 = arith.constant 21 : i32
        %dma_start3A_1179 = arith.constant 0 : i32
        %dma_start3A_1180 = arith.constant 0 : i32
        %dma_start3A_1181 = tpu.memref_slice %arg10[%dma_start3A_1178, %dma_start3A_1179, %dma_start3A_1180] : memref<26x32x16xf32, #tpu.memory_space<vmem>> -> memref<1x32x16xf32, #tpu.memory_space<vmem>>
        %dma_start3A_1182 = tpu.memref_squeeze %dma_start3A_1181 : memref<1x32x16xf32, #tpu.memory_space<vmem>> -> memref<32x16xf32, #tpu.memory_space<vmem>>
        %dma_start3A_1183 = arith.constant 0 : i32
        %dma_start3A_1184 = tpu.memref_slice %arg6[%dma_start3A_1177, %dma_start3A_1183] : memref<26x32xi32, #tpu.memory_space<vmem>> -> memref<1x32xi32, #tpu.memory_space<vmem>>
        %dma_start3A_1185 = tpu.memref_squeeze %dma_start3A_1184 : memref<1x32xi32, #tpu.memory_space<vmem>> -> memref<32xi32, #tpu.memory_space<vmem>>
        %dma_start3A_1186 = arith.constant 0 : i32
        %dma_start3A_1187 = arith.constant 0 : i32
        %dma_start3A_1188 = tpu.memref_slice %arg3[%dma_start3A_1176, %dma_start3A_1186, %dma_start3A_1187] : memref<26x100000x16xf32, #tpu.memory_space<hbm>> -> memref<1x100000x16xf32, #tpu.memory_space<hbm>>
        %dma_start3A_1189 = tpu.memref_squeeze %dma_start3A_1188 : memref<1x100000x16xf32, #tpu.memory_space<hbm>> -> memref<100000x16xf32, #tpu.memory_space<hbm>>
        %dma_start3A_1190 = arith.constant 0 : i32
        %dma_start3A_1191 = arith.constant 0 : i32
        %dma_start3A_1192 = tpu.memref_slice %dma_start3A_1189[%dma_start3A_1190, %dma_start3A_1191] : memref<100000x16xf32, #tpu.memory_space<hbm>> -> memref<100000x16xf32, #tpu.memory_space<hbm>>
        tpu.enqueue_indirect_dma source(%dma_start3A_1192 : memref<100000x16xf32, #tpu.memory_space<hbm>>) target(%dma_start3A_1182 : memref<32x16xf32, #tpu.memory_space<vmem>>) offsets(%dma_start3A_1185 : memref<32xi32, #tpu.memory_space<vmem>>) semaphore(%arg11 : memref<!tpu.dma_semaphore, #tpu.memory_space<semaphore_mem>>)
        %add3A_1193 = arith.constant 0 : i32
        %add3A_1194 = vector.broadcast %add3A_1193 : i32 to vector<16xi32>
        %add3A_1195 = arith.addi %iota3A, %add3A_1194 : vector<16xi32>
        %broadcast_in_dim3A_1196 = arith.constant 22 : i32
        %broadcast_in_dim3A_1197 = vector.broadcast %broadcast_in_dim3A_1196 : i32 to vector<16xi32>
        %gather3A_1198 = arith.constant 0 : i32
        %gather3A_1199 = arith.constant 0 : i32
        %gather3A_1200 = tpu.memref_slice %run_scoped3A[%rem3A_203, %gather3A_1198, %gather3A_1199] : memref<2x32x26xi32, #tpu.memory_space<vmem>> -> memref<1x32x26xi32, #tpu.memory_space<vmem>>
        %gather3A_1201 = tpu.memref_squeeze %gather3A_1200 : memref<1x32x26xi32, #tpu.memory_space<vmem>> -> memref<32x26xi32, #tpu.memory_space<vmem>>
        %gather3A_1202 = tpu.vector_load_idx %gather3A_1201[%add3A_1195, %broadcast_in_dim3A_1197] : memref<32x26xi32, #tpu.memory_space<vmem>>[vector<16xi32>, vector<16xi32>], vector<16xi32>,
        %swap3A_1203 = arith.constant 22 : i32
        %swap3A_1204 = arith.index_cast %swap3A_1203 : i32 to index
        %swap3A_1205 = arith.constant 0 : index
        %swap3A_1206 = tpu.vector_load %arg6[%swap3A_1204, %swap3A_1205] {strides = array<i32>} : memref<26x32xi32, #tpu.memory_space<vmem>>, vector<16xi32>,
        tpu.vector_store %arg6[%swap3A_1204, %swap3A_1205], %gather3A_1202 {strides = array<i32>} : memref<26x32xi32, #tpu.memory_space<vmem>>, vector<16xi32>,
        %add3A_1207 = arith.constant 16 : i32
        %add3A_1208 = vector.broadcast %add3A_1207 : i32 to vector<16xi32>
        %add3A_1209 = arith.addi %iota3A, %add3A_1208 : vector<16xi32>
        %broadcast_in_dim3A_1210 = arith.constant 22 : i32
        %broadcast_in_dim3A_1211 = vector.broadcast %broadcast_in_dim3A_1210 : i32 to vector<16xi32>
        %gather3A_1212 = arith.constant 0 : i32
        %gather3A_1213 = arith.constant 0 : i32
        %gather3A_1214 = tpu.memref_slice %run_scoped3A[%rem3A_203, %gather3A_1212, %gather3A_1213] : memref<2x32x26xi32, #tpu.memory_space<vmem>> -> memref<1x32x26xi32, #tpu.memory_space<vmem>>
        %gather3A_1215 = tpu.memref_squeeze %gather3A_1214 : memref<1x32x26xi32, #tpu.memory_space<vmem>> -> memref<32x26xi32, #tpu.memory_space<vmem>>
        %gather3A_1216 = tpu.vector_load_idx %gather3A_1215[%add3A_1209, %broadcast_in_dim3A_1211] : memref<32x26xi32, #tpu.memory_space<vmem>>[vector<16xi32>, vector<16xi32>], vector<16xi32>,
        %swap3A_1217 = arith.constant 22 : i32
        %swap3A_1218 = arith.index_cast %swap3A_1217 : i32 to index
        %swap3A_1219 = arith.constant 16 : index
        %swap3A_1220 = tpu.vector_load %arg6[%swap3A_1218, %swap3A_1219] {strides = array<i32>} : memref<26x32xi32, #tpu.memory_space<vmem>>, vector<16xi32>,
        tpu.vector_store %arg6[%swap3A_1218, %swap3A_1219], %gather3A_1216 {strides = array<i32>} : memref<26x32xi32, #tpu.memory_space<vmem>>, vector<16xi32>,
        %dma_start3A_1221 = arith.constant 22 : i32
        %dma_start3A_1222 = arith.constant 22 : i32
        %dma_start3A_1223 = arith.constant 22 : i32
        %dma_start3A_1224 = arith.constant 0 : i32
        %dma_start3A_1225 = arith.constant 0 : i32
        %dma_start3A_1226 = tpu.memref_slice %arg10[%dma_start3A_1223, %dma_start3A_1224, %dma_start3A_1225] : memref<26x32x16xf32, #tpu.memory_space<vmem>> -> memref<1x32x16xf32, #tpu.memory_space<vmem>>
        %dma_start3A_1227 = tpu.memref_squeeze %dma_start3A_1226 : memref<1x32x16xf32, #tpu.memory_space<vmem>> -> memref<32x16xf32, #tpu.memory_space<vmem>>
        %dma_start3A_1228 = arith.constant 0 : i32
        %dma_start3A_1229 = tpu.memref_slice %arg6[%dma_start3A_1222, %dma_start3A_1228] : memref<26x32xi32, #tpu.memory_space<vmem>> -> memref<1x32xi32, #tpu.memory_space<vmem>>
        %dma_start3A_1230 = tpu.memref_squeeze %dma_start3A_1229 : memref<1x32xi32, #tpu.memory_space<vmem>> -> memref<32xi32, #tpu.memory_space<vmem>>
        %dma_start3A_1231 = arith.constant 0 : i32
        %dma_start3A_1232 = arith.constant 0 : i32
        %dma_start3A_1233 = tpu.memref_slice %arg3[%dma_start3A_1221, %dma_start3A_1231, %dma_start3A_1232] : memref<26x100000x16xf32, #tpu.memory_space<hbm>> -> memref<1x100000x16xf32, #tpu.memory_space<hbm>>
        %dma_start3A_1234 = tpu.memref_squeeze %dma_start3A_1233 : memref<1x100000x16xf32, #tpu.memory_space<hbm>> -> memref<100000x16xf32, #tpu.memory_space<hbm>>
        %dma_start3A_1235 = arith.constant 0 : i32
        %dma_start3A_1236 = arith.constant 0 : i32
        %dma_start3A_1237 = tpu.memref_slice %dma_start3A_1234[%dma_start3A_1235, %dma_start3A_1236] : memref<100000x16xf32, #tpu.memory_space<hbm>> -> memref<100000x16xf32, #tpu.memory_space<hbm>>
        tpu.enqueue_indirect_dma source(%dma_start3A_1237 : memref<100000x16xf32, #tpu.memory_space<hbm>>) target(%dma_start3A_1227 : memref<32x16xf32, #tpu.memory_space<vmem>>) offsets(%dma_start3A_1230 : memref<32xi32, #tpu.memory_space<vmem>>) semaphore(%arg11 : memref<!tpu.dma_semaphore, #tpu.memory_space<semaphore_mem>>)
        %add3A_1238 = arith.constant 0 : i32
        %add3A_1239 = vector.broadcast %add3A_1238 : i32 to vector<16xi32>
        %add3A_1240 = arith.addi %iota3A, %add3A_1239 : vector<16xi32>
        %broadcast_in_dim3A_1241 = arith.constant 23 : i32
        %broadcast_in_dim3A_1242 = vector.broadcast %broadcast_in_dim3A_1241 : i32 to vector<16xi32>
        %gather3A_1243 = arith.constant 0 : i32
        %gather3A_1244 = arith.constant 0 : i32
        %gather3A_1245 = tpu.memref_slice %run_scoped3A[%rem3A_203, %gather3A_1243, %gather3A_1244] : memref<2x32x26xi32, #tpu.memory_space<vmem>> -> memref<1x32x26xi32, #tpu.memory_space<vmem>>
        %gather3A_1246 = tpu.memref_squeeze %gather3A_1245 : memref<1x32x26xi32, #tpu.memory_space<vmem>> -> memref<32x26xi32, #tpu.memory_space<vmem>>
        %gather3A_1247 = tpu.vector_load_idx %gather3A_1246[%add3A_1240, %broadcast_in_dim3A_1242] : memref<32x26xi32, #tpu.memory_space<vmem>>[vector<16xi32>, vector<16xi32>], vector<16xi32>,
        %swap3A_1248 = arith.constant 23 : i32
        %swap3A_1249 = arith.index_cast %swap3A_1248 : i32 to index
        %swap3A_1250 = arith.constant 0 : index
        %swap3A_1251 = tpu.vector_load %arg6[%swap3A_1249, %swap3A_1250] {strides = array<i32>} : memref<26x32xi32, #tpu.memory_space<vmem>>, vector<16xi32>,
        tpu.vector_store %arg6[%swap3A_1249, %swap3A_1250], %gather3A_1247 {strides = array<i32>} : memref<26x32xi32, #tpu.memory_space<vmem>>, vector<16xi32>,
        %add3A_1252 = arith.constant 16 : i32
        %add3A_1253 = vector.broadcast %add3A_1252 : i32 to vector<16xi32>
        %add3A_1254 = arith.addi %iota3A, %add3A_1253 : vector<16xi32>
        %broadcast_in_dim3A_1255 = arith.constant 23 : i32
        %broadcast_in_dim3A_1256 = vector.broadcast %broadcast_in_dim3A_1255 : i32 to vector<16xi32>
        %gather3A_1257 = arith.constant 0 : i32
        %gather3A_1258 = arith.constant 0 : i32
        %gather3A_1259 = tpu.memref_slice %run_scoped3A[%rem3A_203, %gather3A_1257, %gather3A_1258] : memref<2x32x26xi32, #tpu.memory_space<vmem>> -> memref<1x32x26xi32, #tpu.memory_space<vmem>>
        %gather3A_1260 = tpu.memref_squeeze %gather3A_1259 : memref<1x32x26xi32, #tpu.memory_space<vmem>> -> memref<32x26xi32, #tpu.memory_space<vmem>>
        %gather3A_1261 = tpu.vector_load_idx %gather3A_1260[%add3A_1254, %broadcast_in_dim3A_1256] : memref<32x26xi32, #tpu.memory_space<vmem>>[vector<16xi32>, vector<16xi32>], vector<16xi32>,
        %swap3A_1262 = arith.constant 23 : i32
        %swap3A_1263 = arith.index_cast %swap3A_1262 : i32 to index
        %swap3A_1264 = arith.constant 16 : index
        %swap3A_1265 = tpu.vector_load %arg6[%swap3A_1263, %swap3A_1264] {strides = array<i32>} : memref<26x32xi32, #tpu.memory_space<vmem>>, vector<16xi32>,
        tpu.vector_store %arg6[%swap3A_1263, %swap3A_1264], %gather3A_1261 {strides = array<i32>} : memref<26x32xi32, #tpu.memory_space<vmem>>, vector<16xi32>,
        %dma_start3A_1266 = arith.constant 23 : i32
        %dma_start3A_1267 = arith.constant 23 : i32
        %dma_start3A_1268 = arith.constant 23 : i32
        %dma_start3A_1269 = arith.constant 0 : i32
        %dma_start3A_1270 = arith.constant 0 : i32
        %dma_start3A_1271 = tpu.memref_slice %arg10[%dma_start3A_1268, %dma_start3A_1269, %dma_start3A_1270] : memref<26x32x16xf32, #tpu.memory_space<vmem>> -> memref<1x32x16xf32, #tpu.memory_space<vmem>>
        %dma_start3A_1272 = tpu.memref_squeeze %dma_start3A_1271 : memref<1x32x16xf32, #tpu.memory_space<vmem>> -> memref<32x16xf32, #tpu.memory_space<vmem>>
        %dma_start3A_1273 = arith.constant 0 : i32
        %dma_start3A_1274 = tpu.memref_slice %arg6[%dma_start3A_1267, %dma_start3A_1273] : memref<26x32xi32, #tpu.memory_space<vmem>> -> memref<1x32xi32, #tpu.memory_space<vmem>>
        %dma_start3A_1275 = tpu.memref_squeeze %dma_start3A_1274 : memref<1x32xi32, #tpu.memory_space<vmem>> -> memref<32xi32, #tpu.memory_space<vmem>>
        %dma_start3A_1276 = arith.constant 0 : i32
        %dma_start3A_1277 = arith.constant 0 : i32
        %dma_start3A_1278 = tpu.memref_slice %arg3[%dma_start3A_1266, %dma_start3A_1276, %dma_start3A_1277] : memref<26x100000x16xf32, #tpu.memory_space<hbm>> -> memref<1x100000x16xf32, #tpu.memory_space<hbm>>
        %dma_start3A_1279 = tpu.memref_squeeze %dma_start3A_1278 : memref<1x100000x16xf32, #tpu.memory_space<hbm>> -> memref<100000x16xf32, #tpu.memory_space<hbm>>
        %dma_start3A_1280 = arith.constant 0 : i32
        %dma_start3A_1281 = arith.constant 0 : i32
        %dma_start3A_1282 = tpu.memref_slice %dma_start3A_1279[%dma_start3A_1280, %dma_start3A_1281] : memref<100000x16xf32, #tpu.memory_space<hbm>> -> memref<100000x16xf32, #tpu.memory_space<hbm>>
        tpu.enqueue_indirect_dma source(%dma_start3A_1282 : memref<100000x16xf32, #tpu.memory_space<hbm>>) target(%dma_start3A_1272 : memref<32x16xf32, #tpu.memory_space<vmem>>) offsets(%dma_start3A_1275 : memref<32xi32, #tpu.memory_space<vmem>>) semaphore(%arg11 : memref<!tpu.dma_semaphore, #tpu.memory_space<semaphore_mem>>)
        %add3A_1283 = arith.constant 0 : i32
        %add3A_1284 = vector.broadcast %add3A_1283 : i32 to vector<16xi32>
        %add3A_1285 = arith.addi %iota3A, %add3A_1284 : vector<16xi32>
        %broadcast_in_dim3A_1286 = arith.constant 24 : i32
        %broadcast_in_dim3A_1287 = vector.broadcast %broadcast_in_dim3A_1286 : i32 to vector<16xi32>
        %gather3A_1288 = arith.constant 0 : i32
        %gather3A_1289 = arith.constant 0 : i32
        %gather3A_1290 = tpu.memref_slice %run_scoped3A[%rem3A_203, %gather3A_1288, %gather3A_1289] : memref<2x32x26xi32, #tpu.memory_space<vmem>> -> memref<1x32x26xi32, #tpu.memory_space<vmem>>
        %gather3A_1291 = tpu.memref_squeeze %gather3A_1290 : memref<1x32x26xi32, #tpu.memory_space<vmem>> -> memref<32x26xi32, #tpu.memory_space<vmem>>
        %gather3A_1292 = tpu.vector_load_idx %gather3A_1291[%add3A_1285, %broadcast_in_dim3A_1287] : memref<32x26xi32, #tpu.memory_space<vmem>>[vector<16xi32>, vector<16xi32>], vector<16xi32>,
        %swap3A_1293 = arith.constant 24 : i32
        %swap3A_1294 = arith.index_cast %swap3A_1293 : i32 to index
        %swap3A_1295 = arith.constant 0 : index
        %swap3A_1296 = tpu.vector_load %arg6[%swap3A_1294, %swap3A_1295] {strides = array<i32>} : memref<26x32xi32, #tpu.memory_space<vmem>>, vector<16xi32>,
        tpu.vector_store %arg6[%swap3A_1294, %swap3A_1295], %gather3A_1292 {strides = array<i32>} : memref<26x32xi32, #tpu.memory_space<vmem>>, vector<16xi32>,
        %add3A_1297 = arith.constant 16 : i32
        %add3A_1298 = vector.broadcast %add3A_1297 : i32 to vector<16xi32>
        %add3A_1299 = arith.addi %iota3A, %add3A_1298 : vector<16xi32>
        %broadcast_in_dim3A_1300 = arith.constant 24 : i32
        %broadcast_in_dim3A_1301 = vector.broadcast %broadcast_in_dim3A_1300 : i32 to vector<16xi32>
        %gather3A_1302 = arith.constant 0 : i32
        %gather3A_1303 = arith.constant 0 : i32
        %gather3A_1304 = tpu.memref_slice %run_scoped3A[%rem3A_203, %gather3A_1302, %gather3A_1303] : memref<2x32x26xi32, #tpu.memory_space<vmem>> -> memref<1x32x26xi32, #tpu.memory_space<vmem>>
        %gather3A_1305 = tpu.memref_squeeze %gather3A_1304 : memref<1x32x26xi32, #tpu.memory_space<vmem>> -> memref<32x26xi32, #tpu.memory_space<vmem>>
        %gather3A_1306 = tpu.vector_load_idx %gather3A_1305[%add3A_1299, %broadcast_in_dim3A_1301] : memref<32x26xi32, #tpu.memory_space<vmem>>[vector<16xi32>, vector<16xi32>], vector<16xi32>,
        %swap3A_1307 = arith.constant 24 : i32
        %swap3A_1308 = arith.index_cast %swap3A_1307 : i32 to index
        %swap3A_1309 = arith.constant 16 : index
        %swap3A_1310 = tpu.vector_load %arg6[%swap3A_1308, %swap3A_1309] {strides = array<i32>} : memref<26x32xi32, #tpu.memory_space<vmem>>, vector<16xi32>,
        tpu.vector_store %arg6[%swap3A_1308, %swap3A_1309], %gather3A_1306 {strides = array<i32>} : memref<26x32xi32, #tpu.memory_space<vmem>>, vector<16xi32>,
        %dma_start3A_1311 = arith.constant 24 : i32
        %dma_start3A_1312 = arith.constant 24 : i32
        %dma_start3A_1313 = arith.constant 24 : i32
        %dma_start3A_1314 = arith.constant 0 : i32
        %dma_start3A_1315 = arith.constant 0 : i32
        %dma_start3A_1316 = tpu.memref_slice %arg10[%dma_start3A_1313, %dma_start3A_1314, %dma_start3A_1315] : memref<26x32x16xf32, #tpu.memory_space<vmem>> -> memref<1x32x16xf32, #tpu.memory_space<vmem>>
        %dma_start3A_1317 = tpu.memref_squeeze %dma_start3A_1316 : memref<1x32x16xf32, #tpu.memory_space<vmem>> -> memref<32x16xf32, #tpu.memory_space<vmem>>
        %dma_start3A_1318 = arith.constant 0 : i32
        %dma_start3A_1319 = tpu.memref_slice %arg6[%dma_start3A_1312, %dma_start3A_1318] : memref<26x32xi32, #tpu.memory_space<vmem>> -> memref<1x32xi32, #tpu.memory_space<vmem>>
        %dma_start3A_1320 = tpu.memref_squeeze %dma_start3A_1319 : memref<1x32xi32, #tpu.memory_space<vmem>> -> memref<32xi32, #tpu.memory_space<vmem>>
        %dma_start3A_1321 = arith.constant 0 : i32
        %dma_start3A_1322 = arith.constant 0 : i32
        %dma_start3A_1323 = tpu.memref_slice %arg3[%dma_start3A_1311, %dma_start3A_1321, %dma_start3A_1322] : memref<26x100000x16xf32, #tpu.memory_space<hbm>> -> memref<1x100000x16xf32, #tpu.memory_space<hbm>>
        %dma_start3A_1324 = tpu.memref_squeeze %dma_start3A_1323 : memref<1x100000x16xf32, #tpu.memory_space<hbm>> -> memref<100000x16xf32, #tpu.memory_space<hbm>>
        %dma_start3A_1325 = arith.constant 0 : i32
        %dma_start3A_1326 = arith.constant 0 : i32
        %dma_start3A_1327 = tpu.memref_slice %dma_start3A_1324[%dma_start3A_1325, %dma_start3A_1326] : memref<100000x16xf32, #tpu.memory_space<hbm>> -> memref<100000x16xf32, #tpu.memory_space<hbm>>
        tpu.enqueue_indirect_dma source(%dma_start3A_1327 : memref<100000x16xf32, #tpu.memory_space<hbm>>) target(%dma_start3A_1317 : memref<32x16xf32, #tpu.memory_space<vmem>>) offsets(%dma_start3A_1320 : memref<32xi32, #tpu.memory_space<vmem>>) semaphore(%arg11 : memref<!tpu.dma_semaphore, #tpu.memory_space<semaphore_mem>>)
        %add3A_1328 = arith.constant 0 : i32
        %add3A_1329 = vector.broadcast %add3A_1328 : i32 to vector<16xi32>
        %add3A_1330 = arith.addi %iota3A, %add3A_1329 : vector<16xi32>
        %broadcast_in_dim3A_1331 = arith.constant 25 : i32
        %broadcast_in_dim3A_1332 = vector.broadcast %broadcast_in_dim3A_1331 : i32 to vector<16xi32>
        %gather3A_1333 = arith.constant 0 : i32
        %gather3A_1334 = arith.constant 0 : i32
        %gather3A_1335 = tpu.memref_slice %run_scoped3A[%rem3A_203, %gather3A_1333, %gather3A_1334] : memref<2x32x26xi32, #tpu.memory_space<vmem>> -> memref<1x32x26xi32, #tpu.memory_space<vmem>>
        %gather3A_1336 = tpu.memref_squeeze %gather3A_1335 : memref<1x32x26xi32, #tpu.memory_space<vmem>> -> memref<32x26xi32, #tpu.memory_space<vmem>>
        %gather3A_1337 = tpu.vector_load_idx %gather3A_1336[%add3A_1330, %broadcast_in_dim3A_1332] : memref<32x26xi32, #tpu.memory_space<vmem>>[vector<16xi32>, vector<16xi32>], vector<16xi32>,
        %swap3A_1338 = arith.constant 25 : i32
        %swap3A_1339 = arith.index_cast %swap3A_1338 : i32 to index
        %swap3A_1340 = arith.constant 0 : index
        %swap3A_1341 = tpu.vector_load %arg6[%swap3A_1339, %swap3A_1340] {strides = array<i32>} : memref<26x32xi32, #tpu.memory_space<vmem>>, vector<16xi32>,
        tpu.vector_store %arg6[%swap3A_1339, %swap3A_1340], %gather3A_1337 {strides = array<i32>} : memref<26x32xi32, #tpu.memory_space<vmem>>, vector<16xi32>,
        %add3A_1342 = arith.constant 16 : i32
        %add3A_1343 = vector.broadcast %add3A_1342 : i32 to vector<16xi32>
        %add3A_1344 = arith.addi %iota3A, %add3A_1343 : vector<16xi32>
        %broadcast_in_dim3A_1345 = arith.constant 25 : i32
        %broadcast_in_dim3A_1346 = vector.broadcast %broadcast_in_dim3A_1345 : i32 to vector<16xi32>
        %gather3A_1347 = arith.constant 0 : i32
        %gather3A_1348 = arith.constant 0 : i32
        %gather3A_1349 = tpu.memref_slice %run_scoped3A[%rem3A_203, %gather3A_1347, %gather3A_1348] : memref<2x32x26xi32, #tpu.memory_space<vmem>> -> memref<1x32x26xi32, #tpu.memory_space<vmem>>
        %gather3A_1350 = tpu.memref_squeeze %gather3A_1349 : memref<1x32x26xi32, #tpu.memory_space<vmem>> -> memref<32x26xi32, #tpu.memory_space<vmem>>
        %gather3A_1351 = tpu.vector_load_idx %gather3A_1350[%add3A_1344, %broadcast_in_dim3A_1346] : memref<32x26xi32, #tpu.memory_space<vmem>>[vector<16xi32>, vector<16xi32>], vector<16xi32>,
        %swap3A_1352 = arith.constant 25 : i32
        %swap3A_1353 = arith.index_cast %swap3A_1352 : i32 to index
        %swap3A_1354 = arith.constant 16 : index
        %swap3A_1355 = tpu.vector_load %arg6[%swap3A_1353, %swap3A_1354] {strides = array<i32>} : memref<26x32xi32, #tpu.memory_space<vmem>>, vector<16xi32>,
        tpu.vector_store %arg6[%swap3A_1353, %swap3A_1354], %gather3A_1351 {strides = array<i32>} : memref<26x32xi32, #tpu.memory_space<vmem>>, vector<16xi32>,
        %dma_start3A_1356 = arith.constant 25 : i32
        %dma_start3A_1357 = arith.constant 25 : i32
        %dma_start3A_1358 = arith.constant 25 : i32
        %dma_start3A_1359 = arith.constant 0 : i32
        %dma_start3A_1360 = arith.constant 0 : i32
        %dma_start3A_1361 = tpu.memref_slice %arg10[%dma_start3A_1358, %dma_start3A_1359, %dma_start3A_1360] : memref<26x32x16xf32, #tpu.memory_space<vmem>> -> memref<1x32x16xf32, #tpu.memory_space<vmem>>
        %dma_start3A_1362 = tpu.memref_squeeze %dma_start3A_1361 : memref<1x32x16xf32, #tpu.memory_space<vmem>> -> memref<32x16xf32, #tpu.memory_space<vmem>>
        %dma_start3A_1363 = arith.constant 0 : i32
        %dma_start3A_1364 = tpu.memref_slice %arg6[%dma_start3A_1357, %dma_start3A_1363] : memref<26x32xi32, #tpu.memory_space<vmem>> -> memref<1x32xi32, #tpu.memory_space<vmem>>
        %dma_start3A_1365 = tpu.memref_squeeze %dma_start3A_1364 : memref<1x32xi32, #tpu.memory_space<vmem>> -> memref<32xi32, #tpu.memory_space<vmem>>
        %dma_start3A_1366 = arith.constant 0 : i32
        %dma_start3A_1367 = arith.constant 0 : i32
        %dma_start3A_1368 = tpu.memref_slice %arg3[%dma_start3A_1356, %dma_start3A_1366, %dma_start3A_1367] : memref<26x100000x16xf32, #tpu.memory_space<hbm>> -> memref<1x100000x16xf32, #tpu.memory_space<hbm>>
        %dma_start3A_1369 = tpu.memref_squeeze %dma_start3A_1368 : memref<1x100000x16xf32, #tpu.memory_space<hbm>> -> memref<100000x16xf32, #tpu.memory_space<hbm>>
        %dma_start3A_1370 = arith.constant 0 : i32
        %dma_start3A_1371 = arith.constant 0 : i32
        %dma_start3A_1372 = tpu.memref_slice %dma_start3A_1369[%dma_start3A_1370, %dma_start3A_1371] : memref<100000x16xf32, #tpu.memory_space<hbm>> -> memref<100000x16xf32, #tpu.memory_space<hbm>>
        tpu.enqueue_indirect_dma source(%dma_start3A_1372 : memref<100000x16xf32, #tpu.memory_space<hbm>>) target(%dma_start3A_1362 : memref<32x16xf32, #tpu.memory_space<vmem>>) offsets(%dma_start3A_1365 : memref<32xi32, #tpu.memory_space<vmem>>) semaphore(%arg11 : memref<!tpu.dma_semaphore, #tpu.memory_space<semaphore_mem>>)
        %scan3A_1373 = arith.constant 0 : i32
        %scan3A_1374 = arith.constant 52 : i32
        %scan3A_1375 = arith.addi %scan3A_1373, %scan3A_1374 : i32
        %scan3A_1376 = arith.constant 1 : i32
        scf.for %scan3A_2026 = %scan3A_1373 to %scan3A_1375 step %scan3A_1376  : i32 {
          %mul3A_2027 = arith.constant 1 : i32
          %mul3A_2028 = arith.muli %scan3A_2026, %mul3A_2027 : i32
          %add3A_2029 = arith.constant 0 : i32
          %add3A_2030 = arith.addi %add3A_2029, %mul3A_2028 : i32
          %mul3A_2031 = arith.constant 16 : i32
          %mul3A_2032 = arith.muli %add3A_2030, %mul3A_2031 : i32
          %add3A_2033 = vector.broadcast %mul3A_2032 : i32 to vector<16xi32>
          %add3A_2034 = arith.addi %add3A_2033, %iota3A : vector<16xi32>
          %jit3A = arith.constant 26 : i32
          %div3A = vector.broadcast %jit3A : i32 to vector<16xi32>
          %div3A_2035 = arith.divsi %add3A_2034, %div3A : vector<16xi32>
          %sign3A = arith.constant 0 : i32
          %sign3A_2036 = vector.broadcast %sign3A : i32 to vector<16xi32>
          %sign3A_2037 = arith.cmpi sgt, %add3A_2034, %sign3A_2036 : vector<16xi32>
          %sign3A_2038 = arith.extui %sign3A_2037 : vector<16xi1> to vector<16xi32>
          %sign3A_2039 = arith.constant 0 : i32
          %sign3A_2040 = vector.broadcast %sign3A_2039 : i32 to vector<16xi32>
          %sign3A_2041 = arith.cmpi slt, %add3A_2034, %sign3A_2040 : vector<16xi32>
          %sign3A_2042 = arith.extui %sign3A_2041 : vector<16xi1> to vector<16xi32>
          %sign3A_2043 = arith.subi %sign3A_2038, %sign3A_2042 : vector<16xi32>
          %sign3A_2044 = arith.constant 0 : i32
          %sign3A_2045 = arith.cmpi sgt, %jit3A, %sign3A_2044 : i32
          %sign3A_2046 = arith.extui %sign3A_2045 : i1 to i32
          %sign3A_2047 = arith.constant 0 : i32
          %sign3A_2048 = arith.cmpi slt, %jit3A, %sign3A_2047 : i32
          %sign3A_2049 = arith.extui %sign3A_2048 : i1 to i32
          %sign3A_2050 = arith.subi %sign3A_2046, %sign3A_2049 : i32
          %ne3A_2051 = vector.broadcast %sign3A_2050 : i32 to vector<16xi32>
          %ne3A_2052 = arith.cmpi ne, %sign3A_2043, %ne3A_2051 : vector<16xi32>
          %rem3A_2053 = vector.broadcast %jit3A : i32 to vector<16xi32>
          %rem3A_2054 = arith.remsi %add3A_2034, %rem3A_2053 : vector<16xi32>
          %ne3A_2055 = arith.constant 0 : i32
          %ne3A_2056 = vector.broadcast %ne3A_2055 : i32 to vector<16xi32>
          %ne3A_2057 = arith.cmpi ne, %rem3A_2054, %ne3A_2056 : vector<16xi32>
          %and3A_2058 = arith.andi %ne3A_2052, %ne3A_2057 : vector<16xi1>
          %sub3A_2059 = arith.constant 1 : i32
          %sub3A_2060 = vector.broadcast %sub3A_2059 : i32 to vector<16xi32>
          %sub3A_2061 = arith.subi %div3A_2035, %sub3A_2060 : vector<16xi32>
          %select_n3A_2062 = arith.select %and3A_2058, %sub3A_2061, %div3A_2035 : vector<16xi1>, vector<16xi32>
          %mul3A_2063 = arith.constant 26 : i32
          %mul3A_2064 = vector.broadcast %mul3A_2063 : i32 to vector<16xi32>
          %mul3A_2065 = arith.muli %select_n3A_2062, %mul3A_2064 : vector<16xi32>
          %sub3A_2066 = arith.subi %add3A_2034, %mul3A_2065 : vector<16xi32>
          %gather3A_2067 = arith.constant 0 : i32
          %gather3A_2068 = arith.constant 0 : i32
          %gather3A_2069 = tpu.memref_slice %run_scoped3A[%rem3A_203, %gather3A_2067, %gather3A_2068] : memref<2x32x26xi32, #tpu.memory_space<vmem>> -> memref<1x32x26xi32, #tpu.memory_space<vmem>>
          %gather3A_2070 = tpu.memref_squeeze %gather3A_2069 : memref<1x32x26xi32, #tpu.memory_space<vmem>> -> memref<32x26xi32, #tpu.memory_space<vmem>>
          %gather3A_2071 = tpu.vector_load_idx %gather3A_2070[%select_n3A_2062, %sub3A_2066] : memref<32x26xi32, #tpu.memory_space<vmem>>[vector<16xi32>, vector<16xi32>], vector<16xi32>,
          %mul3A_2072 = arith.constant 100000 : i32
          %mul3A_2073 = vector.broadcast %mul3A_2072 : i32 to vector<16xi32>
          %mul3A_2074 = arith.muli %sub3A_2066, %mul3A_2073 : vector<16xi32>
          %add3A_2075 = arith.addi %gather3A_2071, %mul3A_2074 : vector<16xi32>
          %mul3A_2076 = arith.constant 16 : i32
          %mul3A_2077 = arith.muli %add3A_2030, %mul3A_2076 : i32
          %swap3A_2078 = arith.index_cast %mul3A_2077 : i32 to index
          %swap3A_2079 = tpu.vector_load %arg7[%swap3A_2078] {strides = array<i32>} : memref<832xi32, #tpu.memory_space<vmem>>, vector<16xi32>,
          tpu.vector_store %arg7[%swap3A_2078], %add3A_2075 {strides = array<i32>} : memref<832xi32, #tpu.memory_space<vmem>>, vector<16xi32>,
          %shift_right_arithmetic3A = arith.constant 4 : i32
          %shift_right_arithmetic3A_2080 = vector.broadcast %shift_right_arithmetic3A : i32 to vector<16xi32>
          %shift_right_arithmetic3A_2081 = arith.shrsi %add3A_2075, %shift_right_arithmetic3A_2080 : vector<16xi32>
          %mul3A_2082 = arith.constant 16 : i32
          %mul3A_2083 = arith.muli %add3A_2030, %mul3A_2082 : i32
          %swap3A_2084 = arith.index_cast %mul3A_2083 : i32 to index
          %swap3A_2085 = tpu.vector_load %arg8[%swap3A_2084] {strides = array<i32>} : memref<832xi32, #tpu.memory_space<vmem>>, vector<16xi32>,
          tpu.vector_store %arg8[%swap3A_2084], %shift_right_arithmetic3A_2081 {strides = array<i32>} : memref<832xi32, #tpu.memory_space<vmem>>, vector<16xi32>,
        }
        %scan3A_1377 = arith.constant 52 : i32
        %dma_start3A_1378 = arith.constant 0 : i32
        %dma_start3A_1379 = arith.constant 0 : i32
        %dma_start3A_1380 = tpu.memref_slice %arg9[%dma_start3A_1378, %dma_start3A_1379] : memref<832x16xf32, #tpu.memory_space<vmem>> -> memref<104x16xf32, #tpu.memory_space<vmem>>
        %dma_start3A_1381 = arith.constant 0 : i32
        %dma_start3A_1382 = tpu.memref_slice %arg8[%dma_start3A_1381] : memref<832xi32, #tpu.memory_space<vmem>> -> memref<104xi32, #tpu.memory_space<vmem>>
        %dma_start3A_1383 = arith.constant 0 : i32
        %dma_start3A_1384 = arith.constant 0 : i32
        %dma_start3A_1385 = tpu.memref_slice %arg4[%dma_start3A_1383, %dma_start3A_1384] : memref<162560x16xf32, #tpu.memory_space<hbm>> -> memref<162560x16xf32, #tpu.memory_space<hbm>>
        tpu.enqueue_indirect_dma source(%dma_start3A_1385 : memref<162560x16xf32, #tpu.memory_space<hbm>>) target(%dma_start3A_1380 : memref<104x16xf32, #tpu.memory_space<vmem>>) offsets(%dma_start3A_1382 : memref<104xi32, #tpu.memory_space<vmem>>) semaphore(%arg12 : memref<!tpu.dma_semaphore, #tpu.memory_space<semaphore_mem>>)
        %dma_start3A_1386 = arith.constant 104 : i32
        %dma_start3A_1387 = arith.constant 0 : i32
        %dma_start3A_1388 = tpu.memref_slice %arg9[%dma_start3A_1386, %dma_start3A_1387] : memref<832x16xf32, #tpu.memory_space<vmem>> -> memref<104x16xf32, #tpu.memory_space<vmem>>
        %dma_start3A_1389 = arith.constant 104 : i32
        %dma_start3A_1390 = tpu.memref_slice %arg8[%dma_start3A_1389] : memref<832xi32, #tpu.memory_space<vmem>> -> memref<104xi32, #tpu.memory_space<vmem>>
        %dma_start3A_1391 = arith.constant 0 : i32
        %dma_start3A_1392 = arith.constant 0 : i32
        %dma_start3A_1393 = tpu.memref_slice %arg4[%dma_start3A_1391, %dma_start3A_1392] : memref<162560x16xf32, #tpu.memory_space<hbm>> -> memref<162560x16xf32, #tpu.memory_space<hbm>>
        tpu.enqueue_indirect_dma source(%dma_start3A_1393 : memref<162560x16xf32, #tpu.memory_space<hbm>>) target(%dma_start3A_1388 : memref<104x16xf32, #tpu.memory_space<vmem>>) offsets(%dma_start3A_1390 : memref<104xi32, #tpu.memory_space<vmem>>) semaphore(%arg12 : memref<!tpu.dma_semaphore, #tpu.memory_space<semaphore_mem>>)
        %dma_start3A_1394 = arith.constant 208 : i32
        %dma_start3A_1395 = arith.constant 0 : i32
        %dma_start3A_1396 = tpu.memref_slice %arg9[%dma_start3A_1394, %dma_start3A_1395] : memref<832x16xf32, #tpu.memory_space<vmem>> -> memref<104x16xf32, #tpu.memory_space<vmem>>
        %dma_start3A_1397 = arith.constant 208 : i32
        %dma_start3A_1398 = tpu.memref_slice %arg8[%dma_start3A_1397] : memref<832xi32, #tpu.memory_space<vmem>> -> memref<104xi32, #tpu.memory_space<vmem>>
        %dma_start3A_1399 = arith.constant 0 : i32
        %dma_start3A_1400 = arith.constant 0 : i32
        %dma_start3A_1401 = tpu.memref_slice %arg4[%dma_start3A_1399, %dma_start3A_1400] : memref<162560x16xf32, #tpu.memory_space<hbm>> -> memref<162560x16xf32, #tpu.memory_space<hbm>>
        tpu.enqueue_indirect_dma source(%dma_start3A_1401 : memref<162560x16xf32, #tpu.memory_space<hbm>>) target(%dma_start3A_1396 : memref<104x16xf32, #tpu.memory_space<vmem>>) offsets(%dma_start3A_1398 : memref<104xi32, #tpu.memory_space<vmem>>) semaphore(%arg12 : memref<!tpu.dma_semaphore, #tpu.memory_space<semaphore_mem>>)
        %dma_start3A_1402 = arith.constant 312 : i32
        %dma_start3A_1403 = arith.constant 0 : i32
        %dma_start3A_1404 = tpu.memref_slice %arg9[%dma_start3A_1402, %dma_start3A_1403] : memref<832x16xf32, #tpu.memory_space<vmem>> -> memref<104x16xf32, #tpu.memory_space<vmem>>
        %dma_start3A_1405 = arith.constant 312 : i32
        %dma_start3A_1406 = tpu.memref_slice %arg8[%dma_start3A_1405] : memref<832xi32, #tpu.memory_space<vmem>> -> memref<104xi32, #tpu.memory_space<vmem>>
        %dma_start3A_1407 = arith.constant 0 : i32
        %dma_start3A_1408 = arith.constant 0 : i32
        %dma_start3A_1409 = tpu.memref_slice %arg4[%dma_start3A_1407, %dma_start3A_1408] : memref<162560x16xf32, #tpu.memory_space<hbm>> -> memref<162560x16xf32, #tpu.memory_space<hbm>>
        tpu.enqueue_indirect_dma source(%dma_start3A_1409 : memref<162560x16xf32, #tpu.memory_space<hbm>>) target(%dma_start3A_1404 : memref<104x16xf32, #tpu.memory_space<vmem>>) offsets(%dma_start3A_1406 : memref<104xi32, #tpu.memory_space<vmem>>) semaphore(%arg12 : memref<!tpu.dma_semaphore, #tpu.memory_space<semaphore_mem>>)
        %dma_start3A_1410 = arith.constant 416 : i32
        %dma_start3A_1411 = arith.constant 0 : i32
        %dma_start3A_1412 = tpu.memref_slice %arg9[%dma_start3A_1410, %dma_start3A_1411] : memref<832x16xf32, #tpu.memory_space<vmem>> -> memref<104x16xf32, #tpu.memory_space<vmem>>
        %dma_start3A_1413 = arith.constant 416 : i32
        %dma_start3A_1414 = tpu.memref_slice %arg8[%dma_start3A_1413] : memref<832xi32, #tpu.memory_space<vmem>> -> memref<104xi32, #tpu.memory_space<vmem>>
        %dma_start3A_1415 = arith.constant 0 : i32
        %dma_start3A_1416 = arith.constant 0 : i32
        %dma_start3A_1417 = tpu.memref_slice %arg4[%dma_start3A_1415, %dma_start3A_1416] : memref<162560x16xf32, #tpu.memory_space<hbm>> -> memref<162560x16xf32, #tpu.memory_space<hbm>>
        tpu.enqueue_indirect_dma source(%dma_start3A_1417 : memref<162560x16xf32, #tpu.memory_space<hbm>>) target(%dma_start3A_1412 : memref<104x16xf32, #tpu.memory_space<vmem>>) offsets(%dma_start3A_1414 : memref<104xi32, #tpu.memory_space<vmem>>) semaphore(%arg12 : memref<!tpu.dma_semaphore, #tpu.memory_space<semaphore_mem>>)
        %dma_start3A_1418 = arith.constant 520 : i32
        %dma_start3A_1419 = arith.constant 0 : i32
        %dma_start3A_1420 = tpu.memref_slice %arg9[%dma_start3A_1418, %dma_start3A_1419] : memref<832x16xf32, #tpu.memory_space<vmem>> -> memref<104x16xf32, #tpu.memory_space<vmem>>
        %dma_start3A_1421 = arith.constant 520 : i32
        %dma_start3A_1422 = tpu.memref_slice %arg8[%dma_start3A_1421] : memref<832xi32, #tpu.memory_space<vmem>> -> memref<104xi32, #tpu.memory_space<vmem>>
        %dma_start3A_1423 = arith.constant 0 : i32
        %dma_start3A_1424 = arith.constant 0 : i32
        %dma_start3A_1425 = tpu.memref_slice %arg4[%dma_start3A_1423, %dma_start3A_1424] : memref<162560x16xf32, #tpu.memory_space<hbm>> -> memref<162560x16xf32, #tpu.memory_space<hbm>>
        tpu.enqueue_indirect_dma source(%dma_start3A_1425 : memref<162560x16xf32, #tpu.memory_space<hbm>>) target(%dma_start3A_1420 : memref<104x16xf32, #tpu.memory_space<vmem>>) offsets(%dma_start3A_1422 : memref<104xi32, #tpu.memory_space<vmem>>) semaphore(%arg12 : memref<!tpu.dma_semaphore, #tpu.memory_space<semaphore_mem>>)
        %dma_start3A_1426 = arith.constant 624 : i32
        %dma_start3A_1427 = arith.constant 0 : i32
        %dma_start3A_1428 = tpu.memref_slice %arg9[%dma_start3A_1426, %dma_start3A_1427] : memref<832x16xf32, #tpu.memory_space<vmem>> -> memref<104x16xf32, #tpu.memory_space<vmem>>
        %dma_start3A_1429 = arith.constant 624 : i32
        %dma_start3A_1430 = tpu.memref_slice %arg8[%dma_start3A_1429] : memref<832xi32, #tpu.memory_space<vmem>> -> memref<104xi32, #tpu.memory_space<vmem>>
        %dma_start3A_1431 = arith.constant 0 : i32
        %dma_start3A_1432 = arith.constant 0 : i32
        %dma_start3A_1433 = tpu.memref_slice %arg4[%dma_start3A_1431, %dma_start3A_1432] : memref<162560x16xf32, #tpu.memory_space<hbm>> -> memref<162560x16xf32, #tpu.memory_space<hbm>>
        tpu.enqueue_indirect_dma source(%dma_start3A_1433 : memref<162560x16xf32, #tpu.memory_space<hbm>>) target(%dma_start3A_1428 : memref<104x16xf32, #tpu.memory_space<vmem>>) offsets(%dma_start3A_1430 : memref<104xi32, #tpu.memory_space<vmem>>) semaphore(%arg12 : memref<!tpu.dma_semaphore, #tpu.memory_space<semaphore_mem>>)
        %dma_start3A_1434 = arith.constant 728 : i32
        %dma_start3A_1435 = arith.constant 0 : i32
        %dma_start3A_1436 = tpu.memref_slice %arg9[%dma_start3A_1434, %dma_start3A_1435] : memref<832x16xf32, #tpu.memory_space<vmem>> -> memref<104x16xf32, #tpu.memory_space<vmem>>
        %dma_start3A_1437 = arith.constant 728 : i32
        %dma_start3A_1438 = tpu.memref_slice %arg8[%dma_start3A_1437] : memref<832xi32, #tpu.memory_space<vmem>> -> memref<104xi32, #tpu.memory_space<vmem>>
        %dma_start3A_1439 = arith.constant 0 : i32
        %dma_start3A_1440 = arith.constant 0 : i32
        %dma_start3A_1441 = tpu.memref_slice %arg4[%dma_start3A_1439, %dma_start3A_1440] : memref<162560x16xf32, #tpu.memory_space<hbm>> -> memref<162560x16xf32, #tpu.memory_space<hbm>>
        tpu.enqueue_indirect_dma source(%dma_start3A_1441 : memref<162560x16xf32, #tpu.memory_space<hbm>>) target(%dma_start3A_1436 : memref<104x16xf32, #tpu.memory_space<vmem>>) offsets(%dma_start3A_1438 : memref<104xi32, #tpu.memory_space<vmem>>) semaphore(%arg12 : memref<!tpu.dma_semaphore, #tpu.memory_space<semaphore_mem>>)
        %dma_wait3A_1442 = arith.constant 0 : i32
        %dma_wait3A_1443 = arith.constant 0 : i32
        %dma_wait3A_1444 = arith.constant 0 : i32
        %dma_wait3A_1445 = arith.constant 0 : i32
        %dma_wait3A_1446 = arith.constant 0 : i32
        %dma_wait3A_1447 = tpu.memref_slice %arg10[%dma_wait3A_1444, %dma_wait3A_1445, %dma_wait3A_1446] : memref<26x32x16xf32, #tpu.memory_space<vmem>> -> memref<1x32x16xf32, #tpu.memory_space<vmem>>
        %dma_wait3A_1448 = tpu.memref_squeeze %dma_wait3A_1447 : memref<1x32x16xf32, #tpu.memory_space<vmem>> -> memref<32x16xf32, #tpu.memory_space<vmem>>
        %dma_wait3A_1449 = arith.constant 0 : i32
        %dma_wait3A_1450 = tpu.memref_slice %arg6[%dma_wait3A_1443, %dma_wait3A_1449] : memref<26x32xi32, #tpu.memory_space<vmem>> -> memref<1x32xi32, #tpu.memory_space<vmem>>
        %dma_wait3A_1451 = tpu.memref_squeeze %dma_wait3A_1450 : memref<1x32xi32, #tpu.memory_space<vmem>> -> memref<32xi32, #tpu.memory_space<vmem>>
        %dma_wait3A_1452 = arith.constant 0 : i32
        %dma_wait3A_1453 = arith.constant 0 : i32
        %dma_wait3A_1454 = tpu.memref_slice %arg3[%dma_wait3A_1442, %dma_wait3A_1452, %dma_wait3A_1453] : memref<26x100000x16xf32, #tpu.memory_space<hbm>> -> memref<1x100000x16xf32, #tpu.memory_space<hbm>>
        %dma_wait3A_1455 = tpu.memref_squeeze %dma_wait3A_1454 : memref<1x100000x16xf32, #tpu.memory_space<hbm>> -> memref<100000x16xf32, #tpu.memory_space<hbm>>
        %dma_wait3A_1456 = arith.constant 0 : i32
        %dma_wait3A_1457 = arith.constant 0 : i32
        %dma_wait3A_1458 = tpu.memref_slice %dma_wait3A_1455[%dma_wait3A_1456, %dma_wait3A_1457] : memref<100000x16xf32, #tpu.memory_space<hbm>> -> memref<100000x16xf32, #tpu.memory_space<hbm>>
        tpu.wait_indirect_dma semaphore(%arg11 : memref<!tpu.dma_semaphore, #tpu.memory_space<semaphore_mem>>) src(%dma_wait3A_1458 : memref<100000x16xf32, #tpu.memory_space<hbm>>) dst(%dma_wait3A_1448 : memref<32x16xf32, #tpu.memory_space<vmem>>)
        %dma_wait3A_1459 = arith.constant 0 : i32
        %dma_wait3A_1460 = arith.constant 0 : i32
        %dma_wait3A_1461 = arith.constant 0 : i32
        %dma_wait3A_1462 = arith.constant 0 : i32
        %dma_wait3A_1463 = arith.constant 0 : i32
        %dma_wait3A_1464 = tpu.memref_slice %arg10[%dma_wait3A_1461, %dma_wait3A_1462, %dma_wait3A_1463] : memref<26x32x16xf32, #tpu.memory_space<vmem>> -> memref<1x32x16xf32, #tpu.memory_space<vmem>>
        %dma_wait3A_1465 = tpu.memref_squeeze %dma_wait3A_1464 : memref<1x32x16xf32, #tpu.memory_space<vmem>> -> memref<32x16xf32, #tpu.memory_space<vmem>>
        %dma_wait3A_1466 = arith.constant 0 : i32
        %dma_wait3A_1467 = tpu.memref_slice %arg6[%dma_wait3A_1460, %dma_wait3A_1466] : memref<26x32xi32, #tpu.memory_space<vmem>> -> memref<1x32xi32, #tpu.memory_space<vmem>>
        %dma_wait3A_1468 = tpu.memref_squeeze %dma_wait3A_1467 : memref<1x32xi32, #tpu.memory_space<vmem>> -> memref<32xi32, #tpu.memory_space<vmem>>
        %dma_wait3A_1469 = arith.constant 0 : i32
        %dma_wait3A_1470 = arith.constant 0 : i32
        %dma_wait3A_1471 = tpu.memref_slice %arg3[%dma_wait3A_1459, %dma_wait3A_1469, %dma_wait3A_1470] : memref<26x100000x16xf32, #tpu.memory_space<hbm>> -> memref<1x100000x16xf32, #tpu.memory_space<hbm>>
        %dma_wait3A_1472 = tpu.memref_squeeze %dma_wait3A_1471 : memref<1x100000x16xf32, #tpu.memory_space<hbm>> -> memref<100000x16xf32, #tpu.memory_space<hbm>>
        %dma_wait3A_1473 = arith.constant 0 : i32
        %dma_wait3A_1474 = arith.constant 0 : i32
        %dma_wait3A_1475 = tpu.memref_slice %dma_wait3A_1472[%dma_wait3A_1473, %dma_wait3A_1474] : memref<100000x16xf32, #tpu.memory_space<hbm>> -> memref<100000x16xf32, #tpu.memory_space<hbm>>
        tpu.wait_indirect_dma semaphore(%arg11 : memref<!tpu.dma_semaphore, #tpu.memory_space<semaphore_mem>>) src(%dma_wait3A_1475 : memref<100000x16xf32, #tpu.memory_space<hbm>>) dst(%dma_wait3A_1465 : memref<32x16xf32, #tpu.memory_space<vmem>>)
        %dma_wait3A_1476 = arith.constant 0 : i32
        %dma_wait3A_1477 = arith.constant 0 : i32
        %dma_wait3A_1478 = arith.constant 0 : i32
        %dma_wait3A_1479 = arith.constant 0 : i32
        %dma_wait3A_1480 = arith.constant 0 : i32
        %dma_wait3A_1481 = tpu.memref_slice %arg10[%dma_wait3A_1478, %dma_wait3A_1479, %dma_wait3A_1480] : memref<26x32x16xf32, #tpu.memory_space<vmem>> -> memref<1x32x16xf32, #tpu.memory_space<vmem>>
        %dma_wait3A_1482 = tpu.memref_squeeze %dma_wait3A_1481 : memref<1x32x16xf32, #tpu.memory_space<vmem>> -> memref<32x16xf32, #tpu.memory_space<vmem>>
        %dma_wait3A_1483 = arith.constant 0 : i32
        %dma_wait3A_1484 = tpu.memref_slice %arg6[%dma_wait3A_1477, %dma_wait3A_1483] : memref<26x32xi32, #tpu.memory_space<vmem>> -> memref<1x32xi32, #tpu.memory_space<vmem>>
        %dma_wait3A_1485 = tpu.memref_squeeze %dma_wait3A_1484 : memref<1x32xi32, #tpu.memory_space<vmem>> -> memref<32xi32, #tpu.memory_space<vmem>>
        %dma_wait3A_1486 = arith.constant 0 : i32
        %dma_wait3A_1487 = arith.constant 0 : i32
        %dma_wait3A_1488 = tpu.memref_slice %arg3[%dma_wait3A_1476, %dma_wait3A_1486, %dma_wait3A_1487] : memref<26x100000x16xf32, #tpu.memory_space<hbm>> -> memref<1x100000x16xf32, #tpu.memory_space<hbm>>
        %dma_wait3A_1489 = tpu.memref_squeeze %dma_wait3A_1488 : memref<1x100000x16xf32, #tpu.memory_space<hbm>> -> memref<100000x16xf32, #tpu.memory_space<hbm>>
        %dma_wait3A_1490 = arith.constant 0 : i32
        %dma_wait3A_1491 = arith.constant 0 : i32
        %dma_wait3A_1492 = tpu.memref_slice %dma_wait3A_1489[%dma_wait3A_1490, %dma_wait3A_1491] : memref<100000x16xf32, #tpu.memory_space<hbm>> -> memref<100000x16xf32, #tpu.memory_space<hbm>>
        tpu.wait_indirect_dma semaphore(%arg11 : memref<!tpu.dma_semaphore, #tpu.memory_space<semaphore_mem>>) src(%dma_wait3A_1492 : memref<100000x16xf32, #tpu.memory_space<hbm>>) dst(%dma_wait3A_1482 : memref<32x16xf32, #tpu.memory_space<vmem>>)
        %dma_wait3A_1493 = arith.constant 0 : i32
        %dma_wait3A_1494 = arith.constant 0 : i32
        %dma_wait3A_1495 = arith.constant 0 : i32
        %dma_wait3A_1496 = arith.constant 0 : i32
        %dma_wait3A_1497 = arith.constant 0 : i32
        %dma_wait3A_1498 = tpu.memref_slice %arg10[%dma_wait3A_1495, %dma_wait3A_1496, %dma_wait3A_1497] : memref<26x32x16xf32, #tpu.memory_space<vmem>> -> memref<1x32x16xf32, #tpu.memory_space<vmem>>
        %dma_wait3A_1499 = tpu.memref_squeeze %dma_wait3A_1498 : memref<1x32x16xf32, #tpu.memory_space<vmem>> -> memref<32x16xf32, #tpu.memory_space<vmem>>
        %dma_wait3A_1500 = arith.constant 0 : i32
        %dma_wait3A_1501 = tpu.memref_slice %arg6[%dma_wait3A_1494, %dma_wait3A_1500] : memref<26x32xi32, #tpu.memory_space<vmem>> -> memref<1x32xi32, #tpu.memory_space<vmem>>
        %dma_wait3A_1502 = tpu.memref_squeeze %dma_wait3A_1501 : memref<1x32xi32, #tpu.memory_space<vmem>> -> memref<32xi32, #tpu.memory_space<vmem>>
        %dma_wait3A_1503 = arith.constant 0 : i32
        %dma_wait3A_1504 = arith.constant 0 : i32
        %dma_wait3A_1505 = tpu.memref_slice %arg3[%dma_wait3A_1493, %dma_wait3A_1503, %dma_wait3A_1504] : memref<26x100000x16xf32, #tpu.memory_space<hbm>> -> memref<1x100000x16xf32, #tpu.memory_space<hbm>>
        %dma_wait3A_1506 = tpu.memref_squeeze %dma_wait3A_1505 : memref<1x100000x16xf32, #tpu.memory_space<hbm>> -> memref<100000x16xf32, #tpu.memory_space<hbm>>
        %dma_wait3A_1507 = arith.constant 0 : i32
        %dma_wait3A_1508 = arith.constant 0 : i32
        %dma_wait3A_1509 = tpu.memref_slice %dma_wait3A_1506[%dma_wait3A_1507, %dma_wait3A_1508] : memref<100000x16xf32, #tpu.memory_space<hbm>> -> memref<100000x16xf32, #tpu.memory_space<hbm>>
        tpu.wait_indirect_dma semaphore(%arg11 : memref<!tpu.dma_semaphore, #tpu.memory_space<semaphore_mem>>) src(%dma_wait3A_1509 : memref<100000x16xf32, #tpu.memory_space<hbm>>) dst(%dma_wait3A_1499 : memref<32x16xf32, #tpu.memory_space<vmem>>)
        %dma_wait3A_1510 = arith.constant 0 : i32
        %dma_wait3A_1511 = arith.constant 0 : i32
        %dma_wait3A_1512 = arith.constant 0 : i32
        %dma_wait3A_1513 = arith.constant 0 : i32
        %dma_wait3A_1514 = arith.constant 0 : i32
        %dma_wait3A_1515 = tpu.memref_slice %arg10[%dma_wait3A_1512, %dma_wait3A_1513, %dma_wait3A_1514] : memref<26x32x16xf32, #tpu.memory_space<vmem>> -> memref<1x32x16xf32, #tpu.memory_space<vmem>>
        %dma_wait3A_1516 = tpu.memref_squeeze %dma_wait3A_1515 : memref<1x32x16xf32, #tpu.memory_space<vmem>> -> memref<32x16xf32, #tpu.memory_space<vmem>>
        %dma_wait3A_1517 = arith.constant 0 : i32
        %dma_wait3A_1518 = tpu.memref_slice %arg6[%dma_wait3A_1511, %dma_wait3A_1517] : memref<26x32xi32, #tpu.memory_space<vmem>> -> memref<1x32xi32, #tpu.memory_space<vmem>>
        %dma_wait3A_1519 = tpu.memref_squeeze %dma_wait3A_1518 : memref<1x32xi32, #tpu.memory_space<vmem>> -> memref<32xi32, #tpu.memory_space<vmem>>
        %dma_wait3A_1520 = arith.constant 0 : i32
        %dma_wait3A_1521 = arith.constant 0 : i32
        %dma_wait3A_1522 = tpu.memref_slice %arg3[%dma_wait3A_1510, %dma_wait3A_1520, %dma_wait3A_1521] : memref<26x100000x16xf32, #tpu.memory_space<hbm>> -> memref<1x100000x16xf32, #tpu.memory_space<hbm>>
        %dma_wait3A_1523 = tpu.memref_squeeze %dma_wait3A_1522 : memref<1x100000x16xf32, #tpu.memory_space<hbm>> -> memref<100000x16xf32, #tpu.memory_space<hbm>>
        %dma_wait3A_1524 = arith.constant 0 : i32
        %dma_wait3A_1525 = arith.constant 0 : i32
        %dma_wait3A_1526 = tpu.memref_slice %dma_wait3A_1523[%dma_wait3A_1524, %dma_wait3A_1525] : memref<100000x16xf32, #tpu.memory_space<hbm>> -> memref<100000x16xf32, #tpu.memory_space<hbm>>
        tpu.wait_indirect_dma semaphore(%arg11 : memref<!tpu.dma_semaphore, #tpu.memory_space<semaphore_mem>>) src(%dma_wait3A_1526 : memref<100000x16xf32, #tpu.memory_space<hbm>>) dst(%dma_wait3A_1516 : memref<32x16xf32, #tpu.memory_space<vmem>>)
        %dma_wait3A_1527 = arith.constant 0 : i32
        %dma_wait3A_1528 = arith.constant 0 : i32
        %dma_wait3A_1529 = arith.constant 0 : i32
        %dma_wait3A_1530 = arith.constant 0 : i32
        %dma_wait3A_1531 = arith.constant 0 : i32
        %dma_wait3A_1532 = tpu.memref_slice %arg10[%dma_wait3A_1529, %dma_wait3A_1530, %dma_wait3A_1531] : memref<26x32x16xf32, #tpu.memory_space<vmem>> -> memref<1x32x16xf32, #tpu.memory_space<vmem>>
        %dma_wait3A_1533 = tpu.memref_squeeze %dma_wait3A_1532 : memref<1x32x16xf32, #tpu.memory_space<vmem>> -> memref<32x16xf32, #tpu.memory_space<vmem>>
        %dma_wait3A_1534 = arith.constant 0 : i32
        %dma_wait3A_1535 = tpu.memref_slice %arg6[%dma_wait3A_1528, %dma_wait3A_1534] : memref<26x32xi32, #tpu.memory_space<vmem>> -> memref<1x32xi32, #tpu.memory_space<vmem>>
        %dma_wait3A_1536 = tpu.memref_squeeze %dma_wait3A_1535 : memref<1x32xi32, #tpu.memory_space<vmem>> -> memref<32xi32, #tpu.memory_space<vmem>>
        %dma_wait3A_1537 = arith.constant 0 : i32
        %dma_wait3A_1538 = arith.constant 0 : i32
        %dma_wait3A_1539 = tpu.memref_slice %arg3[%dma_wait3A_1527, %dma_wait3A_1537, %dma_wait3A_1538] : memref<26x100000x16xf32, #tpu.memory_space<hbm>> -> memref<1x100000x16xf32, #tpu.memory_space<hbm>>
        %dma_wait3A_1540 = tpu.memref_squeeze %dma_wait3A_1539 : memref<1x100000x16xf32, #tpu.memory_space<hbm>> -> memref<100000x16xf32, #tpu.memory_space<hbm>>
        %dma_wait3A_1541 = arith.constant 0 : i32
        %dma_wait3A_1542 = arith.constant 0 : i32
        %dma_wait3A_1543 = tpu.memref_slice %dma_wait3A_1540[%dma_wait3A_1541, %dma_wait3A_1542] : memref<100000x16xf32, #tpu.memory_space<hbm>> -> memref<100000x16xf32, #tpu.memory_space<hbm>>
        tpu.wait_indirect_dma semaphore(%arg11 : memref<!tpu.dma_semaphore, #tpu.memory_space<semaphore_mem>>) src(%dma_wait3A_1543 : memref<100000x16xf32, #tpu.memory_space<hbm>>) dst(%dma_wait3A_1533 : memref<32x16xf32, #tpu.memory_space<vmem>>)
        %dma_wait3A_1544 = arith.constant 0 : i32
        %dma_wait3A_1545 = arith.constant 0 : i32
        %dma_wait3A_1546 = arith.constant 0 : i32
        %dma_wait3A_1547 = arith.constant 0 : i32
        %dma_wait3A_1548 = arith.constant 0 : i32
        %dma_wait3A_1549 = tpu.memref_slice %arg10[%dma_wait3A_1546, %dma_wait3A_1547, %dma_wait3A_1548] : memref<26x32x16xf32, #tpu.memory_space<vmem>> -> memref<1x32x16xf32, #tpu.memory_space<vmem>>
        %dma_wait3A_1550 = tpu.memref_squeeze %dma_wait3A_1549 : memref<1x32x16xf32, #tpu.memory_space<vmem>> -> memref<32x16xf32, #tpu.memory_space<vmem>>
        %dma_wait3A_1551 = arith.constant 0 : i32
        %dma_wait3A_1552 = tpu.memref_slice %arg6[%dma_wait3A_1545, %dma_wait3A_1551] : memref<26x32xi32, #tpu.memory_space<vmem>> -> memref<1x32xi32, #tpu.memory_space<vmem>>
        %dma_wait3A_1553 = tpu.memref_squeeze %dma_wait3A_1552 : memref<1x32xi32, #tpu.memory_space<vmem>> -> memref<32xi32, #tpu.memory_space<vmem>>
        %dma_wait3A_1554 = arith.constant 0 : i32
        %dma_wait3A_1555 = arith.constant 0 : i32
        %dma_wait3A_1556 = tpu.memref_slice %arg3[%dma_wait3A_1544, %dma_wait3A_1554, %dma_wait3A_1555] : memref<26x100000x16xf32, #tpu.memory_space<hbm>> -> memref<1x100000x16xf32, #tpu.memory_space<hbm>>
        %dma_wait3A_1557 = tpu.memref_squeeze %dma_wait3A_1556 : memref<1x100000x16xf32, #tpu.memory_space<hbm>> -> memref<100000x16xf32, #tpu.memory_space<hbm>>
        %dma_wait3A_1558 = arith.constant 0 : i32
        %dma_wait3A_1559 = arith.constant 0 : i32
        %dma_wait3A_1560 = tpu.memref_slice %dma_wait3A_1557[%dma_wait3A_1558, %dma_wait3A_1559] : memref<100000x16xf32, #tpu.memory_space<hbm>> -> memref<100000x16xf32, #tpu.memory_space<hbm>>
        tpu.wait_indirect_dma semaphore(%arg11 : memref<!tpu.dma_semaphore, #tpu.memory_space<semaphore_mem>>) src(%dma_wait3A_1560 : memref<100000x16xf32, #tpu.memory_space<hbm>>) dst(%dma_wait3A_1550 : memref<32x16xf32, #tpu.memory_space<vmem>>)
        %dma_wait3A_1561 = arith.constant 0 : i32
        %dma_wait3A_1562 = arith.constant 0 : i32
        %dma_wait3A_1563 = arith.constant 0 : i32
        %dma_wait3A_1564 = arith.constant 0 : i32
        %dma_wait3A_1565 = arith.constant 0 : i32
        %dma_wait3A_1566 = tpu.memref_slice %arg10[%dma_wait3A_1563, %dma_wait3A_1564, %dma_wait3A_1565] : memref<26x32x16xf32, #tpu.memory_space<vmem>> -> memref<1x32x16xf32, #tpu.memory_space<vmem>>
        %dma_wait3A_1567 = tpu.memref_squeeze %dma_wait3A_1566 : memref<1x32x16xf32, #tpu.memory_space<vmem>> -> memref<32x16xf32, #tpu.memory_space<vmem>>
        %dma_wait3A_1568 = arith.constant 0 : i32
        %dma_wait3A_1569 = tpu.memref_slice %arg6[%dma_wait3A_1562, %dma_wait3A_1568] : memref<26x32xi32, #tpu.memory_space<vmem>> -> memref<1x32xi32, #tpu.memory_space<vmem>>
        %dma_wait3A_1570 = tpu.memref_squeeze %dma_wait3A_1569 : memref<1x32xi32, #tpu.memory_space<vmem>> -> memref<32xi32, #tpu.memory_space<vmem>>
        %dma_wait3A_1571 = arith.constant 0 : i32
        %dma_wait3A_1572 = arith.constant 0 : i32
        %dma_wait3A_1573 = tpu.memref_slice %arg3[%dma_wait3A_1561, %dma_wait3A_1571, %dma_wait3A_1572] : memref<26x100000x16xf32, #tpu.memory_space<hbm>> -> memref<1x100000x16xf32, #tpu.memory_space<hbm>>
        %dma_wait3A_1574 = tpu.memref_squeeze %dma_wait3A_1573 : memref<1x100000x16xf32, #tpu.memory_space<hbm>> -> memref<100000x16xf32, #tpu.memory_space<hbm>>
        %dma_wait3A_1575 = arith.constant 0 : i32
        %dma_wait3A_1576 = arith.constant 0 : i32
        %dma_wait3A_1577 = tpu.memref_slice %dma_wait3A_1574[%dma_wait3A_1575, %dma_wait3A_1576] : memref<100000x16xf32, #tpu.memory_space<hbm>> -> memref<100000x16xf32, #tpu.memory_space<hbm>>
        tpu.wait_indirect_dma semaphore(%arg11 : memref<!tpu.dma_semaphore, #tpu.memory_space<semaphore_mem>>) src(%dma_wait3A_1577 : memref<100000x16xf32, #tpu.memory_space<hbm>>) dst(%dma_wait3A_1567 : memref<32x16xf32, #tpu.memory_space<vmem>>)
        %dma_wait3A_1578 = arith.constant 0 : i32
        %dma_wait3A_1579 = arith.constant 0 : i32
        %dma_wait3A_1580 = arith.constant 0 : i32
        %dma_wait3A_1581 = arith.constant 0 : i32
        %dma_wait3A_1582 = arith.constant 0 : i32
        %dma_wait3A_1583 = tpu.memref_slice %arg10[%dma_wait3A_1580, %dma_wait3A_1581, %dma_wait3A_1582] : memref<26x32x16xf32, #tpu.memory_space<vmem>> -> memref<1x32x16xf32, #tpu.memory_space<vmem>>
        %dma_wait3A_1584 = tpu.memref_squeeze %dma_wait3A_1583 : memref<1x32x16xf32, #tpu.memory_space<vmem>> -> memref<32x16xf32, #tpu.memory_space<vmem>>
        %dma_wait3A_1585 = arith.constant 0 : i32
        %dma_wait3A_1586 = tpu.memref_slice %arg6[%dma_wait3A_1579, %dma_wait3A_1585] : memref<26x32xi32, #tpu.memory_space<vmem>> -> memref<1x32xi32, #tpu.memory_space<vmem>>
        %dma_wait3A_1587 = tpu.memref_squeeze %dma_wait3A_1586 : memref<1x32xi32, #tpu.memory_space<vmem>> -> memref<32xi32, #tpu.memory_space<vmem>>
        %dma_wait3A_1588 = arith.constant 0 : i32
        %dma_wait3A_1589 = arith.constant 0 : i32
        %dma_wait3A_1590 = tpu.memref_slice %arg3[%dma_wait3A_1578, %dma_wait3A_1588, %dma_wait3A_1589] : memref<26x100000x16xf32, #tpu.memory_space<hbm>> -> memref<1x100000x16xf32, #tpu.memory_space<hbm>>
        %dma_wait3A_1591 = tpu.memref_squeeze %dma_wait3A_1590 : memref<1x100000x16xf32, #tpu.memory_space<hbm>> -> memref<100000x16xf32, #tpu.memory_space<hbm>>
        %dma_wait3A_1592 = arith.constant 0 : i32
        %dma_wait3A_1593 = arith.constant 0 : i32
        %dma_wait3A_1594 = tpu.memref_slice %dma_wait3A_1591[%dma_wait3A_1592, %dma_wait3A_1593] : memref<100000x16xf32, #tpu.memory_space<hbm>> -> memref<100000x16xf32, #tpu.memory_space<hbm>>
        tpu.wait_indirect_dma semaphore(%arg11 : memref<!tpu.dma_semaphore, #tpu.memory_space<semaphore_mem>>) src(%dma_wait3A_1594 : memref<100000x16xf32, #tpu.memory_space<hbm>>) dst(%dma_wait3A_1584 : memref<32x16xf32, #tpu.memory_space<vmem>>)
        %dma_wait3A_1595 = arith.constant 0 : i32
        %dma_wait3A_1596 = arith.constant 0 : i32
        %dma_wait3A_1597 = arith.constant 0 : i32
        %dma_wait3A_1598 = arith.constant 0 : i32
        %dma_wait3A_1599 = arith.constant 0 : i32
        %dma_wait3A_1600 = tpu.memref_slice %arg10[%dma_wait3A_1597, %dma_wait3A_1598, %dma_wait3A_1599] : memref<26x32x16xf32, #tpu.memory_space<vmem>> -> memref<1x32x16xf32, #tpu.memory_space<vmem>>
        %dma_wait3A_1601 = tpu.memref_squeeze %dma_wait3A_1600 : memref<1x32x16xf32, #tpu.memory_space<vmem>> -> memref<32x16xf32, #tpu.memory_space<vmem>>
        %dma_wait3A_1602 = arith.constant 0 : i32
        %dma_wait3A_1603 = tpu.memref_slice %arg6[%dma_wait3A_1596, %dma_wait3A_1602] : memref<26x32xi32, #tpu.memory_space<vmem>> -> memref<1x32xi32, #tpu.memory_space<vmem>>
        %dma_wait3A_1604 = tpu.memref_squeeze %dma_wait3A_1603 : memref<1x32xi32, #tpu.memory_space<vmem>> -> memref<32xi32, #tpu.memory_space<vmem>>
        %dma_wait3A_1605 = arith.constant 0 : i32
        %dma_wait3A_1606 = arith.constant 0 : i32
        %dma_wait3A_1607 = tpu.memref_slice %arg3[%dma_wait3A_1595, %dma_wait3A_1605, %dma_wait3A_1606] : memref<26x100000x16xf32, #tpu.memory_space<hbm>> -> memref<1x100000x16xf32, #tpu.memory_space<hbm>>
        %dma_wait3A_1608 = tpu.memref_squeeze %dma_wait3A_1607 : memref<1x100000x16xf32, #tpu.memory_space<hbm>> -> memref<100000x16xf32, #tpu.memory_space<hbm>>
        %dma_wait3A_1609 = arith.constant 0 : i32
        %dma_wait3A_1610 = arith.constant 0 : i32
        %dma_wait3A_1611 = tpu.memref_slice %dma_wait3A_1608[%dma_wait3A_1609, %dma_wait3A_1610] : memref<100000x16xf32, #tpu.memory_space<hbm>> -> memref<100000x16xf32, #tpu.memory_space<hbm>>
        tpu.wait_indirect_dma semaphore(%arg11 : memref<!tpu.dma_semaphore, #tpu.memory_space<semaphore_mem>>) src(%dma_wait3A_1611 : memref<100000x16xf32, #tpu.memory_space<hbm>>) dst(%dma_wait3A_1601 : memref<32x16xf32, #tpu.memory_space<vmem>>)
        %dma_wait3A_1612 = arith.constant 0 : i32
        %dma_wait3A_1613 = arith.constant 0 : i32
        %dma_wait3A_1614 = arith.constant 0 : i32
        %dma_wait3A_1615 = arith.constant 0 : i32
        %dma_wait3A_1616 = arith.constant 0 : i32
        %dma_wait3A_1617 = tpu.memref_slice %arg10[%dma_wait3A_1614, %dma_wait3A_1615, %dma_wait3A_1616] : memref<26x32x16xf32, #tpu.memory_space<vmem>> -> memref<1x32x16xf32, #tpu.memory_space<vmem>>
        %dma_wait3A_1618 = tpu.memref_squeeze %dma_wait3A_1617 : memref<1x32x16xf32, #tpu.memory_space<vmem>> -> memref<32x16xf32, #tpu.memory_space<vmem>>
        %dma_wait3A_1619 = arith.constant 0 : i32
        %dma_wait3A_1620 = tpu.memref_slice %arg6[%dma_wait3A_1613, %dma_wait3A_1619] : memref<26x32xi32, #tpu.memory_space<vmem>> -> memref<1x32xi32, #tpu.memory_space<vmem>>
        %dma_wait3A_1621 = tpu.memref_squeeze %dma_wait3A_1620 : memref<1x32xi32, #tpu.memory_space<vmem>> -> memref<32xi32, #tpu.memory_space<vmem>>
        %dma_wait3A_1622 = arith.constant 0 : i32
        %dma_wait3A_1623 = arith.constant 0 : i32
        %dma_wait3A_1624 = tpu.memref_slice %arg3[%dma_wait3A_1612, %dma_wait3A_1622, %dma_wait3A_1623] : memref<26x100000x16xf32, #tpu.memory_space<hbm>> -> memref<1x100000x16xf32, #tpu.memory_space<hbm>>
        %dma_wait3A_1625 = tpu.memref_squeeze %dma_wait3A_1624 : memref<1x100000x16xf32, #tpu.memory_space<hbm>> -> memref<100000x16xf32, #tpu.memory_space<hbm>>
        %dma_wait3A_1626 = arith.constant 0 : i32
        %dma_wait3A_1627 = arith.constant 0 : i32
        %dma_wait3A_1628 = tpu.memref_slice %dma_wait3A_1625[%dma_wait3A_1626, %dma_wait3A_1627] : memref<100000x16xf32, #tpu.memory_space<hbm>> -> memref<100000x16xf32, #tpu.memory_space<hbm>>
        tpu.wait_indirect_dma semaphore(%arg11 : memref<!tpu.dma_semaphore, #tpu.memory_space<semaphore_mem>>) src(%dma_wait3A_1628 : memref<100000x16xf32, #tpu.memory_space<hbm>>) dst(%dma_wait3A_1618 : memref<32x16xf32, #tpu.memory_space<vmem>>)
        %dma_wait3A_1629 = arith.constant 0 : i32
        %dma_wait3A_1630 = arith.constant 0 : i32
        %dma_wait3A_1631 = arith.constant 0 : i32
        %dma_wait3A_1632 = arith.constant 0 : i32
        %dma_wait3A_1633 = arith.constant 0 : i32
        %dma_wait3A_1634 = tpu.memref_slice %arg10[%dma_wait3A_1631, %dma_wait3A_1632, %dma_wait3A_1633] : memref<26x32x16xf32, #tpu.memory_space<vmem>> -> memref<1x32x16xf32, #tpu.memory_space<vmem>>
        %dma_wait3A_1635 = tpu.memref_squeeze %dma_wait3A_1634 : memref<1x32x16xf32, #tpu.memory_space<vmem>> -> memref<32x16xf32, #tpu.memory_space<vmem>>
        %dma_wait3A_1636 = arith.constant 0 : i32
        %dma_wait3A_1637 = tpu.memref_slice %arg6[%dma_wait3A_1630, %dma_wait3A_1636] : memref<26x32xi32, #tpu.memory_space<vmem>> -> memref<1x32xi32, #tpu.memory_space<vmem>>
        %dma_wait3A_1638 = tpu.memref_squeeze %dma_wait3A_1637 : memref<1x32xi32, #tpu.memory_space<vmem>> -> memref<32xi32, #tpu.memory_space<vmem>>
        %dma_wait3A_1639 = arith.constant 0 : i32
        %dma_wait3A_1640 = arith.constant 0 : i32
        %dma_wait3A_1641 = tpu.memref_slice %arg3[%dma_wait3A_1629, %dma_wait3A_1639, %dma_wait3A_1640] : memref<26x100000x16xf32, #tpu.memory_space<hbm>> -> memref<1x100000x16xf32, #tpu.memory_space<hbm>>
        %dma_wait3A_1642 = tpu.memref_squeeze %dma_wait3A_1641 : memref<1x100000x16xf32, #tpu.memory_space<hbm>> -> memref<100000x16xf32, #tpu.memory_space<hbm>>
        %dma_wait3A_1643 = arith.constant 0 : i32
        %dma_wait3A_1644 = arith.constant 0 : i32
        %dma_wait3A_1645 = tpu.memref_slice %dma_wait3A_1642[%dma_wait3A_1643, %dma_wait3A_1644] : memref<100000x16xf32, #tpu.memory_space<hbm>> -> memref<100000x16xf32, #tpu.memory_space<hbm>>
        tpu.wait_indirect_dma semaphore(%arg11 : memref<!tpu.dma_semaphore, #tpu.memory_space<semaphore_mem>>) src(%dma_wait3A_1645 : memref<100000x16xf32, #tpu.memory_space<hbm>>) dst(%dma_wait3A_1635 : memref<32x16xf32, #tpu.memory_space<vmem>>)
        %dma_wait3A_1646 = arith.constant 0 : i32
        %dma_wait3A_1647 = arith.constant 0 : i32
        %dma_wait3A_1648 = arith.constant 0 : i32
        %dma_wait3A_1649 = arith.constant 0 : i32
        %dma_wait3A_1650 = arith.constant 0 : i32
        %dma_wait3A_1651 = tpu.memref_slice %arg10[%dma_wait3A_1648, %dma_wait3A_1649, %dma_wait3A_1650] : memref<26x32x16xf32, #tpu.memory_space<vmem>> -> memref<1x32x16xf32, #tpu.memory_space<vmem>>
        %dma_wait3A_1652 = tpu.memref_squeeze %dma_wait3A_1651 : memref<1x32x16xf32, #tpu.memory_space<vmem>> -> memref<32x16xf32, #tpu.memory_space<vmem>>
        %dma_wait3A_1653 = arith.constant 0 : i32
        %dma_wait3A_1654 = tpu.memref_slice %arg6[%dma_wait3A_1647, %dma_wait3A_1653] : memref<26x32xi32, #tpu.memory_space<vmem>> -> memref<1x32xi32, #tpu.memory_space<vmem>>
        %dma_wait3A_1655 = tpu.memref_squeeze %dma_wait3A_1654 : memref<1x32xi32, #tpu.memory_space<vmem>> -> memref<32xi32, #tpu.memory_space<vmem>>
        %dma_wait3A_1656 = arith.constant 0 : i32
        %dma_wait3A_1657 = arith.constant 0 : i32
        %dma_wait3A_1658 = tpu.memref_slice %arg3[%dma_wait3A_1646, %dma_wait3A_1656, %dma_wait3A_1657] : memref<26x100000x16xf32, #tpu.memory_space<hbm>> -> memref<1x100000x16xf32, #tpu.memory_space<hbm>>
        %dma_wait3A_1659 = tpu.memref_squeeze %dma_wait3A_1658 : memref<1x100000x16xf32, #tpu.memory_space<hbm>> -> memref<100000x16xf32, #tpu.memory_space<hbm>>
        %dma_wait3A_1660 = arith.constant 0 : i32
        %dma_wait3A_1661 = arith.constant 0 : i32
        %dma_wait3A_1662 = tpu.memref_slice %dma_wait3A_1659[%dma_wait3A_1660, %dma_wait3A_1661] : memref<100000x16xf32, #tpu.memory_space<hbm>> -> memref<100000x16xf32, #tpu.memory_space<hbm>>
        tpu.wait_indirect_dma semaphore(%arg11 : memref<!tpu.dma_semaphore, #tpu.memory_space<semaphore_mem>>) src(%dma_wait3A_1662 : memref<100000x16xf32, #tpu.memory_space<hbm>>) dst(%dma_wait3A_1652 : memref<32x16xf32, #tpu.memory_space<vmem>>)
        %dma_wait3A_1663 = arith.constant 0 : i32
        %dma_wait3A_1664 = arith.constant 0 : i32
        %dma_wait3A_1665 = arith.constant 0 : i32
        %dma_wait3A_1666 = arith.constant 0 : i32
        %dma_wait3A_1667 = arith.constant 0 : i32
        %dma_wait3A_1668 = tpu.memref_slice %arg10[%dma_wait3A_1665, %dma_wait3A_1666, %dma_wait3A_1667] : memref<26x32x16xf32, #tpu.memory_space<vmem>> -> memref<1x32x16xf32, #tpu.memory_space<vmem>>
        %dma_wait3A_1669 = tpu.memref_squeeze %dma_wait3A_1668 : memref<1x32x16xf32, #tpu.memory_space<vmem>> -> memref<32x16xf32, #tpu.memory_space<vmem>>
        %dma_wait3A_1670 = arith.constant 0 : i32
        %dma_wait3A_1671 = tpu.memref_slice %arg6[%dma_wait3A_1664, %dma_wait3A_1670] : memref<26x32xi32, #tpu.memory_space<vmem>> -> memref<1x32xi32, #tpu.memory_space<vmem>>
        %dma_wait3A_1672 = tpu.memref_squeeze %dma_wait3A_1671 : memref<1x32xi32, #tpu.memory_space<vmem>> -> memref<32xi32, #tpu.memory_space<vmem>>
        %dma_wait3A_1673 = arith.constant 0 : i32
        %dma_wait3A_1674 = arith.constant 0 : i32
        %dma_wait3A_1675 = tpu.memref_slice %arg3[%dma_wait3A_1663, %dma_wait3A_1673, %dma_wait3A_1674] : memref<26x100000x16xf32, #tpu.memory_space<hbm>> -> memref<1x100000x16xf32, #tpu.memory_space<hbm>>
        %dma_wait3A_1676 = tpu.memref_squeeze %dma_wait3A_1675 : memref<1x100000x16xf32, #tpu.memory_space<hbm>> -> memref<100000x16xf32, #tpu.memory_space<hbm>>
        %dma_wait3A_1677 = arith.constant 0 : i32
        %dma_wait3A_1678 = arith.constant 0 : i32
        %dma_wait3A_1679 = tpu.memref_slice %dma_wait3A_1676[%dma_wait3A_1677, %dma_wait3A_1678] : memref<100000x16xf32, #tpu.memory_space<hbm>> -> memref<100000x16xf32, #tpu.memory_space<hbm>>
        tpu.wait_indirect_dma semaphore(%arg11 : memref<!tpu.dma_semaphore, #tpu.memory_space<semaphore_mem>>) src(%dma_wait3A_1679 : memref<100000x16xf32, #tpu.memory_space<hbm>>) dst(%dma_wait3A_1669 : memref<32x16xf32, #tpu.memory_space<vmem>>)
        %dma_wait3A_1680 = arith.constant 0 : i32
        %dma_wait3A_1681 = arith.constant 0 : i32
        %dma_wait3A_1682 = arith.constant 0 : i32
        %dma_wait3A_1683 = arith.constant 0 : i32
        %dma_wait3A_1684 = arith.constant 0 : i32
        %dma_wait3A_1685 = tpu.memref_slice %arg10[%dma_wait3A_1682, %dma_wait3A_1683, %dma_wait3A_1684] : memref<26x32x16xf32, #tpu.memory_space<vmem>> -> memref<1x32x16xf32, #tpu.memory_space<vmem>>
        %dma_wait3A_1686 = tpu.memref_squeeze %dma_wait3A_1685 : memref<1x32x16xf32, #tpu.memory_space<vmem>> -> memref<32x16xf32, #tpu.memory_space<vmem>>
        %dma_wait3A_1687 = arith.constant 0 : i32
        %dma_wait3A_1688 = tpu.memref_slice %arg6[%dma_wait3A_1681, %dma_wait3A_1687] : memref<26x32xi32, #tpu.memory_space<vmem>> -> memref<1x32xi32, #tpu.memory_space<vmem>>
        %dma_wait3A_1689 = tpu.memref_squeeze %dma_wait3A_1688 : memref<1x32xi32, #tpu.memory_space<vmem>> -> memref<32xi32, #tpu.memory_space<vmem>>
        %dma_wait3A_1690 = arith.constant 0 : i32
        %dma_wait3A_1691 = arith.constant 0 : i32
        %dma_wait3A_1692 = tpu.memref_slice %arg3[%dma_wait3A_1680, %dma_wait3A_1690, %dma_wait3A_1691] : memref<26x100000x16xf32, #tpu.memory_space<hbm>> -> memref<1x100000x16xf32, #tpu.memory_space<hbm>>
        %dma_wait3A_1693 = tpu.memref_squeeze %dma_wait3A_1692 : memref<1x100000x16xf32, #tpu.memory_space<hbm>> -> memref<100000x16xf32, #tpu.memory_space<hbm>>
        %dma_wait3A_1694 = arith.constant 0 : i32
        %dma_wait3A_1695 = arith.constant 0 : i32
        %dma_wait3A_1696 = tpu.memref_slice %dma_wait3A_1693[%dma_wait3A_1694, %dma_wait3A_1695] : memref<100000x16xf32, #tpu.memory_space<hbm>> -> memref<100000x16xf32, #tpu.memory_space<hbm>>
        tpu.wait_indirect_dma semaphore(%arg11 : memref<!tpu.dma_semaphore, #tpu.memory_space<semaphore_mem>>) src(%dma_wait3A_1696 : memref<100000x16xf32, #tpu.memory_space<hbm>>) dst(%dma_wait3A_1686 : memref<32x16xf32, #tpu.memory_space<vmem>>)
        %dma_wait3A_1697 = arith.constant 0 : i32
        %dma_wait3A_1698 = arith.constant 0 : i32
        %dma_wait3A_1699 = arith.constant 0 : i32
        %dma_wait3A_1700 = arith.constant 0 : i32
        %dma_wait3A_1701 = arith.constant 0 : i32
        %dma_wait3A_1702 = tpu.memref_slice %arg10[%dma_wait3A_1699, %dma_wait3A_1700, %dma_wait3A_1701] : memref<26x32x16xf32, #tpu.memory_space<vmem>> -> memref<1x32x16xf32, #tpu.memory_space<vmem>>
        %dma_wait3A_1703 = tpu.memref_squeeze %dma_wait3A_1702 : memref<1x32x16xf32, #tpu.memory_space<vmem>> -> memref<32x16xf32, #tpu.memory_space<vmem>>
        %dma_wait3A_1704 = arith.constant 0 : i32
        %dma_wait3A_1705 = tpu.memref_slice %arg6[%dma_wait3A_1698, %dma_wait3A_1704] : memref<26x32xi32, #tpu.memory_space<vmem>> -> memref<1x32xi32, #tpu.memory_space<vmem>>
        %dma_wait3A_1706 = tpu.memref_squeeze %dma_wait3A_1705 : memref<1x32xi32, #tpu.memory_space<vmem>> -> memref<32xi32, #tpu.memory_space<vmem>>
        %dma_wait3A_1707 = arith.constant 0 : i32
        %dma_wait3A_1708 = arith.constant 0 : i32
        %dma_wait3A_1709 = tpu.memref_slice %arg3[%dma_wait3A_1697, %dma_wait3A_1707, %dma_wait3A_1708] : memref<26x100000x16xf32, #tpu.memory_space<hbm>> -> memref<1x100000x16xf32, #tpu.memory_space<hbm>>
        %dma_wait3A_1710 = tpu.memref_squeeze %dma_wait3A_1709 : memref<1x100000x16xf32, #tpu.memory_space<hbm>> -> memref<100000x16xf32, #tpu.memory_space<hbm>>
        %dma_wait3A_1711 = arith.constant 0 : i32
        %dma_wait3A_1712 = arith.constant 0 : i32
        %dma_wait3A_1713 = tpu.memref_slice %dma_wait3A_1710[%dma_wait3A_1711, %dma_wait3A_1712] : memref<100000x16xf32, #tpu.memory_space<hbm>> -> memref<100000x16xf32, #tpu.memory_space<hbm>>
        tpu.wait_indirect_dma semaphore(%arg11 : memref<!tpu.dma_semaphore, #tpu.memory_space<semaphore_mem>>) src(%dma_wait3A_1713 : memref<100000x16xf32, #tpu.memory_space<hbm>>) dst(%dma_wait3A_1703 : memref<32x16xf32, #tpu.memory_space<vmem>>)
        %dma_wait3A_1714 = arith.constant 0 : i32
        %dma_wait3A_1715 = arith.constant 0 : i32
        %dma_wait3A_1716 = arith.constant 0 : i32
        %dma_wait3A_1717 = arith.constant 0 : i32
        %dma_wait3A_1718 = arith.constant 0 : i32
        %dma_wait3A_1719 = tpu.memref_slice %arg10[%dma_wait3A_1716, %dma_wait3A_1717, %dma_wait3A_1718] : memref<26x32x16xf32, #tpu.memory_space<vmem>> -> memref<1x32x16xf32, #tpu.memory_space<vmem>>
        %dma_wait3A_1720 = tpu.memref_squeeze %dma_wait3A_1719 : memref<1x32x16xf32, #tpu.memory_space<vmem>> -> memref<32x16xf32, #tpu.memory_space<vmem>>
        %dma_wait3A_1721 = arith.constant 0 : i32
        %dma_wait3A_1722 = tpu.memref_slice %arg6[%dma_wait3A_1715, %dma_wait3A_1721] : memref<26x32xi32, #tpu.memory_space<vmem>> -> memref<1x32xi32, #tpu.memory_space<vmem>>
        %dma_wait3A_1723 = tpu.memref_squeeze %dma_wait3A_1722 : memref<1x32xi32, #tpu.memory_space<vmem>> -> memref<32xi32, #tpu.memory_space<vmem>>
        %dma_wait3A_1724 = arith.constant 0 : i32
        %dma_wait3A_1725 = arith.constant 0 : i32
        %dma_wait3A_1726 = tpu.memref_slice %arg3[%dma_wait3A_1714, %dma_wait3A_1724, %dma_wait3A_1725] : memref<26x100000x16xf32, #tpu.memory_space<hbm>> -> memref<1x100000x16xf32, #tpu.memory_space<hbm>>
        %dma_wait3A_1727 = tpu.memref_squeeze %dma_wait3A_1726 : memref<1x100000x16xf32, #tpu.memory_space<hbm>> -> memref<100000x16xf32, #tpu.memory_space<hbm>>
        %dma_wait3A_1728 = arith.constant 0 : i32
        %dma_wait3A_1729 = arith.constant 0 : i32
        %dma_wait3A_1730 = tpu.memref_slice %dma_wait3A_1727[%dma_wait3A_1728, %dma_wait3A_1729] : memref<100000x16xf32, #tpu.memory_space<hbm>> -> memref<100000x16xf32, #tpu.memory_space<hbm>>
        tpu.wait_indirect_dma semaphore(%arg11 : memref<!tpu.dma_semaphore, #tpu.memory_space<semaphore_mem>>) src(%dma_wait3A_1730 : memref<100000x16xf32, #tpu.memory_space<hbm>>) dst(%dma_wait3A_1720 : memref<32x16xf32, #tpu.memory_space<vmem>>)
        %dma_wait3A_1731 = arith.constant 0 : i32
        %dma_wait3A_1732 = arith.constant 0 : i32
        %dma_wait3A_1733 = arith.constant 0 : i32
        %dma_wait3A_1734 = arith.constant 0 : i32
        %dma_wait3A_1735 = arith.constant 0 : i32
        %dma_wait3A_1736 = tpu.memref_slice %arg10[%dma_wait3A_1733, %dma_wait3A_1734, %dma_wait3A_1735] : memref<26x32x16xf32, #tpu.memory_space<vmem>> -> memref<1x32x16xf32, #tpu.memory_space<vmem>>
        %dma_wait3A_1737 = tpu.memref_squeeze %dma_wait3A_1736 : memref<1x32x16xf32, #tpu.memory_space<vmem>> -> memref<32x16xf32, #tpu.memory_space<vmem>>
        %dma_wait3A_1738 = arith.constant 0 : i32
        %dma_wait3A_1739 = tpu.memref_slice %arg6[%dma_wait3A_1732, %dma_wait3A_1738] : memref<26x32xi32, #tpu.memory_space<vmem>> -> memref<1x32xi32, #tpu.memory_space<vmem>>
        %dma_wait3A_1740 = tpu.memref_squeeze %dma_wait3A_1739 : memref<1x32xi32, #tpu.memory_space<vmem>> -> memref<32xi32, #tpu.memory_space<vmem>>
        %dma_wait3A_1741 = arith.constant 0 : i32
        %dma_wait3A_1742 = arith.constant 0 : i32
        %dma_wait3A_1743 = tpu.memref_slice %arg3[%dma_wait3A_1731, %dma_wait3A_1741, %dma_wait3A_1742] : memref<26x100000x16xf32, #tpu.memory_space<hbm>> -> memref<1x100000x16xf32, #tpu.memory_space<hbm>>
        %dma_wait3A_1744 = tpu.memref_squeeze %dma_wait3A_1743 : memref<1x100000x16xf32, #tpu.memory_space<hbm>> -> memref<100000x16xf32, #tpu.memory_space<hbm>>
        %dma_wait3A_1745 = arith.constant 0 : i32
        %dma_wait3A_1746 = arith.constant 0 : i32
        %dma_wait3A_1747 = tpu.memref_slice %dma_wait3A_1744[%dma_wait3A_1745, %dma_wait3A_1746] : memref<100000x16xf32, #tpu.memory_space<hbm>> -> memref<100000x16xf32, #tpu.memory_space<hbm>>
        tpu.wait_indirect_dma semaphore(%arg11 : memref<!tpu.dma_semaphore, #tpu.memory_space<semaphore_mem>>) src(%dma_wait3A_1747 : memref<100000x16xf32, #tpu.memory_space<hbm>>) dst(%dma_wait3A_1737 : memref<32x16xf32, #tpu.memory_space<vmem>>)
        %dma_wait3A_1748 = arith.constant 0 : i32
        %dma_wait3A_1749 = arith.constant 0 : i32
        %dma_wait3A_1750 = arith.constant 0 : i32
        %dma_wait3A_1751 = arith.constant 0 : i32
        %dma_wait3A_1752 = arith.constant 0 : i32
        %dma_wait3A_1753 = tpu.memref_slice %arg10[%dma_wait3A_1750, %dma_wait3A_1751, %dma_wait3A_1752] : memref<26x32x16xf32, #tpu.memory_space<vmem>> -> memref<1x32x16xf32, #tpu.memory_space<vmem>>
        %dma_wait3A_1754 = tpu.memref_squeeze %dma_wait3A_1753 : memref<1x32x16xf32, #tpu.memory_space<vmem>> -> memref<32x16xf32, #tpu.memory_space<vmem>>
        %dma_wait3A_1755 = arith.constant 0 : i32
        %dma_wait3A_1756 = tpu.memref_slice %arg6[%dma_wait3A_1749, %dma_wait3A_1755] : memref<26x32xi32, #tpu.memory_space<vmem>> -> memref<1x32xi32, #tpu.memory_space<vmem>>
        %dma_wait3A_1757 = tpu.memref_squeeze %dma_wait3A_1756 : memref<1x32xi32, #tpu.memory_space<vmem>> -> memref<32xi32, #tpu.memory_space<vmem>>
        %dma_wait3A_1758 = arith.constant 0 : i32
        %dma_wait3A_1759 = arith.constant 0 : i32
        %dma_wait3A_1760 = tpu.memref_slice %arg3[%dma_wait3A_1748, %dma_wait3A_1758, %dma_wait3A_1759] : memref<26x100000x16xf32, #tpu.memory_space<hbm>> -> memref<1x100000x16xf32, #tpu.memory_space<hbm>>
        %dma_wait3A_1761 = tpu.memref_squeeze %dma_wait3A_1760 : memref<1x100000x16xf32, #tpu.memory_space<hbm>> -> memref<100000x16xf32, #tpu.memory_space<hbm>>
        %dma_wait3A_1762 = arith.constant 0 : i32
        %dma_wait3A_1763 = arith.constant 0 : i32
        %dma_wait3A_1764 = tpu.memref_slice %dma_wait3A_1761[%dma_wait3A_1762, %dma_wait3A_1763] : memref<100000x16xf32, #tpu.memory_space<hbm>> -> memref<100000x16xf32, #tpu.memory_space<hbm>>
        tpu.wait_indirect_dma semaphore(%arg11 : memref<!tpu.dma_semaphore, #tpu.memory_space<semaphore_mem>>) src(%dma_wait3A_1764 : memref<100000x16xf32, #tpu.memory_space<hbm>>) dst(%dma_wait3A_1754 : memref<32x16xf32, #tpu.memory_space<vmem>>)
        %dma_wait3A_1765 = arith.constant 0 : i32
        %dma_wait3A_1766 = arith.constant 0 : i32
        %dma_wait3A_1767 = arith.constant 0 : i32
        %dma_wait3A_1768 = arith.constant 0 : i32
        %dma_wait3A_1769 = arith.constant 0 : i32
        %dma_wait3A_1770 = tpu.memref_slice %arg10[%dma_wait3A_1767, %dma_wait3A_1768, %dma_wait3A_1769] : memref<26x32x16xf32, #tpu.memory_space<vmem>> -> memref<1x32x16xf32, #tpu.memory_space<vmem>>
        %dma_wait3A_1771 = tpu.memref_squeeze %dma_wait3A_1770 : memref<1x32x16xf32, #tpu.memory_space<vmem>> -> memref<32x16xf32, #tpu.memory_space<vmem>>
        %dma_wait3A_1772 = arith.constant 0 : i32
        %dma_wait3A_1773 = tpu.memref_slice %arg6[%dma_wait3A_1766, %dma_wait3A_1772] : memref<26x32xi32, #tpu.memory_space<vmem>> -> memref<1x32xi32, #tpu.memory_space<vmem>>
        %dma_wait3A_1774 = tpu.memref_squeeze %dma_wait3A_1773 : memref<1x32xi32, #tpu.memory_space<vmem>> -> memref<32xi32, #tpu.memory_space<vmem>>
        %dma_wait3A_1775 = arith.constant 0 : i32
        %dma_wait3A_1776 = arith.constant 0 : i32
        %dma_wait3A_1777 = tpu.memref_slice %arg3[%dma_wait3A_1765, %dma_wait3A_1775, %dma_wait3A_1776] : memref<26x100000x16xf32, #tpu.memory_space<hbm>> -> memref<1x100000x16xf32, #tpu.memory_space<hbm>>
        %dma_wait3A_1778 = tpu.memref_squeeze %dma_wait3A_1777 : memref<1x100000x16xf32, #tpu.memory_space<hbm>> -> memref<100000x16xf32, #tpu.memory_space<hbm>>
        %dma_wait3A_1779 = arith.constant 0 : i32
        %dma_wait3A_1780 = arith.constant 0 : i32
        %dma_wait3A_1781 = tpu.memref_slice %dma_wait3A_1778[%dma_wait3A_1779, %dma_wait3A_1780] : memref<100000x16xf32, #tpu.memory_space<hbm>> -> memref<100000x16xf32, #tpu.memory_space<hbm>>
        tpu.wait_indirect_dma semaphore(%arg11 : memref<!tpu.dma_semaphore, #tpu.memory_space<semaphore_mem>>) src(%dma_wait3A_1781 : memref<100000x16xf32, #tpu.memory_space<hbm>>) dst(%dma_wait3A_1771 : memref<32x16xf32, #tpu.memory_space<vmem>>)
        %dma_wait3A_1782 = arith.constant 0 : i32
        %dma_wait3A_1783 = arith.constant 0 : i32
        %dma_wait3A_1784 = arith.constant 0 : i32
        %dma_wait3A_1785 = arith.constant 0 : i32
        %dma_wait3A_1786 = arith.constant 0 : i32
        %dma_wait3A_1787 = tpu.memref_slice %arg10[%dma_wait3A_1784, %dma_wait3A_1785, %dma_wait3A_1786] : memref<26x32x16xf32, #tpu.memory_space<vmem>> -> memref<1x32x16xf32, #tpu.memory_space<vmem>>
        %dma_wait3A_1788 = tpu.memref_squeeze %dma_wait3A_1787 : memref<1x32x16xf32, #tpu.memory_space<vmem>> -> memref<32x16xf32, #tpu.memory_space<vmem>>
        %dma_wait3A_1789 = arith.constant 0 : i32
        %dma_wait3A_1790 = tpu.memref_slice %arg6[%dma_wait3A_1783, %dma_wait3A_1789] : memref<26x32xi32, #tpu.memory_space<vmem>> -> memref<1x32xi32, #tpu.memory_space<vmem>>
        %dma_wait3A_1791 = tpu.memref_squeeze %dma_wait3A_1790 : memref<1x32xi32, #tpu.memory_space<vmem>> -> memref<32xi32, #tpu.memory_space<vmem>>
        %dma_wait3A_1792 = arith.constant 0 : i32
        %dma_wait3A_1793 = arith.constant 0 : i32
        %dma_wait3A_1794 = tpu.memref_slice %arg3[%dma_wait3A_1782, %dma_wait3A_1792, %dma_wait3A_1793] : memref<26x100000x16xf32, #tpu.memory_space<hbm>> -> memref<1x100000x16xf32, #tpu.memory_space<hbm>>
        %dma_wait3A_1795 = tpu.memref_squeeze %dma_wait3A_1794 : memref<1x100000x16xf32, #tpu.memory_space<hbm>> -> memref<100000x16xf32, #tpu.memory_space<hbm>>
        %dma_wait3A_1796 = arith.constant 0 : i32
        %dma_wait3A_1797 = arith.constant 0 : i32
        %dma_wait3A_1798 = tpu.memref_slice %dma_wait3A_1795[%dma_wait3A_1796, %dma_wait3A_1797] : memref<100000x16xf32, #tpu.memory_space<hbm>> -> memref<100000x16xf32, #tpu.memory_space<hbm>>
        tpu.wait_indirect_dma semaphore(%arg11 : memref<!tpu.dma_semaphore, #tpu.memory_space<semaphore_mem>>) src(%dma_wait3A_1798 : memref<100000x16xf32, #tpu.memory_space<hbm>>) dst(%dma_wait3A_1788 : memref<32x16xf32, #tpu.memory_space<vmem>>)
        %dma_wait3A_1799 = arith.constant 0 : i32
        %dma_wait3A_1800 = arith.constant 0 : i32
        %dma_wait3A_1801 = arith.constant 0 : i32
        %dma_wait3A_1802 = arith.constant 0 : i32
        %dma_wait3A_1803 = arith.constant 0 : i32
        %dma_wait3A_1804 = tpu.memref_slice %arg10[%dma_wait3A_1801, %dma_wait3A_1802, %dma_wait3A_1803] : memref<26x32x16xf32, #tpu.memory_space<vmem>> -> memref<1x32x16xf32, #tpu.memory_space<vmem>>
        %dma_wait3A_1805 = tpu.memref_squeeze %dma_wait3A_1804 : memref<1x32x16xf32, #tpu.memory_space<vmem>> -> memref<32x16xf32, #tpu.memory_space<vmem>>
        %dma_wait3A_1806 = arith.constant 0 : i32
        %dma_wait3A_1807 = tpu.memref_slice %arg6[%dma_wait3A_1800, %dma_wait3A_1806] : memref<26x32xi32, #tpu.memory_space<vmem>> -> memref<1x32xi32, #tpu.memory_space<vmem>>
        %dma_wait3A_1808 = tpu.memref_squeeze %dma_wait3A_1807 : memref<1x32xi32, #tpu.memory_space<vmem>> -> memref<32xi32, #tpu.memory_space<vmem>>
        %dma_wait3A_1809 = arith.constant 0 : i32
        %dma_wait3A_1810 = arith.constant 0 : i32
        %dma_wait3A_1811 = tpu.memref_slice %arg3[%dma_wait3A_1799, %dma_wait3A_1809, %dma_wait3A_1810] : memref<26x100000x16xf32, #tpu.memory_space<hbm>> -> memref<1x100000x16xf32, #tpu.memory_space<hbm>>
        %dma_wait3A_1812 = tpu.memref_squeeze %dma_wait3A_1811 : memref<1x100000x16xf32, #tpu.memory_space<hbm>> -> memref<100000x16xf32, #tpu.memory_space<hbm>>
        %dma_wait3A_1813 = arith.constant 0 : i32
        %dma_wait3A_1814 = arith.constant 0 : i32
        %dma_wait3A_1815 = tpu.memref_slice %dma_wait3A_1812[%dma_wait3A_1813, %dma_wait3A_1814] : memref<100000x16xf32, #tpu.memory_space<hbm>> -> memref<100000x16xf32, #tpu.memory_space<hbm>>
        tpu.wait_indirect_dma semaphore(%arg11 : memref<!tpu.dma_semaphore, #tpu.memory_space<semaphore_mem>>) src(%dma_wait3A_1815 : memref<100000x16xf32, #tpu.memory_space<hbm>>) dst(%dma_wait3A_1805 : memref<32x16xf32, #tpu.memory_space<vmem>>)
        %dma_wait3A_1816 = arith.constant 0 : i32
        %dma_wait3A_1817 = arith.constant 0 : i32
        %dma_wait3A_1818 = arith.constant 0 : i32
        %dma_wait3A_1819 = arith.constant 0 : i32
        %dma_wait3A_1820 = arith.constant 0 : i32
        %dma_wait3A_1821 = tpu.memref_slice %arg10[%dma_wait3A_1818, %dma_wait3A_1819, %dma_wait3A_1820] : memref<26x32x16xf32, #tpu.memory_space<vmem>> -> memref<1x32x16xf32, #tpu.memory_space<vmem>>
        %dma_wait3A_1822 = tpu.memref_squeeze %dma_wait3A_1821 : memref<1x32x16xf32, #tpu.memory_space<vmem>> -> memref<32x16xf32, #tpu.memory_space<vmem>>
        %dma_wait3A_1823 = arith.constant 0 : i32
        %dma_wait3A_1824 = tpu.memref_slice %arg6[%dma_wait3A_1817, %dma_wait3A_1823] : memref<26x32xi32, #tpu.memory_space<vmem>> -> memref<1x32xi32, #tpu.memory_space<vmem>>
        %dma_wait3A_1825 = tpu.memref_squeeze %dma_wait3A_1824 : memref<1x32xi32, #tpu.memory_space<vmem>> -> memref<32xi32, #tpu.memory_space<vmem>>
        %dma_wait3A_1826 = arith.constant 0 : i32
        %dma_wait3A_1827 = arith.constant 0 : i32
        %dma_wait3A_1828 = tpu.memref_slice %arg3[%dma_wait3A_1816, %dma_wait3A_1826, %dma_wait3A_1827] : memref<26x100000x16xf32, #tpu.memory_space<hbm>> -> memref<1x100000x16xf32, #tpu.memory_space<hbm>>
        %dma_wait3A_1829 = tpu.memref_squeeze %dma_wait3A_1828 : memref<1x100000x16xf32, #tpu.memory_space<hbm>> -> memref<100000x16xf32, #tpu.memory_space<hbm>>
        %dma_wait3A_1830 = arith.constant 0 : i32
        %dma_wait3A_1831 = arith.constant 0 : i32
        %dma_wait3A_1832 = tpu.memref_slice %dma_wait3A_1829[%dma_wait3A_1830, %dma_wait3A_1831] : memref<100000x16xf32, #tpu.memory_space<hbm>> -> memref<100000x16xf32, #tpu.memory_space<hbm>>
        tpu.wait_indirect_dma semaphore(%arg11 : memref<!tpu.dma_semaphore, #tpu.memory_space<semaphore_mem>>) src(%dma_wait3A_1832 : memref<100000x16xf32, #tpu.memory_space<hbm>>) dst(%dma_wait3A_1822 : memref<32x16xf32, #tpu.memory_space<vmem>>)
        %dma_wait3A_1833 = arith.constant 0 : i32
        %dma_wait3A_1834 = arith.constant 0 : i32
        %dma_wait3A_1835 = arith.constant 0 : i32
        %dma_wait3A_1836 = arith.constant 0 : i32
        %dma_wait3A_1837 = arith.constant 0 : i32
        %dma_wait3A_1838 = tpu.memref_slice %arg10[%dma_wait3A_1835, %dma_wait3A_1836, %dma_wait3A_1837] : memref<26x32x16xf32, #tpu.memory_space<vmem>> -> memref<1x32x16xf32, #tpu.memory_space<vmem>>
        %dma_wait3A_1839 = tpu.memref_squeeze %dma_wait3A_1838 : memref<1x32x16xf32, #tpu.memory_space<vmem>> -> memref<32x16xf32, #tpu.memory_space<vmem>>
        %dma_wait3A_1840 = arith.constant 0 : i32
        %dma_wait3A_1841 = tpu.memref_slice %arg6[%dma_wait3A_1834, %dma_wait3A_1840] : memref<26x32xi32, #tpu.memory_space<vmem>> -> memref<1x32xi32, #tpu.memory_space<vmem>>
        %dma_wait3A_1842 = tpu.memref_squeeze %dma_wait3A_1841 : memref<1x32xi32, #tpu.memory_space<vmem>> -> memref<32xi32, #tpu.memory_space<vmem>>
        %dma_wait3A_1843 = arith.constant 0 : i32
        %dma_wait3A_1844 = arith.constant 0 : i32
        %dma_wait3A_1845 = tpu.memref_slice %arg3[%dma_wait3A_1833, %dma_wait3A_1843, %dma_wait3A_1844] : memref<26x100000x16xf32, #tpu.memory_space<hbm>> -> memref<1x100000x16xf32, #tpu.memory_space<hbm>>
        %dma_wait3A_1846 = tpu.memref_squeeze %dma_wait3A_1845 : memref<1x100000x16xf32, #tpu.memory_space<hbm>> -> memref<100000x16xf32, #tpu.memory_space<hbm>>
        %dma_wait3A_1847 = arith.constant 0 : i32
        %dma_wait3A_1848 = arith.constant 0 : i32
        %dma_wait3A_1849 = tpu.memref_slice %dma_wait3A_1846[%dma_wait3A_1847, %dma_wait3A_1848] : memref<100000x16xf32, #tpu.memory_space<hbm>> -> memref<100000x16xf32, #tpu.memory_space<hbm>>
        tpu.wait_indirect_dma semaphore(%arg11 : memref<!tpu.dma_semaphore, #tpu.memory_space<semaphore_mem>>) src(%dma_wait3A_1849 : memref<100000x16xf32, #tpu.memory_space<hbm>>) dst(%dma_wait3A_1839 : memref<32x16xf32, #tpu.memory_space<vmem>>)
        %dma_wait3A_1850 = arith.constant 0 : i32
        %dma_wait3A_1851 = arith.constant 0 : i32
        %dma_wait3A_1852 = arith.constant 0 : i32
        %dma_wait3A_1853 = arith.constant 0 : i32
        %dma_wait3A_1854 = arith.constant 0 : i32
        %dma_wait3A_1855 = tpu.memref_slice %arg10[%dma_wait3A_1852, %dma_wait3A_1853, %dma_wait3A_1854] : memref<26x32x16xf32, #tpu.memory_space<vmem>> -> memref<1x32x16xf32, #tpu.memory_space<vmem>>
        %dma_wait3A_1856 = tpu.memref_squeeze %dma_wait3A_1855 : memref<1x32x16xf32, #tpu.memory_space<vmem>> -> memref<32x16xf32, #tpu.memory_space<vmem>>
        %dma_wait3A_1857 = arith.constant 0 : i32
        %dma_wait3A_1858 = tpu.memref_slice %arg6[%dma_wait3A_1851, %dma_wait3A_1857] : memref<26x32xi32, #tpu.memory_space<vmem>> -> memref<1x32xi32, #tpu.memory_space<vmem>>
        %dma_wait3A_1859 = tpu.memref_squeeze %dma_wait3A_1858 : memref<1x32xi32, #tpu.memory_space<vmem>> -> memref<32xi32, #tpu.memory_space<vmem>>
        %dma_wait3A_1860 = arith.constant 0 : i32
        %dma_wait3A_1861 = arith.constant 0 : i32
        %dma_wait3A_1862 = tpu.memref_slice %arg3[%dma_wait3A_1850, %dma_wait3A_1860, %dma_wait3A_1861] : memref<26x100000x16xf32, #tpu.memory_space<hbm>> -> memref<1x100000x16xf32, #tpu.memory_space<hbm>>
        %dma_wait3A_1863 = tpu.memref_squeeze %dma_wait3A_1862 : memref<1x100000x16xf32, #tpu.memory_space<hbm>> -> memref<100000x16xf32, #tpu.memory_space<hbm>>
        %dma_wait3A_1864 = arith.constant 0 : i32
        %dma_wait3A_1865 = arith.constant 0 : i32
        %dma_wait3A_1866 = tpu.memref_slice %dma_wait3A_1863[%dma_wait3A_1864, %dma_wait3A_1865] : memref<100000x16xf32, #tpu.memory_space<hbm>> -> memref<100000x16xf32, #tpu.memory_space<hbm>>
        tpu.wait_indirect_dma semaphore(%arg11 : memref<!tpu.dma_semaphore, #tpu.memory_space<semaphore_mem>>) src(%dma_wait3A_1866 : memref<100000x16xf32, #tpu.memory_space<hbm>>) dst(%dma_wait3A_1856 : memref<32x16xf32, #tpu.memory_space<vmem>>)
        %dma_wait3A_1867 = arith.constant 0 : i32
        %dma_wait3A_1868 = arith.constant 0 : i32
        %dma_wait3A_1869 = arith.constant 0 : i32
        %dma_wait3A_1870 = arith.constant 0 : i32
        %dma_wait3A_1871 = arith.constant 0 : i32
        %dma_wait3A_1872 = tpu.memref_slice %arg10[%dma_wait3A_1869, %dma_wait3A_1870, %dma_wait3A_1871] : memref<26x32x16xf32, #tpu.memory_space<vmem>> -> memref<1x32x16xf32, #tpu.memory_space<vmem>>
        %dma_wait3A_1873 = tpu.memref_squeeze %dma_wait3A_1872 : memref<1x32x16xf32, #tpu.memory_space<vmem>> -> memref<32x16xf32, #tpu.memory_space<vmem>>
        %dma_wait3A_1874 = arith.constant 0 : i32
        %dma_wait3A_1875 = tpu.memref_slice %arg6[%dma_wait3A_1868, %dma_wait3A_1874] : memref<26x32xi32, #tpu.memory_space<vmem>> -> memref<1x32xi32, #tpu.memory_space<vmem>>
        %dma_wait3A_1876 = tpu.memref_squeeze %dma_wait3A_1875 : memref<1x32xi32, #tpu.memory_space<vmem>> -> memref<32xi32, #tpu.memory_space<vmem>>
        %dma_wait3A_1877 = arith.constant 0 : i32
        %dma_wait3A_1878 = arith.constant 0 : i32
        %dma_wait3A_1879 = tpu.memref_slice %arg3[%dma_wait3A_1867, %dma_wait3A_1877, %dma_wait3A_1878] : memref<26x100000x16xf32, #tpu.memory_space<hbm>> -> memref<1x100000x16xf32, #tpu.memory_space<hbm>>
        %dma_wait3A_1880 = tpu.memref_squeeze %dma_wait3A_1879 : memref<1x100000x16xf32, #tpu.memory_space<hbm>> -> memref<100000x16xf32, #tpu.memory_space<hbm>>
        %dma_wait3A_1881 = arith.constant 0 : i32
        %dma_wait3A_1882 = arith.constant 0 : i32
        %dma_wait3A_1883 = tpu.memref_slice %dma_wait3A_1880[%dma_wait3A_1881, %dma_wait3A_1882] : memref<100000x16xf32, #tpu.memory_space<hbm>> -> memref<100000x16xf32, #tpu.memory_space<hbm>>
        tpu.wait_indirect_dma semaphore(%arg11 : memref<!tpu.dma_semaphore, #tpu.memory_space<semaphore_mem>>) src(%dma_wait3A_1883 : memref<100000x16xf32, #tpu.memory_space<hbm>>) dst(%dma_wait3A_1873 : memref<32x16xf32, #tpu.memory_space<vmem>>)
        %dma_wait3A_1884 = arith.constant 0 : i32
        %dma_wait3A_1885 = arith.constant 0 : i32
        %dma_wait3A_1886 = tpu.memref_slice %arg9[%dma_wait3A_1884, %dma_wait3A_1885] : memref<832x16xf32, #tpu.memory_space<vmem>> -> memref<104x16xf32, #tpu.memory_space<vmem>>
        %dma_wait3A_1887 = arith.constant 0 : i32
        %dma_wait3A_1888 = tpu.memref_slice %arg8[%dma_wait3A_1887] : memref<832xi32, #tpu.memory_space<vmem>> -> memref<104xi32, #tpu.memory_space<vmem>>
        %dma_wait3A_1889 = arith.constant 0 : i32
        %dma_wait3A_1890 = arith.constant 0 : i32
        %dma_wait3A_1891 = tpu.memref_slice %arg4[%dma_wait3A_1889, %dma_wait3A_1890] : memref<162560x16xf32, #tpu.memory_space<hbm>> -> memref<162560x16xf32, #tpu.memory_space<hbm>>
        tpu.wait_indirect_dma semaphore(%arg12 : memref<!tpu.dma_semaphore, #tpu.memory_space<semaphore_mem>>) src(%dma_wait3A_1891 : memref<162560x16xf32, #tpu.memory_space<hbm>>) dst(%dma_wait3A_1886 : memref<104x16xf32, #tpu.memory_space<vmem>>)
        %dma_wait3A_1892 = arith.constant 0 : i32
        %dma_wait3A_1893 = arith.constant 0 : i32
        %dma_wait3A_1894 = tpu.memref_slice %arg9[%dma_wait3A_1892, %dma_wait3A_1893] : memref<832x16xf32, #tpu.memory_space<vmem>> -> memref<104x16xf32, #tpu.memory_space<vmem>>
        %dma_wait3A_1895 = arith.constant 0 : i32
        %dma_wait3A_1896 = tpu.memref_slice %arg8[%dma_wait3A_1895] : memref<832xi32, #tpu.memory_space<vmem>> -> memref<104xi32, #tpu.memory_space<vmem>>
        %dma_wait3A_1897 = arith.constant 0 : i32
        %dma_wait3A_1898 = arith.constant 0 : i32
        %dma_wait3A_1899 = tpu.memref_slice %arg4[%dma_wait3A_1897, %dma_wait3A_1898] : memref<162560x16xf32, #tpu.memory_space<hbm>> -> memref<162560x16xf32, #tpu.memory_space<hbm>>
        tpu.wait_indirect_dma semaphore(%arg12 : memref<!tpu.dma_semaphore, #tpu.memory_space<semaphore_mem>>) src(%dma_wait3A_1899 : memref<162560x16xf32, #tpu.memory_space<hbm>>) dst(%dma_wait3A_1894 : memref<104x16xf32, #tpu.memory_space<vmem>>)
        %dma_wait3A_1900 = arith.constant 0 : i32
        %dma_wait3A_1901 = arith.constant 0 : i32
        %dma_wait3A_1902 = tpu.memref_slice %arg9[%dma_wait3A_1900, %dma_wait3A_1901] : memref<832x16xf32, #tpu.memory_space<vmem>> -> memref<104x16xf32, #tpu.memory_space<vmem>>
        %dma_wait3A_1903 = arith.constant 0 : i32
        %dma_wait3A_1904 = tpu.memref_slice %arg8[%dma_wait3A_1903] : memref<832xi32, #tpu.memory_space<vmem>> -> memref<104xi32, #tpu.memory_space<vmem>>
        %dma_wait3A_1905 = arith.constant 0 : i32
        %dma_wait3A_1906 = arith.constant 0 : i32
        %dma_wait3A_1907 = tpu.memref_slice %arg4[%dma_wait3A_1905, %dma_wait3A_1906] : memref<162560x16xf32, #tpu.memory_space<hbm>> -> memref<162560x16xf32, #tpu.memory_space<hbm>>
        tpu.wait_indirect_dma semaphore(%arg12 : memref<!tpu.dma_semaphore, #tpu.memory_space<semaphore_mem>>) src(%dma_wait3A_1907 : memref<162560x16xf32, #tpu.memory_space<hbm>>) dst(%dma_wait3A_1902 : memref<104x16xf32, #tpu.memory_space<vmem>>)
        %dma_wait3A_1908 = arith.constant 0 : i32
        %dma_wait3A_1909 = arith.constant 0 : i32
        %dma_wait3A_1910 = tpu.memref_slice %arg9[%dma_wait3A_1908, %dma_wait3A_1909] : memref<832x16xf32, #tpu.memory_space<vmem>> -> memref<104x16xf32, #tpu.memory_space<vmem>>
        %dma_wait3A_1911 = arith.constant 0 : i32
        %dma_wait3A_1912 = tpu.memref_slice %arg8[%dma_wait3A_1911] : memref<832xi32, #tpu.memory_space<vmem>> -> memref<104xi32, #tpu.memory_space<vmem>>
        %dma_wait3A_1913 = arith.constant 0 : i32
        %dma_wait3A_1914 = arith.constant 0 : i32
        %dma_wait3A_1915 = tpu.memref_slice %arg4[%dma_wait3A_1913, %dma_wait3A_1914] : memref<162560x16xf32, #tpu.memory_space<hbm>> -> memref<162560x16xf32, #tpu.memory_space<hbm>>
        tpu.wait_indirect_dma semaphore(%arg12 : memref<!tpu.dma_semaphore, #tpu.memory_space<semaphore_mem>>) src(%dma_wait3A_1915 : memref<162560x16xf32, #tpu.memory_space<hbm>>) dst(%dma_wait3A_1910 : memref<104x16xf32, #tpu.memory_space<vmem>>)
        %dma_wait3A_1916 = arith.constant 0 : i32
        %dma_wait3A_1917 = arith.constant 0 : i32
        %dma_wait3A_1918 = tpu.memref_slice %arg9[%dma_wait3A_1916, %dma_wait3A_1917] : memref<832x16xf32, #tpu.memory_space<vmem>> -> memref<104x16xf32, #tpu.memory_space<vmem>>
        %dma_wait3A_1919 = arith.constant 0 : i32
        %dma_wait3A_1920 = tpu.memref_slice %arg8[%dma_wait3A_1919] : memref<832xi32, #tpu.memory_space<vmem>> -> memref<104xi32, #tpu.memory_space<vmem>>
        %dma_wait3A_1921 = arith.constant 0 : i32
        %dma_wait3A_1922 = arith.constant 0 : i32
        %dma_wait3A_1923 = tpu.memref_slice %arg4[%dma_wait3A_1921, %dma_wait3A_1922] : memref<162560x16xf32, #tpu.memory_space<hbm>> -> memref<162560x16xf32, #tpu.memory_space<hbm>>
        tpu.wait_indirect_dma semaphore(%arg12 : memref<!tpu.dma_semaphore, #tpu.memory_space<semaphore_mem>>) src(%dma_wait3A_1923 : memref<162560x16xf32, #tpu.memory_space<hbm>>) dst(%dma_wait3A_1918 : memref<104x16xf32, #tpu.memory_space<vmem>>)
        %dma_wait3A_1924 = arith.constant 0 : i32
        %dma_wait3A_1925 = arith.constant 0 : i32
        %dma_wait3A_1926 = tpu.memref_slice %arg9[%dma_wait3A_1924, %dma_wait3A_1925] : memref<832x16xf32, #tpu.memory_space<vmem>> -> memref<104x16xf32, #tpu.memory_space<vmem>>
        %dma_wait3A_1927 = arith.constant 0 : i32
        %dma_wait3A_1928 = tpu.memref_slice %arg8[%dma_wait3A_1927] : memref<832xi32, #tpu.memory_space<vmem>> -> memref<104xi32, #tpu.memory_space<vmem>>
        %dma_wait3A_1929 = arith.constant 0 : i32
        %dma_wait3A_1930 = arith.constant 0 : i32
        %dma_wait3A_1931 = tpu.memref_slice %arg4[%dma_wait3A_1929, %dma_wait3A_1930] : memref<162560x16xf32, #tpu.memory_space<hbm>> -> memref<162560x16xf32, #tpu.memory_space<hbm>>
        tpu.wait_indirect_dma semaphore(%arg12 : memref<!tpu.dma_semaphore, #tpu.memory_space<semaphore_mem>>) src(%dma_wait3A_1931 : memref<162560x16xf32, #tpu.memory_space<hbm>>) dst(%dma_wait3A_1926 : memref<104x16xf32, #tpu.memory_space<vmem>>)
        %dma_wait3A_1932 = arith.constant 0 : i32
        %dma_wait3A_1933 = arith.constant 0 : i32
        %dma_wait3A_1934 = tpu.memref_slice %arg9[%dma_wait3A_1932, %dma_wait3A_1933] : memref<832x16xf32, #tpu.memory_space<vmem>> -> memref<104x16xf32, #tpu.memory_space<vmem>>
        %dma_wait3A_1935 = arith.constant 0 : i32
        %dma_wait3A_1936 = tpu.memref_slice %arg8[%dma_wait3A_1935] : memref<832xi32, #tpu.memory_space<vmem>> -> memref<104xi32, #tpu.memory_space<vmem>>
        %dma_wait3A_1937 = arith.constant 0 : i32
        %dma_wait3A_1938 = arith.constant 0 : i32
        %dma_wait3A_1939 = tpu.memref_slice %arg4[%dma_wait3A_1937, %dma_wait3A_1938] : memref<162560x16xf32, #tpu.memory_space<hbm>> -> memref<162560x16xf32, #tpu.memory_space<hbm>>
        tpu.wait_indirect_dma semaphore(%arg12 : memref<!tpu.dma_semaphore, #tpu.memory_space<semaphore_mem>>) src(%dma_wait3A_1939 : memref<162560x16xf32, #tpu.memory_space<hbm>>) dst(%dma_wait3A_1934 : memref<104x16xf32, #tpu.memory_space<vmem>>)
        %dma_wait3A_1940 = arith.constant 0 : i32
        %dma_wait3A_1941 = arith.constant 0 : i32
        %dma_wait3A_1942 = tpu.memref_slice %arg9[%dma_wait3A_1940, %dma_wait3A_1941] : memref<832x16xf32, #tpu.memory_space<vmem>> -> memref<104x16xf32, #tpu.memory_space<vmem>>
        %dma_wait3A_1943 = arith.constant 0 : i32
        %dma_wait3A_1944 = tpu.memref_slice %arg8[%dma_wait3A_1943] : memref<832xi32, #tpu.memory_space<vmem>> -> memref<104xi32, #tpu.memory_space<vmem>>
        %dma_wait3A_1945 = arith.constant 0 : i32
        %dma_wait3A_1946 = arith.constant 0 : i32
        %dma_wait3A_1947 = tpu.memref_slice %arg4[%dma_wait3A_1945, %dma_wait3A_1946] : memref<162560x16xf32, #tpu.memory_space<hbm>> -> memref<162560x16xf32, #tpu.memory_space<hbm>>
        tpu.wait_indirect_dma semaphore(%arg12 : memref<!tpu.dma_semaphore, #tpu.memory_space<semaphore_mem>>) src(%dma_wait3A_1947 : memref<162560x16xf32, #tpu.memory_space<hbm>>) dst(%dma_wait3A_1942 : memref<104x16xf32, #tpu.memory_space<vmem>>)
        %broadcast_in_dim3A_1948 = arith.constant 0.000000e+00 : f32
        %broadcast_in_dim3A_1949 = vector.broadcast %broadcast_in_dim3A_1948 : f32 to vector<16xf32>
        %scan3A_1950 = arith.constant 0 : i32
        %scan3A_1951 = arith.constant 32 : i32
        %scan3A_1952 = arith.addi %scan3A_1950, %scan3A_1951 : i32
        %scan3A_1953 = arith.constant 1 : i32
        scf.for %scan3A_2026 = %scan3A_1950 to %scan3A_1952 step %scan3A_1953  : i32 {
          %mul3A_2027 = arith.constant 1 : i32
          %mul3A_2028 = arith.muli %scan3A_2026, %mul3A_2027 : i32
          %add3A_2029 = arith.constant 0 : i32
          %add3A_2030 = arith.addi %add3A_2029, %mul3A_2028 : i32
          %get3A = arith.constant 0 : i32
          %get3A_2031 = arith.index_cast %get3A : i32 to index
          %get3A_2032 = arith.index_cast %add3A_2030 : i32 to index
          %get3A_2033 = arith.constant 0 : index
          %get3A_2034 = tpu.vector_load %arg10[%get3A_2031, %get3A_2032, %get3A_2033] {strides = array<i32>} : memref<26x32x16xf32, #tpu.memory_space<vmem>>, vector<16xf32>,
          %swap3A_2035 = arith.constant 0 : i32
          %swap3A_2036 = arith.constant 0 : i32
          %swap3A_2037 = arith.constant 0 : i32
          %swap3A_2038 = arith.constant 0 : i32
          %swap3A_2039 = tpu.memref_slice %run_scoped3A_8[%rem3A_205, %swap3A_2036, %swap3A_2037, %swap3A_2038] : memref<2x4x32x128xf32, #tpu.memory_space<vmem>> -> memref<1x4x32x128xf32, #tpu.memory_space<vmem>>
          %swap3A_2040 = tpu.memref_squeeze %swap3A_2039 : memref<1x4x32x128xf32, #tpu.memory_space<vmem>> -> memref<4x32x128xf32, #tpu.memory_space<vmem>>
          %swap3A_2041 = arith.index_cast %swap3A_2035 : i32 to index
          %swap3A_2042 = arith.index_cast %add3A_2030 : i32 to index
          %swap3A_2043 = arith.constant 0 : index
          %swap3A_2044 = tpu.vector_load %swap3A_2040[%swap3A_2041, %swap3A_2042, %swap3A_2043] {strides = array<i32>} : memref<4x32x128xf32, #tpu.memory_space<vmem>>, vector<16xf32>,
          tpu.vector_store %swap3A_2040[%swap3A_2041, %swap3A_2042, %swap3A_2043], %get3A_2034 {strides = array<i32>} : memref<4x32x128xf32, #tpu.memory_space<vmem>>, vector<16xf32>,
          %get3A_2045 = arith.constant 1 : i32
          %get3A_2046 = arith.index_cast %get3A_2045 : i32 to index
          %get3A_2047 = arith.index_cast %add3A_2030 : i32 to index
          %get3A_2048 = arith.constant 0 : index
          %get3A_2049 = tpu.vector_load %arg10[%get3A_2046, %get3A_2047, %get3A_2048] {strides = array<i32>} : memref<26x32x16xf32, #tpu.memory_space<vmem>>, vector<16xf32>,
          %swap3A_2050 = arith.constant 0 : i32
          %swap3A_2051 = arith.constant 0 : i32
          %swap3A_2052 = arith.constant 0 : i32
          %swap3A_2053 = arith.constant 0 : i32
          %swap3A_2054 = tpu.memref_slice %run_scoped3A_8[%rem3A_205, %swap3A_2051, %swap3A_2052, %swap3A_2053] : memref<2x4x32x128xf32, #tpu.memory_space<vmem>> -> memref<1x4x32x128xf32, #tpu.memory_space<vmem>>
          %swap3A_2055 = tpu.memref_squeeze %swap3A_2054 : memref<1x4x32x128xf32, #tpu.memory_space<vmem>> -> memref<4x32x128xf32, #tpu.memory_space<vmem>>
          %swap3A_2056 = arith.index_cast %swap3A_2050 : i32 to index
          %swap3A_2057 = arith.index_cast %add3A_2030 : i32 to index
          %swap3A_2058 = arith.constant 16 : index
          %swap3A_2059 = tpu.vector_load %swap3A_2055[%swap3A_2056, %swap3A_2057, %swap3A_2058] {strides = array<i32>} : memref<4x32x128xf32, #tpu.memory_space<vmem>>, vector<16xf32>,
          tpu.vector_store %swap3A_2055[%swap3A_2056, %swap3A_2057, %swap3A_2058], %get3A_2049 {strides = array<i32>} : memref<4x32x128xf32, #tpu.memory_space<vmem>>, vector<16xf32>,
          %get3A_2060 = arith.constant 2 : i32
          %get3A_2061 = arith.index_cast %get3A_2060 : i32 to index
          %get3A_2062 = arith.index_cast %add3A_2030 : i32 to index
          %get3A_2063 = arith.constant 0 : index
          %get3A_2064 = tpu.vector_load %arg10[%get3A_2061, %get3A_2062, %get3A_2063] {strides = array<i32>} : memref<26x32x16xf32, #tpu.memory_space<vmem>>, vector<16xf32>,
          %swap3A_2065 = arith.constant 0 : i32
          %swap3A_2066 = arith.constant 0 : i32
          %swap3A_2067 = arith.constant 0 : i32
          %swap3A_2068 = arith.constant 0 : i32
          %swap3A_2069 = tpu.memref_slice %run_scoped3A_8[%rem3A_205, %swap3A_2066, %swap3A_2067, %swap3A_2068] : memref<2x4x32x128xf32, #tpu.memory_space<vmem>> -> memref<1x4x32x128xf32, #tpu.memory_space<vmem>>
          %swap3A_2070 = tpu.memref_squeeze %swap3A_2069 : memref<1x4x32x128xf32, #tpu.memory_space<vmem>> -> memref<4x32x128xf32, #tpu.memory_space<vmem>>
          %swap3A_2071 = arith.index_cast %swap3A_2065 : i32 to index
          %swap3A_2072 = arith.index_cast %add3A_2030 : i32 to index
          %swap3A_2073 = arith.constant 32 : index
          %swap3A_2074 = tpu.vector_load %swap3A_2070[%swap3A_2071, %swap3A_2072, %swap3A_2073] {strides = array<i32>} : memref<4x32x128xf32, #tpu.memory_space<vmem>>, vector<16xf32>,
          tpu.vector_store %swap3A_2070[%swap3A_2071, %swap3A_2072, %swap3A_2073], %get3A_2064 {strides = array<i32>} : memref<4x32x128xf32, #tpu.memory_space<vmem>>, vector<16xf32>,
          %get3A_2075 = arith.constant 3 : i32
          %get3A_2076 = arith.index_cast %get3A_2075 : i32 to index
          %get3A_2077 = arith.index_cast %add3A_2030 : i32 to index
          %get3A_2078 = arith.constant 0 : index
          %get3A_2079 = tpu.vector_load %arg10[%get3A_2076, %get3A_2077, %get3A_2078] {strides = array<i32>} : memref<26x32x16xf32, #tpu.memory_space<vmem>>, vector<16xf32>,
          %swap3A_2080 = arith.constant 0 : i32
          %swap3A_2081 = arith.constant 0 : i32
          %swap3A_2082 = arith.constant 0 : i32
          %swap3A_2083 = arith.constant 0 : i32
          %swap3A_2084 = tpu.memref_slice %run_scoped3A_8[%rem3A_205, %swap3A_2081, %swap3A_2082, %swap3A_2083] : memref<2x4x32x128xf32, #tpu.memory_space<vmem>> -> memref<1x4x32x128xf32, #tpu.memory_space<vmem>>
          %swap3A_2085 = tpu.memref_squeeze %swap3A_2084 : memref<1x4x32x128xf32, #tpu.memory_space<vmem>> -> memref<4x32x128xf32, #tpu.memory_space<vmem>>
          %swap3A_2086 = arith.index_cast %swap3A_2080 : i32 to index
          %swap3A_2087 = arith.index_cast %add3A_2030 : i32 to index
          %swap3A_2088 = arith.constant 48 : index
          %swap3A_2089 = tpu.vector_load %swap3A_2085[%swap3A_2086, %swap3A_2087, %swap3A_2088] {strides = array<i32>} : memref<4x32x128xf32, #tpu.memory_space<vmem>>, vector<16xf32>,
          tpu.vector_store %swap3A_2085[%swap3A_2086, %swap3A_2087, %swap3A_2088], %get3A_2079 {strides = array<i32>} : memref<4x32x128xf32, #tpu.memory_space<vmem>>, vector<16xf32>,
          %get3A_2090 = arith.constant 4 : i32
          %get3A_2091 = arith.index_cast %get3A_2090 : i32 to index
          %get3A_2092 = arith.index_cast %add3A_2030 : i32 to index
          %get3A_2093 = arith.constant 0 : index
          %get3A_2094 = tpu.vector_load %arg10[%get3A_2091, %get3A_2092, %get3A_2093] {strides = array<i32>} : memref<26x32x16xf32, #tpu.memory_space<vmem>>, vector<16xf32>,
          %swap3A_2095 = arith.constant 0 : i32
          %swap3A_2096 = arith.constant 0 : i32
          %swap3A_2097 = arith.constant 0 : i32
          %swap3A_2098 = arith.constant 0 : i32
          %swap3A_2099 = tpu.memref_slice %run_scoped3A_8[%rem3A_205, %swap3A_2096, %swap3A_2097, %swap3A_2098] : memref<2x4x32x128xf32, #tpu.memory_space<vmem>> -> memref<1x4x32x128xf32, #tpu.memory_space<vmem>>
          %swap3A_2100 = tpu.memref_squeeze %swap3A_2099 : memref<1x4x32x128xf32, #tpu.memory_space<vmem>> -> memref<4x32x128xf32, #tpu.memory_space<vmem>>
          %swap3A_2101 = arith.index_cast %swap3A_2095 : i32 to index
          %swap3A_2102 = arith.index_cast %add3A_2030 : i32 to index
          %swap3A_2103 = arith.constant 64 : index
          %swap3A_2104 = tpu.vector_load %swap3A_2100[%swap3A_2101, %swap3A_2102, %swap3A_2103] {strides = array<i32>} : memref<4x32x128xf32, #tpu.memory_space<vmem>>, vector<16xf32>,
          tpu.vector_store %swap3A_2100[%swap3A_2101, %swap3A_2102, %swap3A_2103], %get3A_2094 {strides = array<i32>} : memref<4x32x128xf32, #tpu.memory_space<vmem>>, vector<16xf32>,
          %get3A_2105 = arith.constant 5 : i32
          %get3A_2106 = arith.index_cast %get3A_2105 : i32 to index
          %get3A_2107 = arith.index_cast %add3A_2030 : i32 to index
          %get3A_2108 = arith.constant 0 : index
          %get3A_2109 = tpu.vector_load %arg10[%get3A_2106, %get3A_2107, %get3A_2108] {strides = array<i32>} : memref<26x32x16xf32, #tpu.memory_space<vmem>>, vector<16xf32>,
          %swap3A_2110 = arith.constant 0 : i32
          %swap3A_2111 = arith.constant 0 : i32
          %swap3A_2112 = arith.constant 0 : i32
          %swap3A_2113 = arith.constant 0 : i32
          %swap3A_2114 = tpu.memref_slice %run_scoped3A_8[%rem3A_205, %swap3A_2111, %swap3A_2112, %swap3A_2113] : memref<2x4x32x128xf32, #tpu.memory_space<vmem>> -> memref<1x4x32x128xf32, #tpu.memory_space<vmem>>
          %swap3A_2115 = tpu.memref_squeeze %swap3A_2114 : memref<1x4x32x128xf32, #tpu.memory_space<vmem>> -> memref<4x32x128xf32, #tpu.memory_space<vmem>>
          %swap3A_2116 = arith.index_cast %swap3A_2110 : i32 to index
          %swap3A_2117 = arith.index_cast %add3A_2030 : i32 to index
          %swap3A_2118 = arith.constant 80 : index
          %swap3A_2119 = tpu.vector_load %swap3A_2115[%swap3A_2116, %swap3A_2117, %swap3A_2118] {strides = array<i32>} : memref<4x32x128xf32, #tpu.memory_space<vmem>>, vector<16xf32>,
          tpu.vector_store %swap3A_2115[%swap3A_2116, %swap3A_2117, %swap3A_2118], %get3A_2109 {strides = array<i32>} : memref<4x32x128xf32, #tpu.memory_space<vmem>>, vector<16xf32>,
          %get3A_2120 = arith.constant 6 : i32
          %get3A_2121 = arith.index_cast %get3A_2120 : i32 to index
          %get3A_2122 = arith.index_cast %add3A_2030 : i32 to index
          %get3A_2123 = arith.constant 0 : index
          %get3A_2124 = tpu.vector_load %arg10[%get3A_2121, %get3A_2122, %get3A_2123] {strides = array<i32>} : memref<26x32x16xf32, #tpu.memory_space<vmem>>, vector<16xf32>,
          %swap3A_2125 = arith.constant 0 : i32
          %swap3A_2126 = arith.constant 0 : i32
          %swap3A_2127 = arith.constant 0 : i32
          %swap3A_2128 = arith.constant 0 : i32
          %swap3A_2129 = tpu.memref_slice %run_scoped3A_8[%rem3A_205, %swap3A_2126, %swap3A_2127, %swap3A_2128] : memref<2x4x32x128xf32, #tpu.memory_space<vmem>> -> memref<1x4x32x128xf32, #tpu.memory_space<vmem>>
          %swap3A_2130 = tpu.memref_squeeze %swap3A_2129 : memref<1x4x32x128xf32, #tpu.memory_space<vmem>> -> memref<4x32x128xf32, #tpu.memory_space<vmem>>
          %swap3A_2131 = arith.index_cast %swap3A_2125 : i32 to index
          %swap3A_2132 = arith.index_cast %add3A_2030 : i32 to index
          %swap3A_2133 = arith.constant 96 : index
          %swap3A_2134 = tpu.vector_load %swap3A_2130[%swap3A_2131, %swap3A_2132, %swap3A_2133] {strides = array<i32>} : memref<4x32x128xf32, #tpu.memory_space<vmem>>, vector<16xf32>,
          tpu.vector_store %swap3A_2130[%swap3A_2131, %swap3A_2132, %swap3A_2133], %get3A_2124 {strides = array<i32>} : memref<4x32x128xf32, #tpu.memory_space<vmem>>, vector<16xf32>,
          %get3A_2135 = arith.constant 7 : i32
          %get3A_2136 = arith.index_cast %get3A_2135 : i32 to index
          %get3A_2137 = arith.index_cast %add3A_2030 : i32 to index
          %get3A_2138 = arith.constant 0 : index
          %get3A_2139 = tpu.vector_load %arg10[%get3A_2136, %get3A_2137, %get3A_2138] {strides = array<i32>} : memref<26x32x16xf32, #tpu.memory_space<vmem>>, vector<16xf32>,
          %swap3A_2140 = arith.constant 0 : i32
          %swap3A_2141 = arith.constant 0 : i32
          %swap3A_2142 = arith.constant 0 : i32
          %swap3A_2143 = arith.constant 0 : i32
          %swap3A_2144 = tpu.memref_slice %run_scoped3A_8[%rem3A_205, %swap3A_2141, %swap3A_2142, %swap3A_2143] : memref<2x4x32x128xf32, #tpu.memory_space<vmem>> -> memref<1x4x32x128xf32, #tpu.memory_space<vmem>>
          %swap3A_2145 = tpu.memref_squeeze %swap3A_2144 : memref<1x4x32x128xf32, #tpu.memory_space<vmem>> -> memref<4x32x128xf32, #tpu.memory_space<vmem>>
          %swap3A_2146 = arith.index_cast %swap3A_2140 : i32 to index
          %swap3A_2147 = arith.index_cast %add3A_2030 : i32 to index
          %swap3A_2148 = arith.constant 112 : index
          %swap3A_2149 = tpu.vector_load %swap3A_2145[%swap3A_2146, %swap3A_2147, %swap3A_2148] {strides = array<i32>} : memref<4x32x128xf32, #tpu.memory_space<vmem>>, vector<16xf32>,
          tpu.vector_store %swap3A_2145[%swap3A_2146, %swap3A_2147, %swap3A_2148], %get3A_2139 {strides = array<i32>} : memref<4x32x128xf32, #tpu.memory_space<vmem>>, vector<16xf32>,
          %get3A_2150 = arith.constant 8 : i32
          %get3A_2151 = arith.index_cast %get3A_2150 : i32 to index
          %get3A_2152 = arith.index_cast %add3A_2030 : i32 to index
          %get3A_2153 = arith.constant 0 : index
          %get3A_2154 = tpu.vector_load %arg10[%get3A_2151, %get3A_2152, %get3A_2153] {strides = array<i32>} : memref<26x32x16xf32, #tpu.memory_space<vmem>>, vector<16xf32>,
          %swap3A_2155 = arith.constant 1 : i32
          %swap3A_2156 = arith.constant 0 : i32
          %swap3A_2157 = arith.constant 0 : i32
          %swap3A_2158 = arith.constant 0 : i32
          %swap3A_2159 = tpu.memref_slice %run_scoped3A_8[%rem3A_205, %swap3A_2156, %swap3A_2157, %swap3A_2158] : memref<2x4x32x128xf32, #tpu.memory_space<vmem>> -> memref<1x4x32x128xf32, #tpu.memory_space<vmem>>
          %swap3A_2160 = tpu.memref_squeeze %swap3A_2159 : memref<1x4x32x128xf32, #tpu.memory_space<vmem>> -> memref<4x32x128xf32, #tpu.memory_space<vmem>>
          %swap3A_2161 = arith.index_cast %swap3A_2155 : i32 to index
          %swap3A_2162 = arith.index_cast %add3A_2030 : i32 to index
          %swap3A_2163 = arith.constant 0 : index
          %swap3A_2164 = tpu.vector_load %swap3A_2160[%swap3A_2161, %swap3A_2162, %swap3A_2163] {strides = array<i32>} : memref<4x32x128xf32, #tpu.memory_space<vmem>>, vector<16xf32>,
          tpu.vector_store %swap3A_2160[%swap3A_2161, %swap3A_2162, %swap3A_2163], %get3A_2154 {strides = array<i32>} : memref<4x32x128xf32, #tpu.memory_space<vmem>>, vector<16xf32>,
          %get3A_2165 = arith.constant 9 : i32
          %get3A_2166 = arith.index_cast %get3A_2165 : i32 to index
          %get3A_2167 = arith.index_cast %add3A_2030 : i32 to index
          %get3A_2168 = arith.constant 0 : index
          %get3A_2169 = tpu.vector_load %arg10[%get3A_2166, %get3A_2167, %get3A_2168] {strides = array<i32>} : memref<26x32x16xf32, #tpu.memory_space<vmem>>, vector<16xf32>,
          %swap3A_2170 = arith.constant 1 : i32
          %swap3A_2171 = arith.constant 0 : i32
          %swap3A_2172 = arith.constant 0 : i32
          %swap3A_2173 = arith.constant 0 : i32
          %swap3A_2174 = tpu.memref_slice %run_scoped3A_8[%rem3A_205, %swap3A_2171, %swap3A_2172, %swap3A_2173] : memref<2x4x32x128xf32, #tpu.memory_space<vmem>> -> memref<1x4x32x128xf32, #tpu.memory_space<vmem>>
          %swap3A_2175 = tpu.memref_squeeze %swap3A_2174 : memref<1x4x32x128xf32, #tpu.memory_space<vmem>> -> memref<4x32x128xf32, #tpu.memory_space<vmem>>
          %swap3A_2176 = arith.index_cast %swap3A_2170 : i32 to index
          %swap3A_2177 = arith.index_cast %add3A_2030 : i32 to index
          %swap3A_2178 = arith.constant 16 : index
          %swap3A_2179 = tpu.vector_load %swap3A_2175[%swap3A_2176, %swap3A_2177, %swap3A_2178] {strides = array<i32>} : memref<4x32x128xf32, #tpu.memory_space<vmem>>, vector<16xf32>,
          tpu.vector_store %swap3A_2175[%swap3A_2176, %swap3A_2177, %swap3A_2178], %get3A_2169 {strides = array<i32>} : memref<4x32x128xf32, #tpu.memory_space<vmem>>, vector<16xf32>,
          %get3A_2180 = arith.constant 10 : i32
          %get3A_2181 = arith.index_cast %get3A_2180 : i32 to index
          %get3A_2182 = arith.index_cast %add3A_2030 : i32 to index
          %get3A_2183 = arith.constant 0 : index
          %get3A_2184 = tpu.vector_load %arg10[%get3A_2181, %get3A_2182, %get3A_2183] {strides = array<i32>} : memref<26x32x16xf32, #tpu.memory_space<vmem>>, vector<16xf32>,
          %swap3A_2185 = arith.constant 1 : i32
          %swap3A_2186 = arith.constant 0 : i32
          %swap3A_2187 = arith.constant 0 : i32
          %swap3A_2188 = arith.constant 0 : i32
          %swap3A_2189 = tpu.memref_slice %run_scoped3A_8[%rem3A_205, %swap3A_2186, %swap3A_2187, %swap3A_2188] : memref<2x4x32x128xf32, #tpu.memory_space<vmem>> -> memref<1x4x32x128xf32, #tpu.memory_space<vmem>>
          %swap3A_2190 = tpu.memref_squeeze %swap3A_2189 : memref<1x4x32x128xf32, #tpu.memory_space<vmem>> -> memref<4x32x128xf32, #tpu.memory_space<vmem>>
          %swap3A_2191 = arith.index_cast %swap3A_2185 : i32 to index
          %swap3A_2192 = arith.index_cast %add3A_2030 : i32 to index
          %swap3A_2193 = arith.constant 32 : index
          %swap3A_2194 = tpu.vector_load %swap3A_2190[%swap3A_2191, %swap3A_2192, %swap3A_2193] {strides = array<i32>} : memref<4x32x128xf32, #tpu.memory_space<vmem>>, vector<16xf32>,
          tpu.vector_store %swap3A_2190[%swap3A_2191, %swap3A_2192, %swap3A_2193], %get3A_2184 {strides = array<i32>} : memref<4x32x128xf32, #tpu.memory_space<vmem>>, vector<16xf32>,
          %get3A_2195 = arith.constant 11 : i32
          %get3A_2196 = arith.index_cast %get3A_2195 : i32 to index
          %get3A_2197 = arith.index_cast %add3A_2030 : i32 to index
          %get3A_2198 = arith.constant 0 : index
          %get3A_2199 = tpu.vector_load %arg10[%get3A_2196, %get3A_2197, %get3A_2198] {strides = array<i32>} : memref<26x32x16xf32, #tpu.memory_space<vmem>>, vector<16xf32>,
          %swap3A_2200 = arith.constant 1 : i32
          %swap3A_2201 = arith.constant 0 : i32
          %swap3A_2202 = arith.constant 0 : i32
          %swap3A_2203 = arith.constant 0 : i32
          %swap3A_2204 = tpu.memref_slice %run_scoped3A_8[%rem3A_205, %swap3A_2201, %swap3A_2202, %swap3A_2203] : memref<2x4x32x128xf32, #tpu.memory_space<vmem>> -> memref<1x4x32x128xf32, #tpu.memory_space<vmem>>
          %swap3A_2205 = tpu.memref_squeeze %swap3A_2204 : memref<1x4x32x128xf32, #tpu.memory_space<vmem>> -> memref<4x32x128xf32, #tpu.memory_space<vmem>>
          %swap3A_2206 = arith.index_cast %swap3A_2200 : i32 to index
          %swap3A_2207 = arith.index_cast %add3A_2030 : i32 to index
          %swap3A_2208 = arith.constant 48 : index
          %swap3A_2209 = tpu.vector_load %swap3A_2205[%swap3A_2206, %swap3A_2207, %swap3A_2208] {strides = array<i32>} : memref<4x32x128xf32, #tpu.memory_space<vmem>>, vector<16xf32>,
          tpu.vector_store %swap3A_2205[%swap3A_2206, %swap3A_2207, %swap3A_2208], %get3A_2199 {strides = array<i32>} : memref<4x32x128xf32, #tpu.memory_space<vmem>>, vector<16xf32>,
          %get3A_2210 = arith.constant 12 : i32
          %get3A_2211 = arith.index_cast %get3A_2210 : i32 to index
          %get3A_2212 = arith.index_cast %add3A_2030 : i32 to index
          %get3A_2213 = arith.constant 0 : index
          %get3A_2214 = tpu.vector_load %arg10[%get3A_2211, %get3A_2212, %get3A_2213] {strides = array<i32>} : memref<26x32x16xf32, #tpu.memory_space<vmem>>, vector<16xf32>,
          %swap3A_2215 = arith.constant 1 : i32
          %swap3A_2216 = arith.constant 0 : i32
          %swap3A_2217 = arith.constant 0 : i32
          %swap3A_2218 = arith.constant 0 : i32
          %swap3A_2219 = tpu.memref_slice %run_scoped3A_8[%rem3A_205, %swap3A_2216, %swap3A_2217, %swap3A_2218] : memref<2x4x32x128xf32, #tpu.memory_space<vmem>> -> memref<1x4x32x128xf32, #tpu.memory_space<vmem>>
          %swap3A_2220 = tpu.memref_squeeze %swap3A_2219 : memref<1x4x32x128xf32, #tpu.memory_space<vmem>> -> memref<4x32x128xf32, #tpu.memory_space<vmem>>
          %swap3A_2221 = arith.index_cast %swap3A_2215 : i32 to index
          %swap3A_2222 = arith.index_cast %add3A_2030 : i32 to index
          %swap3A_2223 = arith.constant 64 : index
          %swap3A_2224 = tpu.vector_load %swap3A_2220[%swap3A_2221, %swap3A_2222, %swap3A_2223] {strides = array<i32>} : memref<4x32x128xf32, #tpu.memory_space<vmem>>, vector<16xf32>,
          tpu.vector_store %swap3A_2220[%swap3A_2221, %swap3A_2222, %swap3A_2223], %get3A_2214 {strides = array<i32>} : memref<4x32x128xf32, #tpu.memory_space<vmem>>, vector<16xf32>,
          %get3A_2225 = arith.constant 13 : i32
          %get3A_2226 = arith.index_cast %get3A_2225 : i32 to index
          %get3A_2227 = arith.index_cast %add3A_2030 : i32 to index
          %get3A_2228 = arith.constant 0 : index
          %get3A_2229 = tpu.vector_load %arg10[%get3A_2226, %get3A_2227, %get3A_2228] {strides = array<i32>} : memref<26x32x16xf32, #tpu.memory_space<vmem>>, vector<16xf32>,
          %swap3A_2230 = arith.constant 1 : i32
          %swap3A_2231 = arith.constant 0 : i32
          %swap3A_2232 = arith.constant 0 : i32
          %swap3A_2233 = arith.constant 0 : i32
          %swap3A_2234 = tpu.memref_slice %run_scoped3A_8[%rem3A_205, %swap3A_2231, %swap3A_2232, %swap3A_2233] : memref<2x4x32x128xf32, #tpu.memory_space<vmem>> -> memref<1x4x32x128xf32, #tpu.memory_space<vmem>>
          %swap3A_2235 = tpu.memref_squeeze %swap3A_2234 : memref<1x4x32x128xf32, #tpu.memory_space<vmem>> -> memref<4x32x128xf32, #tpu.memory_space<vmem>>
          %swap3A_2236 = arith.index_cast %swap3A_2230 : i32 to index
          %swap3A_2237 = arith.index_cast %add3A_2030 : i32 to index
          %swap3A_2238 = arith.constant 80 : index
          %swap3A_2239 = tpu.vector_load %swap3A_2235[%swap3A_2236, %swap3A_2237, %swap3A_2238] {strides = array<i32>} : memref<4x32x128xf32, #tpu.memory_space<vmem>>, vector<16xf32>,
          tpu.vector_store %swap3A_2235[%swap3A_2236, %swap3A_2237, %swap3A_2238], %get3A_2229 {strides = array<i32>} : memref<4x32x128xf32, #tpu.memory_space<vmem>>, vector<16xf32>,
          %get3A_2240 = arith.constant 14 : i32
          %get3A_2241 = arith.index_cast %get3A_2240 : i32 to index
          %get3A_2242 = arith.index_cast %add3A_2030 : i32 to index
          %get3A_2243 = arith.constant 0 : index
          %get3A_2244 = tpu.vector_load %arg10[%get3A_2241, %get3A_2242, %get3A_2243] {strides = array<i32>} : memref<26x32x16xf32, #tpu.memory_space<vmem>>, vector<16xf32>,
          %swap3A_2245 = arith.constant 1 : i32
          %swap3A_2246 = arith.constant 0 : i32
          %swap3A_2247 = arith.constant 0 : i32
          %swap3A_2248 = arith.constant 0 : i32
          %swap3A_2249 = tpu.memref_slice %run_scoped3A_8[%rem3A_205, %swap3A_2246, %swap3A_2247, %swap3A_2248] : memref<2x4x32x128xf32, #tpu.memory_space<vmem>> -> memref<1x4x32x128xf32, #tpu.memory_space<vmem>>
          %swap3A_2250 = tpu.memref_squeeze %swap3A_2249 : memref<1x4x32x128xf32, #tpu.memory_space<vmem>> -> memref<4x32x128xf32, #tpu.memory_space<vmem>>
          %swap3A_2251 = arith.index_cast %swap3A_2245 : i32 to index
          %swap3A_2252 = arith.index_cast %add3A_2030 : i32 to index
          %swap3A_2253 = arith.constant 96 : index
          %swap3A_2254 = tpu.vector_load %swap3A_2250[%swap3A_2251, %swap3A_2252, %swap3A_2253] {strides = array<i32>} : memref<4x32x128xf32, #tpu.memory_space<vmem>>, vector<16xf32>,
          tpu.vector_store %swap3A_2250[%swap3A_2251, %swap3A_2252, %swap3A_2253], %get3A_2244 {strides = array<i32>} : memref<4x32x128xf32, #tpu.memory_space<vmem>>, vector<16xf32>,
          %get3A_2255 = arith.constant 15 : i32
          %get3A_2256 = arith.index_cast %get3A_2255 : i32 to index
          %get3A_2257 = arith.index_cast %add3A_2030 : i32 to index
          %get3A_2258 = arith.constant 0 : index
          %get3A_2259 = tpu.vector_load %arg10[%get3A_2256, %get3A_2257, %get3A_2258] {strides = array<i32>} : memref<26x32x16xf32, #tpu.memory_space<vmem>>, vector<16xf32>,
          %swap3A_2260 = arith.constant 1 : i32
          %swap3A_2261 = arith.constant 0 : i32
          %swap3A_2262 = arith.constant 0 : i32
          %swap3A_2263 = arith.constant 0 : i32
          %swap3A_2264 = tpu.memref_slice %run_scoped3A_8[%rem3A_205, %swap3A_2261, %swap3A_2262, %swap3A_2263] : memref<2x4x32x128xf32, #tpu.memory_space<vmem>> -> memref<1x4x32x128xf32, #tpu.memory_space<vmem>>
          %swap3A_2265 = tpu.memref_squeeze %swap3A_2264 : memref<1x4x32x128xf32, #tpu.memory_space<vmem>> -> memref<4x32x128xf32, #tpu.memory_space<vmem>>
          %swap3A_2266 = arith.index_cast %swap3A_2260 : i32 to index
          %swap3A_2267 = arith.index_cast %add3A_2030 : i32 to index
          %swap3A_2268 = arith.constant 112 : index
          %swap3A_2269 = tpu.vector_load %swap3A_2265[%swap3A_2266, %swap3A_2267, %swap3A_2268] {strides = array<i32>} : memref<4x32x128xf32, #tpu.memory_space<vmem>>, vector<16xf32>,
          tpu.vector_store %swap3A_2265[%swap3A_2266, %swap3A_2267, %swap3A_2268], %get3A_2259 {strides = array<i32>} : memref<4x32x128xf32, #tpu.memory_space<vmem>>, vector<16xf32>,
          %get3A_2270 = arith.constant 16 : i32
          %get3A_2271 = arith.index_cast %get3A_2270 : i32 to index
          %get3A_2272 = arith.index_cast %add3A_2030 : i32 to index
          %get3A_2273 = arith.constant 0 : index
          %get3A_2274 = tpu.vector_load %arg10[%get3A_2271, %get3A_2272, %get3A_2273] {strides = array<i32>} : memref<26x32x16xf32, #tpu.memory_space<vmem>>, vector<16xf32>,
          %swap3A_2275 = arith.constant 2 : i32
          %swap3A_2276 = arith.constant 0 : i32
          %swap3A_2277 = arith.constant 0 : i32
          %swap3A_2278 = arith.constant 0 : i32
          %swap3A_2279 = tpu.memref_slice %run_scoped3A_8[%rem3A_205, %swap3A_2276, %swap3A_2277, %swap3A_2278] : memref<2x4x32x128xf32, #tpu.memory_space<vmem>> -> memref<1x4x32x128xf32, #tpu.memory_space<vmem>>
          %swap3A_2280 = tpu.memref_squeeze %swap3A_2279 : memref<1x4x32x128xf32, #tpu.memory_space<vmem>> -> memref<4x32x128xf32, #tpu.memory_space<vmem>>
          %swap3A_2281 = arith.index_cast %swap3A_2275 : i32 to index
          %swap3A_2282 = arith.index_cast %add3A_2030 : i32 to index
          %swap3A_2283 = arith.constant 0 : index
          %swap3A_2284 = tpu.vector_load %swap3A_2280[%swap3A_2281, %swap3A_2282, %swap3A_2283] {strides = array<i32>} : memref<4x32x128xf32, #tpu.memory_space<vmem>>, vector<16xf32>,
          tpu.vector_store %swap3A_2280[%swap3A_2281, %swap3A_2282, %swap3A_2283], %get3A_2274 {strides = array<i32>} : memref<4x32x128xf32, #tpu.memory_space<vmem>>, vector<16xf32>,
          %get3A_2285 = arith.constant 17 : i32
          %get3A_2286 = arith.index_cast %get3A_2285 : i32 to index
          %get3A_2287 = arith.index_cast %add3A_2030 : i32 to index
          %get3A_2288 = arith.constant 0 : index
          %get3A_2289 = tpu.vector_load %arg10[%get3A_2286, %get3A_2287, %get3A_2288] {strides = array<i32>} : memref<26x32x16xf32, #tpu.memory_space<vmem>>, vector<16xf32>,
          %swap3A_2290 = arith.constant 2 : i32
          %swap3A_2291 = arith.constant 0 : i32
          %swap3A_2292 = arith.constant 0 : i32
          %swap3A_2293 = arith.constant 0 : i32
          %swap3A_2294 = tpu.memref_slice %run_scoped3A_8[%rem3A_205, %swap3A_2291, %swap3A_2292, %swap3A_2293] : memref<2x4x32x128xf32, #tpu.memory_space<vmem>> -> memref<1x4x32x128xf32, #tpu.memory_space<vmem>>
          %swap3A_2295 = tpu.memref_squeeze %swap3A_2294 : memref<1x4x32x128xf32, #tpu.memory_space<vmem>> -> memref<4x32x128xf32, #tpu.memory_space<vmem>>
          %swap3A_2296 = arith.index_cast %swap3A_2290 : i32 to index
          %swap3A_2297 = arith.index_cast %add3A_2030 : i32 to index
          %swap3A_2298 = arith.constant 16 : index
          %swap3A_2299 = tpu.vector_load %swap3A_2295[%swap3A_2296, %swap3A_2297, %swap3A_2298] {strides = array<i32>} : memref<4x32x128xf32, #tpu.memory_space<vmem>>, vector<16xf32>,
          tpu.vector_store %swap3A_2295[%swap3A_2296, %swap3A_2297, %swap3A_2298], %get3A_2289 {strides = array<i32>} : memref<4x32x128xf32, #tpu.memory_space<vmem>>, vector<16xf32>,
          %get3A_2300 = arith.constant 18 : i32
          %get3A_2301 = arith.index_cast %get3A_2300 : i32 to index
          %get3A_2302 = arith.index_cast %add3A_2030 : i32 to index
          %get3A_2303 = arith.constant 0 : index
          %get3A_2304 = tpu.vector_load %arg10[%get3A_2301, %get3A_2302, %get3A_2303] {strides = array<i32>} : memref<26x32x16xf32, #tpu.memory_space<vmem>>, vector<16xf32>,
          %swap3A_2305 = arith.constant 2 : i32
          %swap3A_2306 = arith.constant 0 : i32
          %swap3A_2307 = arith.constant 0 : i32
          %swap3A_2308 = arith.constant 0 : i32
          %swap3A_2309 = tpu.memref_slice %run_scoped3A_8[%rem3A_205, %swap3A_2306, %swap3A_2307, %swap3A_2308] : memref<2x4x32x128xf32, #tpu.memory_space<vmem>> -> memref<1x4x32x128xf32, #tpu.memory_space<vmem>>
          %swap3A_2310 = tpu.memref_squeeze %swap3A_2309 : memref<1x4x32x128xf32, #tpu.memory_space<vmem>> -> memref<4x32x128xf32, #tpu.memory_space<vmem>>
          %swap3A_2311 = arith.index_cast %swap3A_2305 : i32 to index
          %swap3A_2312 = arith.index_cast %add3A_2030 : i32 to index
          %swap3A_2313 = arith.constant 32 : index
          %swap3A_2314 = tpu.vector_load %swap3A_2310[%swap3A_2311, %swap3A_2312, %swap3A_2313] {strides = array<i32>} : memref<4x32x128xf32, #tpu.memory_space<vmem>>, vector<16xf32>,
          tpu.vector_store %swap3A_2310[%swap3A_2311, %swap3A_2312, %swap3A_2313], %get3A_2304 {strides = array<i32>} : memref<4x32x128xf32, #tpu.memory_space<vmem>>, vector<16xf32>,
          %get3A_2315 = arith.constant 19 : i32
          %get3A_2316 = arith.index_cast %get3A_2315 : i32 to index
          %get3A_2317 = arith.index_cast %add3A_2030 : i32 to index
          %get3A_2318 = arith.constant 0 : index
          %get3A_2319 = tpu.vector_load %arg10[%get3A_2316, %get3A_2317, %get3A_2318] {strides = array<i32>} : memref<26x32x16xf32, #tpu.memory_space<vmem>>, vector<16xf32>,
          %swap3A_2320 = arith.constant 2 : i32
          %swap3A_2321 = arith.constant 0 : i32
          %swap3A_2322 = arith.constant 0 : i32
          %swap3A_2323 = arith.constant 0 : i32
          %swap3A_2324 = tpu.memref_slice %run_scoped3A_8[%rem3A_205, %swap3A_2321, %swap3A_2322, %swap3A_2323] : memref<2x4x32x128xf32, #tpu.memory_space<vmem>> -> memref<1x4x32x128xf32, #tpu.memory_space<vmem>>
          %swap3A_2325 = tpu.memref_squeeze %swap3A_2324 : memref<1x4x32x128xf32, #tpu.memory_space<vmem>> -> memref<4x32x128xf32, #tpu.memory_space<vmem>>
          %swap3A_2326 = arith.index_cast %swap3A_2320 : i32 to index
          %swap3A_2327 = arith.index_cast %add3A_2030 : i32 to index
          %swap3A_2328 = arith.constant 48 : index
          %swap3A_2329 = tpu.vector_load %swap3A_2325[%swap3A_2326, %swap3A_2327, %swap3A_2328] {strides = array<i32>} : memref<4x32x128xf32, #tpu.memory_space<vmem>>, vector<16xf32>,
          tpu.vector_store %swap3A_2325[%swap3A_2326, %swap3A_2327, %swap3A_2328], %get3A_2319 {strides = array<i32>} : memref<4x32x128xf32, #tpu.memory_space<vmem>>, vector<16xf32>,
          %get3A_2330 = arith.constant 20 : i32
          %get3A_2331 = arith.index_cast %get3A_2330 : i32 to index
          %get3A_2332 = arith.index_cast %add3A_2030 : i32 to index
          %get3A_2333 = arith.constant 0 : index
          %get3A_2334 = tpu.vector_load %arg10[%get3A_2331, %get3A_2332, %get3A_2333] {strides = array<i32>} : memref<26x32x16xf32, #tpu.memory_space<vmem>>, vector<16xf32>,
          %swap3A_2335 = arith.constant 2 : i32
          %swap3A_2336 = arith.constant 0 : i32
          %swap3A_2337 = arith.constant 0 : i32
          %swap3A_2338 = arith.constant 0 : i32
          %swap3A_2339 = tpu.memref_slice %run_scoped3A_8[%rem3A_205, %swap3A_2336, %swap3A_2337, %swap3A_2338] : memref<2x4x32x128xf32, #tpu.memory_space<vmem>> -> memref<1x4x32x128xf32, #tpu.memory_space<vmem>>
          %swap3A_2340 = tpu.memref_squeeze %swap3A_2339 : memref<1x4x32x128xf32, #tpu.memory_space<vmem>> -> memref<4x32x128xf32, #tpu.memory_space<vmem>>
          %swap3A_2341 = arith.index_cast %swap3A_2335 : i32 to index
          %swap3A_2342 = arith.index_cast %add3A_2030 : i32 to index
          %swap3A_2343 = arith.constant 64 : index
          %swap3A_2344 = tpu.vector_load %swap3A_2340[%swap3A_2341, %swap3A_2342, %swap3A_2343] {strides = array<i32>} : memref<4x32x128xf32, #tpu.memory_space<vmem>>, vector<16xf32>,
          tpu.vector_store %swap3A_2340[%swap3A_2341, %swap3A_2342, %swap3A_2343], %get3A_2334 {strides = array<i32>} : memref<4x32x128xf32, #tpu.memory_space<vmem>>, vector<16xf32>,
          %get3A_2345 = arith.constant 21 : i32
          %get3A_2346 = arith.index_cast %get3A_2345 : i32 to index
          %get3A_2347 = arith.index_cast %add3A_2030 : i32 to index
          %get3A_2348 = arith.constant 0 : index
          %get3A_2349 = tpu.vector_load %arg10[%get3A_2346, %get3A_2347, %get3A_2348] {strides = array<i32>} : memref<26x32x16xf32, #tpu.memory_space<vmem>>, vector<16xf32>,
          %swap3A_2350 = arith.constant 2 : i32
          %swap3A_2351 = arith.constant 0 : i32
          %swap3A_2352 = arith.constant 0 : i32
          %swap3A_2353 = arith.constant 0 : i32
          %swap3A_2354 = tpu.memref_slice %run_scoped3A_8[%rem3A_205, %swap3A_2351, %swap3A_2352, %swap3A_2353] : memref<2x4x32x128xf32, #tpu.memory_space<vmem>> -> memref<1x4x32x128xf32, #tpu.memory_space<vmem>>
          %swap3A_2355 = tpu.memref_squeeze %swap3A_2354 : memref<1x4x32x128xf32, #tpu.memory_space<vmem>> -> memref<4x32x128xf32, #tpu.memory_space<vmem>>
          %swap3A_2356 = arith.index_cast %swap3A_2350 : i32 to index
          %swap3A_2357 = arith.index_cast %add3A_2030 : i32 to index
          %swap3A_2358 = arith.constant 80 : index
          %swap3A_2359 = tpu.vector_load %swap3A_2355[%swap3A_2356, %swap3A_2357, %swap3A_2358] {strides = array<i32>} : memref<4x32x128xf32, #tpu.memory_space<vmem>>, vector<16xf32>,
          tpu.vector_store %swap3A_2355[%swap3A_2356, %swap3A_2357, %swap3A_2358], %get3A_2349 {strides = array<i32>} : memref<4x32x128xf32, #tpu.memory_space<vmem>>, vector<16xf32>,
          %get3A_2360 = arith.constant 22 : i32
          %get3A_2361 = arith.index_cast %get3A_2360 : i32 to index
          %get3A_2362 = arith.index_cast %add3A_2030 : i32 to index
          %get3A_2363 = arith.constant 0 : index
          %get3A_2364 = tpu.vector_load %arg10[%get3A_2361, %get3A_2362, %get3A_2363] {strides = array<i32>} : memref<26x32x16xf32, #tpu.memory_space<vmem>>, vector<16xf32>,
          %swap3A_2365 = arith.constant 2 : i32
          %swap3A_2366 = arith.constant 0 : i32
          %swap3A_2367 = arith.constant 0 : i32
          %swap3A_2368 = arith.constant 0 : i32
          %swap3A_2369 = tpu.memref_slice %run_scoped3A_8[%rem3A_205, %swap3A_2366, %swap3A_2367, %swap3A_2368] : memref<2x4x32x128xf32, #tpu.memory_space<vmem>> -> memref<1x4x32x128xf32, #tpu.memory_space<vmem>>
          %swap3A_2370 = tpu.memref_squeeze %swap3A_2369 : memref<1x4x32x128xf32, #tpu.memory_space<vmem>> -> memref<4x32x128xf32, #tpu.memory_space<vmem>>
          %swap3A_2371 = arith.index_cast %swap3A_2365 : i32 to index
          %swap3A_2372 = arith.index_cast %add3A_2030 : i32 to index
          %swap3A_2373 = arith.constant 96 : index
          %swap3A_2374 = tpu.vector_load %swap3A_2370[%swap3A_2371, %swap3A_2372, %swap3A_2373] {strides = array<i32>} : memref<4x32x128xf32, #tpu.memory_space<vmem>>, vector<16xf32>,
          tpu.vector_store %swap3A_2370[%swap3A_2371, %swap3A_2372, %swap3A_2373], %get3A_2364 {strides = array<i32>} : memref<4x32x128xf32, #tpu.memory_space<vmem>>, vector<16xf32>,
          %get3A_2375 = arith.constant 23 : i32
          %get3A_2376 = arith.index_cast %get3A_2375 : i32 to index
          %get3A_2377 = arith.index_cast %add3A_2030 : i32 to index
          %get3A_2378 = arith.constant 0 : index
          %get3A_2379 = tpu.vector_load %arg10[%get3A_2376, %get3A_2377, %get3A_2378] {strides = array<i32>} : memref<26x32x16xf32, #tpu.memory_space<vmem>>, vector<16xf32>,
          %swap3A_2380 = arith.constant 2 : i32
          %swap3A_2381 = arith.constant 0 : i32
          %swap3A_2382 = arith.constant 0 : i32
          %swap3A_2383 = arith.constant 0 : i32
          %swap3A_2384 = tpu.memref_slice %run_scoped3A_8[%rem3A_205, %swap3A_2381, %swap3A_2382, %swap3A_2383] : memref<2x4x32x128xf32, #tpu.memory_space<vmem>> -> memref<1x4x32x128xf32, #tpu.memory_space<vmem>>
          %swap3A_2385 = tpu.memref_squeeze %swap3A_2384 : memref<1x4x32x128xf32, #tpu.memory_space<vmem>> -> memref<4x32x128xf32, #tpu.memory_space<vmem>>
          %swap3A_2386 = arith.index_cast %swap3A_2380 : i32 to index
          %swap3A_2387 = arith.index_cast %add3A_2030 : i32 to index
          %swap3A_2388 = arith.constant 112 : index
          %swap3A_2389 = tpu.vector_load %swap3A_2385[%swap3A_2386, %swap3A_2387, %swap3A_2388] {strides = array<i32>} : memref<4x32x128xf32, #tpu.memory_space<vmem>>, vector<16xf32>,
          tpu.vector_store %swap3A_2385[%swap3A_2386, %swap3A_2387, %swap3A_2388], %get3A_2379 {strides = array<i32>} : memref<4x32x128xf32, #tpu.memory_space<vmem>>, vector<16xf32>,
          %get3A_2390 = arith.constant 24 : i32
          %get3A_2391 = arith.index_cast %get3A_2390 : i32 to index
          %get3A_2392 = arith.index_cast %add3A_2030 : i32 to index
          %get3A_2393 = arith.constant 0 : index
          %get3A_2394 = tpu.vector_load %arg10[%get3A_2391, %get3A_2392, %get3A_2393] {strides = array<i32>} : memref<26x32x16xf32, #tpu.memory_space<vmem>>, vector<16xf32>,
          %swap3A_2395 = arith.constant 3 : i32
          %swap3A_2396 = arith.constant 0 : i32
          %swap3A_2397 = arith.constant 0 : i32
          %swap3A_2398 = arith.constant 0 : i32
          %swap3A_2399 = tpu.memref_slice %run_scoped3A_8[%rem3A_205, %swap3A_2396, %swap3A_2397, %swap3A_2398] : memref<2x4x32x128xf32, #tpu.memory_space<vmem>> -> memref<1x4x32x128xf32, #tpu.memory_space<vmem>>
          %swap3A_2400 = tpu.memref_squeeze %swap3A_2399 : memref<1x4x32x128xf32, #tpu.memory_space<vmem>> -> memref<4x32x128xf32, #tpu.memory_space<vmem>>
          %swap3A_2401 = arith.index_cast %swap3A_2395 : i32 to index
          %swap3A_2402 = arith.index_cast %add3A_2030 : i32 to index
          %swap3A_2403 = arith.constant 0 : index
          %swap3A_2404 = tpu.vector_load %swap3A_2400[%swap3A_2401, %swap3A_2402, %swap3A_2403] {strides = array<i32>} : memref<4x32x128xf32, #tpu.memory_space<vmem>>, vector<16xf32>,
          tpu.vector_store %swap3A_2400[%swap3A_2401, %swap3A_2402, %swap3A_2403], %get3A_2394 {strides = array<i32>} : memref<4x32x128xf32, #tpu.memory_space<vmem>>, vector<16xf32>,
          %get3A_2405 = arith.constant 25 : i32
          %get3A_2406 = arith.index_cast %get3A_2405 : i32 to index
          %get3A_2407 = arith.index_cast %add3A_2030 : i32 to index
          %get3A_2408 = arith.constant 0 : index
          %get3A_2409 = tpu.vector_load %arg10[%get3A_2406, %get3A_2407, %get3A_2408] {strides = array<i32>} : memref<26x32x16xf32, #tpu.memory_space<vmem>>, vector<16xf32>,
          %swap3A_2410 = arith.constant 3 : i32
          %swap3A_2411 = arith.constant 0 : i32
          %swap3A_2412 = arith.constant 0 : i32
          %swap3A_2413 = arith.constant 0 : i32
          %swap3A_2414 = tpu.memref_slice %run_scoped3A_8[%rem3A_205, %swap3A_2411, %swap3A_2412, %swap3A_2413] : memref<2x4x32x128xf32, #tpu.memory_space<vmem>> -> memref<1x4x32x128xf32, #tpu.memory_space<vmem>>
          %swap3A_2415 = tpu.memref_squeeze %swap3A_2414 : memref<1x4x32x128xf32, #tpu.memory_space<vmem>> -> memref<4x32x128xf32, #tpu.memory_space<vmem>>
          %swap3A_2416 = arith.index_cast %swap3A_2410 : i32 to index
          %swap3A_2417 = arith.index_cast %add3A_2030 : i32 to index
          %swap3A_2418 = arith.constant 16 : index
          %swap3A_2419 = tpu.vector_load %swap3A_2415[%swap3A_2416, %swap3A_2417, %swap3A_2418] {strides = array<i32>} : memref<4x32x128xf32, #tpu.memory_space<vmem>>, vector<16xf32>,
          tpu.vector_store %swap3A_2415[%swap3A_2416, %swap3A_2417, %swap3A_2418], %get3A_2409 {strides = array<i32>} : memref<4x32x128xf32, #tpu.memory_space<vmem>>, vector<16xf32>,
          %mul3A_2420 = arith.constant 26 : i32
          %mul3A_2421 = arith.muli %add3A_2030, %mul3A_2420 : i32
          %add3A_2422 = vector.broadcast %mul3A_2421 : i32 to vector<16xi32>
          %add3A_2423 = arith.addi %add3A_2422, %iota3A : vector<16xi32>
          %gather3A_2424 = tpu.vector_load_idx %arg7[%add3A_2423] : memref<832xi32, #tpu.memory_space<vmem>>[vector<16xi32>], vector<16xi32>,
          %and3A_2425 = arith.constant 15 : i32
          %and3A_2426 = vector.broadcast %and3A_2425 : i32 to vector<16xi32>
          %and3A_2427 = arith.andi %gather3A_2424, %and3A_2426 : vector<16xi32>
          %gather3A_2428 = tpu.vector_load_idx %arg9[%add3A_2423, %and3A_2427] : memref<832x16xf32, #tpu.memory_space<vmem>>[vector<16xi32>, vector<16xi32>], vector<16xf32>,
          %mul3A_2429 = arith.constant 26 : i32
          %mul3A_2430 = arith.muli %add3A_2030, %mul3A_2429 : i32
          %add3A_2431 = arith.constant 16 : i32
          %add3A_2432 = arith.addi %mul3A_2430, %add3A_2431 : i32
          %min3A = arith.constant 9 : i32
          %min3A_2433 = vector.broadcast %min3A : i32 to vector<16xi32>
          %min3A_2434 = arith.minsi %iota3A, %min3A_2433 : vector<16xi32>
          %add3A_2435 = vector.broadcast %add3A_2432 : i32 to vector<16xi32>
          %add3A_2436 = arith.addi %add3A_2435, %min3A_2434 : vector<16xi32>
          %gather3A_2437 = tpu.vector_load_idx %arg7[%add3A_2436] : memref<832xi32, #tpu.memory_space<vmem>>[vector<16xi32>], vector<16xi32>,
          %and3A_2438 = arith.constant 15 : i32
          %and3A_2439 = vector.broadcast %and3A_2438 : i32 to vector<16xi32>
          %and3A_2440 = arith.andi %gather3A_2437, %and3A_2439 : vector<16xi32>
          %gather3A_2441 = tpu.vector_load_idx %arg9[%add3A_2436, %and3A_2440] : memref<832x16xf32, #tpu.memory_space<vmem>>[vector<16xi32>, vector<16xi32>], vector<16xf32>,
          %swap3A_2442 = arith.constant 3 : i32
          %swap3A_2443 = arith.constant 0 : i32
          %swap3A_2444 = arith.constant 0 : i32
          %swap3A_2445 = arith.constant 0 : i32
          %swap3A_2446 = tpu.memref_slice %run_scoped3A_8[%rem3A_205, %swap3A_2443, %swap3A_2444, %swap3A_2445] : memref<2x4x32x128xf32, #tpu.memory_space<vmem>> -> memref<1x4x32x128xf32, #tpu.memory_space<vmem>>
          %swap3A_2447 = tpu.memref_squeeze %swap3A_2446 : memref<1x4x32x128xf32, #tpu.memory_space<vmem>> -> memref<4x32x128xf32, #tpu.memory_space<vmem>>
          %swap3A_2448 = arith.index_cast %swap3A_2442 : i32 to index
          %swap3A_2449 = arith.index_cast %add3A_2030 : i32 to index
          %swap3A_2450 = arith.constant 32 : index
          %swap3A_2451 = tpu.vector_load %swap3A_2447[%swap3A_2448, %swap3A_2449, %swap3A_2450] {strides = array<i32>} : memref<4x32x128xf32, #tpu.memory_space<vmem>>, vector<16xf32>,
          tpu.vector_store %swap3A_2447[%swap3A_2448, %swap3A_2449, %swap3A_2450], %gather3A_2428 {strides = array<i32>} : memref<4x32x128xf32, #tpu.memory_space<vmem>>, vector<16xf32>,
          %swap3A_2452 = arith.constant 3 : i32
          %swap3A_2453 = arith.constant 0 : i32
          %swap3A_2454 = arith.constant 0 : i32
          %swap3A_2455 = arith.constant 0 : i32
          %swap3A_2456 = tpu.memref_slice %run_scoped3A_8[%rem3A_205, %swap3A_2453, %swap3A_2454, %swap3A_2455] : memref<2x4x32x128xf32, #tpu.memory_space<vmem>> -> memref<1x4x32x128xf32, #tpu.memory_space<vmem>>
          %swap3A_2457 = tpu.memref_squeeze %swap3A_2456 : memref<1x4x32x128xf32, #tpu.memory_space<vmem>> -> memref<4x32x128xf32, #tpu.memory_space<vmem>>
          %swap3A_2458 = arith.index_cast %swap3A_2452 : i32 to index
          %swap3A_2459 = arith.index_cast %add3A_2030 : i32 to index
          %swap3A_2460 = arith.constant 48 : index
          %swap3A_2461 = tpu.vector_load %swap3A_2457[%swap3A_2458, %swap3A_2459, %swap3A_2460] {strides = array<i32>} : memref<4x32x128xf32, #tpu.memory_space<vmem>>, vector<16xf32>,
          tpu.vector_store %swap3A_2457[%swap3A_2458, %swap3A_2459, %swap3A_2460], %gather3A_2441 {strides = array<i32>} : memref<4x32x128xf32, #tpu.memory_space<vmem>>, vector<16xf32>,
          %swap3A_2462 = arith.constant 3 : i32
          %swap3A_2463 = arith.constant 0 : i32
          %swap3A_2464 = arith.constant 0 : i32
          %swap3A_2465 = arith.constant 0 : i32
          %swap3A_2466 = tpu.memref_slice %run_scoped3A_8[%rem3A_205, %swap3A_2463, %swap3A_2464, %swap3A_2465] : memref<2x4x32x128xf32, #tpu.memory_space<vmem>> -> memref<1x4x32x128xf32, #tpu.memory_space<vmem>>
          %swap3A_2467 = tpu.memref_squeeze %swap3A_2466 : memref<1x4x32x128xf32, #tpu.memory_space<vmem>> -> memref<4x32x128xf32, #tpu.memory_space<vmem>>
          %swap3A_2468 = arith.index_cast %swap3A_2462 : i32 to index
          %swap3A_2469 = arith.index_cast %add3A_2030 : i32 to index
          %swap3A_2470 = arith.constant 64 : index
          %swap3A_2471 = tpu.vector_load %swap3A_2467[%swap3A_2468, %swap3A_2469, %swap3A_2470] {strides = array<i32>} : memref<4x32x128xf32, #tpu.memory_space<vmem>>, vector<16xf32>,
          tpu.vector_store %swap3A_2467[%swap3A_2468, %swap3A_2469, %swap3A_2470], %broadcast_in_dim3A_1949 {strides = array<i32>} : memref<4x32x128xf32, #tpu.memory_space<vmem>>, vector<16xf32>,
          %swap3A_2472 = arith.constant 3 : i32
          %swap3A_2473 = arith.constant 0 : i32
          %swap3A_2474 = arith.constant 0 : i32
          %swap3A_2475 = arith.constant 0 : i32
          %swap3A_2476 = tpu.memref_slice %run_scoped3A_8[%rem3A_205, %swap3A_2473, %swap3A_2474, %swap3A_2475] : memref<2x4x32x128xf32, #tpu.memory_space<vmem>> -> memref<1x4x32x128xf32, #tpu.memory_space<vmem>>
          %swap3A_2477 = tpu.memref_squeeze %swap3A_2476 : memref<1x4x32x128xf32, #tpu.memory_space<vmem>> -> memref<4x32x128xf32, #tpu.memory_space<vmem>>
          %swap3A_2478 = arith.index_cast %swap3A_2472 : i32 to index
          %swap3A_2479 = arith.index_cast %add3A_2030 : i32 to index
          %swap3A_2480 = arith.constant 80 : index
          %swap3A_2481 = tpu.vector_load %swap3A_2477[%swap3A_2478, %swap3A_2479, %swap3A_2480] {strides = array<i32>} : memref<4x32x128xf32, #tpu.memory_space<vmem>>, vector<16xf32>,
          tpu.vector_store %swap3A_2477[%swap3A_2478, %swap3A_2479, %swap3A_2480], %broadcast_in_dim3A_1949 {strides = array<i32>} : memref<4x32x128xf32, #tpu.memory_space<vmem>>, vector<16xf32>,
          %swap3A_2482 = arith.constant 3 : i32
          %swap3A_2483 = arith.constant 0 : i32
          %swap3A_2484 = arith.constant 0 : i32
          %swap3A_2485 = arith.constant 0 : i32
          %swap3A_2486 = tpu.memref_slice %run_scoped3A_8[%rem3A_205, %swap3A_2483, %swap3A_2484, %swap3A_2485] : memref<2x4x32x128xf32, #tpu.memory_space<vmem>> -> memref<1x4x32x128xf32, #tpu.memory_space<vmem>>
          %swap3A_2487 = tpu.memref_squeeze %swap3A_2486 : memref<1x4x32x128xf32, #tpu.memory_space<vmem>> -> memref<4x32x128xf32, #tpu.memory_space<vmem>>
          %swap3A_2488 = arith.index_cast %swap3A_2482 : i32 to index
          %swap3A_2489 = arith.index_cast %add3A_2030 : i32 to index
          %swap3A_2490 = arith.constant 96 : index
          %swap3A_2491 = tpu.vector_load %swap3A_2487[%swap3A_2488, %swap3A_2489, %swap3A_2490] {strides = array<i32>} : memref<4x32x128xf32, #tpu.memory_space<vmem>>, vector<16xf32>,
          tpu.vector_store %swap3A_2487[%swap3A_2488, %swap3A_2489, %swap3A_2490], %broadcast_in_dim3A_1949 {strides = array<i32>} : memref<4x32x128xf32, #tpu.memory_space<vmem>>, vector<16xf32>,
          %swap3A_2492 = arith.constant 3 : i32
          %swap3A_2493 = arith.constant 0 : i32
          %swap3A_2494 = arith.constant 0 : i32
          %swap3A_2495 = arith.constant 0 : i32
          %swap3A_2496 = tpu.memref_slice %run_scoped3A_8[%rem3A_205, %swap3A_2493, %swap3A_2494, %swap3A_2495] : memref<2x4x32x128xf32, #tpu.memory_space<vmem>> -> memref<1x4x32x128xf32, #tpu.memory_space<vmem>>
          %swap3A_2497 = tpu.memref_squeeze %swap3A_2496 : memref<1x4x32x128xf32, #tpu.memory_space<vmem>> -> memref<4x32x128xf32, #tpu.memory_space<vmem>>
          %swap3A_2498 = arith.index_cast %swap3A_2492 : i32 to index
          %swap3A_2499 = arith.index_cast %add3A_2030 : i32 to index
          %swap3A_2500 = arith.constant 112 : index
          %swap3A_2501 = tpu.vector_load %swap3A_2497[%swap3A_2498, %swap3A_2499, %swap3A_2500] {strides = array<i32>} : memref<4x32x128xf32, #tpu.memory_space<vmem>>, vector<16xf32>,
          tpu.vector_store %swap3A_2497[%swap3A_2498, %swap3A_2499, %swap3A_2500], %broadcast_in_dim3A_1949 {strides = array<i32>} : memref<4x32x128xf32, #tpu.memory_space<vmem>>, vector<16xf32>,
        }
        %scan3A_1954 = arith.constant 32 : i32
        "tpu.trace_stop"() : () -> ()
        %ne3A_1955 = arith.cmpi ne, %add3A_135, %add3A_153 : i32
        %or3A_1956 = arith.constant false
        %or3A_1957 = arith.ori %or3A_1956, %ne3A_1955 : i1
        %or3A_1958 = arith.constant false
        %or3A_1959 = arith.ori %or3A_1957, %or3A_1958 : i1
        %or3A_1960 = arith.ori %or3A_1959, %eq3A_134 : i1
        %convert_element_type3A_1961 = arith.extui %or3A_1960 : i1 to i32
        %cond3A_1962 = arith.constant 0 : i32
        %cond3A_1963 = arith.cmpi ne, %convert_element_type3A_1961, %cond3A_1962 : i32
        scf.if %cond3A_1963 {
        } else {
        }
        %and3A_1964 = arith.constant false
        %and3A_1965 = arith.andi %or3A_1960, %and3A_1964 : i1
        %ne3A_1966 = arith.cmpi ne, %add3A_135, %add3A_153 : i32
        %or3A_1967 = arith.constant false
        %or3A_1968 = arith.ori %or3A_1967, %ne3A_1966 : i1
        %or3A_1969 = arith.constant false
        %or3A_1970 = arith.ori %or3A_1968, %or3A_1969 : i1
        %or3A_1971 = arith.ori %or3A_1970, %eq3A_134 : i1
        %convert_element_type3A_1972 = arith.extui %or3A_1971 : i1 to i32
        %cond3A_1973 = arith.constant 0 : i32
        %cond3A_1974 = arith.cmpi ne, %convert_element_type3A_1972, %cond3A_1973 : i32
        scf.if %cond3A_1974 {
          "tpu.trace_start"() <{level = 10 : i32, message = "ep_copy_out"}> : () -> ()
          %rem3A_2026 = arith.constant 2 : i32
          %rem3A_2027 = arith.remui %scan3A_128, %rem3A_2026 : i32
          %mul3A_2028 = arith.constant 32 : i32
          %mul3A_2029 = arith.muli %mul3A_2028, %add3A_135 : i32
          %dma_start3A_2030 = arith.constant 0 : i32
          %dma_start3A_2031 = arith.constant 0 : i32
          %dma_start3A_2032 = arith.constant 0 : i32
          %dma_start3A_2033 = tpu.memref_slice %run_scoped3A_8[%rem3A_2027, %dma_start3A_2030, %dma_start3A_2031, %dma_start3A_2032] : memref<2x4x32x128xf32, #tpu.memory_space<vmem>> -> memref<1x4x32x128xf32, #tpu.memory_space<vmem>>
          %dma_start3A_2034 = tpu.memref_squeeze %dma_start3A_2033 : memref<1x4x32x128xf32, #tpu.memory_space<vmem>> -> memref<4x32x128xf32, #tpu.memory_space<vmem>>
          %dma_start3A_2035 = arith.constant 0 : i32
          %dma_start3A_2036 = arith.constant 0 : i32
          %dma_start3A_2037 = tpu.memref_slice %arg5[%dma_start3A_2035, %mul3A_2029, %dma_start3A_2036] : memref<4x16384x128xf32, #tpu.memory_space<hbm>> -> memref<4x32x128xf32, #tpu.memory_space<hbm>>
          %dma_start3A_2038 = tpu.memref_slice %run_scoped3A_9[%rem3A_2027] : memref<2x!tpu.dma_semaphore, #tpu.memory_space<semaphore_mem>> -> memref<1x!tpu.dma_semaphore, #tpu.memory_space<semaphore_mem>>
          %dma_start3A_2039 = tpu.memref_squeeze %dma_start3A_2038 : memref<1x!tpu.dma_semaphore, #tpu.memory_space<semaphore_mem>> -> memref<!tpu.dma_semaphore, #tpu.memory_space<semaphore_mem>>
          %dma_start3A_2040 = arith.constant 0 : i32
          %dma_start3A_2041 = arith.constant 0 : i32
          %dma_start3A_2042 = tpu.memref_slice %arg5[%dma_start3A_2040, %mul3A_2029, %dma_start3A_2041] : memref<4x16384x128xf32, #tpu.memory_space<hbm>> -> memref<4x32x128xf32, #tpu.memory_space<hbm>>
          %dma_start3A_2043 = arith.constant 0 : i32
          %dma_start3A_2044 = arith.constant 0 : i32
          %dma_start3A_2045 = arith.constant 0 : i32
          %dma_start3A_2046 = tpu.memref_slice %run_scoped3A_8[%rem3A_2027, %dma_start3A_2043, %dma_start3A_2044, %dma_start3A_2045] : memref<2x4x32x128xf32, #tpu.memory_space<vmem>> -> memref<1x4x32x128xf32, #tpu.memory_space<vmem>>
          %dma_start3A_2047 = tpu.memref_squeeze %dma_start3A_2046 : memref<1x4x32x128xf32, #tpu.memory_space<vmem>> -> memref<4x32x128xf32, #tpu.memory_space<vmem>>
          tpu.enqueue_dma source(%dma_start3A_2047 : memref<4x32x128xf32, #tpu.memory_space<vmem>>) target(%dma_start3A_2042 : memref<4x32x128xf32, #tpu.memory_space<hbm>>) target_semaphore(%dma_start3A_2039 : memref<!tpu.dma_semaphore, #tpu.memory_space<semaphore_mem>>)
          "tpu.trace_stop"() : () -> ()
        } else {
        }
        %and3A_1975 = arith.constant true
        %and3A_1976 = arith.andi %or3A_1971, %and3A_1975 : i1
        %add3A_1977 = arith.constant 1 : i32
        %add3A_1978 = arith.addi %scan3A_128, %add3A_1977 : i32
        %select_n3A_1979 = arith.select %and3A_1976, %add3A_1978, %scan3A_128 : i32
        %ne3A_1980 = arith.cmpi ne, %add3A_135, %add3A_144 : i32
        %or3A_1981 = arith.constant false
        %or3A_1982 = arith.ori %or3A_1981, %ne3A_1980 : i1
        %or3A_1983 = arith.constant false
        %or3A_1984 = arith.ori %or3A_1982, %or3A_1983 : i1
        %not3A_1985 = arith.constant true
        %not3A_1986 = arith.xori %eq3A_132, %not3A_1985 : i1
        %and3A_1987 = arith.andi %or3A_1984, %not3A_1986 : i1
        %convert_element_type3A_1988 = arith.extui %and3A_1987 : i1 to i32
        %cond3A_1989 = arith.constant 0 : i32
        %cond3A_1990 = arith.cmpi ne, %convert_element_type3A_1988, %cond3A_1989 : i32
        scf.if %cond3A_1990 {
        } else {
        }
        %and3A_1991 = arith.constant false
        %and3A_1992 = arith.andi %and3A_1987, %and3A_1991 : i1
        %ne3A_1993 = arith.cmpi ne, %add3A_135, %add3A_144 : i32
        %or3A_1994 = arith.constant false
        %or3A_1995 = arith.ori %or3A_1994, %ne3A_1993 : i1
        %or3A_1996 = arith.constant false
        %or3A_1997 = arith.ori %or3A_1995, %or3A_1996 : i1
        %not3A_1998 = arith.constant true
        %not3A_1999 = arith.xori %eq3A_132, %not3A_1998 : i1
        %and3A_2000 = arith.andi %or3A_1997, %not3A_1999 : i1
        %convert_element_type3A_2001 = arith.extui %and3A_2000 : i1 to i32
        %cond3A_2002 = arith.constant 0 : i32
        %cond3A_2003 = arith.cmpi ne, %convert_element_type3A_2001, %cond3A_2002 : i32
        scf.if %cond3A_2003 {
          "tpu.trace_start"() <{level = 10 : i32, message = "ep_wait_out"}> : () -> ()
          %rem3A_2026 = arith.constant 2 : i32
          %rem3A_2027 = arith.remui %scan3A_129, %rem3A_2026 : i32
          %mul3A_2028 = arith.constant 32 : i32
          %mul3A_2029 = arith.muli %mul3A_2028, %add3A_144 : i32
          %dma_wait3A_2030 = arith.constant 0 : i32
          %dma_wait3A_2031 = arith.constant 0 : i32
          %dma_wait3A_2032 = arith.constant 0 : i32
          %dma_wait3A_2033 = tpu.memref_slice %run_scoped3A_8[%rem3A_2027, %dma_wait3A_2030, %dma_wait3A_2031, %dma_wait3A_2032] : memref<2x4x32x128xf32, #tpu.memory_space<vmem>> -> memref<1x4x32x128xf32, #tpu.memory_space<vmem>>
          %dma_wait3A_2034 = tpu.memref_squeeze %dma_wait3A_2033 : memref<1x4x32x128xf32, #tpu.memory_space<vmem>> -> memref<4x32x128xf32, #tpu.memory_space<vmem>>
          %dma_wait3A_2035 = arith.constant 0 : i32
          %dma_wait3A_2036 = arith.constant 0 : i32
          %dma_wait3A_2037 = tpu.memref_slice %arg5[%dma_wait3A_2035, %mul3A_2029, %dma_wait3A_2036] : memref<4x16384x128xf32, #tpu.memory_space<hbm>> -> memref<4x32x128xf32, #tpu.memory_space<hbm>>
          %dma_wait3A_2038 = tpu.memref_slice %run_scoped3A_9[%rem3A_2027] : memref<2x!tpu.dma_semaphore, #tpu.memory_space<semaphore_mem>> -> memref<1x!tpu.dma_semaphore, #tpu.memory_space<semaphore_mem>>
          %dma_wait3A_2039 = tpu.memref_squeeze %dma_wait3A_2038 : memref<1x!tpu.dma_semaphore, #tpu.memory_space<semaphore_mem>> -> memref<!tpu.dma_semaphore, #tpu.memory_space<semaphore_mem>>
          %dma_wait3A_2040 = arith.constant 0 : i32
          %dma_wait3A_2041 = arith.constant 0 : i32
          %dma_wait3A_2042 = tpu.memref_slice %arg5[%dma_wait3A_2040, %mul3A_2029, %dma_wait3A_2041] : memref<4x16384x128xf32, #tpu.memory_space<hbm>> -> memref<4x32x128xf32, #tpu.memory_space<hbm>>
          %dma_wait3A_2043 = arith.constant 0 : i32
          %dma_wait3A_2044 = arith.constant 0 : i32
          %dma_wait3A_2045 = arith.constant 0 : i32
          %dma_wait3A_2046 = tpu.memref_slice %run_scoped3A_8[%rem3A_2027, %dma_wait3A_2043, %dma_wait3A_2044, %dma_wait3A_2045] : memref<2x4x32x128xf32, #tpu.memory_space<vmem>> -> memref<1x4x32x128xf32, #tpu.memory_space<vmem>>
          %dma_wait3A_2047 = tpu.memref_squeeze %dma_wait3A_2046 : memref<1x4x32x128xf32, #tpu.memory_space<vmem>> -> memref<4x32x128xf32, #tpu.memory_space<vmem>>
          tpu.wait_dma2 semaphore(%dma_wait3A_2039 : memref<!tpu.dma_semaphore, #tpu.memory_space<semaphore_mem>>) src(%dma_wait3A_2047 : memref<4x32x128xf32, #tpu.memory_space<vmem>>) dst(%dma_wait3A_2042 : memref<4x32x128xf32, #tpu.memory_space<hbm>>)
          "tpu.trace_stop"() : () -> ()
        } else {
        }
        %and3A_2004 = arith.constant true
        %and3A_2005 = arith.andi %and3A_2000, %and3A_2004 : i1
        %add3A_2006 = arith.constant 1 : i32
        %add3A_2007 = arith.addi %scan3A_129, %add3A_2006 : i32
        %select_n3A_2008 = arith.select %and3A_2005, %add3A_2007, %scan3A_129 : i32
        %ne3A_2009 = arith.cmpi ne, %add3A_135, %add3A_153 : i32
        %or3A_2010 = arith.constant false
        %or3A_2011 = arith.ori %or3A_2010, %ne3A_2009 : i1
        %or3A_2012 = arith.constant false
        %or3A_2013 = arith.ori %or3A_2011, %or3A_2012 : i1
        %or3A_2014 = arith.ori %or3A_2013, %eq3A_134 : i1
        %add3A_2015 = arith.constant 1 : i32
        %add3A_2016 = arith.addi %scan3A_127, %add3A_2015 : i32
        %select_n3A_2017 = arith.select %or3A_2014, %add3A_2016, %scan3A_127 : i32
        %add3A_2018 = arith.constant 1 : i32
        %add3A_2019 = arith.addi %scan3A_130, %add3A_2018 : i32
        %select_n3A_2020 = arith.constant true
        %select_n3A_2021 = arith.select %select_n3A_2020, %add3A_2019, %scan3A_130 : i32
        %eq3A_2022 = arith.constant 16 : i32
        %eq3A_2023 = arith.cmpi eq, %select_n3A_2021, %eq3A_2022 : i32
        %select_n3A_2024 = arith.constant 0 : i32
        %select_n3A_2025 = arith.select %eq3A_2023, %select_n3A_2024, %select_n3A_2021 : i32
        scf.yield %select_n3A_173, %select_n3A_2017, %select_n3A_1979, %select_n3A_2008, %select_n3A_2025 : i32, i32, i32, i32, i32
      }
      %scan3A_68 = arith.constant 16 : i32
      %sub3A = arith.constant 1 : i32
      %sub3A_69 = arith.subi %scan3A_67#4, %sub3A : i32
      %select_n3A_70 = arith.constant true
      %select_n3A_71 = arith.select %select_n3A_70, %sub3A_69, %scan3A_67#4 : i32
      %eq3A_72 = arith.constant -1 : i32
      %eq3A_73 = arith.cmpi eq, %select_n3A_71, %eq3A_72 : i32
      %select_n3A_74 = arith.constant 15 : i32
      %select_n3A_75 = arith.select %eq3A_73, %select_n3A_74, %select_n3A_71 : i32
      %add3A_76 = arith.addi %select_n3A_75, %mul3A_6 : i32
      %sub3A_77 = arith.constant 1 : i32
      %sub3A_78 = arith.subi %select_n3A_75, %sub3A_77 : i32
      %select_n3A_79 = arith.constant true
      %select_n3A_80 = arith.select %select_n3A_79, %sub3A_78, %select_n3A_75 : i32
      %eq3A_81 = arith.constant -1 : i32
      %eq3A_82 = arith.cmpi eq, %select_n3A_80, %eq3A_81 : i32
      %select_n3A_83 = arith.constant 15 : i32
      %select_n3A_84 = arith.select %eq3A_82, %select_n3A_83, %select_n3A_80 : i32
      %add3A_85 = arith.addi %select_n3A_84, %mul3A_6 : i32
      %add3A_86 = arith.constant 1 : i32
      %add3A_87 = arith.addi %select_n3A_75, %add3A_86 : i32
      %select_n3A_88 = arith.constant true
      %select_n3A_89 = arith.select %select_n3A_88, %add3A_87, %select_n3A_75 : i32
      %eq3A_90 = arith.constant 16 : i32
      %eq3A_91 = arith.cmpi eq, %select_n3A_89, %eq3A_90 : i32
      %select_n3A_92 = arith.constant 0 : i32
      %select_n3A_93 = arith.select %eq3A_91, %select_n3A_92, %select_n3A_89 : i32
      %add3A_94 = arith.addi %select_n3A_93, %mul3A_6 : i32
      %add3A_95 = arith.constant 1 : i32
      %add3A_96 = arith.addi %select_n3A_93, %add3A_95 : i32
      %select_n3A_97 = arith.constant true
      %select_n3A_98 = arith.select %select_n3A_97, %add3A_96, %select_n3A_93 : i32
      %eq3A_99 = arith.constant 16 : i32
      %eq3A_100 = arith.cmpi eq, %select_n3A_98, %eq3A_99 : i32
      %select_n3A_101 = arith.constant 0 : i32
      %select_n3A_102 = arith.select %eq3A_100, %select_n3A_101, %select_n3A_98 : i32
      %add3A_103 = arith.addi %select_n3A_102, %mul3A_6 : i32
      "tpu.trace_start"() <{level = 10 : i32, message = "ep_finalize"}> : () -> ()
      %rem3A_104 = arith.constant 2 : i32
      %rem3A_105 = arith.remui %scan3A_67#3, %rem3A_104 : i32
      %mul3A_106 = arith.constant 32 : i32
      %mul3A_107 = arith.muli %mul3A_106, %add3A_76 : i32
      %dma_wait3A = arith.constant 0 : i32
      %dma_wait3A_108 = arith.constant 0 : i32
      %dma_wait3A_109 = arith.constant 0 : i32
      %dma_wait3A_110 = tpu.memref_slice %run_scoped3A_8[%rem3A_105, %dma_wait3A, %dma_wait3A_108, %dma_wait3A_109] : memref<2x4x32x128xf32, #tpu.memory_space<vmem>> -> memref<1x4x32x128xf32, #tpu.memory_space<vmem>>
      %dma_wait3A_111 = tpu.memref_squeeze %dma_wait3A_110 : memref<1x4x32x128xf32, #tpu.memory_space<vmem>> -> memref<4x32x128xf32, #tpu.memory_space<vmem>>
      %dma_wait3A_112 = arith.constant 0 : i32
      %dma_wait3A_113 = arith.constant 0 : i32
      %dma_wait3A_114 = tpu.memref_slice %arg5[%dma_wait3A_112, %mul3A_107, %dma_wait3A_113] : memref<4x16384x128xf32, #tpu.memory_space<hbm>> -> memref<4x32x128xf32, #tpu.memory_space<hbm>>
      %dma_wait3A_115 = tpu.memref_slice %run_scoped3A_9[%rem3A_105] : memref<2x!tpu.dma_semaphore, #tpu.memory_space<semaphore_mem>> -> memref<1x!tpu.dma_semaphore, #tpu.memory_space<semaphore_mem>>
      %dma_wait3A_116 = tpu.memref_squeeze %dma_wait3A_115 : memref<1x!tpu.dma_semaphore, #tpu.memory_space<semaphore_mem>> -> memref<!tpu.dma_semaphore, #tpu.memory_space<semaphore_mem>>
      %dma_wait3A_117 = arith.constant 0 : i32
      %dma_wait3A_118 = arith.constant 0 : i32
      %dma_wait3A_119 = tpu.memref_slice %arg5[%dma_wait3A_117, %mul3A_107, %dma_wait3A_118] : memref<4x16384x128xf32, #tpu.memory_space<hbm>> -> memref<4x32x128xf32, #tpu.memory_space<hbm>>
      %dma_wait3A_120 = arith.constant 0 : i32
      %dma_wait3A_121 = arith.constant 0 : i32
      %dma_wait3A_122 = arith.constant 0 : i32
      %dma_wait3A_123 = tpu.memref_slice %run_scoped3A_8[%rem3A_105, %dma_wait3A_120, %dma_wait3A_121, %dma_wait3A_122] : memref<2x4x32x128xf32, #tpu.memory_space<vmem>> -> memref<1x4x32x128xf32, #tpu.memory_space<vmem>>
      %dma_wait3A_124 = tpu.memref_squeeze %dma_wait3A_123 : memref<1x4x32x128xf32, #tpu.memory_space<vmem>> -> memref<4x32x128xf32, #tpu.memory_space<vmem>>
      tpu.wait_dma2 semaphore(%dma_wait3A_116 : memref<!tpu.dma_semaphore, #tpu.memory_space<semaphore_mem>>) src(%dma_wait3A_124 : memref<4x32x128xf32, #tpu.memory_space<vmem>>) dst(%dma_wait3A_119 : memref<4x32x128xf32, #tpu.memory_space<hbm>>)
      "tpu.trace_stop"() : () -> ()
      tpu.yield
    }) : () -> ()
    return
  }
}

module attributes {stable_mosaic.version = 14 : i64} {
  func.func @_dense_body(%arg0: i32, %arg1: memref<2048x13xf32, #tpu.memory_space<vmem>>, %arg2: memref<4x2048x128xf32, #tpu.memory_space<vmem>>, %arg3: memref<13x1xf32, #tpu.memory_space<vmem>>, %arg4: memref<1x1xf32, #tpu.memory_space<vmem>>, %arg5: memref<13x16xf32, #tpu.memory_space<vmem>>, %arg6: memref<1x16xf32, #tpu.memory_space<vmem>>, %arg7: memref<13x512xbf16, #tpu.memory_space<vmem>>, %arg8: memref<4x128x512xbf16, #tpu.memory_space<vmem>>, %arg9: memref<1x512xf32, #tpu.memory_space<vmem>>, %arg10: memref<512x256xbf16, #tpu.memory_space<vmem>>, %arg11: memref<1x256xf32, #tpu.memory_space<vmem>>, %arg12: memref<256x128xbf16, #tpu.memory_space<vmem>>, %arg13: memref<1x128xf32, #tpu.memory_space<vmem>>, %arg14: memref<128x1xbf16, #tpu.memory_space<vmem>>, %arg15: memref<1x1xf32, #tpu.memory_space<vmem>>, %arg16: memref<4x128x16xf32, #tpu.memory_space<vmem>>, %arg17: memref<128x1xf32, #tpu.memory_space<vmem>>, %arg18: memref<2048xf32, #tpu.memory_space<vmem>>) attributes {dimension_semantics = [#tpu.dimension_semantics<arbitrary>], iteration_bounds = array<i64: 8>, scalar_prefetch = 0 : i64, scratch_operands = 0 : i64, tpu.core_type = #tpu.core_type<tc>, window_params = [{transform_indices = @transform_0, window_bounds = array<i64: 2048, 13>}, {transform_indices = @transform_1, window_bounds = array<i64: 4, 2048, 128>}, {pipeline_mode = #tpu.pipeline_mode<synchronous>, transform_indices = @transform_2, window_bounds = array<i64: 13, 1>}, {pipeline_mode = #tpu.pipeline_mode<synchronous>, transform_indices = @transform_3, window_bounds = array<i64: 1, 1>}, {pipeline_mode = #tpu.pipeline_mode<synchronous>, transform_indices = @transform_4, window_bounds = array<i64: 13, 16>}, {pipeline_mode = #tpu.pipeline_mode<synchronous>, transform_indices = @transform_5, window_bounds = array<i64: 1, 16>}, {pipeline_mode = #tpu.pipeline_mode<synchronous>, transform_indices = @transform_6, window_bounds = array<i64: 13, 512>}, {pipeline_mode = #tpu.pipeline_mode<synchronous>, transform_indices = @transform_7, window_bounds = array<i64: 4, 128, 512>}, {pipeline_mode = #tpu.pipeline_mode<synchronous>, transform_indices = @transform_8, window_bounds = array<i64: 1, 512>}, {pipeline_mode = #tpu.pipeline_mode<synchronous>, transform_indices = @transform_9, window_bounds = array<i64: 512, 256>}, {pipeline_mode = #tpu.pipeline_mode<synchronous>, transform_indices = @transform_10, window_bounds = array<i64: 1, 256>}, {pipeline_mode = #tpu.pipeline_mode<synchronous>, transform_indices = @transform_11, window_bounds = array<i64: 256, 128>}, {pipeline_mode = #tpu.pipeline_mode<synchronous>, transform_indices = @transform_12, window_bounds = array<i64: 1, 128>}, {pipeline_mode = #tpu.pipeline_mode<synchronous>, transform_indices = @transform_13, window_bounds = array<i64: 128, 1>}, {pipeline_mode = #tpu.pipeline_mode<synchronous>, transform_indices = @transform_14, window_bounds = array<i64: 1, 1>}, {pipeline_mode = #tpu.pipeline_mode<synchronous>, transform_indices = @transform_15, window_bounds = array<i64: 4, 128, 16>}, {pipeline_mode = #tpu.pipeline_mode<synchronous>, transform_indices = @transform_16, window_bounds = array<i64: 128, 1>}, {transform_indices = @transform_17, window_bounds = array<i64: 2048>}]} {
    %get3A = arith.constant 0 : index
    %get3A_0 = arith.constant 0 : index
    %get3A_1 = vector.load %arg1[%get3A, %get3A_0] : memref<2048x13xf32, #tpu.memory_space<vmem>>, vector<2048x13xf32>
    %get3A_2 = arith.constant 0 : index
    %get3A_3 = arith.constant 0 : index
    %get3A_4 = arith.constant 0 : index
    %get3A_5 = vector.load %arg2[%get3A_2, %get3A_3, %get3A_4] : memref<4x2048x128xf32, #tpu.memory_space<vmem>>, vector<4x2048x128xf32>
    %get3A_6 = arith.constant 0 : index
    %get3A_7 = arith.constant 0 : index
    %get3A_8 = arith.constant 0 : index
    %get3A_9 = vector.load %arg16[%get3A_6, %get3A_7, %get3A_8] : memref<4x128x16xf32, #tpu.memory_space<vmem>>, vector<4x128x16xf32>
    %get3A_10 = arith.constant 0 : index
    %get3A_11 = arith.constant 0 : index
    %get3A_12 = vector.load %arg5[%get3A_10, %get3A_11] : memref<13x16xf32, #tpu.memory_space<vmem>>, vector<13x16xf32>
    %dot_general3A = arith.constant dense<0.000000e+00> : vector<2048x16xf32>
    %dot_general3A_13 = tpu.matmul %get3A_1, %get3A_12, %dot_general3A {dimension_numbers = #tpu.dot_dimension_numbers<[1], [0], [0], [1], [0, 0, 1, 1], [], []>, transpose_lhs_hint = false} : vector<2048x13xf32>, vector<13x16xf32>, vector<2048x16xf32> -> vector<2048x16xf32>
    %get3A_14 = arith.constant 0 : index
    %get3A_15 = arith.constant 0 : index
    %get3A_16 = vector.load %arg6[%get3A_14, %get3A_15] : memref<1x16xf32, #tpu.memory_space<vmem>>, vector<1x16xf32>
    %add3A = vector.broadcast %get3A_16 : vector<1x16xf32> to vector<2048x16xf32>
    %add3A_17 = arith.addf %dot_general3A_13, %add3A : vector<2048x16xf32>
    %mul3A = arith.mulf %add3A_17, %add3A_17 : vector<2048x16xf32>
    %slice3A = vector.extract_strided_slice %get3A_5 {offsets = [0, 0, 0], sizes = [1, 2048, 128], strides = [1, 1, 1]} : vector<4x2048x128xf32> to vector<1x2048x128xf32>
    %squeeze3A = vector.shape_cast %slice3A : vector<1x2048x128xf32> to vector<2048x128xf32>
    %slice3A_18 = vector.extract_strided_slice %get3A_9 {offsets = [0, 0, 0], sizes = [1, 128, 16], strides = [1, 1, 1]} : vector<4x128x16xf32> to vector<1x128x16xf32>
    %squeeze3A_19 = vector.shape_cast %slice3A_18 : vector<1x128x16xf32> to vector<128x16xf32>
    %dot_general3A_20 = arith.constant dense<0.000000e+00> : vector<2048x16xf32>
    %dot_general3A_21 = tpu.matmul %squeeze3A, %squeeze3A_19, %dot_general3A_20 {dimension_numbers = #tpu.dot_dimension_numbers<[1], [0], [0], [1], [0, 0, 1, 1], [], []>, transpose_lhs_hint = false} : vector<2048x128xf32>, vector<128x16xf32>, vector<2048x16xf32> -> vector<2048x16xf32>
    %add3A_22 = arith.addf %add3A_17, %dot_general3A_21 : vector<2048x16xf32>
    %mul3A_23 = arith.mulf %squeeze3A, %squeeze3A : vector<2048x128xf32>
    %slice3A_24 = vector.extract_strided_slice %get3A_9 {offsets = [0, 0, 0], sizes = [1, 128, 16], strides = [1, 1, 1]} : vector<4x128x16xf32> to vector<1x128x16xf32>
    %squeeze3A_25 = vector.shape_cast %slice3A_24 : vector<1x128x16xf32> to vector<128x16xf32>
    %dot_general3A_26 = arith.constant dense<0.000000e+00> : vector<2048x16xf32>
    %dot_general3A_27 = tpu.matmul %mul3A_23, %squeeze3A_25, %dot_general3A_26 {dimension_numbers = #tpu.dot_dimension_numbers<[1], [0], [0], [1], [0, 0, 1, 1], [], []>, transpose_lhs_hint = false} : vector<2048x128xf32>, vector<128x16xf32>, vector<2048x16xf32> -> vector<2048x16xf32>
    %add3A_28 = arith.addf %mul3A, %dot_general3A_27 : vector<2048x16xf32>
    %slice3A_29 = vector.extract_strided_slice %get3A_5 {offsets = [1, 0, 0], sizes = [1, 2048, 128], strides = [1, 1, 1]} : vector<4x2048x128xf32> to vector<1x2048x128xf32>
    %squeeze3A_30 = vector.shape_cast %slice3A_29 : vector<1x2048x128xf32> to vector<2048x128xf32>
    %slice3A_31 = vector.extract_strided_slice %get3A_9 {offsets = [1, 0, 0], sizes = [1, 128, 16], strides = [1, 1, 1]} : vector<4x128x16xf32> to vector<1x128x16xf32>
    %squeeze3A_32 = vector.shape_cast %slice3A_31 : vector<1x128x16xf32> to vector<128x16xf32>
    %dot_general3A_33 = arith.constant dense<0.000000e+00> : vector<2048x16xf32>
    %dot_general3A_34 = tpu.matmul %squeeze3A_30, %squeeze3A_32, %dot_general3A_33 {dimension_numbers = #tpu.dot_dimension_numbers<[1], [0], [0], [1], [0, 0, 1, 1], [], []>, transpose_lhs_hint = false} : vector<2048x128xf32>, vector<128x16xf32>, vector<2048x16xf32> -> vector<2048x16xf32>
    %add3A_35 = arith.addf %add3A_22, %dot_general3A_34 : vector<2048x16xf32>
    %mul3A_36 = arith.mulf %squeeze3A_30, %squeeze3A_30 : vector<2048x128xf32>
    %slice3A_37 = vector.extract_strided_slice %get3A_9 {offsets = [1, 0, 0], sizes = [1, 128, 16], strides = [1, 1, 1]} : vector<4x128x16xf32> to vector<1x128x16xf32>
    %squeeze3A_38 = vector.shape_cast %slice3A_37 : vector<1x128x16xf32> to vector<128x16xf32>
    %dot_general3A_39 = arith.constant dense<0.000000e+00> : vector<2048x16xf32>
    %dot_general3A_40 = tpu.matmul %mul3A_36, %squeeze3A_38, %dot_general3A_39 {dimension_numbers = #tpu.dot_dimension_numbers<[1], [0], [0], [1], [0, 0, 1, 1], [], []>, transpose_lhs_hint = false} : vector<2048x128xf32>, vector<128x16xf32>, vector<2048x16xf32> -> vector<2048x16xf32>
    %add3A_41 = arith.addf %add3A_28, %dot_general3A_40 : vector<2048x16xf32>
    %slice3A_42 = vector.extract_strided_slice %get3A_5 {offsets = [2, 0, 0], sizes = [1, 2048, 128], strides = [1, 1, 1]} : vector<4x2048x128xf32> to vector<1x2048x128xf32>
    %squeeze3A_43 = vector.shape_cast %slice3A_42 : vector<1x2048x128xf32> to vector<2048x128xf32>
    %slice3A_44 = vector.extract_strided_slice %get3A_9 {offsets = [2, 0, 0], sizes = [1, 128, 16], strides = [1, 1, 1]} : vector<4x128x16xf32> to vector<1x128x16xf32>
    %squeeze3A_45 = vector.shape_cast %slice3A_44 : vector<1x128x16xf32> to vector<128x16xf32>
    %dot_general3A_46 = arith.constant dense<0.000000e+00> : vector<2048x16xf32>
    %dot_general3A_47 = tpu.matmul %squeeze3A_43, %squeeze3A_45, %dot_general3A_46 {dimension_numbers = #tpu.dot_dimension_numbers<[1], [0], [0], [1], [0, 0, 1, 1], [], []>, transpose_lhs_hint = false} : vector<2048x128xf32>, vector<128x16xf32>, vector<2048x16xf32> -> vector<2048x16xf32>
    %add3A_48 = arith.addf %add3A_35, %dot_general3A_47 : vector<2048x16xf32>
    %mul3A_49 = arith.mulf %squeeze3A_43, %squeeze3A_43 : vector<2048x128xf32>
    %slice3A_50 = vector.extract_strided_slice %get3A_9 {offsets = [2, 0, 0], sizes = [1, 128, 16], strides = [1, 1, 1]} : vector<4x128x16xf32> to vector<1x128x16xf32>
    %squeeze3A_51 = vector.shape_cast %slice3A_50 : vector<1x128x16xf32> to vector<128x16xf32>
    %dot_general3A_52 = arith.constant dense<0.000000e+00> : vector<2048x16xf32>
    %dot_general3A_53 = tpu.matmul %mul3A_49, %squeeze3A_51, %dot_general3A_52 {dimension_numbers = #tpu.dot_dimension_numbers<[1], [0], [0], [1], [0, 0, 1, 1], [], []>, transpose_lhs_hint = false} : vector<2048x128xf32>, vector<128x16xf32>, vector<2048x16xf32> -> vector<2048x16xf32>
    %add3A_54 = arith.addf %add3A_41, %dot_general3A_53 : vector<2048x16xf32>
    %slice3A_55 = vector.extract_strided_slice %get3A_5 {offsets = [3, 0, 0], sizes = [1, 2048, 128], strides = [1, 1, 1]} : vector<4x2048x128xf32> to vector<1x2048x128xf32>
    %squeeze3A_56 = vector.shape_cast %slice3A_55 : vector<1x2048x128xf32> to vector<2048x128xf32>
    %slice3A_57 = vector.extract_strided_slice %get3A_9 {offsets = [3, 0, 0], sizes = [1, 128, 16], strides = [1, 1, 1]} : vector<4x128x16xf32> to vector<1x128x16xf32>
    %squeeze3A_58 = vector.shape_cast %slice3A_57 : vector<1x128x16xf32> to vector<128x16xf32>
    %dot_general3A_59 = arith.constant dense<0.000000e+00> : vector<2048x16xf32>
    %dot_general3A_60 = tpu.matmul %squeeze3A_56, %squeeze3A_58, %dot_general3A_59 {dimension_numbers = #tpu.dot_dimension_numbers<[1], [0], [0], [1], [0, 0, 1, 1], [], []>, transpose_lhs_hint = false} : vector<2048x128xf32>, vector<128x16xf32>, vector<2048x16xf32> -> vector<2048x16xf32>
    %add3A_61 = arith.addf %add3A_48, %dot_general3A_60 : vector<2048x16xf32>
    %mul3A_62 = arith.mulf %squeeze3A_56, %squeeze3A_56 : vector<2048x128xf32>
    %slice3A_63 = vector.extract_strided_slice %get3A_9 {offsets = [3, 0, 0], sizes = [1, 128, 16], strides = [1, 1, 1]} : vector<4x128x16xf32> to vector<1x128x16xf32>
    %squeeze3A_64 = vector.shape_cast %slice3A_63 : vector<1x128x16xf32> to vector<128x16xf32>
    %dot_general3A_65 = arith.constant dense<0.000000e+00> : vector<2048x16xf32>
    %dot_general3A_66 = tpu.matmul %mul3A_62, %squeeze3A_64, %dot_general3A_65 {dimension_numbers = #tpu.dot_dimension_numbers<[1], [0], [0], [1], [0, 0, 1, 1], [], []>, transpose_lhs_hint = false} : vector<2048x128xf32>, vector<128x16xf32>, vector<2048x16xf32> -> vector<2048x16xf32>
    %add3A_67 = arith.addf %add3A_54, %dot_general3A_66 : vector<2048x16xf32>
    %mul3A_68 = arith.mulf %add3A_61, %add3A_61 : vector<2048x16xf32>
    %sub3A = arith.subf %mul3A_68, %add3A_67 : vector<2048x16xf32>
    %reduce_sum3A = arith.constant dense<0.000000e+00> : vector<2048xf32>
    %reduce_sum3A_69 = vector.multi_reduction <add>, %sub3A, %reduce_sum3A [1] : vector<2048x16xf32> to vector<2048xf32>
    %broadcast_in_dim3A = vector.shape_cast %reduce_sum3A_69 : vector<2048xf32> to vector<2048x1xf32>
    %mul3A_70 = arith.constant 5.000000e-01 : f32
    %mul3A_71 = vector.broadcast %mul3A_70 : f32 to vector<2048x1xf32>
    %mul3A_72 = arith.mulf %mul3A_71, %broadcast_in_dim3A : vector<2048x1xf32>
    %slice3A_73 = vector.extract_strided_slice %get3A_5 {offsets = [3, 0, 0], sizes = [1, 2048, 128], strides = [1, 1, 1]} : vector<4x2048x128xf32> to vector<1x2048x128xf32>
    %squeeze3A_74 = vector.shape_cast %slice3A_73 : vector<1x2048x128xf32> to vector<2048x128xf32>
    %get3A_75 = arith.constant 0 : index
    %get3A_76 = arith.constant 0 : index
    %get3A_77 = vector.load %arg17[%get3A_75, %get3A_76] : memref<128x1xf32, #tpu.memory_space<vmem>>, vector<128x1xf32>
    %dot_general3A_78 = arith.constant dense<0.000000e+00> : vector<2048x1xf32>
    %dot_general3A_79 = tpu.matmul %squeeze3A_74, %get3A_77, %dot_general3A_78 {dimension_numbers = #tpu.dot_dimension_numbers<[1], [0], [0], [1], [0, 0, 1, 1], [], []>, transpose_lhs_hint = false} : vector<2048x128xf32>, vector<128x1xf32>, vector<2048x1xf32> -> vector<2048x1xf32>
    %get3A_80 = arith.constant 0 : index
    %get3A_81 = arith.constant 0 : index
    %get3A_82 = vector.load %arg3[%get3A_80, %get3A_81] : memref<13x1xf32, #tpu.memory_space<vmem>>, vector<13x1xf32>
    %dot_general3A_83 = arith.constant dense<0.000000e+00> : vector<2048x1xf32>
    %dot_general3A_84 = tpu.matmul %get3A_1, %get3A_82, %dot_general3A_83 {dimension_numbers = #tpu.dot_dimension_numbers<[1], [0], [0], [1], [0, 0, 1, 1], [], []>, transpose_lhs_hint = false} : vector<2048x13xf32>, vector<13x1xf32>, vector<2048x1xf32> -> vector<2048x1xf32>
    %get3A_85 = arith.constant 0 : index
    %get3A_86 = arith.constant 0 : index
    %get3A_87 = vector.load %arg4[%get3A_85, %get3A_86] : memref<1x1xf32, #tpu.memory_space<vmem>>, vector<1x1xf32>
    %add3A_88 = vector.broadcast %get3A_87 : vector<1x1xf32> to vector<2048x1xf32>
    %add3A_89 = arith.addf %dot_general3A_84, %add3A_88 : vector<2048x1xf32>
    %add3A_90 = arith.addf %add3A_89, %dot_general3A_79 : vector<2048x1xf32>
    %convert_element_type3A = arith.truncf %get3A_1 : vector<2048x13xf32> to vector<2048x13xbf16>
    %get3A_91 = arith.constant 0 : index
    %get3A_92 = arith.constant 0 : index
    %get3A_93 = vector.load %arg7[%get3A_91, %get3A_92] : memref<13x512xbf16, #tpu.memory_space<vmem>>, vector<13x512xbf16>
    %dot_general3A_94 = arith.constant dense<0.000000e+00> : vector<2048x512xf32>
    %dot_general3A_95 = tpu.matmul %convert_element_type3A, %get3A_93, %dot_general3A_94 {dimension_numbers = #tpu.dot_dimension_numbers<[1], [0], [0], [1], [0, 0, 1, 1], [], []>, transpose_lhs_hint = false} : vector<2048x13xbf16>, vector<13x512xbf16>, vector<2048x512xf32> -> vector<2048x512xf32>
    %get3A_96 = arith.constant 0 : index
    %get3A_97 = arith.constant 0 : index
    %get3A_98 = vector.load %arg9[%get3A_96, %get3A_97] : memref<1x512xf32, #tpu.memory_space<vmem>>, vector<1x512xf32>
    %add3A_99 = vector.broadcast %get3A_98 : vector<1x512xf32> to vector<2048x512xf32>
    %add3A_100 = arith.addf %dot_general3A_95, %add3A_99 : vector<2048x512xf32>
    %slice3A_101 = vector.extract_strided_slice %get3A_5 {offsets = [0, 0, 0], sizes = [1, 2048, 128], strides = [1, 1, 1]} : vector<4x2048x128xf32> to vector<1x2048x128xf32>
    %squeeze3A_102 = vector.shape_cast %slice3A_101 : vector<1x2048x128xf32> to vector<2048x128xf32>
    %convert_element_type3A_103 = arith.truncf %squeeze3A_102 : vector<2048x128xf32> to vector<2048x128xbf16>
    %get3A_104 = arith.constant 0 : index
    %get3A_105 = arith.constant 0 : index
    %get3A_106 = arith.constant 0 : index
    %get3A_107 = vector.load %arg8[%get3A_104, %get3A_105, %get3A_106] : memref<4x128x512xbf16, #tpu.memory_space<vmem>>, vector<4x128x512xbf16>
    %slice3A_108 = vector.extract_strided_slice %get3A_107 {offsets = [0, 0, 0], sizes = [1, 128, 512], strides = [1, 1, 1]} : vector<4x128x512xbf16> to vector<1x128x512xbf16>
    %squeeze3A_109 = vector.shape_cast %slice3A_108 : vector<1x128x512xbf16> to vector<128x512xbf16>
    %dot_general3A_110 = arith.constant dense<0.000000e+00> : vector<2048x512xf32>
    %dot_general3A_111 = tpu.matmul %convert_element_type3A_103, %squeeze3A_109, %dot_general3A_110 {dimension_numbers = #tpu.dot_dimension_numbers<[1], [0], [0], [1], [0, 0, 1, 1], [], []>, transpose_lhs_hint = false} : vector<2048x128xbf16>, vector<128x512xbf16>, vector<2048x512xf32> -> vector<2048x512xf32>
    %add3A_112 = arith.addf %add3A_100, %dot_general3A_111 : vector<2048x512xf32>
    %slice3A_113 = vector.extract_strided_slice %get3A_5 {offsets = [1, 0, 0], sizes = [1, 2048, 128], strides = [1, 1, 1]} : vector<4x2048x128xf32> to vector<1x2048x128xf32>
    %squeeze3A_114 = vector.shape_cast %slice3A_113 : vector<1x2048x128xf32> to vector<2048x128xf32>
    %convert_element_type3A_115 = arith.truncf %squeeze3A_114 : vector<2048x128xf32> to vector<2048x128xbf16>
    %get3A_116 = arith.constant 0 : index
    %get3A_117 = arith.constant 0 : index
    %get3A_118 = arith.constant 0 : index
    %get3A_119 = vector.load %arg8[%get3A_116, %get3A_117, %get3A_118] : memref<4x128x512xbf16, #tpu.memory_space<vmem>>, vector<4x128x512xbf16>
    %slice3A_120 = vector.extract_strided_slice %get3A_119 {offsets = [1, 0, 0], sizes = [1, 128, 512], strides = [1, 1, 1]} : vector<4x128x512xbf16> to vector<1x128x512xbf16>
    %squeeze3A_121 = vector.shape_cast %slice3A_120 : vector<1x128x512xbf16> to vector<128x512xbf16>
    %dot_general3A_122 = arith.constant dense<0.000000e+00> : vector<2048x512xf32>
    %dot_general3A_123 = tpu.matmul %convert_element_type3A_115, %squeeze3A_121, %dot_general3A_122 {dimension_numbers = #tpu.dot_dimension_numbers<[1], [0], [0], [1], [0, 0, 1, 1], [], []>, transpose_lhs_hint = false} : vector<2048x128xbf16>, vector<128x512xbf16>, vector<2048x512xf32> -> vector<2048x512xf32>
    %add3A_124 = arith.addf %add3A_112, %dot_general3A_123 : vector<2048x512xf32>
    %slice3A_125 = vector.extract_strided_slice %get3A_5 {offsets = [2, 0, 0], sizes = [1, 2048, 128], strides = [1, 1, 1]} : vector<4x2048x128xf32> to vector<1x2048x128xf32>
    %squeeze3A_126 = vector.shape_cast %slice3A_125 : vector<1x2048x128xf32> to vector<2048x128xf32>
    %convert_element_type3A_127 = arith.truncf %squeeze3A_126 : vector<2048x128xf32> to vector<2048x128xbf16>
    %get3A_128 = arith.constant 0 : index
    %get3A_129 = arith.constant 0 : index
    %get3A_130 = arith.constant 0 : index
    %get3A_131 = vector.load %arg8[%get3A_128, %get3A_129, %get3A_130] : memref<4x128x512xbf16, #tpu.memory_space<vmem>>, vector<4x128x512xbf16>
    %slice3A_132 = vector.extract_strided_slice %get3A_131 {offsets = [2, 0, 0], sizes = [1, 128, 512], strides = [1, 1, 1]} : vector<4x128x512xbf16> to vector<1x128x512xbf16>
    %squeeze3A_133 = vector.shape_cast %slice3A_132 : vector<1x128x512xbf16> to vector<128x512xbf16>
    %dot_general3A_134 = arith.constant dense<0.000000e+00> : vector<2048x512xf32>
    %dot_general3A_135 = tpu.matmul %convert_element_type3A_127, %squeeze3A_133, %dot_general3A_134 {dimension_numbers = #tpu.dot_dimension_numbers<[1], [0], [0], [1], [0, 0, 1, 1], [], []>, transpose_lhs_hint = false} : vector<2048x128xbf16>, vector<128x512xbf16>, vector<2048x512xf32> -> vector<2048x512xf32>
    %add3A_136 = arith.addf %add3A_124, %dot_general3A_135 : vector<2048x512xf32>
    %slice3A_137 = vector.extract_strided_slice %get3A_5 {offsets = [3, 0, 0], sizes = [1, 2048, 128], strides = [1, 1, 1]} : vector<4x2048x128xf32> to vector<1x2048x128xf32>
    %squeeze3A_138 = vector.shape_cast %slice3A_137 : vector<1x2048x128xf32> to vector<2048x128xf32>
    %convert_element_type3A_139 = arith.truncf %squeeze3A_138 : vector<2048x128xf32> to vector<2048x128xbf16>
    %get3A_140 = arith.constant 0 : index
    %get3A_141 = arith.constant 0 : index
    %get3A_142 = arith.constant 0 : index
    %get3A_143 = vector.load %arg8[%get3A_140, %get3A_141, %get3A_142] : memref<4x128x512xbf16, #tpu.memory_space<vmem>>, vector<4x128x512xbf16>
    %slice3A_144 = vector.extract_strided_slice %get3A_143 {offsets = [3, 0, 0], sizes = [1, 128, 512], strides = [1, 1, 1]} : vector<4x128x512xbf16> to vector<1x128x512xbf16>
    %squeeze3A_145 = vector.shape_cast %slice3A_144 : vector<1x128x512xbf16> to vector<128x512xbf16>
    %dot_general3A_146 = arith.constant dense<0.000000e+00> : vector<2048x512xf32>
    %dot_general3A_147 = tpu.matmul %convert_element_type3A_139, %squeeze3A_145, %dot_general3A_146 {dimension_numbers = #tpu.dot_dimension_numbers<[1], [0], [0], [1], [0, 0, 1, 1], [], []>, transpose_lhs_hint = false} : vector<2048x128xbf16>, vector<128x512xbf16>, vector<2048x512xf32> -> vector<2048x512xf32>
    %add3A_148 = arith.addf %add3A_136, %dot_general3A_147 : vector<2048x512xf32>
    %max3A = arith.constant 0.000000e+00 : f32
    %max3A_149 = vector.broadcast %max3A : f32 to vector<2048x512xf32>
    %max3A_150 = arith.maximumf %add3A_148, %max3A_149 : vector<2048x512xf32>
    %convert_element_type3A_151 = arith.truncf %max3A_150 : vector<2048x512xf32> to vector<2048x512xbf16>
    %get3A_152 = arith.constant 0 : index
    %get3A_153 = arith.constant 0 : index
    %get3A_154 = vector.load %arg10[%get3A_152, %get3A_153] : memref<512x256xbf16, #tpu.memory_space<vmem>>, vector<512x256xbf16>
    %dot_general3A_155 = arith.constant dense<0.000000e+00> : vector<2048x256xf32>
    %dot_general3A_156 = tpu.matmul %convert_element_type3A_151, %get3A_154, %dot_general3A_155 {dimension_numbers = #tpu.dot_dimension_numbers<[1], [0], [0], [1], [0, 0, 1, 1], [], []>, transpose_lhs_hint = false} : vector<2048x512xbf16>, vector<512x256xbf16>, vector<2048x256xf32> -> vector<2048x256xf32>
    %get3A_157 = arith.constant 0 : index
    %get3A_158 = arith.constant 0 : index
    %get3A_159 = vector.load %arg11[%get3A_157, %get3A_158] : memref<1x256xf32, #tpu.memory_space<vmem>>, vector<1x256xf32>
    %add3A_160 = vector.broadcast %get3A_159 : vector<1x256xf32> to vector<2048x256xf32>
    %add3A_161 = arith.addf %dot_general3A_156, %add3A_160 : vector<2048x256xf32>
    %max3A_162 = arith.constant 0.000000e+00 : f32
    %max3A_163 = vector.broadcast %max3A_162 : f32 to vector<2048x256xf32>
    %max3A_164 = arith.maximumf %add3A_161, %max3A_163 : vector<2048x256xf32>
    %convert_element_type3A_165 = arith.truncf %max3A_164 : vector<2048x256xf32> to vector<2048x256xbf16>
    %get3A_166 = arith.constant 0 : index
    %get3A_167 = arith.constant 0 : index
    %get3A_168 = vector.load %arg12[%get3A_166, %get3A_167] : memref<256x128xbf16, #tpu.memory_space<vmem>>, vector<256x128xbf16>
    %dot_general3A_169 = arith.constant dense<0.000000e+00> : vector<2048x128xf32>
    %dot_general3A_170 = tpu.matmul %convert_element_type3A_165, %get3A_168, %dot_general3A_169 {dimension_numbers = #tpu.dot_dimension_numbers<[1], [0], [0], [1], [0, 0, 1, 1], [], []>, transpose_lhs_hint = false} : vector<2048x256xbf16>, vector<256x128xbf16>, vector<2048x128xf32> -> vector<2048x128xf32>
    %get3A_171 = arith.constant 0 : index
    %get3A_172 = arith.constant 0 : index
    %get3A_173 = vector.load %arg13[%get3A_171, %get3A_172] : memref<1x128xf32, #tpu.memory_space<vmem>>, vector<1x128xf32>
    %add3A_174 = vector.broadcast %get3A_173 : vector<1x128xf32> to vector<2048x128xf32>
    %add3A_175 = arith.addf %dot_general3A_170, %add3A_174 : vector<2048x128xf32>
    %max3A_176 = arith.constant 0.000000e+00 : f32
    %max3A_177 = vector.broadcast %max3A_176 : f32 to vector<2048x128xf32>
    %max3A_178 = arith.maximumf %add3A_175, %max3A_177 : vector<2048x128xf32>
    %convert_element_type3A_179 = arith.truncf %max3A_178 : vector<2048x128xf32> to vector<2048x128xbf16>
    %get3A_180 = arith.constant 0 : index
    %get3A_181 = arith.constant 0 : index
    %get3A_182 = vector.load %arg14[%get3A_180, %get3A_181] : memref<128x1xbf16, #tpu.memory_space<vmem>>, vector<128x1xbf16>
    %dot_general3A_183 = arith.constant dense<0.000000e+00> : vector<2048x1xf32>
    %dot_general3A_184 = tpu.matmul %convert_element_type3A_179, %get3A_182, %dot_general3A_183 {dimension_numbers = #tpu.dot_dimension_numbers<[1], [0], [0], [1], [0, 0, 1, 1], [], []>, transpose_lhs_hint = false} : vector<2048x128xbf16>, vector<128x1xbf16>, vector<2048x1xf32> -> vector<2048x1xf32>
    %get3A_185 = arith.constant 0 : index
    %get3A_186 = arith.constant 0 : index
    %get3A_187 = vector.load %arg15[%get3A_185, %get3A_186] : memref<1x1xf32, #tpu.memory_space<vmem>>, vector<1x1xf32>
    %add3A_188 = vector.broadcast %get3A_187 : vector<1x1xf32> to vector<2048x1xf32>
    %add3A_189 = arith.addf %dot_general3A_184, %add3A_188 : vector<2048x1xf32>
    %add3A_190 = arith.addf %add3A_90, %mul3A_72 : vector<2048x1xf32>
    %add3A_191 = arith.addf %add3A_190, %add3A_189 : vector<2048x1xf32>
    %squeeze3A_192 = vector.shape_cast %add3A_191 : vector<2048x1xf32> to vector<2048xf32>
    %swap3A = arith.constant 0 : index
    %swap3A_193 = vector.load %arg18[%swap3A] : memref<2048xf32, #tpu.memory_space<vmem>>, vector<2048xf32>
    tpu.vector_store %arg18[%swap3A], %squeeze3A_192 {strides = array<i32>} : memref<2048xf32, #tpu.memory_space<vmem>>, vector<2048xf32>,
    return
  }
  func.func @transform_0(%arg0: i32) -> (i32, i32) {
    %c0_i32 = arith.constant 0 : i32
    %c0_i32_0 = arith.constant 0 : i32
    return %arg0, %c0_i32 : i32, i32
  }
  func.func @transform_1(%arg0: i32) -> (i32, i32, i32) {
    %c0_i32 = arith.constant 0 : i32
    %c0_i32_0 = arith.constant 0 : i32
    %c0_i32_1 = arith.constant 0 : i32
    return %c0_i32, %arg0, %c0_i32_0 : i32, i32, i32
  }
  func.func @transform_2(%arg0: i32) -> (i32, i32) {
    %c0_i32 = arith.constant 0 : i32
    %c0_i32_0 = arith.constant 0 : i32
    %c0_i32_1 = arith.constant 0 : i32
    return %c0_i32, %c0_i32_0 : i32, i32
  }
  func.func @transform_3(%arg0: i32) -> (i32, i32) {
    %c0_i32 = arith.constant 0 : i32
    %c0_i32_0 = arith.constant 0 : i32
    %c0_i32_1 = arith.constant 0 : i32
    return %c0_i32, %c0_i32_0 : i32, i32
  }
  func.func @transform_4(%arg0: i32) -> (i32, i32) {
    %c0_i32 = arith.constant 0 : i32
    %c0_i32_0 = arith.constant 0 : i32
    %c0_i32_1 = arith.constant 0 : i32
    return %c0_i32, %c0_i32_0 : i32, i32
  }
  func.func @transform_5(%arg0: i32) -> (i32, i32) {
    %c0_i32 = arith.constant 0 : i32
    %c0_i32_0 = arith.constant 0 : i32
    %c0_i32_1 = arith.constant 0 : i32
    return %c0_i32, %c0_i32_0 : i32, i32
  }
  func.func @transform_6(%arg0: i32) -> (i32, i32) {
    %c0_i32 = arith.constant 0 : i32
    %c0_i32_0 = arith.constant 0 : i32
    %c0_i32_1 = arith.constant 0 : i32
    return %c0_i32, %c0_i32_0 : i32, i32
  }
  func.func @transform_7(%arg0: i32) -> (i32, i32, i32) {
    %c0_i32 = arith.constant 0 : i32
    %c0_i32_0 = arith.constant 0 : i32
    %c0_i32_1 = arith.constant 0 : i32
    %c0_i32_2 = arith.constant 0 : i32
    return %c0_i32, %c0_i32_0, %c0_i32_1 : i32, i32, i32
  }
  func.func @transform_8(%arg0: i32) -> (i32, i32) {
    %c0_i32 = arith.constant 0 : i32
    %c0_i32_0 = arith.constant 0 : i32
    %c0_i32_1 = arith.constant 0 : i32
    return %c0_i32, %c0_i32_0 : i32, i32
  }
  func.func @transform_9(%arg0: i32) -> (i32, i32) {
    %c0_i32 = arith.constant 0 : i32
    %c0_i32_0 = arith.constant 0 : i32
    %c0_i32_1 = arith.constant 0 : i32
    return %c0_i32, %c0_i32_0 : i32, i32
  }
  func.func @transform_10(%arg0: i32) -> (i32, i32) {
    %c0_i32 = arith.constant 0 : i32
    %c0_i32_0 = arith.constant 0 : i32
    %c0_i32_1 = arith.constant 0 : i32
    return %c0_i32, %c0_i32_0 : i32, i32
  }
  func.func @transform_11(%arg0: i32) -> (i32, i32) {
    %c0_i32 = arith.constant 0 : i32
    %c0_i32_0 = arith.constant 0 : i32
    %c0_i32_1 = arith.constant 0 : i32
    return %c0_i32, %c0_i32_0 : i32, i32
  }
  func.func @transform_12(%arg0: i32) -> (i32, i32) {
    %c0_i32 = arith.constant 0 : i32
    %c0_i32_0 = arith.constant 0 : i32
    %c0_i32_1 = arith.constant 0 : i32
    return %c0_i32, %c0_i32_0 : i32, i32
  }
  func.func @transform_13(%arg0: i32) -> (i32, i32) {
    %c0_i32 = arith.constant 0 : i32
    %c0_i32_0 = arith.constant 0 : i32
    %c0_i32_1 = arith.constant 0 : i32
    return %c0_i32, %c0_i32_0 : i32, i32
  }
  func.func @transform_14(%arg0: i32) -> (i32, i32) {
    %c0_i32 = arith.constant 0 : i32
    %c0_i32_0 = arith.constant 0 : i32
    %c0_i32_1 = arith.constant 0 : i32
    return %c0_i32, %c0_i32_0 : i32, i32
  }
  func.func @transform_15(%arg0: i32) -> (i32, i32, i32) {
    %c0_i32 = arith.constant 0 : i32
    %c0_i32_0 = arith.constant 0 : i32
    %c0_i32_1 = arith.constant 0 : i32
    %c0_i32_2 = arith.constant 0 : i32
    return %c0_i32, %c0_i32_0, %c0_i32_1 : i32, i32, i32
  }
  func.func @transform_16(%arg0: i32) -> (i32, i32) {
    %c0_i32 = arith.constant 0 : i32
    %c0_i32_0 = arith.constant 0 : i32
    %c0_i32_1 = arith.constant 0 : i32
    return %c0_i32, %c0_i32_0 : i32, i32
  }
  func.func @transform_17(%arg0: i32) -> i32 {
    %c0_i32 = arith.constant 0 : i32
    return %arg0 : i32
  }
}

</mosaic_0001>

<sc_bundles>
// kernel: kernel.4.cloned.1.call-start
scs
__scs_entry_jumppad:
0x0: {  	(pc) =	sbr.rel $0x88, $3  }
0x1: {  	(tag) =	ssettag $0x0;
	lr =	simm.s32 $0x1  }
0x2: {  	[smem:$0x3F91] =	sst lr;
	_ =	strace $0xD0000000  }
0x3: {  	_ = 	snop  }
0x4: {  	_ = 	snop  }
0x5: {  	_ = 	snop  }
0x6: {  	_ = 	snop  }
0x7: {  	_ = 	snop  }
__scs_overlays_trampoline_lowered:
0x8: {  	[smem:$0x3FA0] =	sst s0  }
0x9: {  	[smem:$0x3FA1] =	sst s1  }
0xa: {  	[smem:$0x3FA2] =	sst s2  }
0xb: {  	[smem:$0x3FA3] =	sst s3  }
0xc: {  	[smem:$0x3FA4] =	sst s4  }
0xd: {  	[smem:$0x3FA5] =	sst s5  }
0xe: {  	[smem:$0x3FA6] =	sst s6  }
0xf: {  	[smem:$0x3FA7] =	sst s7  }
0x10: {  	[smem:$0x3FA8] =	sst s8  }
0x11: {  	[smem:$0x3FA9] =	sst s9;
	s0 =	simm.s32 @!p0 $0x0  }
0x12: {  	s1 =	sld [smem:$0x3F8F];
	s0 =	simm.s32 @p0 $0x1  }
0x13: {  	[smem:$0x3FAA] =	sst s0;
	s0 =	simm.s32 @!p1 $0x0  }
0x14: {  	s2 =	sld [smem:$0x3F8E];
	s0 =	simm.s32 @p1 $0x1  }
0x15: {  	[smem:$0x3FAB] =	sst s0;
	s0 =	simm.s32 @!p2 $0x0  }
0x16: {  	s3 =	sld [smem:$0x3FDB];
	s0 =	simm.s32 @p2 $0x1  }
0x17: {  	s4 =	simm.s32 $0x1BF5;
	[smem:$0x3FAD] =	sst s0  }
0x18: {  	s0 =	sld [smem:$0x3F90];
	_ =	swait.ge [sflag:s4], $0x0  }
0x19: {  	s7 =	sld [smem:$0x3F91]  }
0x1a: {  	s8 =	sadd.s32 $0xFFFFE003, lr  }
0x1b: {  	s9 =	sadd.s32 $0xFFFFFEF7, lr;
	s5 =	simm.s32 $0xFFFFFFFF;
	p2 =	slt.u32 s8, $0xFFFFF086  }
0x1c: {  	p1 =	slt.u32 s9, $0xF7A;
	s5 =	simm.s32 @!p2 $0x0  }
0x1d: {  	s5 =	simm.s32 @p1 $0x1;
	p0 =	seq.s32 s7, s2  }
0x1e: {  	s7 =	smul.u32 @!p0 $0xF7A, s2;
	p2 =	seq.s32 @!p0 s5, $0x0  }
0x1f: {  	s9 =	smul.u32 $0xF7A, s1;
	s8 =	simm.s32 @!p0 $0x1BF5;
	p2 =	por !p2, p0  }
0x20: {  	[sflag:s8] =	ssyncset.s32 @!p0 $0xFFFFF086;
	s6 =	sadd.s32 @!p0 s3, s7;
	s7 =	simm.s32 @!p0 $0x108  }
0x21: {  	s3 =	sadd.s32 s3, s9;
	s6 =	sadd.s32 @!p0 $0x88, s6;
	s7 =	simm.s32 @p2 $0x1082  }
0x22: {  	[simem:s7], [sflag:s8] =	dma.local @!p0 [hbm:s6], $0xF7A  }
0x23: {  	s9 =	sor.u32 $0xD0000000, s2;
	s6 =	simm.s32 $0x108;
	_ =	swait.ge @!p0 [sflag:s8], $0x0  }
0x24: {  	s3 =	sadd.s32 $0x88, s3;
	s6 =	simm.s32 @!p1 $0x1082;
	[sflag:s4] =	ssyncset.s32 $0xFFFFF086  }
0x25: {  	[simem:s6], [sflag:s4] =	dma.local [hbm:s3], $0xF7A  }
0x26: {  	[smem:$0x3F91] =	sst s1;
	(tag) =	ssettag s2;
	_ =	strace s9  }
0x27: {  	s1 =	sld [smem:$0x3FA1]  }
0x28: {  	s2 =	sld [smem:$0x3FA2]  }
0x29: {  	s4 =	sld [smem:$0x3FA4]  }
0x2a: {  	p0 =	seq.s32 s5, $0x0;
	s5 =	sld [smem:$0x3FA5]  }
0x2b: {  	s6 =	sld [smem:$0x3FA6]  }
0x2c: {  	s7 =	sld [smem:$0x3FA7]  }
0x2d: {  	s3 =	simm.s32 $0x108;
	s8 =	sld [smem:$0x3FA8]  }
0x2e: {  	s3 =	simm.s32 @!p0 $0x1082;
	s9 =	sld [smem:$0x3FA9]  }
0x2f: {  	lr =	sadd.s32 s0, s3;
	s0 =	sld [smem:$0x3FA0]  }
0x30: {  	s3 =	sld [smem:$0x3FA3]  }
0x31: {  	[smem:$0x3FAC] =	sst s10  }
0x32: {  	s10 =	sld [smem:$0x3FAA];
	_ =	sdelay $0x3  }
0x33: {  	p0 =	seq.s32 s10, $0x1;
	s10 =	sld [smem:$0x3FAC];
	_ =	sdelay $0x3  }
0x34: {  	[smem:$0x3FAC] =	sst s10  }
0x35: {  	s10 =	sld [smem:$0x3FAB];
	_ =	sdelay $0x3  }
0x36: {  	p1 =	seq.s32 s10, $0x1;
	s10 =	sld [smem:$0x3FAC];
	_ =	sdelay $0x3  }
0x37: {  	[smem:$0x3FAC] =	sst s10  }
0x38: {  	s10 =	sld [smem:$0x3FAD]  }
0x39: {  	_ = 	snop;
	(pc) =	sbr.ind lr, $3  }
0x3a: {  	_ = 	snop  }
0x3b: {  	_ = 	snop  }
0x3c: {  	p2 =	seq.s32 s10, $0x1;
	s10 =	sld [smem:$0x3FAC]  }
0x3d: {  	_ =	shalt  }
0x3e: {  	_ =	shalt  }
0x3f: {  	_ =	shalt  }
0x40: {  	_ =	shalt  }
0x41: {  	_ =	shalt  }
0x42: {  	_ =	shalt  }
0x43: {  	_ =	shalt  }
0x44: {  	_ =	shalt  }
0x45: {  	_ =	shalt  }
0x46: {  	_ =	shalt  }
0x47: {  	_ =	shalt  }
0x48: {  	_ =	shalt  }
0x49: {  	_ =	shalt  }
0x4a: {  	_ =	shalt  }
0x4b: {  	_ =	shalt  }
0x4c: {  	_ =	shalt  }
0x4d: {  	_ =	shalt  }
0x4e: {  	_ =	shalt  }
0x4f: {  	_ =	shalt  }
0x50: {  	_ =	shalt  }
0x51: {  	_ =	shalt  }
0x52: {  	_ =	shalt  }
0x53: {  	_ =	shalt  }
0x54: {  	_ =	shalt  }
0x55: {  	_ =	shalt  }
0x56: {  	_ =	shalt  }
0x57: {  	_ =	shalt  }
0x58: {  	_ =	shalt  }
0x59: {  	_ =	shalt  }
0x5a: {  	_ =	shalt  }
0x5b: {  	_ =	shalt  }
0x5c: {  	_ =	shalt  }
0x5d: {  	_ =	shalt  }
0x5e: {  	_ =	shalt  }
0x5f: {  	_ =	shalt  }
0x60: {  	_ =	shalt  }
0x61: {  	_ =	shalt  }
0x62: {  	_ =	shalt  }
0x63: {  	_ =	shalt  }
0x64: {  	_ =	shalt  }
0x65: {  	_ =	shalt  }
0x66: {  	_ =	shalt  }
0x67: {  	_ =	shalt  }
0x68: {  	_ =	shalt  }
0x69: {  	_ =	shalt  }
0x6a: {  	_ =	shalt  }
0x6b: {  	_ =	shalt  }
0x6c: {  	_ =	shalt  }
0x6d: {  	_ =	shalt  }
0x6e: {  	_ =	shalt  }
0x6f: {  	_ =	shalt  }
0x70: {  	_ =	shalt  }
0x71: {  	_ =	shalt  }
0x72: {  	_ =	shalt  }
0x73: {  	_ =	shalt  }
0x74: {  	_ =	shalt  }
0x75: {  	_ =	shalt  }
0x76: {  	_ =	shalt  }
0x77: {  	_ =	shalt  }
0x78: {  	_ =	shalt  }
0x79: {  	_ =	shalt  }
0x7a: {  	_ =	shalt  }
0x7b: {  	_ =	shalt  }
0x7c: {  	_ =	shalt  }
0x7d: {  	_ =	shalt  }
0x7e: {  	_ =	shalt  }
0x7f: {  	_ =	shalt  }
0x80: {  	_ =	shalt  }
0x81: {  	_ =	shalt  }
0x82: {  	_ =	shalt  }
0x83: {  	_ =	shalt  }
0x84: {  	_ =	shalt  }
0x85: {  	_ =	shalt  }
0x86: {  	_ =	shalt  }
0x87: {  	_ =	shalt  }
.Lfunc_end0:
.L_simem_size_0:
called_computation_lowered:
.L_overlay_start_0:
0x88: {  	s2 =	sld [smem:$0x3FD9]  }
0x89: {  	s3 =	sld [smem:$0x3FFE];
	_ =	sdelay $0x1  }
0x8a: {  	s1 =	srdreg.scid  }
0x8b: {  	s0 =	sand.u32 $0x1, s1  }
0x8c: {  	s16 =	sshll.u32 s0, $0xA;
	s2 =	sadd.s32 s3, s2  }
0x8d: {  	s2 =	sadd.s32 s2, s16  }
0x8e: {  	[smem:$0x3FB8] =	sst s2  }
0x8f: {  	_ = 	snop  }
0x90: {  	(tm) =	ssettm $0x1  }
0x91: {  	s17 =	sld [smem:$0x3FFB];
	_ =	sdelay $0x3  }
0x92: {  	_ =	strace s17  }
0x93: {  	s2 =	sld [smem:$0x3FFC];
	_ =	sdelay $0x3  }
0x94: {  	_ =	strace s2  }
0x95: {  	s2 =	sld [smem:$0x3FFD];
	_ =	sdelay $0x3  }
0x96: {  	_ =	strace s2  }
0x97: {  	_ =	strace $0x8FFFFFFF  }
0x98: {  	s18 =	sld [smem:$0x3FDB];
	_ =	sdelay $0x1  }
0x99: {  	s19 =	simm.s32 $_scs_section_size  }
0x9a: {  	s4 =	simm.s32 $_size__tile_overlayer_lowered;
	s5 =	simm.s32 $_tile_overlayer_lowered  }
0x9b: {  	s22 =	simm.s32 $0x1BFF;
	s21 =	sshll.u32 s5, $0x1;
	s2 =	sadd.s32 s19, s18  }
0x9c: {  	s6 =	simm.s32 $0x0;
	s20 =	sshll.u32 s4, $0x1;
	s4 =	sadd.s32 s21, s2  }
0x9d: {  	[timem:s6], [sflag:s22] =	dma.local [hbm:s4], s20  }
0x9e: {  	_ =	swait.ge [sflag:s22], s20  }
0x9f: {  	s3 =	ssub.s32 $0x0, s20;
	[sflag:s22] =	ssyncset.done $0x0  }
0xa0: {  	[sflag:s22] =	ssyncadd.s32 s3;
	_ =	sdelay $0x1  }
0xa1: {  	s23 =	simm.s32 $0x1B8B  }
0xa2: {  	_ =	swait.ge [sflag:s23], $0x1  }
0xa3: {  	[sflag:s23] =	ssyncset.done $0x0  }
0xa4: {  	s25 =	simm.s32 $0x1B8E;
	s24 =	sld [smem:$0x3FFE];
	[sflag:s23] =	ssyncadd.s32 $0xFFFFFFFF  }
0xa5: {  	s26 =	simm.s32 $execute0_lowered;
	[smem:$0x3FD2] =	sst s25  }
0xa6: {  	s4 =	sshll.u32 s26, $0x1;
	_ =	strace $0x80000046;
	[dreg:$0x1] =	wrdreg $0xFFFFFFFF  }
0xa7: {  	s28 =	simm.s32 $_size_execute0_lowered;
	s2 =	sadd.s32 s2, s4;
	[dreg:$0x0] =	wrdreg $0x0  }
0xa8: {  	s4 =	sshll.u32 s28, $0x1;
	[dreg:$0x2] =	wrdreg s2  }
0xa9: {  	[dreg:$0x3] =	wrdreg s4  }
0xaa: {  	[dreg:$0x4] =	wrdreg $0xC0  }
0xab: {  	_ =	task [dreg:s6], $0x5FFFF  }
0xac: {  	[dreg:$0x1] =	wrdreg $0xFFFFFFFF  }
0xad: {  	[dreg:$0x0] =	wrdreg $0x60  }
0xae: {  	[dreg:$0x2] =	wrdreg s24  }
0xaf: {  	[dreg:$0x3] =	wrdreg $0x9  }
0xb0: {  	_ =	task.clear_ibuf [dreg:s6], $0x4FFFF;
	_ =	strace $0x90000046  }
0xb1: {  	s29 =	simm.s32 $0x9;
	_ =	strace $0x8000004F  }
0xb2: {  	_ =	swait.ge [sflag:s29], $0x1  }
0xb3: {  	[sflag:s29] =	ssyncadd.s32 $0xFFFFFFFF  }
0xb4: {  	_ =	strace $0x9000004F  }
0xb5: {  	_ =	sfence  }
0xb6: {  	s30 =	sld [smem:$0x0];
	_ =	sdelay $0x2  }
0xb7: {  	s31 =	sshll.u32 s1, $0xD;
	s1 =	sshrl.u32 s1, $0x2  }
0xb8: {  	s3 =	sand.u32 $0x4000, s31;
	s1 =	sadd.s32 s1, s30  }
0xb9: {  	s0 =	sor.u32 s3, s0;
	s1 =	sshll.u32 s1, $0x11  }
0xba: {  	s0 =	sor.u32 s1, s0  }
0xbb: {  	s0 =	sadd.s32 $0x8F2B, s0  }
0xbc: {  	[sflag:s0] =	ssyncadd.remote.s32 $0x1  }
0xbd: {  	_ =	sfence.sel $0xFFFF  }
0xbe: {  	[dreg:$0x0] =	wrdreg $0xFFFFFFFF;
	(pc) =	sbr.abs _section_cstart, $3  }
0xbf: {  	[dreg:$0x1] =	wrdreg $0xFFFFFFFF  }
0xc0: {  	_ =	task.clear_ibuf [dreg:s6], $0x2FFFF;
	_ =	strace $0x9FFFFFFF  }
0xc1: {  	(tm) =	ssettm $0x7FFFFFFF  }
tec
execute0_lowered:
.L_overlay_start_1:
0x0: {  	(tag) =	ssettag $0x1  }
0x1: {  	s0 =	rddreg [dreg:$0x0];
	s1 =	simm.s32 $0x0  }
0x2: {  	[smem:$0x7FF] =	sst s1;
	s4 =	sadd.s32 $0x27AE000, s0  }
0x3: {  	s22 =	sadd.s32 $0x61200, s0;
	_ =	strace $0x80000047;
	[dreg:$0x2] =	wrdreg s4  }
0x4: {  	s24 =	sadd.s32 $0x27DED40, s0;
	[dreg:$0x3] =	wrdreg s22  }
0x5: {  	s25 =	sadd.s32 $0x280FA80, s0;
	[dreg:$0x4] =	wrdreg s24  }
0x6: {  	s26 =	sadd.s32 $0x28407C0, s0;
	[dreg:$0x5] =	wrdreg s25  }
0x7: {  	v0 =	vlaneseq.u32;
	s7 =	sadd.s32 $0x2871500, s0;
	[dreg:$0x6] =	wrdreg s26  }
0x8: {  	v43 =	vimm.s32 $0x76543210;
	s8 =	sadd.s32 $0x28A2240, s0;
	v1 =	vmul.u32 $0x20, v0;
	[dreg:$0x7] =	wrdreg s7  }
0x9: {  	vm0 =	vcmask $0x1F00;
	vm15 =	vcmask $0x2320;
	v55 =	vimm.f32 $0.0e+00;
	s9 =	sadd.s32 $0x28D2F80, s0;
	[dreg:$0x8] =	wrdreg s8  }
0xa: {  	s10 =	sadd.s32 $0x2903CC0, s0;
	v48 =	vunpack.c.l.s4.s8 v43;
	[dreg:$0x9] =	wrdreg s9;
	v2 =	vor.u32 $0x200, v1;
	v4 =	vor.u32 $0x201, v1  }
0xb: {  	s11 =	sadd.s32 $0x2934A00, s0;
	s12 =	sadd.s32 $0x2965740, s0;
	[dreg:$0xa] =	wrdreg s10;
	v5 =	vor.u32 $0x2, v1;
	v6 =	vor.u32 $0x202, v1;
	v7 =	vor.u32 $0x3, v1  }
0xc: {  	s13 =	sadd.s32 $0x2996480, s0;
	s14 =	sadd.s32 $0x29C71C0, s0;
	[dreg:$0xb] =	wrdreg s11;
	v8 =	vor.u32 $0x203, v1;
	v9 =	vor.u32 $0x4, v1;
	v10 =	vor.u32 $0x204, v1  }
0xd: {  	s15 =	sadd.s32 $0x29F7F00, s0;
	s16 =	sadd.s32 $0x2A28C40, s0;
	[dreg:$0xc] =	wrdreg s12;
	v11 =	vor.u32 $0x5, v1;
	v12 =	vor.u32 $0x205, v1;
	v13 =	vor.u32 $0x6, v1  }
0xe: {  	s17 =	sadd.s32 $0x2A59980, s0;
	s18 =	sadd.s32 $0x2A8A6C0, s0;
	[dreg:$0xd] =	wrdreg s13;
	v14 =	vor.u32 $0x206, v1;
	v15 =	vor.u32 $0x7, v1;
	v16 =	vor.u32 $0x207, v1  }
0xf: {  	s21 =	srdreg.scid;
	s19 =	sadd.s32 $0x2ABB400, s0;
	[dreg:$0xe] =	wrdreg s14;
	v17 =	vor.u32 $0x208, v1;
	v18 =	vor.u32 $0x9, v1;
	v19 =	vor.u32 $0x209, v1  }
0x10: {  	s3 =	stileid.u32;
	s20 =	sadd.s32 $0x2AEC140, s0;
	[dreg:$0xf] =	wrdreg s15;
	v20 =	vor.u32 $0xA, v1;
	v21 =	vor.u32 $0x20A, v1;
	v22 =	vor.u32 $0xB, v1  }
0x11: {  	s1 =	sand.u32 $0x1, s21;
	s28 =	sadd.s32 $0x2BAF640, s0;
	[dreg:$0x10] =	wrdreg s16;
	v23 =	vor.u32 $0x20B, v1;
	v24 =	vor.u32 $0xC, v1;
	v25 =	vor.u32 $0x20C, v1  }
0x12: {  	s6 =	sadd.s32 $0x1C00, s0;
	s30 =	sadd.s32 $0x2BE0380, s0;
	[dreg:$0x11] =	wrdreg s17;
	v26 =	vor.u32 $0xD, v1;
	v27 =	vor.u32 $0x20D, v1;
	v28 =	vor.u32 $0xE, v1  }
0x13: {  	s5 =	sadd.s32 $0x11C00, s0;
	s31 =	sadd.s32 $0x2C110C0, s0;
	[dreg:$0x12] =	wrdreg s18;
	v29 =	vor.u32 $0x20E, v1;
	v30 =	vor.u32 $0xF, v1;
	v31 =	vor.u32 $0x20F, v1  }
0x14: {  	s2 =	sshll.u32 s1, $0x4;
	[dreg:$0x13] =	wrdreg s19;
	s7 =	sadd.s32 $0x2B1CE80, s0;
	v32 =	vor.u32 $0x10, v1;
	v33 =	vor.u32 $0x210, v1;
	v34 =	vor.u32 $0x11, v1  }
0x15: {  	s1 =	ssub.s32 $0x2, s1;
	[dreg:$0x14] =	wrdreg s20;
	s25 =	sadd.s32 $0x2B4DBC0, s0;
	v35 =	vor.u32 $0x211, v1;
	v36 =	vor.u32 $0x12, v1;
	v37 =	vor.u32 $0x212, v1  }
0x16: {  	s26 =	sadd.s32 $0x2B7E900, s0;
	s24 =	smov.u32 s6;
	s8 =	simm.s32 $0x340;
	v38 =	vor.u32 $0x13, v1;
	v40 =	vor.u32 $0x213, v1;
	v41 =	vor.u32 $0x14, v1  }
0x17: {  	s10 =	simm.s32 $0x0;
	s2 =	sor.u32 s3, s2;
	s21 =	sshrl.u32 s1, $0x1;
	v42 =	vor.u32 $0x214, v1;
	v43 =	vor.u32 $0x15, v1;
	v44 =	vor.u32 $0x215, v1  }
0x18: {  	[dreg:$0x15] =	wrdreg s7;
	s3 =	simm.s32 $0x68;
	v45 =	vor.u32 $0x16, v1;
	v46 =	vor.u32 $0x216, v1;
	v52 =	vunpack.c.0.s8.s32 v48;
	s7 =	simm.s32 $0x2  }
0x19: {  	v47 =	vor.u32 $0x17, v1;
	v48 =	vor.u32 $0x217, v1;
	v49 =	vor.u32 $0x18, v1;
	s23 =	sshll.u32 s2, $0xB;
	s4 =	ssub.s32 s1, s21;
	s29 =	sshll.u32 s2, $0x4  }
0x1a: {  	v39 =	vor.u32 $0x8, v1;
	v50 =	vor.u32 $0x218, v1;
	s2 =	sadd.s32 $0x2C41E00, s0;
	s1 =	sadd.s32 $0x2C72B40, s0;
	s22 =	sadd.s32 s6, s23;
	v53 =	vand.u32 $0xF, v52  }
0x1b: {  	v51 =	vor.u32 $0x19, v1;
	s0 =	simm.s32 $0x20;
	[tilespmem:$0x1FFE0] =	vst v2;
	v2 =	vor.u32 $0x1, v1;
	s23 =	smax.u32 s4, $0x1;
	[dreg:$0x16] =	wrdreg s22;
	v54 =	vnsel vm0, $0x9, v53  }
0x1c: {  	[tilespmem:$0x1FFF0] =	vst v2;
	s4 =	simm.s32 $0x9C0;
	v52 =	vor.u32 $0x219, v1;
	s6 =	simm.s32 $0x1;
	[dreg:$0x17] =	wrdreg s23;
	v53 =	vimm.s32 $0x0;
	v54 =	vsel vm15, $0x8, v54  }
.LBB2_1:
0x1d: {  	[dreg:$0x18] =	wrdreg s10;
	s9 =	simm.s32 $0x0;
	s11 =	simm.s32 $0x71C0  }
0x1e: {  	s10 =	simm.s32 $0x0;
	s12 =	simm.s32 $0x0;
	_ =	strace $0x80000048  }
0x1f: {  	s13 =	simm.s32 $0x1;
	s14 =	simm.s32 $0x0;
	s23 =	rddreg [dreg:$0x16]  }
0x20: {  	[tilespmem:s11], [sflag:$0x3] =	stream.linear.gather [hbm4b:s23+s9], $0x400, $0x200038;
	[tilespmem:$0xF9C0] =	vst v63  }
0x21: {  	s9 =	simm.s32 $0x0;
	s11 =	simm.s32 $0x0;
	_ =	strace $0x90000048  }
.LBB2_2:
0x22: {  	s15 =	smov.u32 s9;
	s9 =	sadd.s32 $0x1, s9  }
0x23: {  	p0 =	seq.s32 s9, $0x10  }
0x24: {  	s9 =	simm.s32 @p0 $0x0  }
0x25: {  	p6 =	sne.s32 s14, $0xF;
	p1 =	sne.s32 s15, s9  }
0x26: {  	p0 =	por !p6, !p1  }
0x27: {  	p0 =	por !p0, !p0  }
0x28: {  	s17 =	sadd.s32 @p0 s29, s9  }
0x29: {  	s16 =	sand.u32 @p0 $0x1, s13;
	_ =	strace @p0 $0x80000049;
	s17 =	sshll.u32 @p0 s17, $0x7  }
0x2a: {  	s19 =	simm.s32 @p0 $0x0;
	s18 =	sshll.u32 @p0 s16, $0xA;
	s17 =	sand.u32 @p0 $0x1FFFFF80, s17  }
0x2b: {  	s16 =	sadd.s32 @p0 $0x3, s16;
	s18 =	sor.u32 @p0 $0x71C0, s18;
	s17 =	sadd.s32 @p0 s24, s17  }
0x2c: {  	[tilespmem:s18], [sflag:s16] =	stream.linear.gather @p0 [hbm4b:s17+s19], $0x400, $0x200038;
	[tilespmem:$0xF9C0] =	vst v63  }
0x2d: {  	s20 =	sand.u32 $0x1, s12;
	_ =	strace @p0 $0x90000049  }
0x2e: {  	s16 =	sadd.s32 $0x3, s20;
	_ =	strace $0x8000004A  }
0x2f: {  	_ =	swait.ge [sflag:s16], $0x400  }
0x30: {  	[sflag:s16] =	ssyncset.done $0x0  }
0x31: {  	[sflag:s16] =	ssyncadd.s32 $0xFFFFFC00  }
0x32: {  	_ =	strace $0x9000004A  }
0x33: {  	s21 =	sshll.u32 s12, $0xA;
	_ =	strace $0x8000004B  }
0x34: {  	s16 =	sand.u32 $0x400, s21;
	v2 =	vld [tilespmem:$0x1FFE0]  }
0x35: {  	s16 =	sor.u32 $0x71C0, s16  }
0x36: {  	v56 =	vld.idx.msk [tilespmem:v1+s16+$0x0], $0xffff;
	_ =	sdelay $0x4  }
0x37: {  	[tilespmem:$0x0] =	vst v56  }
0x38: {  	v56 =	vld.idx.msk [tilespmem:v2+s16+$0x0], $0xffff  }
0x39: {  	v2 =	vld [tilespmem:$0x1FFF0];
	_ =	sdelay $0x5  }
0x3a: {  	s23 =	simm.s32 $0x3DC0;
	s17 =	simm.s32 $0x0;
	s22 =	rddreg [dreg:$0x2];
	[tilespmem:$0x10] =	vst v56  }
0x3b: {  	[tilespmem:s23], [sflag:$0x1] =	stream.indirect.gather [hbm4b:s22+s0], $0x10, s17, s0, $0x2000b8;
	[tilespmem:$0xF9C0] =	vst v63  }
0x3c: {  	v56 =	vld.idx.msk [tilespmem:v2+s16+$0x0], $0xffff;
	_ =	sdelay $0x4  }
0x3d: {  	[tilespmem:$0x20] =	vst v56  }
0x3e: {  	v56 =	vld.idx.msk [tilespmem:v4+s16+$0x0], $0xffff;
	_ =	sdelay $0x4  }
0x3f: {  	s21 =	simm.s32 $0x3FC0;
	s20 =	rddreg [dreg:$0x4];
	[tilespmem:$0x30] =	vst v56  }
0x40: {  	[tilespmem:s21], [sflag:$0x1] =	stream.indirect.gather [hbm4b:s20+s0], $0x10, s0, s0, $0x2000b8;
	[tilespmem:$0xF9C0] =	vst v63  }
0x41: {  	v56 =	vld.idx.msk [tilespmem:v5+s16+$0x0], $0xffff;
	_ =	sdelay $0x4  }
0x42: {  	[tilespmem:$0x40] =	vst v56  }
0x43: {  	v56 =	vld.idx.msk [tilespmem:v6+s16+$0x0], $0xffff;
	_ =	sdelay $0x4  }
0x44: {  	s22 =	rddreg [dreg:$0x5];
	s23 =	simm.s32 $0x40;
	s20 =	simm.s32 $0x41C0;
	[tilespmem:$0x50] =	vst v56  }
0x45: {  	[tilespmem:s20], [sflag:$0x1] =	stream.indirect.gather [hbm4b:s22+s0], $0x10, s23, s0, $0x2000b8;
	[tilespmem:$0xF9C0] =	vst v63  }
0x46: {  	v56 =	vld.idx.msk [tilespmem:v7+s16+$0x0], $0xffff;
	_ =	sdelay $0x4  }
0x47: {  	[tilespmem:$0x60] =	vst v56  }
0x48: {  	v56 =	vld.idx.msk [tilespmem:v8+s16+$0x0], $0xffff;
	_ =	sdelay $0x4  }
0x49: {  	s21 =	rddreg [dreg:$0x6];
	s22 =	simm.s32 $0x60;
	s23 =	simm.s32 $0x43C0;
	[tilespmem:$0x70] =	vst v56  }
0x4a: {  	[tilespmem:s23], [sflag:$0x1] =	stream.indirect.gather [hbm4b:s21+s0], $0x10, s22, s0, $0x2000b8;
	[tilespmem:$0xF9C0] =	vst v63  }
0x4b: {  	v56 =	vld.idx.msk [tilespmem:v9+s16+$0x0], $0xffff;
	_ =	sdelay $0x4  }
0x4c: {  	[tilespmem:$0x80] =	vst v56  }
0x4d: {  	v56 =	vld.idx.msk [tilespmem:v10+s16+$0x0], $0xffff;
	_ =	sdelay $0x4  }
0x4e: {  	s21 =	rddreg [dreg:$0x7];
	s22 =	simm.s32 $0x80;
	s23 =	simm.s32 $0x45C0;
	[tilespmem:$0x90] =	vst v56  }
0x4f: {  	[tilespmem:s23], [sflag:$0x1] =	stream.indirect.gather [hbm4b:s21+s0], $0x10, s22, s0, $0x2000b8;
	[tilespmem:$0xF9C0] =	vst v63  }
0x50: {  	v56 =	vld.idx.msk [tilespmem:v11+s16+$0x0], $0xffff;
	_ =	sdelay $0x4  }
0x51: {  	[tilespmem:$0xA0] =	vst v56  }
0x52: {  	v56 =	vld.idx.msk [tilespmem:v12+s16+$0x0], $0xffff;
	_ =	sdelay $0x4  }
0x53: {  	s21 =	rddreg [dreg:$0x8];
	s22 =	simm.s32 $0xA0;
	s23 =	simm.s32 $0x47C0;
	[tilespmem:$0xB0] =	vst v56  }
0x54: {  	[tilespmem:s23], [sflag:$0x1] =	stream.indirect.gather [hbm4b:s21+s0], $0x10, s22, s0, $0x2000b8;
	[tilespmem:$0xF9C0] =	vst v63  }
0x55: {  	v56 =	vld.idx.msk [tilespmem:v13+s16+$0x0], $0xffff;
	_ =	sdelay $0x4  }
0x56: {  	[tilespmem:$0xC0] =	vst v56  }
0x57: {  	v56 =	vld.idx.msk [tilespmem:v14+s16+$0x0], $0xffff;
	_ =	sdelay $0x4  }
0x58: {  	s21 =	rddreg [dreg:$0x9];
	s22 =	simm.s32 $0xC0;
	s23 =	simm.s32 $0x49C0;
	[tilespmem:$0xD0] =	vst v56  }
0x59: {  	[tilespmem:s23], [sflag:$0x1] =	stream.indirect.gather [hbm4b:s21+s0], $0x10, s22, s0, $0x2000b8;
	[tilespmem:$0xF9C0] =	vst v63  }
0x5a: {  	v56 =	vld.idx.msk [tilespmem:v15+s16+$0x0], $0xffff;
	_ =	sdelay $0x4  }
0x5b: {  	[tilespmem:$0xE0] =	vst v56  }
0x5c: {  	v56 =	vld.idx.msk [tilespmem:v16+s16+$0x0], $0xffff;
	_ =	sdelay $0x4  }
0x5d: {  	s21 =	rddreg [dreg:$0xa];
	s22 =	simm.s32 $0xE0;
	s23 =	simm.s32 $0x4BC0;
	[tilespmem:$0xF0] =	vst v56  }
0x5e: {  	[tilespmem:s23], [sflag:$0x1] =	stream.indirect.gather [hbm4b:s21+s0], $0x10, s22, s0, $0x2000b8;
	[tilespmem:$0xF9C0] =	vst v63  }
0x5f: {  	v56 =	vld.idx.msk [tilespmem:v39+s16+$0x0], $0xffff;
	_ =	sdelay $0x4  }
0x60: {  	[tilespmem:$0x100] =	vst v56  }
0x61: {  	v56 =	vld.idx.msk [tilespmem:v17+s16+$0x0], $0xffff;
	_ =	sdelay $0x4  }
0x62: {  	s21 =	rddreg [dreg:$0xb];
	s22 =	simm.s32 $0x100;
	s23 =	simm.s32 $0x4DC0;
	[tilespmem:$0x110] =	vst v56  }
0x63: {  	[tilespmem:s23], [sflag:$0x1] =	stream.indirect.gather [hbm4b:s21+s0], $0x10, s22, s0, $0x2000b8;
	[tilespmem:$0xF9C0] =	vst v63  }
0x64: {  	v56 =	vld.idx.msk [tilespmem:v18+s16+$0x0], $0xffff;
	_ =	sdelay $0x4  }
0x65: {  	[tilespmem:$0x120] =	vst v56  }
0x66: {  	v56 =	vld.idx.msk [tilespmem:v19+s16+$0x0], $0xffff;
	_ =	sdelay $0x4  }
0x67: {  	s21 =	rddreg [dreg:$0xc];
	s22 =	simm.s32 $0x120;
	s23 =	simm.s32 $0x4FC0;
	[tilespmem:$0x130] =	vst v56  }
0x68: {  	[tilespmem:s23], [sflag:$0x1] =	stream.indirect.gather [hbm4b:s21+s0], $0x10, s22, s0, $0x2000b8;
	[tilespmem:$0xF9C0] =	vst v63  }
0x69: {  	v56 =	vld.idx.msk [tilespmem:v20+s16+$0x0], $0xffff;
	_ =	sdelay $0x4  }
0x6a: {  	[tilespmem:$0x140] =	vst v56  }
0x6b: {  	v56 =	vld.idx.msk [tilespmem:v21+s16+$0x0], $0xffff;
	_ =	sdelay $0x4  }
0x6c: {  	s21 =	rddreg [dreg:$0xd];
	s22 =	simm.s32 $0x140;
	s23 =	simm.s32 $0x51C0;
	[tilespmem:$0x150] =	vst v56  }
0x6d: {  	[tilespmem:s23], [sflag:$0x1] =	stream.indirect.gather [hbm4b:s21+s0], $0x10, s22, s0, $0x2000b8;
	[tilespmem:$0xF9C0] =	vst v63  }
0x6e: {  	v56 =	vld.idx.msk [tilespmem:v22+s16+$0x0], $0xffff;
	_ =	sdelay $0x4  }
0x6f: {  	[tilespmem:$0x160] =	vst v56  }
0x70: {  	v56 =	vld.idx.msk [tilespmem:v23+s16+$0x0], $0xffff;
	_ =	sdelay $0x4  }
0x71: {  	s21 =	rddreg [dreg:$0xe];
	s22 =	simm.s32 $0x160;
	s23 =	simm.s32 $0x53C0;
	[tilespmem:$0x170] =	vst v56  }
0x72: {  	[tilespmem:s23], [sflag:$0x1] =	stream.indirect.gather [hbm4b:s21+s0], $0x10, s22, s0, $0x2000b8;
	[tilespmem:$0xF9C0] =	vst v63  }
0x73: {  	v56 =	vld.idx.msk [tilespmem:v24+s16+$0x0], $0xffff;
	_ =	sdelay $0x4  }
0x74: {  	[tilespmem:$0x180] =	vst v56  }
0x75: {  	v56 =	vld.idx.msk [tilespmem:v25+s16+$0x0], $0xffff;
	_ =	sdelay $0x4  }
0x76: {  	s21 =	rddreg [dreg:$0xf];
	s22 =	simm.s32 $0x180;
	s23 =	simm.s32 $0x55C0;
	[tilespmem:$0x190] =	vst v56  }
0x77: {  	[tilespmem:s23], [sflag:$0x1] =	stream.indirect.gather [hbm4b:s21+s0], $0x10, s22, s0, $0x2000b8;
	[tilespmem:$0xF9C0] =	vst v63  }
0x78: {  	v56 =	vld.idx.msk [tilespmem:v26+s16+$0x0], $0xffff;
	_ =	sdelay $0x4  }
0x79: {  	[tilespmem:$0x1A0] =	vst v56  }
0x7a: {  	v56 =	vld.idx.msk [tilespmem:v27+s16+$0x0], $0xffff;
	_ =	sdelay $0x4  }
0x7b: {  	s21 =	rddreg [dreg:$0x10];
	s22 =	simm.s32 $0x1A0;
	s23 =	simm.s32 $0x57C0;
	[tilespmem:$0x1B0] =	vst v56  }
0x7c: {  	[tilespmem:s23], [sflag:$0x1] =	stream.indirect.gather [hbm4b:s21+s0], $0x10, s22, s0, $0x2000b8;
	[tilespmem:$0xF9C0] =	vst v63  }
0x7d: {  	v56 =	vld.idx.msk [tilespmem:v28+s16+$0x0], $0xffff;
	_ =	sdelay $0x4  }
0x7e: {  	[tilespmem:$0x1C0] =	vst v56  }
0x7f: {  	v56 =	vld.idx.msk [tilespmem:v29+s16+$0x0], $0xffff;
	_ =	sdelay $0x4  }
0x80: {  	s21 =	rddreg [dreg:$0x11];
	s22 =	simm.s32 $0x1C0;
	s23 =	simm.s32 $0x59C0;
	[tilespmem:$0x1D0] =	vst v56  }
0x81: {  	[tilespmem:s23], [sflag:$0x1] =	stream.indirect.gather [hbm4b:s21+s0], $0x10, s22, s0, $0x2000b8;
	[tilespmem:$0xF9C0] =	vst v63  }
0x82: {  	v56 =	vld.idx.msk [tilespmem:v30+s16+$0x0], $0xffff;
	_ =	sdelay $0x4  }
0x83: {  	[tilespmem:$0x1E0] =	vst v56  }
0x84: {  	v56 =	vld.idx.msk [tilespmem:v31+s16+$0x0], $0xffff;
	_ =	sdelay $0x4  }
0x85: {  	s21 =	rddreg [dreg:$0x12];
	s22 =	simm.s32 $0x1E0;
	s23 =	simm.s32 $0x5BC0;
	[tilespmem:$0x1F0] =	vst v56  }
0x86: {  	[tilespmem:s23], [sflag:$0x1] =	stream.indirect.gather [hbm4b:s21+s0], $0x10, s22, s0, $0x2000b8;
	[tilespmem:$0xF9C0] =	vst v63  }
0x87: {  	v56 =	vld.idx.msk [tilespmem:v32+s16+$0x0], $0xffff;
	_ =	sdelay $0x4  }
0x88: {  	[tilespmem:$0x200] =	vst v56  }
0x89: {  	v56 =	vld.idx.msk [tilespmem:v33+s16+$0x0], $0xffff;
	_ =	sdelay $0x4  }
0x8a: {  	s21 =	rddreg [dreg:$0x13];
	s22 =	simm.s32 $0x200;
	s23 =	simm.s32 $0x5DC0;
	[tilespmem:$0x210] =	vst v56  }
0x8b: {  	[tilespmem:s23], [sflag:$0x1] =	stream.indirect.gather [hbm4b:s21+s0], $0x10, s22, s0, $0x2000b8;
	[tilespmem:$0xF9C0] =	vst v63  }
0x8c: {  	v56 =	vld.idx.msk [tilespmem:v34+s16+$0x0], $0xffff;
	_ =	sdelay $0x4  }
0x8d: {  	[tilespmem:$0x220] =	vst v56  }
0x8e: {  	v56 =	vld.idx.msk [tilespmem:v35+s16+$0x0], $0xffff;
	_ =	sdelay $0x4  }
0x8f: {  	s21 =	rddreg [dreg:$0x14];
	s22 =	simm.s32 $0x220;
	s23 =	simm.s32 $0x5FC0;
	[tilespmem:$0x230] =	vst v56  }
0x90: {  	[tilespmem:s23], [sflag:$0x1] =	stream.indirect.gather [hbm4b:s21+s0], $0x10, s22, s0, $0x2000b8;
	[tilespmem:$0xF9C0] =	vst v63  }
0x91: {  	v56 =	vld.idx.msk [tilespmem:v36+s16+$0x0], $0xffff;
	_ =	sdelay $0x4  }
0x92: {  	[tilespmem:$0x240] =	vst v56  }
0x93: {  	v56 =	vld.idx.msk [tilespmem:v37+s16+$0x0], $0xffff;
	_ =	sdelay $0x4  }
0x94: {  	s19 =	rddreg [dreg:$0x15];
	s20 =	simm.s32 $0x240;
	s21 =	simm.s32 $0x61C0;
	[tilespmem:$0x250] =	vst v56  }
0x95: {  	[tilespmem:s21], [sflag:$0x1] =	stream.indirect.gather [hbm4b:s19+s0], $0x10, s20, s0, $0x2000b8;
	[tilespmem:$0xF9C0] =	vst v63  }
0x96: {  	v56 =	vld.idx.msk [tilespmem:v38+s16+$0x0], $0xffff;
	_ =	sdelay $0x4  }
0x97: {  	[tilespmem:$0x260] =	vst v56  }
0x98: {  	v56 =	vld.idx.msk [tilespmem:v40+s16+$0x0], $0xffff;
	_ =	sdelay $0x4  }
0x99: {  	s22 =	simm.s32 $0x260;
	s23 =	simm.s32 $0x63C0;
	[tilespmem:$0x270] =	vst v56  }
0x9a: {  	[tilespmem:s23], [sflag:$0x1] =	stream.indirect.gather [hbm4b:s25+s0], $0x10, s22, s0, $0x2000b8;
	[tilespmem:$0xF9C0] =	vst v63  }
0x9b: {  	v56 =	vld.idx.msk [tilespmem:v41+s16+$0x0], $0xffff;
	_ =	sdelay $0x4  }
0x9c: {  	[tilespmem:$0x280] =	vst v56  }
0x9d: {  	v56 =	vld.idx.msk [tilespmem:v42+s16+$0x0], $0xffff;
	_ =	sdelay $0x4  }
0x9e: {  	s20 =	simm.s32 $0x280;
	s21 =	simm.s32 $0x65C0;
	[tilespmem:$0x290] =	vst v56  }
0x9f: {  	[tilespmem:s21], [sflag:$0x1] =	stream.indirect.gather [hbm4b:s26+s0], $0x10, s20, s0, $0x2000b8;
	[tilespmem:$0xF9C0] =	vst v63  }
0xa0: {  	v56 =	vld.idx.msk [tilespmem:v43+s16+$0x0], $0xffff;
	_ =	sdelay $0x4  }
0xa1: {  	[tilespmem:$0x2A0] =	vst v56  }
0xa2: {  	v56 =	vld.idx.msk [tilespmem:v44+s16+$0x0], $0xffff;
	_ =	sdelay $0x4  }
0xa3: {  	s22 =	simm.s32 $0x2A0;
	s23 =	simm.s32 $0x67C0;
	[tilespmem:$0x2B0] =	vst v56  }
0xa4: {  	[tilespmem:s23], [sflag:$0x1] =	stream.indirect.gather [hbm4b:s28+s0], $0x10, s22, s0, $0x2000b8;
	[tilespmem:$0xF9C0] =	vst v63  }
0xa5: {  	v56 =	vld.idx.msk [tilespmem:v45+s16+$0x0], $0xffff;
	_ =	sdelay $0x4  }
0xa6: {  	[tilespmem:$0x2C0] =	vst v56  }
0xa7: {  	v56 =	vld.idx.msk [tilespmem:v46+s16+$0x0], $0xffff;
	_ =	sdelay $0x4  }
0xa8: {  	s20 =	simm.s32 $0x2C0;
	s21 =	simm.s32 $0x69C0;
	[tilespmem:$0x2D0] =	vst v56  }
0xa9: {  	[tilespmem:s21], [sflag:$0x1] =	stream.indirect.gather [hbm4b:s30+s0], $0x10, s20, s0, $0x2000b8;
	[tilespmem:$0xF9C0] =	vst v63  }
0xaa: {  	v56 =	vld.idx.msk [tilespmem:v47+s16+$0x0], $0xffff;
	_ =	sdelay $0x4  }
0xab: {  	[tilespmem:$0x2E0] =	vst v56  }
0xac: {  	v56 =	vld.idx.msk [tilespmem:v48+s16+$0x0], $0xffff;
	_ =	sdelay $0x4  }
0xad: {  	s22 =	simm.s32 $0x2E0;
	s23 =	simm.s32 $0x6BC0;
	[tilespmem:$0x2F0] =	vst v56  }
0xae: {  	[tilespmem:s23], [sflag:$0x1] =	stream.indirect.gather [hbm4b:s31+s0], $0x10, s22, s0, $0x2000b8;
	[tilespmem:$0xF9C0] =	vst v63  }
0xaf: {  	v56 =	vld.idx.msk [tilespmem:v49+s16+$0x0], $0xffff;
	_ =	sdelay $0x4  }
0xb0: {  	[tilespmem:$0x300] =	vst v56  }
0xb1: {  	v57 =	vor.u32 s17, v0;
	v56 =	vld.idx.msk [tilespmem:v50+s16+$0x0], $0xffff  }
0xb2: {  	v58 =	vmulhi.u32 $0x4EC4EC4F, v57;
	_ =	sdelay $0x1  }
0xb3: {  	v58 =	vshrl.u32 v58, $0x3  }
0xb4: {  	v59 =	vmul.u32 $0xFFFFFFE6, v58  }
0xb5: {  	s18 =	simm.s32 $0x300;
	v60 =	vsub.s32 $0x0, v57;
	s19 =	simm.s32 $0x6DC0;
	[tilespmem:$0x310] =	vst v56;
	v56 =	vmov s17  }
0xb6: {  	vm1 =	vne.s32 v59, v60;
	[tilespmem:s19], [sflag:$0x1] =	stream.indirect.gather [hbm4b:s2+s0], $0x10, s18, s0, $0x2000b8;
	vm0 =	veq.s32 v56, v0;
	[tilespmem:$0xF9C0] =	vst v63  }
0xb7: {  	s20 =	simm.s32 $0x10;
	v56 =	vld.idx.msk [tilespmem:v51+s16+$0x0], $0xffff;
	vm0 =	vmand vm0, vm1  }
0xb8: {  	v60 =	vor.u32 s20, v0;
	v59 =	vsel vm0, $0xFFFFFFFF, v53  }
0xb9: {  	v58 =	vadd.s32 v59, v58;
	v59 =	vmulhi.u32 $0x4EC4EC4F, v60  }
0xba: {  	v61 =	vmul.u32 $0xFFFFFFE6, v58  }
0xbb: {  	v2 =	vsub.s32 $0x0, v60;
	v59 =	vshrl.u32 v59, $0x3  }
0xbc: {  	v58 =	vshll.u32 v58, $0x5;
	[tilespmem:$0x320] =	vst v56;
	v61 =	vadd.s32 v57, v61;
	v62 =	vmul.u32 $0xFFFFFFE6, v59  }
0xbd: {  	v56 =	vmov s20;
	v57 =	vld.idx.msk [tilespmem:v52+s16+$0x0], $0xffff;
	v63 =	vand.u32 $0xFFFFFFF8, v61;
	v3 =	vand.u32 $0x7, v61  }
0xbe: {  	vm12 =	veq.s32 v56, v0;
	v58 =	vadd.s32 v58, v63;
	vm13 =	vne.s32 v62, v2  }
0xbf: {  	s21 =	simm.s32 $0x20;
	v2 =	vor.u32 v3, v58;
	vm0 =	vmand vm12, vm13  }
0xc0: {  	v56 =	vor.u32 s21, v0;
	v3 =	vsel vm0, $0xFFFFFFFF, v53  }
0xc1: {  	v62 =	vmulhi.u32 $0x4EC4EC4F, v56;
	v3 =	vadd.s32 v3, v59  }
0xc2: {  	s22 =	simm.s32 $0x320;
	s23 =	simm.s32 $0x6FC0;
	[tilespmem:$0x330] =	vst v57;
	v58 =	vmul.u32 $0xFFFFFFE6, v3  }
0xc3: {  	v62 =	vshrl.u32 v62, $0x3;
	[tilespmem:s23], [sflag:$0x1] =	stream.indirect.gather [hbm4b:s1+s0], $0x10, s22, s0, $0x2000b8;
	[tilespmem:$0xF9C0] =	vst v63  }
0xc4: {  	v63 =	vmov s21;
	v2 =	vld.idx.msk [tilespmem:v2+s16+$0x0], $0xffff;
	v57 =	vadd.s32 v60, v58;
	v58 =	vmul.u32 $0xFFFFFFE6, v62  }
0xc5: {  	v3 =	vshll.u32 v3, $0x5;
	v60 =	vsub.s32 $0x0, v56;
	v59 =	vand.u32 $0xFFFFFFF8, v57  }
0xc6: {  	vm15 =	vne.s32 v58, v60;
	v60 =	vand.u32 $0x7, v57;
	v3 =	vadd.s32 v3, v59  }
0xc7: {  	vm14 =	veq.s32 v63, v0;
	v58 =	vmul.u32 $0x186A0, v61;
	v59 =	vor.u32 v60, v3  }
0xc8: {  	vm0 =	vmand vm14, vm15  }
0xc9: {  	s17 =	simm.s32 $0x340;
	s19 =	simm.s32 $0x30;
	v3 =	vsel vm0, $0xFFFFFFFF, v53;
	v2 =	vadd.s32 v58, v2  }
0xca: {  	s15 =	sadd.s32 s29, s15;
	s18 =	simm.s32 $0x680;
	s20 =	simm.s32 $0x40;
	v58 =	vor.u32 s19, v0;
	v60 =	vadd.s32 v3, v62;
	[tilespmem:s17+$0x0] =	vst v2;
	v61 =	vshra.s32 v2, $0x4  }
.LBB2_3:
0xcb: {  	p2 =	sne.s32 s20, $0x330;
	v2 =	vmulhi.u32 $0x4EC4EC4F, v58;
	v3 =	vmul.u32 $0xFFFFFFE6, v60;
	[tilespmem:s18+$0x0] =	vst v61  }
0xcc: {  	v61 =	vmov s19;
	s19 =	smov.u32 s20;
	v62 =	vld.idx.msk [tilespmem:v59+s16+$0x0], $0xffff  }
0xcd: {  	vm0 =	veq.s32 v61, v0;
	v2 =	vshrl.u32 v2, $0x3;
	v3 =	vadd.s32 v56, v3;
	v56 =	vmovc v58  }
0xce: {  	v60 =	vshll.u32 v60, $0x5;
	v58 =	vmul.u32 $0xFFFFFFE6, v2;
	v59 =	vand.u32 $0xFFFFFFF8, v3  }
.Ltmp0:
0xcf: {  	v61 =	vsub.s32 $0x0, v56;
	v63 =	vand.u32 $0x7, v3;
	v59 =	vadd.s32 v60, v59;
	(pc) =	sbr.rel @p2 .LBB2_3-.Ltmp0, $4  }
0xd0: {  	vm1 =	vne.s32 v58, v61;
	v59 =	vor.u32 v63, v59;
	v58 =	vmul.u32 $0x186A0, v57;
	v57 =	vmovc v3  }
0xd1: {  	vm0 =	vmand vm0, vm1  }
0xd2: {  	s17 =	sadd.s32 $0x10, s17;
	v3 =	vsel vm0, $0xFFFFFFFF, v53;
	v61 =	vadd.s32 v58, v62  }
0xd3: {  	s20 =	sadd.s32 $0x10, s20;
	s18 =	sadd.s32 $0x10, s18;
	v58 =	vor.u32 s19, v0;
	v60 =	vadd.s32 v3, v2;
	[tilespmem:s17+$0x0] =	vst v61;
	v61 =	vshra.s32 v61, $0x4  }
0xd4: {  	_ = 	snop  }
0xd5: {  	v2 =	vmulhi.u32 $0x4EC4EC4F, v58  }
0xd6: {  	v3 =	vmul.u32 $0xFFFFFFE6, v60  }
0xd7: {  	[tilespmem:s18+$0x0] =	vst v61;
	v61 =	vmov s19;
	v2 =	vshrl.u32 v2, $0x3  }
0xd8: {  	v60 =	vshll.u32 v60, $0x5;
	v59 =	vld.idx.msk [tilespmem:v59+s16+$0x0], $0xffff;
	v3 =	vadd.s32 v56, v3;
	v56 =	vmul.u32 $0xFFFFFFE6, v2  }
0xd9: {  	v62 =	vsub.s32 $0x0, v58;
	vm0 =	veq.s32 v61, v0;
	v61 =	vand.u32 $0xFFFFFFF8, v3  }
0xda: {  	v63 =	vand.u32 $0x7, v3;
	v60 =	vadd.s32 v60, v61;
	vm1 =	vne.s32 v56, v62  }
0xdb: {  	v57 =	vmul.u32 $0x186A0, v57;
	v56 =	vor.u32 v63, v60;
	vm0 =	vmand vm0, vm1  }
0xdc: {  	v60 =	vsel vm0, $0xFFFFFFFF, v53  }
0xdd: {  	s17 =	sadd.s32 $0x10, s17;
	v57 =	vadd.s32 v57, v59;
	v2 =	vadd.s32 v60, v2  }
0xde: {  	s23 =	sadd.s32 $0x10, s18;
	[tilespmem:s17+$0x0] =	vst v57;
	v57 =	vshra.s32 v57, $0x4;
	v60 =	vmul.u32 $0xFFFFFFE6, v2  }
0xdf: {  	[tilespmem:s23+$0x0] =	vst v57  }
0xe0: {  	v56 =	vld.idx.msk [tilespmem:v56+s16+$0x0], $0xffff;
	v61 =	vadd.s32 v58, v60  }
0xe1: {  	v2 =	vshll.u32 v2, $0x5;
	v58 =	vand.u32 $0xFFFFFFF8, v61  }
0xe2: {  	v59 =	vand.u32 $0x7, v61;
	v2 =	vadd.s32 v2, v58  }
0xe3: {  	v3 =	vmul.u32 $0x186A0, v3;
	v2 =	vor.u32 v59, v2;
	_ =	sdelay $0x1  }
0xe4: {  	s17 =	sadd.s32 $0x10, s17;
	v3 =	vadd.s32 v3, v56  }
0xe5: {  	s18 =	sadd.s32 $0x10, s23;
	[tilespmem:s17+$0x0] =	vst v3;
	v3 =	vshra.s32 v3, $0x4  }
0xe6: {  	[tilespmem:s18+$0x0] =	vst v3  }
0xe7: {  	v2 =	vld.idx.msk [tilespmem:v2+s16+$0x0], $0xffff;
	_ =	sdelay $0x2  }
0xe8: {  	v3 =	vmul.u32 $0x186A0, v61;
	_ =	sdelay $0x1  }
0xe9: {  	s17 =	sadd.s32 $0x10, s17;
	v2 =	vadd.s32 v3, v2  }
0xea: {  	s18 =	sadd.s32 $0x10, s18;
	[tilespmem:s17+$0x0] =	vst v2;
	v2 =	vshra.s32 v2, $0x4  }
0xeb: {  	s19 =	simm.s32 $0x680;
	[tilespmem:s18+$0x0] =	vst v2  }
0xec: {  	[tilespmem:s4], [sflag:$0x2] =	stream.indirect.gather [hbm4b:s5+s3], $0x10, s19, s3, $0x2000b8;
	[tilespmem:$0xF9C0] =	vst v63  }
0xed: {  	s20 =	simm.s32 $0x6E8;
	s21 =	simm.s32 $0x1040  }
0xee: {  	[tilespmem:s21], [sflag:$0x2] =	stream.indirect.gather [hbm4b:s5+s3], $0x10, s20, s3, $0x2000b8;
	[tilespmem:$0xF9C0] =	vst v63  }
0xef: {  	s22 =	simm.s32 $0x750;
	s23 =	simm.s32 $0x16C0  }
0xf0: {  	[tilespmem:s23], [sflag:$0x2] =	stream.indirect.gather [hbm4b:s5+s3], $0x10, s22, s3, $0x2000b8;
	[tilespmem:$0xF9C0] =	vst v63  }
0xf1: {  	s18 =	simm.s32 $0x7B8;
	s19 =	simm.s32 $0x1D40  }
0xf2: {  	[tilespmem:s19], [sflag:$0x2] =	stream.indirect.gather [hbm4b:s5+s3], $0x10, s18, s3, $0x2000b8;
	[tilespmem:$0xF9C0] =	vst v63  }
0xf3: {  	s20 =	simm.s32 $0x820;
	s21 =	simm.s32 $0x23C0  }
0xf4: {  	[tilespmem:s21], [sflag:$0x2] =	stream.indirect.gather [hbm4b:s5+s3], $0x10, s20, s3, $0x2000b8;
	[tilespmem:$0xF9C0] =	vst v63  }
0xf5: {  	s22 =	simm.s32 $0x888;
	s23 =	simm.s32 $0x2A40  }
0xf6: {  	[tilespmem:s23], [sflag:$0x2] =	stream.indirect.gather [hbm4b:s5+s3], $0x10, s22, s3, $0x2000b8;
	[tilespmem:$0xF9C0] =	vst v63  }
0xf7: {  	s18 =	simm.s32 $0x8F0;
	s19 =	simm.s32 $0x30C0  }
0xf8: {  	[tilespmem:s19], [sflag:$0x2] =	stream.indirect.gather [hbm4b:s5+s3], $0x10, s18, s3, $0x2000b8;
	[tilespmem:$0xF9C0] =	vst v63  }
0xf9: {  	s20 =	simm.s32 $0x958;
	s21 =	simm.s32 $0x3740  }
0xfa: {  	[tilespmem:s21], [sflag:$0x2] =	stream.indirect.gather [hbm4b:s5+s3], $0x10, s20, s3, $0x2000b8;
	[tilespmem:$0xF9C0] =	vst v63  }
0xfb: {  	_ =	swait.ge [sflag:s6], $0x200  }
0xfc: {  	[sflag:s6] =	ssyncset.done $0x0  }
0xfd: {  	[sflag:s6] =	ssyncadd.s32 $0xFFFFFE00  }
0xfe: {  	_ =	swait.ge [sflag:s6], $0x200  }
0xff: {  	[sflag:s6] =	ssyncset.done $0x0  }
0x100: {  	[sflag:s6] =	ssyncadd.s32 $0xFFFFFE00  }
0x101: {  	_ =	swait.ge [sflag:s6], $0x200  }
0x102: {  	[sflag:s6] =	ssyncset.done $0x0  }
0x103: {  	[sflag:s6] =	ssyncadd.s32 $0xFFFFFE00  }
0x104: {  	_ =	swait.ge [sflag:s6], $0x200  }
0x105: {  	[sflag:s6] =	ssyncset.done $0x0  }
0x106: {  	[sflag:s6] =	ssyncadd.s32 $0xFFFFFE00  }
0x107: {  	_ =	swait.ge [sflag:s6], $0x200  }
0x108: {  	[sflag:s6] =	ssyncset.done $0x0  }
0x109: {  	[sflag:s6] =	ssyncadd.s32 $0xFFFFFE00  }
0x10a: {  	_ =	swait.ge [sflag:s6], $0x200  }
0x10b: {  	[sflag:s6] =	ssyncset.done $0x0  }
0x10c: {  	[sflag:s6] =	ssyncadd.s32 $0xFFFFFE00  }
0x10d: {  	_ =	swait.ge [sflag:s6], $0x200  }
0x10e: {  	[sflag:s6] =	ssyncset.done $0x0  }
0x10f: {  	[sflag:s6] =	ssyncadd.s32 $0xFFFFFE00  }
0x110: {  	_ =	swait.ge [sflag:s6], $0x200  }
0x111: {  	[sflag:s6] =	ssyncset.done $0x0  }
0x112: {  	[sflag:s6] =	ssyncadd.s32 $0xFFFFFE00  }
0x113: {  	_ =	swait.ge [sflag:s6], $0x200  }
0x114: {  	[sflag:s6] =	ssyncset.done $0x0  }
0x115: {  	[sflag:s6] =	ssyncadd.s32 $0xFFFFFE00  }
0x116: {  	_ =	swait.ge [sflag:s6], $0x200  }
0x117: {  	[sflag:s6] =	ssyncset.done $0x0  }
0x118: {  	[sflag:s6] =	ssyncadd.s32 $0xFFFFFE00  }
0x119: {  	_ =	swait.ge [sflag:s6], $0x200  }
0x11a: {  	[sflag:s6] =	ssyncset.done $0x0  }
0x11b: {  	[sflag:s6] =	ssyncadd.s32 $0xFFFFFE00  }
0x11c: {  	_ =	swait.ge [sflag:s6], $0x200  }
0x11d: {  	[sflag:s6] =	ssyncset.done $0x0  }
0x11e: {  	[sflag:s6] =	ssyncadd.s32 $0xFFFFFE00  }
0x11f: {  	_ =	swait.ge [sflag:s6], $0x200  }
0x120: {  	[sflag:s6] =	ssyncset.done $0x0  }
0x121: {  	[sflag:s6] =	ssyncadd.s32 $0xFFFFFE00  }
0x122: {  	_ =	swait.ge [sflag:s6], $0x200  }
0x123: {  	[sflag:s6] =	ssyncset.done $0x0  }
0x124: {  	[sflag:s6] =	ssyncadd.s32 $0xFFFFFE00  }
0x125: {  	_ =	swait.ge [sflag:s6], $0x200  }
0x126: {  	[sflag:s6] =	ssyncset.done $0x0  }
0x127: {  	[sflag:s6] =	ssyncadd.s32 $0xFFFFFE00  }
0x128: {  	_ =	swait.ge [sflag:s6], $0x200  }
0x129: {  	[sflag:s6] =	ssyncset.done $0x0  }
0x12a: {  	[sflag:s6] =	ssyncadd.s32 $0xFFFFFE00  }
0x12b: {  	_ =	swait.ge [sflag:s6], $0x200  }
0x12c: {  	[sflag:s6] =	ssyncset.done $0x0  }
0x12d: {  	[sflag:s6] =	ssyncadd.s32 $0xFFFFFE00  }
0x12e: {  	_ =	swait.ge [sflag:s6], $0x200  }
0x12f: {  	[sflag:s6] =	ssyncset.done $0x0  }
0x130: {  	[sflag:s6] =	ssyncadd.s32 $0xFFFFFE00  }
0x131: {  	_ =	swait.ge [sflag:s6], $0x200  }
0x132: {  	[sflag:s6] =	ssyncset.done $0x0  }
0x133: {  	[sflag:s6] =	ssyncadd.s32 $0xFFFFFE00  }
0x134: {  	_ =	swait.ge [sflag:s6], $0x200  }
0x135: {  	[sflag:s6] =	ssyncset.done $0x0  }
0x136: {  	[sflag:s6] =	ssyncadd.s32 $0xFFFFFE00  }
0x137: {  	_ =	swait.ge [sflag:s6], $0x200  }
0x138: {  	[sflag:s6] =	ssyncset.done $0x0  }
0x139: {  	[sflag:s6] =	ssyncadd.s32 $0xFFFFFE00  }
0x13a: {  	_ =	swait.ge [sflag:s6], $0x200  }
0x13b: {  	[sflag:s6] =	ssyncset.done $0x0  }
0x13c: {  	[sflag:s6] =	ssyncadd.s32 $0xFFFFFE00  }
0x13d: {  	_ =	swait.ge [sflag:s6], $0x200  }
0x13e: {  	[sflag:s6] =	ssyncset.done $0x0  }
0x13f: {  	[sflag:s6] =	ssyncadd.s32 $0xFFFFFE00  }
0x140: {  	_ =	swait.ge [sflag:s6], $0x200  }
0x141: {  	[sflag:s6] =	ssyncset.done $0x0  }
0x142: {  	[sflag:s6] =	ssyncadd.s32 $0xFFFFFE00  }
0x143: {  	_ =	swait.ge [sflag:s6], $0x200  }
0x144: {  	[sflag:s6] =	ssyncset.done $0x0  }
0x145: {  	[sflag:s6] =	ssyncadd.s32 $0xFFFFFE00  }
0x146: {  	_ =	swait.ge [sflag:s6], $0x200  }
0x147: {  	[sflag:s6] =	ssyncset.done $0x0  }
0x148: {  	[sflag:s6] =	ssyncadd.s32 $0xFFFFFE00  }
0x149: {  	_ =	swait.ge [sflag:s7], $0x680  }
0x14a: {  	[sflag:s7] =	ssyncset.done $0x0  }
0x14b: {  	[sflag:s7] =	ssyncadd.s32 $0xFFFFF980  }
0x14c: {  	_ =	swait.ge [sflag:s7], $0x680  }
0x14d: {  	[sflag:s7] =	ssyncset.done $0x0  }
0x14e: {  	[sflag:s7] =	ssyncadd.s32 $0xFFFFF980  }
0x14f: {  	_ =	swait.ge [sflag:s7], $0x680  }
0x150: {  	[sflag:s7] =	ssyncset.done $0x0  }
0x151: {  	[sflag:s7] =	ssyncadd.s32 $0xFFFFF980  }
0x152: {  	_ =	swait.ge [sflag:s7], $0x680  }
0x153: {  	[sflag:s7] =	ssyncset.done $0x0  }
0x154: {  	[sflag:s7] =	ssyncadd.s32 $0xFFFFF980  }
0x155: {  	_ =	swait.ge [sflag:s7], $0x680  }
0x156: {  	[sflag:s7] =	ssyncset.done $0x0  }
0x157: {  	[sflag:s7] =	ssyncadd.s32 $0xFFFFF980  }
0x158: {  	_ =	swait.ge [sflag:s7], $0x680  }
0x159: {  	[sflag:s7] =	ssyncset.done $0x0  }
0x15a: {  	[sflag:s7] =	ssyncadd.s32 $0xFFFFF980  }
0x15b: {  	_ =	swait.ge [sflag:s7], $0x680  }
0x15c: {  	[sflag:s7] =	ssyncset.done $0x0  }
0x15d: {  	[sflag:s7] =	ssyncadd.s32 $0xFFFFF980  }
0x15e: {  	_ =	swait.ge [sflag:s7], $0x680  }
0x15f: {  	[sflag:s7] =	ssyncset.done $0x0  }
0x160: {  	s17 =	simm.s32 $0x57C0;
	[sflag:s7] =	ssyncadd.s32 $0xFFFFF980  }
0x161: {  	v2 =	vld [tilespmem:s17+$0xFFFFE600];
	_ =	sdelay $0x1  }
0x162: {  	s16 =	sand.u32 $0x1, s11  }
0x163: {  	s22 =	sshll.u32 s16, $0xE  }
0x164: {  	s21 =	sor.u32 $0x99C0, s22  }
0x165: {  	[tilespmem:s21+$0xFFFFE000] =	vst v2  }
0x166: {  	v2 =	vld [tilespmem:s17+$0xFFFFE800];
	_ =	sdelay $0x4  }
0x167: {  	[tilespmem:s21+$0xFFFFE010] =	vst v2  }
0x168: {  	v2 =	vld [tilespmem:s17+$0xFFFFEA00];
	_ =	sdelay $0x4  }
0x169: {  	[tilespmem:s21+$0xFFFFE020] =	vst v2  }
0x16a: {  	v2 =	vld [tilespmem:s17+$0xFFFFEC00];
	_ =	sdelay $0x4  }
0x16b: {  	[tilespmem:s21+$0xFFFFE030] =	vst v2  }
0x16c: {  	v2 =	vld [tilespmem:s17+$0xFFFFEE00];
	_ =	sdelay $0x4  }
0x16d: {  	[tilespmem:s21+$0xFFFFE040] =	vst v2  }
0x16e: {  	v2 =	vld [tilespmem:s17+$0xFFFFF000];
	_ =	sdelay $0x4  }
0x16f: {  	[tilespmem:s21+$0xFFFFE050] =	vst v2  }
0x170: {  	v2 =	vld [tilespmem:s17+$0xFFFFF200];
	_ =	sdelay $0x4  }
0x171: {  	[tilespmem:s21+$0xFFFFE060] =	vst v2  }
0x172: {  	v2 =	vld [tilespmem:s17+$0xFFFFF400];
	_ =	sdelay $0x4  }
0x173: {  	[tilespmem:s21+$0xFFFFE070] =	vst v2  }
0x174: {  	v2 =	vld [tilespmem:s17+$0xFFFFF600];
	_ =	sdelay $0x4  }
0x175: {  	[tilespmem:s21+$0xFFFFF000] =	vst v2  }
0x176: {  	v2 =	vld [tilespmem:s17+$0xFFFFF800];
	_ =	sdelay $0x4  }
0x177: {  	[tilespmem:s21+$0xFFFFF010] =	vst v2  }
0x178: {  	v2 =	vld [tilespmem:s17+$0xFFFFFA00];
	_ =	sdelay $0x4  }
0x179: {  	[tilespmem:s21+$0xFFFFF020] =	vst v2  }
0x17a: {  	v2 =	vld [tilespmem:s17+$0xFFFFFC00];
	_ =	sdelay $0x4  }
0x17b: {  	[tilespmem:s21+$0xFFFFF030] =	vst v2  }
0x17c: {  	v2 =	vld [tilespmem:s17+$0xFFFFFE00];
	_ =	sdelay $0x4  }
0x17d: {  	[tilespmem:s21+$0xFFFFF040] =	vst v2  }
0x17e: {  	v2 =	vld [tilespmem:s17+$0x0];
	_ =	sdelay $0x4  }
0x17f: {  	[tilespmem:s21+$0xFFFFF050] =	vst v2  }
0x180: {  	v2 =	vld [tilespmem:s17+$0x200];
	_ =	sdelay $0x4  }
0x181: {  	[tilespmem:s21+$0xFFFFF060] =	vst v2  }
0x182: {  	v2 =	vld [tilespmem:s17+$0x400];
	_ =	sdelay $0x4  }
0x183: {  	[tilespmem:s21+$0xFFFFF070] =	vst v2  }
0x184: {  	v2 =	vld [tilespmem:s17+$0x600];
	_ =	sdelay $0x4  }
0x185: {  	[tilespmem:s21+$0x0] =	vst v2  }
0x186: {  	v2 =	vld [tilespmem:s17+$0x800];
	_ =	sdelay $0x4  }
0x187: {  	[tilespmem:s21+$0x10] =	vst v2  }
0x188: {  	v2 =	vld [tilespmem:s17+$0xA00];
	_ =	sdelay $0x4  }
0x189: {  	[tilespmem:s21+$0x20] =	vst v2  }
0x18a: {  	v2 =	vld [tilespmem:s17+$0xC00];
	_ =	sdelay $0x4  }
0x18b: {  	[tilespmem:s21+$0x30] =	vst v2  }
0x18c: {  	v2 =	vld [tilespmem:s17+$0xE00];
	_ =	sdelay $0x4  }
0x18d: {  	[tilespmem:s21+$0x40] =	vst v2  }
0x18e: {  	v2 =	vld [tilespmem:s17+$0x1000];
	_ =	sdelay $0x4  }
0x18f: {  	[tilespmem:s21+$0x50] =	vst v2  }
0x190: {  	v2 =	vld [tilespmem:s17+$0x1200];
	_ =	sdelay $0x4  }
0x191: {  	[tilespmem:s21+$0x60] =	vst v2  }
0x192: {  	v2 =	vld [tilespmem:s17+$0x1400];
	_ =	sdelay $0x4  }
0x193: {  	[tilespmem:s21+$0x70] =	vst v2  }
0x194: {  	v2 =	vld [tilespmem:s17+$0x1600];
	_ =	sdelay $0x4  }
0x195: {  	[tilespmem:s21+$0x1000] =	vst v2  }
0x196: {  	s23 =	simm.s32 $0x0;
	v2 =	vld [tilespmem:s17+$0x1800]  }
0x197: {  	v3 =	vadd.s32 s23, v0;
	s20 =	simm.s32 $0x10  }
0x198: {  	v62 =	vadd.s32 s20, v54;
	_ =	sdelay $0x2  }
0x199: {  	[tilespmem:s21+$0x1010] =	vst v2  }
0x19a: {  	v2 =	vld.idx.msk [tilespmem:v3+s8+$0x0], $0xffff  }
0x19b: {  	v63 =	vld.idx.msk [tilespmem:v62+s8+$0x0], $0xffff;
	_ =	sdelay $0x3  }
0x19c: {  	v3 =	vshll.u32 v3, $0x4;
	v2 =	vand.u32 $0xF, v2  }
0x19d: {  	v56 =	vshll.u32 v62, $0x4;
	v2 =	vor.u32 v3, v2;
	v3 =	vand.u32 $0xF, v63  }
0x19e: {  	v3 =	vor.u32 v56, v3;
	_ =	sdelay $0x3  }
0x19f: {  	v57 =	vld.idx.msk [tilespmem:v2+s4+$0x0], $0xffff  }
0x1a0: {  	v56 =	vld.idx.msk [tilespmem:v3+s4+$0x0], $0xffff;
	[tilespmem:s21+$0x1040] =	vst v55  }
0x1a1: {  	[tilespmem:s21+$0x1050] =	vst v55  }
0x1a2: {  	[tilespmem:s21+$0x1060] =	vst v55  }
0x1a3: {  	s19 =	sadd.s32 $0x79C0, s22;
	s20 =	simm.s32 $0x2A;
	s18 =	smov.u32 s21;
	[tilespmem:s21+$0x1070] =	vst v55  }
.LBB2_5:
0x1a4: {  	p2 =	sne.s32 s20, $0x336;
	[tilespmem:s21+$0x1020] =	vst v57;
	s18 =	sadd.s32 $0x80, s18;
	s17 =	sadd.s32 $0x10, s17  }
0x1a5: {  	s22 =	smov.u32 s20;
	s20 =	sadd.s32 $0x1A, s20;
	[tilespmem:s21+$0x1030] =	vst v56;
	s21 =	smov.u32 s18  }
0x1a6: {  	v2 =	vld [tilespmem:s17+$0xFFFFE600];
	_ =	sdelay $0x4  }
0x1a7: {  	[tilespmem:s18+$0xFFFFE000] =	vst v2  }
0x1a8: {  	v2 =	vld [tilespmem:s17+$0xFFFFE800];
	_ =	sdelay $0x4  }
0x1a9: {  	[tilespmem:s18+$0xFFFFE010] =	vst v2  }
0x1aa: {  	v2 =	vld [tilespmem:s17+$0xFFFFEA00];
	_ =	sdelay $0x4  }
0x1ab: {  	[tilespmem:s18+$0xFFFFE020] =	vst v2  }
0x1ac: {  	v2 =	vld [tilespmem:s17+$0xFFFFEC00];
	_ =	sdelay $0x4  }
0x1ad: {  	[tilespmem:s18+$0xFFFFE030] =	vst v2  }
0x1ae: {  	v2 =	vld [tilespmem:s17+$0xFFFFEE00];
	_ =	sdelay $0x4  }
0x1af: {  	[tilespmem:s18+$0xFFFFE040] =	vst v2  }
0x1b0: {  	v2 =	vld [tilespmem:s17+$0xFFFFF000];
	_ =	sdelay $0x4  }
0x1b1: {  	[tilespmem:s18+$0xFFFFE050] =	vst v2  }
0x1b2: {  	v2 =	vld [tilespmem:s17+$0xFFFFF200];
	_ =	sdelay $0x4  }
0x1b3: {  	[tilespmem:s18+$0xFFFFE060] =	vst v2  }
0x1b4: {  	v2 =	vld [tilespmem:s17+$0xFFFFF400];
	_ =	sdelay $0x4  }
0x1b5: {  	[tilespmem:s18+$0xFFFFE070] =	vst v2  }
0x1b6: {  	v2 =	vld [tilespmem:s17+$0xFFFFF600];
	_ =	sdelay $0x4  }
0x1b7: {  	[tilespmem:s18+$0xFFFFF000] =	vst v2  }
0x1b8: {  	v2 =	vld [tilespmem:s17+$0xFFFFF800];
	_ =	sdelay $0x4  }
0x1b9: {  	[tilespmem:s18+$0xFFFFF010] =	vst v2  }
0x1ba: {  	v2 =	vld [tilespmem:s17+$0xFFFFFA00];
	_ =	sdelay $0x4  }
0x1bb: {  	[tilespmem:s18+$0xFFFFF020] =	vst v2  }
0x1bc: {  	v2 =	vld [tilespmem:s17+$0xFFFFFC00];
	_ =	sdelay $0x4  }
0x1bd: {  	[tilespmem:s18+$0xFFFFF030] =	vst v2  }
0x1be: {  	v2 =	vld [tilespmem:s17+$0xFFFFFE00];
	_ =	sdelay $0x4  }
0x1bf: {  	[tilespmem:s18+$0xFFFFF040] =	vst v2  }
0x1c0: {  	v2 =	vld [tilespmem:s17+$0x0];
	_ =	sdelay $0x4  }
0x1c1: {  	[tilespmem:s18+$0xFFFFF050] =	vst v2  }
0x1c2: {  	v2 =	vld [tilespmem:s17+$0x200];
	_ =	sdelay $0x4  }
0x1c3: {  	[tilespmem:s18+$0xFFFFF060] =	vst v2  }
0x1c4: {  	v2 =	vld [tilespmem:s17+$0x400];
	_ =	sdelay $0x4  }
0x1c5: {  	[tilespmem:s18+$0xFFFFF070] =	vst v2  }
0x1c6: {  	v2 =	vld [tilespmem:s17+$0x600];
	_ =	sdelay $0x4  }
0x1c7: {  	[tilespmem:s18+$0x0] =	vst v2  }
0x1c8: {  	v2 =	vld [tilespmem:s17+$0x800];
	_ =	sdelay $0x4  }
0x1c9: {  	[tilespmem:s18+$0x10] =	vst v2  }
0x1ca: {  	v2 =	vld [tilespmem:s17+$0xA00];
	_ =	sdelay $0x4  }
0x1cb: {  	[tilespmem:s18+$0x20] =	vst v2  }
0x1cc: {  	v2 =	vld [tilespmem:s17+$0xC00];
	_ =	sdelay $0x4  }
0x1cd: {  	[tilespmem:s18+$0x30] =	vst v2  }
0x1ce: {  	v2 =	vld [tilespmem:s17+$0xE00];
	_ =	sdelay $0x4  }
0x1cf: {  	[tilespmem:s18+$0x40] =	vst v2  }
0x1d0: {  	v2 =	vld [tilespmem:s17+$0x1000];
	_ =	sdelay $0x4  }
0x1d1: {  	[tilespmem:s18+$0x50] =	vst v2  }
0x1d2: {  	v2 =	vld [tilespmem:s17+$0x1200];
	_ =	sdelay $0x4  }
0x1d3: {  	[tilespmem:s18+$0x60] =	vst v2  }
0x1d4: {  	v2 =	vld [tilespmem:s17+$0x1400];
	_ =	sdelay $0x4  }
0x1d5: {  	[tilespmem:s18+$0x70] =	vst v2  }
0x1d6: {  	v2 =	vld [tilespmem:s17+$0x1600];
	_ =	sdelay $0x4  }
0x1d7: {  	[tilespmem:s18+$0x1000] =	vst v2  }
0x1d8: {  	s23 =	sadd.s32 $0xFFFFFFF0, s22;
	v2 =	vld [tilespmem:s17+$0x1800]  }
0x1d9: {  	v56 =	vadd.s32 s22, v54;
	v3 =	vadd.s32 s23, v0;
	_ =	sdelay $0x3  }
0x1da: {  	[tilespmem:s18+$0x1010] =	vst v2  }
0x1db: {  	v2 =	vld.idx.msk [tilespmem:v3+s8+$0x0], $0xffff  }
0x1dc: {  	v57 =	vld.idx.msk [tilespmem:v56+s8+$0x0], $0xffff;
	_ =	sdelay $0x4  }
0x1dd: {  	v3 =	vshll.u32 v3, $0x4;
	v56 =	vshll.u32 v56, $0x4;
	v2 =	vand.u32 $0xF, v2  }
0x1de: {  	v2 =	vor.u32 v3, v2;
	v3 =	vand.u32 $0xF, v57  }
0x1df: {  	v3 =	vor.u32 v56, v3;
	_ =	sdelay $0x3  }
0x1e0: {  	v57 =	vld.idx.msk [tilespmem:v2+s4+$0x0], $0xffff  }
.Ltmp1:
0x1e1: {  	v56 =	vld.idx.msk [tilespmem:v3+s4+$0x0], $0xffff;
	(pc) =	sbr.rel @p2 .LBB2_5-.Ltmp1, $4  }
0x1e2: {  	[tilespmem:s18+$0x1040] =	vst v55  }
0x1e3: {  	[tilespmem:s18+$0x1050] =	vst v55  }
0x1e4: {  	[tilespmem:s18+$0x1060] =	vst v55  }
0x1e5: {  	[tilespmem:s18+$0x1070] =	vst v55  }
0x1e6: {  	[tilespmem:s21+$0x1020] =	vst v57  }
0x1e7: {  	p2 =	seq.s32 s14, $0xF;
	[tilespmem:s21+$0x1030] =	vst v56  }
0x1e8: {  	p1 =	por p2, p1;
	_ =	strace $0x9000004B  }
0x1e9: {  	s15 =	sshll.u32 @p1 s15, $0x9;
	_ =	strace @p1 $0x8000004C  }
0x1ea: {  	s16 =	sadd.s32 @p1 $0x5, s16;
	s15 =	sand.u32 @p1 $0x1FFFFE00, s15;
	s17 =	rddreg [dreg:$0x3]  }
0x1eb: {  	s18 =	simm.s32 @p1 $0x200000;
	s15 =	sadd.s32 @p1 s17, s15;
	s17 =	simm.s32 @p1 $0x1000  }
0x1ec: {  	[hbm4b:s15+s17] =	stream.strided.scatter @p1 [tilespmem:s19], [sflag:s16], $0x4000, s18, s17, $0x200038;
	[tilespmem:$0xF9C0] =	vst v63  }
0x1ed: {  	s15 =	simm.s32 $0x1  }
0x1ee: {  	s17 =	simm.s32 $0x1;
	s15 =	simm.s32 @!p0 $0x0;
	p0 =	seq.s32 s14, $0x0  }
0x1ef: {  	_ =	strace @p1 $0x9000004C;
	s13 =	sadd.s32 s15, s13;
	s15 =	simm.s32 $0x1  }
0x1f0: {  	s15 =	simm.s32 @!p1 $0x0;
	p1 =	sne.s32 s14, $0x0;
	s14 =	sadd.s32 $0x1, s14  }
0x1f1: {  	s16 =	sand.u32 @!p0 $0x1, s10;
	s17 =	simm.s32 @!p1 $0x0;
	p1 =	sne.s32 s14, $0x10  }
.Ltmp2:
0x1f2: {  	_ =	strace @!p0 $0x8000004D;
	s16 =	sadd.s32 @!p0 $0x5, s16;
	(pc) =	sbr.rel @p1 .LBB2_2-.Ltmp2, $4  }
0x1f3: {  	_ =	swait.ge @!p0 [sflag:s16], $0x4000  }
0x1f4: {  	[sflag:s16] =	ssyncset.done @!p0 $0x0  }
0x1f5: {  	s11 =	sadd.s32 s15, s11;
	[sflag:s16] =	ssyncadd.s32 @!p0 $0xFFFFC000  }
0x1f6: {  	s12 =	sadd.s32 s15, s12;
	s10 =	sadd.s32 s17, s10;
	_ =	strace @!p0 $0x9000004D  }
0x1f7: {  	_ =	strace $0x8000004E;
	s9 =	simm.s32 $0x6  }
0x1f8: {  	_ =	swait.ge [sflag:s9], $0x4000  }
0x1f9: {  	s10 =	rddreg [dreg:$0x18]  }
0x1fa: {  	s23 =	rddreg [dreg:$0x17];
	s10 =	sadd.s32 $0x1, s10  }
0x1fb: {  	p0 =	sne.s32 s10, s23  }
.Ltmp3:
0x1fc: {  	_ = 	snop;
	(pc) =	sbr.rel @p0 .LBB2_1-.Ltmp3, $4  }
0x1fd: {  	_ = 	snop  }
0x1fe: {  	[sflag:s9] =	ssyncset.done $0x0  }
0x1ff: {  	[sflag:s9] =	ssyncadd.s32 $0xFFFFC000  }
0x200: {  	_ =	strace $0x9000004E  }
0x201: {  	_ =	sfence.sel $0x180000  }
0x202: {  	[bflag:$0x0] =	sbarrier.arrive $0xFFFF  }
0x203: {  	_ =	strace $0x90000047  }
0x204: {  	s0 =	stileid.u32;
	[bflag:$0x2] =	sbarrier.arrive $0xFFFF  }
0x205: {  	p0 =	sne.s32 s0, $0x0;
	s0 =	rddreg [dreg:$0x1]  }
0x206: {  	s0 =	sadd.s32 @!p0 $0x100000, s0  }
0x207: {  	[sflag:s0] =	ssyncadd.tile.s32 @!p0 $0x1;
	_ =	shalt  }
.Lfunc_end2:
_tile_overlayer_lowered:
.L_overlay_start_2:
0x208: {  	(tag) =	ssettag $0x2  }
0x209: {  	s0 =	rddreg [dreg:$0x0];
	s2 =	stileid.u32  }
0x20a: {  	s1 =	rddreg [dreg:$0x1];
	p0 =	sne.s32 s2, $0x0  }
0x20b: {  	s3 =	rddreg [dreg:$0x2];
	[bflag:$0x3] =	sbarrier.arrive $0xFFFF;
	s2 =	simm.s32 @!p0 $0x1C03  }
0x20c: {  	[timem:s3], [sflag:s2] =	dma.local @!p0 [hbm:s0], s1  }
0x20d: {  	s0 =	simm.s32 @!p0 $0x3  }
0x20e: {  	_ =	swait.ge @!p0 [sflag:s0], s1  }
0x20f: {  	s1 =	ssub.s32 @!p0 $0x0, s1;
	[sflag:s0] =	ssyncset.done @!p0 $0x0  }
0x210: {  	[sflag:s0] =	ssyncadd.s32 @!p0 s1  }
0x211: {  	[bflag:$0x3] =	sbarrier.arrive $0xFFFF  }
0x212: {  	_ =	shalt  }

</sc_bundles>
